<compile_context>
chip_gen: v7x
topology: tpu7x:2x2x1
jax: 0.10.2.dev20260603
libtpu: 0.0.44.dev20260713+nightly
codegen_flags: <defaults>
</compile_context>

<pallas_src>
import functools
import jax
import jax.numpy as jnp
from jax import lax
from jax.experimental import pallas as pl
from jax.experimental.pallas import tpu as pltpu
from jax.experimental.pallas import tpu_sc as plsc

_N = 2048
_B = 8
_C = 16
_K = 10
_R = 1024
_SWEEPS = 4
_JACOBI_ORDER = ((0, 2), (1, 2), (0, 1))



def _idx_body(xyz_ref, idx_ref):
    t = pl.program_id(1)
    P = xyz_ref[0]
    x, y, z = P[0:1, :], P[1:2, :], P[2:3, :]
    sq = x * x + y * y + z * z
    Prow = xyz_ref[0, :, pl.ds(t * _R, _R)]
    xr, yr, zr = Prow[0:1, :], Prow[1:2, :], Prow[2:3, :]
    sqr = xr * xr + yr * yr + zr * zr
    G = jax.lax.dot_general(P, Prow, (((0,), (0,)), ((), ())),
                            preferred_element_type=jnp.float32)
    d2 = (jnp.transpose(sq) + sqr) - 2.0 * G
    iota = lax.broadcasted_iota(jnp.int32, (_N, 1), 0).astype(jnp.float32)
    ioti = lax.broadcasted_iota(jnp.int32, (_N, 1), 0)
    cur = d2
    rows = []
    for k in range(_K):
        ind = jnp.argmin(cur, axis=0)[None, :].astype(jnp.int32)
        rows.append(ind.astype(jnp.float32))
        if k < _K - 1:
            cur = jnp.where(ioti == ind, jnp.inf, cur)
    rows += [rows[-1]] * 6
    idx_ref[0] = jnp.concatenate(rows, axis=0).astype(jnp.int32)


def _nn_indices(xyz):
    return pl.pallas_call(
        _idx_body,
        grid=(_C, _N // _R),
        in_specs=[pl.BlockSpec((1, 3, _N), lambda c, t: (c, 0, 0))],
        out_specs=pl.BlockSpec((1, 16, _R), lambda c, t: (c, 0, t)),
        out_shape=jax.ShapeDtypeStruct((_C, 16, _N), jnp.int32),
        compiler_params=pltpu.CompilerParams(
            dimension_semantics=("arbitrary", "arbitrary")),
    )(xyz)



_PPW = _C * _N // 32
_CHUNKS = _PPW // 16


def _cov_sc(xyz_flat, idx_flat):
    info = plsc.get_sparse_core_info()
    nc = info.num_cores

    @functools.partial(
        pl.kernel,
        mesh=plsc.VectorSubcoreMesh(core_axis_name="c", subcore_axis_name="s"),
        out_type=jax.ShapeDtypeStruct((_C * 8 * _N,), jnp.float32),
        compiler_params=pltpu.CompilerParams(needs_layout_passes=False),
        scratch_types=[
            pltpu.VMEM((_N,), jnp.float32),
            pltpu.VMEM((_N,), jnp.float32),
            pltpu.VMEM((_N,), jnp.float32),
            pltpu.VMEM((_K * _PPW,), jnp.int32),
            pltpu.VMEM((_K * 16,), jnp.float32),
            pltpu.VMEM((_K * 16,), jnp.float32),
            pltpu.VMEM((_K * 16,), jnp.float32),
            pltpu.VMEM((6 * _PPW,), jnp.float32),
        ],
    )
    def sc_cov(xyz_hbm, idx_hbm, out_hbm, x_v, y_v, z_v, idx_v,
               nb_x, nb_y, nb_z, out_v):
        wid = lax.axis_index("s") * nc + lax.axis_index("c")
        cloud = wid // 2
        half = wid % 2
        base = half * _PPW
        pltpu.sync_copy(xyz_hbm.at[pl.ds((cloud * 3 + 0) * _N, _N)], x_v)
        pltpu.sync_copy(xyz_hbm.at[pl.ds((cloud * 3 + 1) * _N, _N)], y_v)
        pltpu.sync_copy(xyz_hbm.at[pl.ds((cloud * 3 + 2) * _N, _N)], z_v)
        for jj in range(_K):
            pltpu.sync_copy(
                idx_hbm.at[pl.ds(cloud * 16 * _N + jj * _N + base, _PPW)],
                idx_v.at[pl.ds(jj * _PPW, _PPW)])

        def chunk(ch, carry):
            zero = jnp.zeros((16,), jnp.float32)
            sx = sy = sz = zero
            for jj in range(_K):
                iv = idx_v[pl.ds(jj * _PPW + ch * 16, 16)]
                nx = plsc.load_gather(x_v, [iv])
                ny = plsc.load_gather(y_v, [iv])
                nz = plsc.load_gather(z_v, [iv])
                nb_x[pl.ds(jj * 16, 16)] = nx
                nb_y[pl.ds(jj * 16, 16)] = ny
                nb_z[pl.ds(jj * 16, 16)] = nz
                sx = sx + nx
                sy = sy + ny
                sz = sz + nz
            mx = sx / float(_K)
            my = sy / float(_K)
            mz = sz / float(_K)
            s00 = s11 = s22 = s01 = s02 = s12 = zero
            for jj in range(_K):
                cx = nb_x[pl.ds(jj * 16, 16)] - mx
                cy = nb_y[pl.ds(jj * 16, 16)] - my
                cz = nb_z[pl.ds(jj * 16, 16)] - mz
                s00 = s00 + cx * cx
                s11 = s11 + cy * cy
                s22 = s22 + cz * cz
                s01 = s01 + cx * cy
                s02 = s02 + cx * cz
                s12 = s12 + cy * cz
            out_v[pl.ds(0 * _PPW + ch * 16, 16)] = s00 / float(_K)
            out_v[pl.ds(1 * _PPW + ch * 16, 16)] = s11 / float(_K)
            out_v[pl.ds(2 * _PPW + ch * 16, 16)] = s22 / float(_K)
            out_v[pl.ds(3 * _PPW + ch * 16, 16)] = s01 / float(_K)
            out_v[pl.ds(4 * _PPW + ch * 16, 16)] = s02 / float(_K)
            out_v[pl.ds(5 * _PPW + ch * 16, 16)] = s12 / float(_K)
            return carry

        lax.fori_loop(0, _CHUNKS, chunk, 0)
        for comp in range(6):
            pltpu.sync_copy(
                out_v.at[pl.ds(comp * _PPW, _PPW)],
                out_hbm.at[pl.ds(cloud * 8 * _N + comp * _N + base, _PPW)])

    return sc_cov(xyz_flat, idx_flat)



def _rotate(A, V, p, q):
    app, aqq, apq = A[p][p], A[q][q], A[p][q]
    tau = (aqq - app) / (2.0 * apq)
    t = jnp.sign(tau) / (jnp.abs(tau) + jnp.sqrt(1.0 + tau * tau))
    t = jnp.where(tau == 0.0, 1.0, t)
    c = 1.0 / jnp.sqrt(1.0 + t * t)
    s = t * c
    zero = apq == 0.0
    c = jnp.where(zero, 1.0, c)
    s = jnp.where(zero, 0.0, s)
    for j in range(3):
        ap, aq = A[p][j], A[q][j]
        A[p][j] = c * ap - s * aq
        A[q][j] = s * ap + c * aq
    for i in range(3):
        ap, aq = A[i][p], A[i][q]
        A[i][p] = c * ap - s * aq
        A[i][q] = s * ap + c * aq
    for i in range(3):
        vp, vq = V[i][p], V[i][q]
        V[i][p] = c * vp - s * vq
        V[i][q] = s * vp + c * vq


def _normal_from_cov(cov):
    a00, a11, a22 = cov[0:1, :], cov[1:2, :], cov[2:3, :]
    a01, a02, a12 = cov[3:4, :], cov[4:5, :], cov[5:6, :]
    A = [[a00, a01, a02], [a01, a11, a12], [a02, a12, a22]]
    one = jnp.ones_like(a00)
    nil = jnp.zeros_like(a00)
    V = [[one, nil, nil], [nil, one, nil], [nil, nil, one]]
    for _ in range(_SWEEPS):
        for (p, q) in _JACOBI_ORDER:
            _rotate(A, V, p, q)
    d0, d1, d2 = A[0][0], A[1][1], A[2][2]
    b1 = d1 < d0
    best = jnp.where(b1, d1, d0)
    n = [jnp.where(b1, V[i][1], V[i][0]) for i in range(3)]
    b2 = d2 < best
    n = [jnp.where(b2, V[i][2], n[i]) for i in range(3)]
    norm = jnp.sqrt(n[0] * n[0] + n[1] * n[1] + n[2] * n[2]) + 1e-12
    return n[0] / norm, n[1] / norm, n[2] / norm


def _loss_body(covp_ref, covg_ref, out_ref):
    b = pl.program_id(0)
    p0, p1, p2 = _normal_from_cov(covp_ref[0])
    g0, g1, g2 = _normal_from_cov(covg_ref[0])
    e0, e1, e2 = p0 - g0, p1 - g1, p2 - g2
    ssq = jnp.sum(e0 * e0 + e1 * e1 + e2 * e2, keepdims=True)

    @pl.when(b == 0)
    def _():
        out_ref[:, :] = jnp.zeros_like(ssq)

    out_ref[:, :] += ssq / float(_B * 3 * _N)


def _loss(cov):
    return pl.pallas_call(
        _loss_body,
        grid=(_B,),
        in_specs=[
            pl.BlockSpec((1, 8, _N), lambda b: (b, 0, 0)),
            pl.BlockSpec((1, 8, _N), lambda b: (b + _B, 0, 0)),
        ],
        out_specs=pl.BlockSpec((1, 1), lambda b: (0, 0)),
        out_shape=jax.ShapeDtypeStruct((1, 1), jnp.float32),
        compiler_params=pltpu.CompilerParams(
            dimension_semantics=("arbitrary",)),
    )(cov, cov)


def kernel(pred, gt):
    xyz = jnp.concatenate([pred, gt], axis=0)
    idx = _nn_indices(xyz)
    cov_flat = _cov_sc(xyz.reshape(-1), idx.reshape(-1))
    cov = cov_flat.reshape(_C, 8, _N)
    return _loss(cov)[0, 0]

# --- scband reference (transcript-rebuilt; emitter-appended) ---
"""Pipeline reference for scband-normal-loss-51857435132223 (READ-ONLY COPY).

The authoritative reference and input builder live on the scoring server;
editing this copy changes nothing except your own understanding.
"""

import jax, jax.numpy as jnp
import numpy as np

NN_SIZE = 10


def _batch_normals(points, nn_size):
    # points: [B, 3, N]  (NCHW=True layout)
    p = jnp.transpose(points, (0, 2, 1))  # [B, N, 3]
    sq = jnp.sum(p * p, axis=-1)  # [B, N]
    d2 = sq[:, :, None] + sq[:, None, :] - 2.0 * jnp.einsum('bic,bjc->bij', p, p)  # [B, N, N]
    # k nearest neighbors (self included as nearest)
    _, idx = jax.lax.top_k(-d2, nn_size)  # [B, N, k]
    nbrs = jax.vmap(lambda pts, i: pts[i])(p, idx)  # [B, N, k, 3]
    centered = nbrs - jnp.mean(nbrs, axis=2, keepdims=True)
    cov = jnp.einsum('bnkc,bnkd->bncd', centered, centered) / float(nn_size)  # [B, N, 3, 3]
    _, evecs = jnp.linalg.eigh(cov)
    normals = evecs[..., 0]  # eigenvector of smallest eigenvalue -> surface normal
    normals = normals / (jnp.linalg.norm(normals, axis=-1, keepdims=True) + 1e-12)
    return jnp.transpose(normals, (0, 2, 1))  # back to [B, 3, N]


def _metric(a, b):
    # metric = 'mse'
    return jnp.mean((a - b) ** 2)


def setup_inputs(seed: int = 0) -> dict:
    key = jax.random.key(seed)
    k1, k2 = jax.random.split(key)
    pred = jax.random.normal(k1, (8, 3, 2048), dtype=jnp.float32)
    gt = jax.random.normal(k2, (8, 3, 2048), dtype=jnp.float32)
    return {"pred": pred, "gt": gt}


def reference(pred, gt):
    pred_normals = _batch_normals(pred, NN_SIZE)
    gt_normals = _batch_normals(gt, NN_SIZE)
    return _metric(pred_normals, gt_normals)

if __name__ == "__main__":
    import jax
    _d = setup_inputs()
    print(jax.jit(kernel)(*tuple(_d.values())))

</pallas_src>

<mosaic_0001>
#map = affine_map<(d0, d1) -> (0)>
module attributes {stable_mosaic.version = 14 : i64} {
  func.func @sc_cov(%arg0: i32, %arg1: i32, %arg2: memref<98304xf32, #tpu.memory_space<hbm>>, %arg3: memref<524288xi32, #tpu.memory_space<hbm>>, %arg4: memref<262144xf32, #tpu.memory_space<hbm>>, %arg5: memref<2048xf32, #tpu.memory_space<vmem>>, %arg6: memref<2048xf32, #tpu.memory_space<vmem>>, %arg7: memref<2048xf32, #tpu.memory_space<vmem>>, %arg8: memref<10240xi32, #tpu.memory_space<vmem>>, %arg9: memref<160xf32, #tpu.memory_space<vmem>>, %arg10: memref<160xf32, #tpu.memory_space<vmem>>, %arg11: memref<160xf32, #tpu.memory_space<vmem>>, %arg12: memref<6144xf32, #tpu.memory_space<vmem>>) attributes {dimension_semantics = [#tpu.dimension_semantics<core_parallel>, #tpu.dimension_semantics<subcore_parallel>], iteration_bounds = array<i64: 2, 16>, scalar_prefetch = 0 : i64, scratch_operands = 8 : i64, tpu.core_type = #tpu.core_type<sc_vector_subcore>, window_params = [{transform_indices = #map}, {transform_indices = #map}, {transform_indices = #map}]} {
    %mul3A = arith.constant 2 : i32
    %mul3A_0 = arith.muli %arg1, %mul3A : i32
    %add3A = arith.addi %mul3A_0, %arg0 : i32
    %jit3A = arith.constant 2 : i32
    %div3A = arith.divsi %add3A, %jit3A : i32
    %sign3A = arith.constant 0 : i32
    %sign3A_1 = arith.cmpi sgt, %add3A, %sign3A : i32
    %sign3A_2 = arith.extui %sign3A_1 : i1 to i32
    %sign3A_3 = arith.constant 0 : i32
    %sign3A_4 = arith.cmpi slt, %add3A, %sign3A_3 : i32
    %sign3A_5 = arith.extui %sign3A_4 : i1 to i32
    %sign3A_6 = arith.subi %sign3A_2, %sign3A_5 : i32
    %sign3A_7 = arith.constant 0 : i32
    %sign3A_8 = arith.cmpi sgt, %jit3A, %sign3A_7 : i32
    %sign3A_9 = arith.extui %sign3A_8 : i1 to i32
    %sign3A_10 = arith.constant 0 : i32
    %sign3A_11 = arith.cmpi slt, %jit3A, %sign3A_10 : i32
    %sign3A_12 = arith.extui %sign3A_11 : i1 to i32
    %sign3A_13 = arith.subi %sign3A_9, %sign3A_12 : i32
    %ne3A = arith.cmpi ne, %sign3A_6, %sign3A_13 : i32
    %rem3A = arith.remsi %add3A, %jit3A : i32
    %ne3A_14 = arith.constant 0 : i32
    %ne3A_15 = arith.cmpi ne, %rem3A, %ne3A_14 : i32
    %and3A = arith.andi %ne3A, %ne3A_15 : i1
    %sub3A = arith.constant 1 : i32
    %sub3A_16 = arith.subi %div3A, %sub3A : i32
    %select_n3A = arith.select %and3A, %sub3A_16, %div3A : i32
    %jit3A_17 = arith.constant 2 : i32
    %eq3A = arith.constant 0 : i32
    %eq3A_18 = arith.cmpi eq, %jit3A_17, %eq3A : i32
    %jit3A_19 = arith.constant 1 : i32
    %select_n3A_20 = arith.select %eq3A_18, %jit3A_19, %jit3A_17 : i32
    %rem3A_21 = arith.remsi %add3A, %select_n3A_20 : i32
    %ne3A_22 = arith.constant 0 : i32
    %ne3A_23 = arith.cmpi ne, %rem3A_21, %ne3A_22 : i32
    %lt3A = arith.constant 0 : i32
    %lt3A_24 = arith.cmpi slt, %rem3A_21, %lt3A : i32
    %lt3A_25 = arith.constant 0 : i32
    %lt3A_26 = arith.cmpi slt, %select_n3A_20, %lt3A_25 : i32
    %ne3A_27 = arith.xori %lt3A_24, %lt3A_26 : i1
    %and3A_28 = arith.andi %ne3A_27, %ne3A_23 : i1
    %add3A_29 = arith.addi %rem3A_21, %select_n3A_20 : i32
    %select_n3A_30 = arith.select %and3A_28, %add3A_29, %rem3A_21 : i32
    %mul3A_31 = arith.constant 1024 : i32
    %mul3A_32 = arith.muli %select_n3A_30, %mul3A_31 : i32
    %mul3A_33 = arith.constant 3 : i32
    %mul3A_34 = arith.muli %select_n3A, %mul3A_33 : i32
    %add3A_35 = arith.constant 0 : i32
    %add3A_36 = arith.addi %mul3A_34, %add3A_35 : i32
    %mul3A_37 = arith.constant 2048 : i32
    %mul3A_38 = arith.muli %add3A_36, %mul3A_37 : i32
    "tpu.region"() ({
      %run_scoped3A = tpu.sem_alloc : memref<!tpu.dma_semaphore, #tpu.memory_space<semaphore_mem>>
      %dma_start3A = tpu.memref_slice %arg2[%mul3A_38] : memref<98304xf32, #tpu.memory_space<hbm>> -> memref<2048xf32, #tpu.memory_space<hbm>>
      %dma_start3A_168 = tpu.memref_slice %arg2[%mul3A_38] : memref<98304xf32, #tpu.memory_space<hbm>> -> memref<2048xf32, #tpu.memory_space<hbm>>
      tpu.enqueue_dma source(%dma_start3A_168 : memref<2048xf32, #tpu.memory_space<hbm>>) target(%arg5 : memref<2048xf32, #tpu.memory_space<vmem>>) target_semaphore(%run_scoped3A : memref<!tpu.dma_semaphore, #tpu.memory_space<semaphore_mem>>)
      %dma_wait3A = tpu.memref_slice %arg2[%mul3A_38] : memref<98304xf32, #tpu.memory_space<hbm>> -> memref<2048xf32, #tpu.memory_space<hbm>>
      %dma_wait3A_169 = tpu.memref_slice %arg2[%mul3A_38] : memref<98304xf32, #tpu.memory_space<hbm>> -> memref<2048xf32, #tpu.memory_space<hbm>>
      tpu.wait_dma2 semaphore(%run_scoped3A : memref<!tpu.dma_semaphore, #tpu.memory_space<semaphore_mem>>) src(%dma_wait3A_169 : memref<2048xf32, #tpu.memory_space<hbm>>) dst(%arg5 : memref<2048xf32, #tpu.memory_space<vmem>>)
      tpu.yield
    }) : () -> ()
    %mul3A_39 = arith.constant 3 : i32
    %mul3A_40 = arith.muli %select_n3A, %mul3A_39 : i32
    %add3A_41 = arith.constant 1 : i32
    %add3A_42 = arith.addi %mul3A_40, %add3A_41 : i32
    %mul3A_43 = arith.constant 2048 : i32
    %mul3A_44 = arith.muli %add3A_42, %mul3A_43 : i32
    "tpu.region"() ({
      %run_scoped3A = tpu.sem_alloc : memref<!tpu.dma_semaphore, #tpu.memory_space<semaphore_mem>>
      %dma_start3A = tpu.memref_slice %arg2[%mul3A_44] : memref<98304xf32, #tpu.memory_space<hbm>> -> memref<2048xf32, #tpu.memory_space<hbm>>
      %dma_start3A_168 = tpu.memref_slice %arg2[%mul3A_44] : memref<98304xf32, #tpu.memory_space<hbm>> -> memref<2048xf32, #tpu.memory_space<hbm>>
      tpu.enqueue_dma source(%dma_start3A_168 : memref<2048xf32, #tpu.memory_space<hbm>>) target(%arg6 : memref<2048xf32, #tpu.memory_space<vmem>>) target_semaphore(%run_scoped3A : memref<!tpu.dma_semaphore, #tpu.memory_space<semaphore_mem>>)
      %dma_wait3A = tpu.memref_slice %arg2[%mul3A_44] : memref<98304xf32, #tpu.memory_space<hbm>> -> memref<2048xf32, #tpu.memory_space<hbm>>
      %dma_wait3A_169 = tpu.memref_slice %arg2[%mul3A_44] : memref<98304xf32, #tpu.memory_space<hbm>> -> memref<2048xf32, #tpu.memory_space<hbm>>
      tpu.wait_dma2 semaphore(%run_scoped3A : memref<!tpu.dma_semaphore, #tpu.memory_space<semaphore_mem>>) src(%dma_wait3A_169 : memref<2048xf32, #tpu.memory_space<hbm>>) dst(%arg6 : memref<2048xf32, #tpu.memory_space<vmem>>)
      tpu.yield
    }) : () -> ()
    %mul3A_45 = arith.constant 3 : i32
    %mul3A_46 = arith.muli %select_n3A, %mul3A_45 : i32
    %add3A_47 = arith.constant 2 : i32
    %add3A_48 = arith.addi %mul3A_46, %add3A_47 : i32
    %mul3A_49 = arith.constant 2048 : i32
    %mul3A_50 = arith.muli %add3A_48, %mul3A_49 : i32
    "tpu.region"() ({
      %run_scoped3A = tpu.sem_alloc : memref<!tpu.dma_semaphore, #tpu.memory_space<semaphore_mem>>
      %dma_start3A = tpu.memref_slice %arg2[%mul3A_50] : memref<98304xf32, #tpu.memory_space<hbm>> -> memref<2048xf32, #tpu.memory_space<hbm>>
      %dma_start3A_168 = tpu.memref_slice %arg2[%mul3A_50] : memref<98304xf32, #tpu.memory_space<hbm>> -> memref<2048xf32, #tpu.memory_space<hbm>>
      tpu.enqueue_dma source(%dma_start3A_168 : memref<2048xf32, #tpu.memory_space<hbm>>) target(%arg7 : memref<2048xf32, #tpu.memory_space<vmem>>) target_semaphore(%run_scoped3A : memref<!tpu.dma_semaphore, #tpu.memory_space<semaphore_mem>>)
      %dma_wait3A = tpu.memref_slice %arg2[%mul3A_50] : memref<98304xf32, #tpu.memory_space<hbm>> -> memref<2048xf32, #tpu.memory_space<hbm>>
      %dma_wait3A_169 = tpu.memref_slice %arg2[%mul3A_50] : memref<98304xf32, #tpu.memory_space<hbm>> -> memref<2048xf32, #tpu.memory_space<hbm>>
      tpu.wait_dma2 semaphore(%run_scoped3A : memref<!tpu.dma_semaphore, #tpu.memory_space<semaphore_mem>>) src(%dma_wait3A_169 : memref<2048xf32, #tpu.memory_space<hbm>>) dst(%arg7 : memref<2048xf32, #tpu.memory_space<vmem>>)
      tpu.yield
    }) : () -> ()
    %mul3A_51 = arith.constant 16 : i32
    %mul3A_52 = arith.muli %select_n3A, %mul3A_51 : i32
    %mul3A_53 = arith.constant 2048 : i32
    %mul3A_54 = arith.muli %mul3A_52, %mul3A_53 : i32
    %add3A_55 = arith.constant 0 : i32
    %add3A_56 = arith.addi %mul3A_54, %add3A_55 : i32
    %add3A_57 = arith.addi %add3A_56, %mul3A_32 : i32
    "tpu.region"() ({
      %run_scoped3A = tpu.sem_alloc : memref<!tpu.dma_semaphore, #tpu.memory_space<semaphore_mem>>
      %dma_start3A = arith.constant 0 : i32
      %dma_start3A_168 = tpu.memref_slice %arg8[%dma_start3A] : memref<10240xi32, #tpu.memory_space<vmem>> -> memref<1024xi32, #tpu.memory_space<vmem>>
      %dma_start3A_169 = tpu.memref_slice %arg3[%add3A_57] : memref<524288xi32, #tpu.memory_space<hbm>> -> memref<1024xi32, #tpu.memory_space<hbm>>
      %dma_start3A_170 = arith.constant 0 : i32
      %dma_start3A_171 = tpu.memref_slice %arg8[%dma_start3A_170] : memref<10240xi32, #tpu.memory_space<vmem>> -> memref<1024xi32, #tpu.memory_space<vmem>>
      %dma_start3A_172 = tpu.memref_slice %arg3[%add3A_57] : memref<524288xi32, #tpu.memory_space<hbm>> -> memref<1024xi32, #tpu.memory_space<hbm>>
      tpu.enqueue_dma source(%dma_start3A_172 : memref<1024xi32, #tpu.memory_space<hbm>>) target(%dma_start3A_171 : memref<1024xi32, #tpu.memory_space<vmem>>) target_semaphore(%run_scoped3A : memref<!tpu.dma_semaphore, #tpu.memory_space<semaphore_mem>>)
      %dma_wait3A = arith.constant 0 : i32
      %dma_wait3A_173 = tpu.memref_slice %arg8[%dma_wait3A] : memref<10240xi32, #tpu.memory_space<vmem>> -> memref<1024xi32, #tpu.memory_space<vmem>>
      %dma_wait3A_174 = tpu.memref_slice %arg3[%add3A_57] : memref<524288xi32, #tpu.memory_space<hbm>> -> memref<1024xi32, #tpu.memory_space<hbm>>
      %dma_wait3A_175 = arith.constant 0 : i32
      %dma_wait3A_176 = tpu.memref_slice %arg8[%dma_wait3A_175] : memref<10240xi32, #tpu.memory_space<vmem>> -> memref<1024xi32, #tpu.memory_space<vmem>>
      %dma_wait3A_177 = tpu.memref_slice %arg3[%add3A_57] : memref<524288xi32, #tpu.memory_space<hbm>> -> memref<1024xi32, #tpu.memory_space<hbm>>
      tpu.wait_dma2 semaphore(%run_scoped3A : memref<!tpu.dma_semaphore, #tpu.memory_space<semaphore_mem>>) src(%dma_wait3A_177 : memref<1024xi32, #tpu.memory_space<hbm>>) dst(%dma_wait3A_176 : memref<1024xi32, #tpu.memory_space<vmem>>)
      tpu.yield
    }) : () -> ()
    %mul3A_58 = arith.constant 16 : i32
    %mul3A_59 = arith.muli %select_n3A, %mul3A_58 : i32
    %mul3A_60 = arith.constant 2048 : i32
    %mul3A_61 = arith.muli %mul3A_59, %mul3A_60 : i32
    %add3A_62 = arith.constant 2048 : i32
    %add3A_63 = arith.addi %mul3A_61, %add3A_62 : i32
    %add3A_64 = arith.addi %add3A_63, %mul3A_32 : i32
    "tpu.region"() ({
      %run_scoped3A = tpu.sem_alloc : memref<!tpu.dma_semaphore, #tpu.memory_space<semaphore_mem>>
      %dma_start3A = arith.constant 1024 : i32
      %dma_start3A_168 = tpu.memref_slice %arg8[%dma_start3A] : memref<10240xi32, #tpu.memory_space<vmem>> -> memref<1024xi32, #tpu.memory_space<vmem>>
      %dma_start3A_169 = tpu.memref_slice %arg3[%add3A_64] : memref<524288xi32, #tpu.memory_space<hbm>> -> memref<1024xi32, #tpu.memory_space<hbm>>
      %dma_start3A_170 = arith.constant 1024 : i32
      %dma_start3A_171 = tpu.memref_slice %arg8[%dma_start3A_170] : memref<10240xi32, #tpu.memory_space<vmem>> -> memref<1024xi32, #tpu.memory_space<vmem>>
      %dma_start3A_172 = tpu.memref_slice %arg3[%add3A_64] : memref<524288xi32, #tpu.memory_space<hbm>> -> memref<1024xi32, #tpu.memory_space<hbm>>
      tpu.enqueue_dma source(%dma_start3A_172 : memref<1024xi32, #tpu.memory_space<hbm>>) target(%dma_start3A_171 : memref<1024xi32, #tpu.memory_space<vmem>>) target_semaphore(%run_scoped3A : memref<!tpu.dma_semaphore, #tpu.memory_space<semaphore_mem>>)
      %dma_wait3A = arith.constant 1024 : i32
      %dma_wait3A_173 = tpu.memref_slice %arg8[%dma_wait3A] : memref<10240xi32, #tpu.memory_space<vmem>> -> memref<1024xi32, #tpu.memory_space<vmem>>
      %dma_wait3A_174 = tpu.memref_slice %arg3[%add3A_64] : memref<524288xi32, #tpu.memory_space<hbm>> -> memref<1024xi32, #tpu.memory_space<hbm>>
      %dma_wait3A_175 = arith.constant 1024 : i32
      %dma_wait3A_176 = tpu.memref_slice %arg8[%dma_wait3A_175] : memref<10240xi32, #tpu.memory_space<vmem>> -> memref<1024xi32, #tpu.memory_space<vmem>>
      %dma_wait3A_177 = tpu.memref_slice %arg3[%add3A_64] : memref<524288xi32, #tpu.memory_space<hbm>> -> memref<1024xi32, #tpu.memory_space<hbm>>
      tpu.wait_dma2 semaphore(%run_scoped3A : memref<!tpu.dma_semaphore, #tpu.memory_space<semaphore_mem>>) src(%dma_wait3A_177 : memref<1024xi32, #tpu.memory_space<hbm>>) dst(%dma_wait3A_176 : memref<1024xi32, #tpu.memory_space<vmem>>)
      tpu.yield
    }) : () -> ()
    %mul3A_65 = arith.constant 16 : i32
    %mul3A_66 = arith.muli %select_n3A, %mul3A_65 : i32
    %mul3A_67 = arith.constant 2048 : i32
    %mul3A_68 = arith.muli %mul3A_66, %mul3A_67 : i32
    %add3A_69 = arith.constant 4096 : i32
    %add3A_70 = arith.addi %mul3A_68, %add3A_69 : i32
    %add3A_71 = arith.addi %add3A_70, %mul3A_32 : i32
    "tpu.region"() ({
      %run_scoped3A = tpu.sem_alloc : memref<!tpu.dma_semaphore, #tpu.memory_space<semaphore_mem>>
      %dma_start3A = arith.constant 2048 : i32
      %dma_start3A_168 = tpu.memref_slice %arg8[%dma_start3A] : memref<10240xi32, #tpu.memory_space<vmem>> -> memref<1024xi32, #tpu.memory_space<vmem>>
      %dma_start3A_169 = tpu.memref_slice %arg3[%add3A_71] : memref<524288xi32, #tpu.memory_space<hbm>> -> memref<1024xi32, #tpu.memory_space<hbm>>
      %dma_start3A_170 = arith.constant 2048 : i32
      %dma_start3A_171 = tpu.memref_slice %arg8[%dma_start3A_170] : memref<10240xi32, #tpu.memory_space<vmem>> -> memref<1024xi32, #tpu.memory_space<vmem>>
      %dma_start3A_172 = tpu.memref_slice %arg3[%add3A_71] : memref<524288xi32, #tpu.memory_space<hbm>> -> memref<1024xi32, #tpu.memory_space<hbm>>
      tpu.enqueue_dma source(%dma_start3A_172 : memref<1024xi32, #tpu.memory_space<hbm>>) target(%dma_start3A_171 : memref<1024xi32, #tpu.memory_space<vmem>>) target_semaphore(%run_scoped3A : memref<!tpu.dma_semaphore, #tpu.memory_space<semaphore_mem>>)
      %dma_wait3A = arith.constant 2048 : i32
      %dma_wait3A_173 = tpu.memref_slice %arg8[%dma_wait3A] : memref<10240xi32, #tpu.memory_space<vmem>> -> memref<1024xi32, #tpu.memory_space<vmem>>
      %dma_wait3A_174 = tpu.memref_slice %arg3[%add3A_71] : memref<524288xi32, #tpu.memory_space<hbm>> -> memref<1024xi32, #tpu.memory_space<hbm>>
      %dma_wait3A_175 = arith.constant 2048 : i32
      %dma_wait3A_176 = tpu.memref_slice %arg8[%dma_wait3A_175] : memref<10240xi32, #tpu.memory_space<vmem>> -> memref<1024xi32, #tpu.memory_space<vmem>>
      %dma_wait3A_177 = tpu.memref_slice %arg3[%add3A_71] : memref<524288xi32, #tpu.memory_space<hbm>> -> memref<1024xi32, #tpu.memory_space<hbm>>
      tpu.wait_dma2 semaphore(%run_scoped3A : memref<!tpu.dma_semaphore, #tpu.memory_space<semaphore_mem>>) src(%dma_wait3A_177 : memref<1024xi32, #tpu.memory_space<hbm>>) dst(%dma_wait3A_176 : memref<1024xi32, #tpu.memory_space<vmem>>)
      tpu.yield
    }) : () -> ()
    %mul3A_72 = arith.constant 16 : i32
    %mul3A_73 = arith.muli %select_n3A, %mul3A_72 : i32
    %mul3A_74 = arith.constant 2048 : i32
    %mul3A_75 = arith.muli %mul3A_73, %mul3A_74 : i32
    %add3A_76 = arith.constant 6144 : i32
    %add3A_77 = arith.addi %mul3A_75, %add3A_76 : i32
    %add3A_78 = arith.addi %add3A_77, %mul3A_32 : i32
    "tpu.region"() ({
      %run_scoped3A = tpu.sem_alloc : memref<!tpu.dma_semaphore, #tpu.memory_space<semaphore_mem>>
      %dma_start3A = arith.constant 3072 : i32
      %dma_start3A_168 = tpu.memref_slice %arg8[%dma_start3A] : memref<10240xi32, #tpu.memory_space<vmem>> -> memref<1024xi32, #tpu.memory_space<vmem>>
      %dma_start3A_169 = tpu.memref_slice %arg3[%add3A_78] : memref<524288xi32, #tpu.memory_space<hbm>> -> memref<1024xi32, #tpu.memory_space<hbm>>
      %dma_start3A_170 = arith.constant 3072 : i32
      %dma_start3A_171 = tpu.memref_slice %arg8[%dma_start3A_170] : memref<10240xi32, #tpu.memory_space<vmem>> -> memref<1024xi32, #tpu.memory_space<vmem>>
      %dma_start3A_172 = tpu.memref_slice %arg3[%add3A_78] : memref<524288xi32, #tpu.memory_space<hbm>> -> memref<1024xi32, #tpu.memory_space<hbm>>
      tpu.enqueue_dma source(%dma_start3A_172 : memref<1024xi32, #tpu.memory_space<hbm>>) target(%dma_start3A_171 : memref<1024xi32, #tpu.memory_space<vmem>>) target_semaphore(%run_scoped3A : memref<!tpu.dma_semaphore, #tpu.memory_space<semaphore_mem>>)
      %dma_wait3A = arith.constant 3072 : i32
      %dma_wait3A_173 = tpu.memref_slice %arg8[%dma_wait3A] : memref<10240xi32, #tpu.memory_space<vmem>> -> memref<1024xi32, #tpu.memory_space<vmem>>
      %dma_wait3A_174 = tpu.memref_slice %arg3[%add3A_78] : memref<524288xi32, #tpu.memory_space<hbm>> -> memref<1024xi32, #tpu.memory_space<hbm>>
      %dma_wait3A_175 = arith.constant 3072 : i32
      %dma_wait3A_176 = tpu.memref_slice %arg8[%dma_wait3A_175] : memref<10240xi32, #tpu.memory_space<vmem>> -> memref<1024xi32, #tpu.memory_space<vmem>>
      %dma_wait3A_177 = tpu.memref_slice %arg3[%add3A_78] : memref<524288xi32, #tpu.memory_space<hbm>> -> memref<1024xi32, #tpu.memory_space<hbm>>
      tpu.wait_dma2 semaphore(%run_scoped3A : memref<!tpu.dma_semaphore, #tpu.memory_space<semaphore_mem>>) src(%dma_wait3A_177 : memref<1024xi32, #tpu.memory_space<hbm>>) dst(%dma_wait3A_176 : memref<1024xi32, #tpu.memory_space<vmem>>)
      tpu.yield
    }) : () -> ()
    %mul3A_79 = arith.constant 16 : i32
    %mul3A_80 = arith.muli %select_n3A, %mul3A_79 : i32
    %mul3A_81 = arith.constant 2048 : i32
    %mul3A_82 = arith.muli %mul3A_80, %mul3A_81 : i32
    %add3A_83 = arith.constant 8192 : i32
    %add3A_84 = arith.addi %mul3A_82, %add3A_83 : i32
    %add3A_85 = arith.addi %add3A_84, %mul3A_32 : i32
    "tpu.region"() ({
      %run_scoped3A = tpu.sem_alloc : memref<!tpu.dma_semaphore, #tpu.memory_space<semaphore_mem>>
      %dma_start3A = arith.constant 4096 : i32
      %dma_start3A_168 = tpu.memref_slice %arg8[%dma_start3A] : memref<10240xi32, #tpu.memory_space<vmem>> -> memref<1024xi32, #tpu.memory_space<vmem>>
      %dma_start3A_169 = tpu.memref_slice %arg3[%add3A_85] : memref<524288xi32, #tpu.memory_space<hbm>> -> memref<1024xi32, #tpu.memory_space<hbm>>
      %dma_start3A_170 = arith.constant 4096 : i32
      %dma_start3A_171 = tpu.memref_slice %arg8[%dma_start3A_170] : memref<10240xi32, #tpu.memory_space<vmem>> -> memref<1024xi32, #tpu.memory_space<vmem>>
      %dma_start3A_172 = tpu.memref_slice %arg3[%add3A_85] : memref<524288xi32, #tpu.memory_space<hbm>> -> memref<1024xi32, #tpu.memory_space<hbm>>
      tpu.enqueue_dma source(%dma_start3A_172 : memref<1024xi32, #tpu.memory_space<hbm>>) target(%dma_start3A_171 : memref<1024xi32, #tpu.memory_space<vmem>>) target_semaphore(%run_scoped3A : memref<!tpu.dma_semaphore, #tpu.memory_space<semaphore_mem>>)
      %dma_wait3A = arith.constant 4096 : i32
      %dma_wait3A_173 = tpu.memref_slice %arg8[%dma_wait3A] : memref<10240xi32, #tpu.memory_space<vmem>> -> memref<1024xi32, #tpu.memory_space<vmem>>
      %dma_wait3A_174 = tpu.memref_slice %arg3[%add3A_85] : memref<524288xi32, #tpu.memory_space<hbm>> -> memref<1024xi32, #tpu.memory_space<hbm>>
      %dma_wait3A_175 = arith.constant 4096 : i32
      %dma_wait3A_176 = tpu.memref_slice %arg8[%dma_wait3A_175] : memref<10240xi32, #tpu.memory_space<vmem>> -> memref<1024xi32, #tpu.memory_space<vmem>>
      %dma_wait3A_177 = tpu.memref_slice %arg3[%add3A_85] : memref<524288xi32, #tpu.memory_space<hbm>> -> memref<1024xi32, #tpu.memory_space<hbm>>
      tpu.wait_dma2 semaphore(%run_scoped3A : memref<!tpu.dma_semaphore, #tpu.memory_space<semaphore_mem>>) src(%dma_wait3A_177 : memref<1024xi32, #tpu.memory_space<hbm>>) dst(%dma_wait3A_176 : memref<1024xi32, #tpu.memory_space<vmem>>)
      tpu.yield
    }) : () -> ()
    %mul3A_86 = arith.constant 16 : i32
    %mul3A_87 = arith.muli %select_n3A, %mul3A_86 : i32
    %mul3A_88 = arith.constant 2048 : i32
    %mul3A_89 = arith.muli %mul3A_87, %mul3A_88 : i32
    %add3A_90 = arith.constant 10240 : i32
    %add3A_91 = arith.addi %mul3A_89, %add3A_90 : i32
    %add3A_92 = arith.addi %add3A_91, %mul3A_32 : i32
    "tpu.region"() ({
      %run_scoped3A = tpu.sem_alloc : memref<!tpu.dma_semaphore, #tpu.memory_space<semaphore_mem>>
      %dma_start3A = arith.constant 5120 : i32
      %dma_start3A_168 = tpu.memref_slice %arg8[%dma_start3A] : memref<10240xi32, #tpu.memory_space<vmem>> -> memref<1024xi32, #tpu.memory_space<vmem>>
      %dma_start3A_169 = tpu.memref_slice %arg3[%add3A_92] : memref<524288xi32, #tpu.memory_space<hbm>> -> memref<1024xi32, #tpu.memory_space<hbm>>
      %dma_start3A_170 = arith.constant 5120 : i32
      %dma_start3A_171 = tpu.memref_slice %arg8[%dma_start3A_170] : memref<10240xi32, #tpu.memory_space<vmem>> -> memref<1024xi32, #tpu.memory_space<vmem>>
      %dma_start3A_172 = tpu.memref_slice %arg3[%add3A_92] : memref<524288xi32, #tpu.memory_space<hbm>> -> memref<1024xi32, #tpu.memory_space<hbm>>
      tpu.enqueue_dma source(%dma_start3A_172 : memref<1024xi32, #tpu.memory_space<hbm>>) target(%dma_start3A_171 : memref<1024xi32, #tpu.memory_space<vmem>>) target_semaphore(%run_scoped3A : memref<!tpu.dma_semaphore, #tpu.memory_space<semaphore_mem>>)
      %dma_wait3A = arith.constant 5120 : i32
      %dma_wait3A_173 = tpu.memref_slice %arg8[%dma_wait3A] : memref<10240xi32, #tpu.memory_space<vmem>> -> memref<1024xi32, #tpu.memory_space<vmem>>
      %dma_wait3A_174 = tpu.memref_slice %arg3[%add3A_92] : memref<524288xi32, #tpu.memory_space<hbm>> -> memref<1024xi32, #tpu.memory_space<hbm>>
      %dma_wait3A_175 = arith.constant 5120 : i32
      %dma_wait3A_176 = tpu.memref_slice %arg8[%dma_wait3A_175] : memref<10240xi32, #tpu.memory_space<vmem>> -> memref<1024xi32, #tpu.memory_space<vmem>>
      %dma_wait3A_177 = tpu.memref_slice %arg3[%add3A_92] : memref<524288xi32, #tpu.memory_space<hbm>> -> memref<1024xi32, #tpu.memory_space<hbm>>
      tpu.wait_dma2 semaphore(%run_scoped3A : memref<!tpu.dma_semaphore, #tpu.memory_space<semaphore_mem>>) src(%dma_wait3A_177 : memref<1024xi32, #tpu.memory_space<hbm>>) dst(%dma_wait3A_176 : memref<1024xi32, #tpu.memory_space<vmem>>)
      tpu.yield
    }) : () -> ()
    %mul3A_93 = arith.constant 16 : i32
    %mul3A_94 = arith.muli %select_n3A, %mul3A_93 : i32
    %mul3A_95 = arith.constant 2048 : i32
    %mul3A_96 = arith.muli %mul3A_94, %mul3A_95 : i32
    %add3A_97 = arith.constant 12288 : i32
    %add3A_98 = arith.addi %mul3A_96, %add3A_97 : i32
    %add3A_99 = arith.addi %add3A_98, %mul3A_32 : i32
    "tpu.region"() ({
      %run_scoped3A = tpu.sem_alloc : memref<!tpu.dma_semaphore, #tpu.memory_space<semaphore_mem>>
      %dma_start3A = arith.constant 6144 : i32
      %dma_start3A_168 = tpu.memref_slice %arg8[%dma_start3A] : memref<10240xi32, #tpu.memory_space<vmem>> -> memref<1024xi32, #tpu.memory_space<vmem>>
      %dma_start3A_169 = tpu.memref_slice %arg3[%add3A_99] : memref<524288xi32, #tpu.memory_space<hbm>> -> memref<1024xi32, #tpu.memory_space<hbm>>
      %dma_start3A_170 = arith.constant 6144 : i32
      %dma_start3A_171 = tpu.memref_slice %arg8[%dma_start3A_170] : memref<10240xi32, #tpu.memory_space<vmem>> -> memref<1024xi32, #tpu.memory_space<vmem>>
      %dma_start3A_172 = tpu.memref_slice %arg3[%add3A_99] : memref<524288xi32, #tpu.memory_space<hbm>> -> memref<1024xi32, #tpu.memory_space<hbm>>
      tpu.enqueue_dma source(%dma_start3A_172 : memref<1024xi32, #tpu.memory_space<hbm>>) target(%dma_start3A_171 : memref<1024xi32, #tpu.memory_space<vmem>>) target_semaphore(%run_scoped3A : memref<!tpu.dma_semaphore, #tpu.memory_space<semaphore_mem>>)
      %dma_wait3A = arith.constant 6144 : i32
      %dma_wait3A_173 = tpu.memref_slice %arg8[%dma_wait3A] : memref<10240xi32, #tpu.memory_space<vmem>> -> memref<1024xi32, #tpu.memory_space<vmem>>
      %dma_wait3A_174 = tpu.memref_slice %arg3[%add3A_99] : memref<524288xi32, #tpu.memory_space<hbm>> -> memref<1024xi32, #tpu.memory_space<hbm>>
      %dma_wait3A_175 = arith.constant 6144 : i32
      %dma_wait3A_176 = tpu.memref_slice %arg8[%dma_wait3A_175] : memref<10240xi32, #tpu.memory_space<vmem>> -> memref<1024xi32, #tpu.memory_space<vmem>>
      %dma_wait3A_177 = tpu.memref_slice %arg3[%add3A_99] : memref<524288xi32, #tpu.memory_space<hbm>> -> memref<1024xi32, #tpu.memory_space<hbm>>
      tpu.wait_dma2 semaphore(%run_scoped3A : memref<!tpu.dma_semaphore, #tpu.memory_space<semaphore_mem>>) src(%dma_wait3A_177 : memref<1024xi32, #tpu.memory_space<hbm>>) dst(%dma_wait3A_176 : memref<1024xi32, #tpu.memory_space<vmem>>)
      tpu.yield
    }) : () -> ()
    %mul3A_100 = arith.constant 16 : i32
    %mul3A_101 = arith.muli %select_n3A, %mul3A_100 : i32
    %mul3A_102 = arith.constant 2048 : i32
    %mul3A_103 = arith.muli %mul3A_101, %mul3A_102 : i32
    %add3A_104 = arith.constant 14336 : i32
    %add3A_105 = arith.addi %mul3A_103, %add3A_104 : i32
    %add3A_106 = arith.addi %add3A_105, %mul3A_32 : i32
    "tpu.region"() ({
      %run_scoped3A = tpu.sem_alloc : memref<!tpu.dma_semaphore, #tpu.memory_space<semaphore_mem>>
      %dma_start3A = arith.constant 7168 : i32
      %dma_start3A_168 = tpu.memref_slice %arg8[%dma_start3A] : memref<10240xi32, #tpu.memory_space<vmem>> -> memref<1024xi32, #tpu.memory_space<vmem>>
      %dma_start3A_169 = tpu.memref_slice %arg3[%add3A_106] : memref<524288xi32, #tpu.memory_space<hbm>> -> memref<1024xi32, #tpu.memory_space<hbm>>
      %dma_start3A_170 = arith.constant 7168 : i32
      %dma_start3A_171 = tpu.memref_slice %arg8[%dma_start3A_170] : memref<10240xi32, #tpu.memory_space<vmem>> -> memref<1024xi32, #tpu.memory_space<vmem>>
      %dma_start3A_172 = tpu.memref_slice %arg3[%add3A_106] : memref<524288xi32, #tpu.memory_space<hbm>> -> memref<1024xi32, #tpu.memory_space<hbm>>
      tpu.enqueue_dma source(%dma_start3A_172 : memref<1024xi32, #tpu.memory_space<hbm>>) target(%dma_start3A_171 : memref<1024xi32, #tpu.memory_space<vmem>>) target_semaphore(%run_scoped3A : memref<!tpu.dma_semaphore, #tpu.memory_space<semaphore_mem>>)
      %dma_wait3A = arith.constant 7168 : i32
      %dma_wait3A_173 = tpu.memref_slice %arg8[%dma_wait3A] : memref<10240xi32, #tpu.memory_space<vmem>> -> memref<1024xi32, #tpu.memory_space<vmem>>
      %dma_wait3A_174 = tpu.memref_slice %arg3[%add3A_106] : memref<524288xi32, #tpu.memory_space<hbm>> -> memref<1024xi32, #tpu.memory_space<hbm>>
      %dma_wait3A_175 = arith.constant 7168 : i32
      %dma_wait3A_176 = tpu.memref_slice %arg8[%dma_wait3A_175] : memref<10240xi32, #tpu.memory_space<vmem>> -> memref<1024xi32, #tpu.memory_space<vmem>>
      %dma_wait3A_177 = tpu.memref_slice %arg3[%add3A_106] : memref<524288xi32, #tpu.memory_space<hbm>> -> memref<1024xi32, #tpu.memory_space<hbm>>
      tpu.wait_dma2 semaphore(%run_scoped3A : memref<!tpu.dma_semaphore, #tpu.memory_space<semaphore_mem>>) src(%dma_wait3A_177 : memref<1024xi32, #tpu.memory_space<hbm>>) dst(%dma_wait3A_176 : memref<1024xi32, #tpu.memory_space<vmem>>)
      tpu.yield
    }) : () -> ()
    %mul3A_107 = arith.constant 16 : i32
    %mul3A_108 = arith.muli %select_n3A, %mul3A_107 : i32
    %mul3A_109 = arith.constant 2048 : i32
    %mul3A_110 = arith.muli %mul3A_108, %mul3A_109 : i32
    %add3A_111 = arith.constant 16384 : i32
    %add3A_112 = arith.addi %mul3A_110, %add3A_111 : i32
    %add3A_113 = arith.addi %add3A_112, %mul3A_32 : i32
    "tpu.region"() ({
      %run_scoped3A = tpu.sem_alloc : memref<!tpu.dma_semaphore, #tpu.memory_space<semaphore_mem>>
      %dma_start3A = arith.constant 8192 : i32
      %dma_start3A_168 = tpu.memref_slice %arg8[%dma_start3A] : memref<10240xi32, #tpu.memory_space<vmem>> -> memref<1024xi32, #tpu.memory_space<vmem>>
      %dma_start3A_169 = tpu.memref_slice %arg3[%add3A_113] : memref<524288xi32, #tpu.memory_space<hbm>> -> memref<1024xi32, #tpu.memory_space<hbm>>
      %dma_start3A_170 = arith.constant 8192 : i32
      %dma_start3A_171 = tpu.memref_slice %arg8[%dma_start3A_170] : memref<10240xi32, #tpu.memory_space<vmem>> -> memref<1024xi32, #tpu.memory_space<vmem>>
      %dma_start3A_172 = tpu.memref_slice %arg3[%add3A_113] : memref<524288xi32, #tpu.memory_space<hbm>> -> memref<1024xi32, #tpu.memory_space<hbm>>
      tpu.enqueue_dma source(%dma_start3A_172 : memref<1024xi32, #tpu.memory_space<hbm>>) target(%dma_start3A_171 : memref<1024xi32, #tpu.memory_space<vmem>>) target_semaphore(%run_scoped3A : memref<!tpu.dma_semaphore, #tpu.memory_space<semaphore_mem>>)
      %dma_wait3A = arith.constant 8192 : i32
      %dma_wait3A_173 = tpu.memref_slice %arg8[%dma_wait3A] : memref<10240xi32, #tpu.memory_space<vmem>> -> memref<1024xi32, #tpu.memory_space<vmem>>
      %dma_wait3A_174 = tpu.memref_slice %arg3[%add3A_113] : memref<524288xi32, #tpu.memory_space<hbm>> -> memref<1024xi32, #tpu.memory_space<hbm>>
      %dma_wait3A_175 = arith.constant 8192 : i32
      %dma_wait3A_176 = tpu.memref_slice %arg8[%dma_wait3A_175] : memref<10240xi32, #tpu.memory_space<vmem>> -> memref<1024xi32, #tpu.memory_space<vmem>>
      %dma_wait3A_177 = tpu.memref_slice %arg3[%add3A_113] : memref<524288xi32, #tpu.memory_space<hbm>> -> memref<1024xi32, #tpu.memory_space<hbm>>
      tpu.wait_dma2 semaphore(%run_scoped3A : memref<!tpu.dma_semaphore, #tpu.memory_space<semaphore_mem>>) src(%dma_wait3A_177 : memref<1024xi32, #tpu.memory_space<hbm>>) dst(%dma_wait3A_176 : memref<1024xi32, #tpu.memory_space<vmem>>)
      tpu.yield
    }) : () -> ()
    %mul3A_114 = arith.constant 16 : i32
    %mul3A_115 = arith.muli %select_n3A, %mul3A_114 : i32
    %mul3A_116 = arith.constant 2048 : i32
    %mul3A_117 = arith.muli %mul3A_115, %mul3A_116 : i32
    %add3A_118 = arith.constant 18432 : i32
    %add3A_119 = arith.addi %mul3A_117, %add3A_118 : i32
    %add3A_120 = arith.addi %add3A_119, %mul3A_32 : i32
    "tpu.region"() ({
      %run_scoped3A = tpu.sem_alloc : memref<!tpu.dma_semaphore, #tpu.memory_space<semaphore_mem>>
      %dma_start3A = arith.constant 9216 : i32
      %dma_start3A_168 = tpu.memref_slice %arg8[%dma_start3A] : memref<10240xi32, #tpu.memory_space<vmem>> -> memref<1024xi32, #tpu.memory_space<vmem>>
      %dma_start3A_169 = tpu.memref_slice %arg3[%add3A_120] : memref<524288xi32, #tpu.memory_space<hbm>> -> memref<1024xi32, #tpu.memory_space<hbm>>
      %dma_start3A_170 = arith.constant 9216 : i32
      %dma_start3A_171 = tpu.memref_slice %arg8[%dma_start3A_170] : memref<10240xi32, #tpu.memory_space<vmem>> -> memref<1024xi32, #tpu.memory_space<vmem>>
      %dma_start3A_172 = tpu.memref_slice %arg3[%add3A_120] : memref<524288xi32, #tpu.memory_space<hbm>> -> memref<1024xi32, #tpu.memory_space<hbm>>
      tpu.enqueue_dma source(%dma_start3A_172 : memref<1024xi32, #tpu.memory_space<hbm>>) target(%dma_start3A_171 : memref<1024xi32, #tpu.memory_space<vmem>>) target_semaphore(%run_scoped3A : memref<!tpu.dma_semaphore, #tpu.memory_space<semaphore_mem>>)
      %dma_wait3A = arith.constant 9216 : i32
      %dma_wait3A_173 = tpu.memref_slice %arg8[%dma_wait3A] : memref<10240xi32, #tpu.memory_space<vmem>> -> memref<1024xi32, #tpu.memory_space<vmem>>
      %dma_wait3A_174 = tpu.memref_slice %arg3[%add3A_120] : memref<524288xi32, #tpu.memory_space<hbm>> -> memref<1024xi32, #tpu.memory_space<hbm>>
      %dma_wait3A_175 = arith.constant 9216 : i32
      %dma_wait3A_176 = tpu.memref_slice %arg8[%dma_wait3A_175] : memref<10240xi32, #tpu.memory_space<vmem>> -> memref<1024xi32, #tpu.memory_space<vmem>>
      %dma_wait3A_177 = tpu.memref_slice %arg3[%add3A_120] : memref<524288xi32, #tpu.memory_space<hbm>> -> memref<1024xi32, #tpu.memory_space<hbm>>
      tpu.wait_dma2 semaphore(%run_scoped3A : memref<!tpu.dma_semaphore, #tpu.memory_space<semaphore_mem>>) src(%dma_wait3A_177 : memref<1024xi32, #tpu.memory_space<hbm>>) dst(%dma_wait3A_176 : memref<1024xi32, #tpu.memory_space<vmem>>)
      tpu.yield
    }) : () -> ()
    %scan3A = arith.constant 0 : i32
    %scan3A_121 = arith.constant 0 : i32
    %scan3A_122 = arith.constant 64 : i32
    %scan3A_123 = arith.addi %scan3A_121, %scan3A_122 : i32
    %scan3A_124 = arith.constant 1 : i32
    scf.for %scan3A_168 = %scan3A_121 to %scan3A_123 step %scan3A_124  : i32 {
      %broadcast_in_dim3A = arith.constant 0.000000e+00 : f32
      %broadcast_in_dim3A_169 = vector.broadcast %broadcast_in_dim3A : f32 to vector<16xf32>
      %mul3A_170 = arith.constant 16 : i32
      %mul3A_171 = arith.muli %scan3A_168, %mul3A_170 : i32
      %add3A_172 = arith.constant 0 : i32
      %add3A_173 = arith.addi %add3A_172, %mul3A_171 : i32
      %get3A = arith.index_cast %add3A_173 : i32 to index
      %get3A_174 = tpu.vector_load %arg8[%get3A] {strides = array<i32>} : memref<10240xi32, #tpu.memory_space<vmem>>, vector<16xi32>,
      %gather3A = tpu.vector_load_idx %arg5[%get3A_174] : memref<2048xf32, #tpu.memory_space<vmem>>[vector<16xi32>], vector<16xf32>,
      %gather3A_175 = tpu.vector_load_idx %arg6[%get3A_174] : memref<2048xf32, #tpu.memory_space<vmem>>[vector<16xi32>], vector<16xf32>,
      %gather3A_176 = tpu.vector_load_idx %arg7[%get3A_174] : memref<2048xf32, #tpu.memory_space<vmem>>[vector<16xi32>], vector<16xf32>,
      %swap3A = arith.constant 0 : index
      %swap3A_177 = tpu.vector_load %arg9[%swap3A] {strides = array<i32>} : memref<160xf32, #tpu.memory_space<vmem>>, vector<16xf32>,
      tpu.vector_store %arg9[%swap3A], %gather3A {strides = array<i32>} : memref<160xf32, #tpu.memory_space<vmem>>, vector<16xf32>,
      %swap3A_178 = arith.constant 0 : index
      %swap3A_179 = tpu.vector_load %arg10[%swap3A_178] {strides = array<i32>} : memref<160xf32, #tpu.memory_space<vmem>>, vector<16xf32>,
      tpu.vector_store %arg10[%swap3A_178], %gather3A_175 {strides = array<i32>} : memref<160xf32, #tpu.memory_space<vmem>>, vector<16xf32>,
      %swap3A_180 = arith.constant 0 : index
      %swap3A_181 = tpu.vector_load %arg11[%swap3A_180] {strides = array<i32>} : memref<160xf32, #tpu.memory_space<vmem>>, vector<16xf32>,
      tpu.vector_store %arg11[%swap3A_180], %gather3A_176 {strides = array<i32>} : memref<160xf32, #tpu.memory_space<vmem>>, vector<16xf32>,
      %add3A_182 = arith.addf %broadcast_in_dim3A_169, %gather3A : vector<16xf32>
      %add3A_183 = arith.addf %broadcast_in_dim3A_169, %gather3A_175 : vector<16xf32>
      %add3A_184 = arith.addf %broadcast_in_dim3A_169, %gather3A_176 : vector<16xf32>
      %mul3A_185 = arith.constant 16 : i32
      %mul3A_186 = arith.muli %scan3A_168, %mul3A_185 : i32
      %add3A_187 = arith.constant 1024 : i32
      %add3A_188 = arith.addi %add3A_187, %mul3A_186 : i32
      %get3A_189 = arith.index_cast %add3A_188 : i32 to index
      %get3A_190 = tpu.vector_load %arg8[%get3A_189] {strides = array<i32>} : memref<10240xi32, #tpu.memory_space<vmem>>, vector<16xi32>,
      %gather3A_191 = tpu.vector_load_idx %arg5[%get3A_190] : memref<2048xf32, #tpu.memory_space<vmem>>[vector<16xi32>], vector<16xf32>,
      %gather3A_192 = tpu.vector_load_idx %arg6[%get3A_190] : memref<2048xf32, #tpu.memory_space<vmem>>[vector<16xi32>], vector<16xf32>,
      %gather3A_193 = tpu.vector_load_idx %arg7[%get3A_190] : memref<2048xf32, #tpu.memory_space<vmem>>[vector<16xi32>], vector<16xf32>,
      %swap3A_194 = arith.constant 16 : index
      %swap3A_195 = tpu.vector_load %arg9[%swap3A_194] {strides = array<i32>} : memref<160xf32, #tpu.memory_space<vmem>>, vector<16xf32>,
      tpu.vector_store %arg9[%swap3A_194], %gather3A_191 {strides = array<i32>} : memref<160xf32, #tpu.memory_space<vmem>>, vector<16xf32>,
      %swap3A_196 = arith.constant 16 : index
      %swap3A_197 = tpu.vector_load %arg10[%swap3A_196] {strides = array<i32>} : memref<160xf32, #tpu.memory_space<vmem>>, vector<16xf32>,
      tpu.vector_store %arg10[%swap3A_196], %gather3A_192 {strides = array<i32>} : memref<160xf32, #tpu.memory_space<vmem>>, vector<16xf32>,
      %swap3A_198 = arith.constant 16 : index
      %swap3A_199 = tpu.vector_load %arg11[%swap3A_198] {strides = array<i32>} : memref<160xf32, #tpu.memory_space<vmem>>, vector<16xf32>,
      tpu.vector_store %arg11[%swap3A_198], %gather3A_193 {strides = array<i32>} : memref<160xf32, #tpu.memory_space<vmem>>, vector<16xf32>,
      %add3A_200 = arith.addf %add3A_182, %gather3A_191 : vector<16xf32>
      %add3A_201 = arith.addf %add3A_183, %gather3A_192 : vector<16xf32>
      %add3A_202 = arith.addf %add3A_184, %gather3A_193 : vector<16xf32>
      %mul3A_203 = arith.constant 16 : i32
      %mul3A_204 = arith.muli %scan3A_168, %mul3A_203 : i32
      %add3A_205 = arith.constant 2048 : i32
      %add3A_206 = arith.addi %add3A_205, %mul3A_204 : i32
      %get3A_207 = arith.index_cast %add3A_206 : i32 to index
      %get3A_208 = tpu.vector_load %arg8[%get3A_207] {strides = array<i32>} : memref<10240xi32, #tpu.memory_space<vmem>>, vector<16xi32>,
      %gather3A_209 = tpu.vector_load_idx %arg5[%get3A_208] : memref<2048xf32, #tpu.memory_space<vmem>>[vector<16xi32>], vector<16xf32>,
      %gather3A_210 = tpu.vector_load_idx %arg6[%get3A_208] : memref<2048xf32, #tpu.memory_space<vmem>>[vector<16xi32>], vector<16xf32>,
      %gather3A_211 = tpu.vector_load_idx %arg7[%get3A_208] : memref<2048xf32, #tpu.memory_space<vmem>>[vector<16xi32>], vector<16xf32>,
      %swap3A_212 = arith.constant 32 : index
      %swap3A_213 = tpu.vector_load %arg9[%swap3A_212] {strides = array<i32>} : memref<160xf32, #tpu.memory_space<vmem>>, vector<16xf32>,
      tpu.vector_store %arg9[%swap3A_212], %gather3A_209 {strides = array<i32>} : memref<160xf32, #tpu.memory_space<vmem>>, vector<16xf32>,
      %swap3A_214 = arith.constant 32 : index
      %swap3A_215 = tpu.vector_load %arg10[%swap3A_214] {strides = array<i32>} : memref<160xf32, #tpu.memory_space<vmem>>, vector<16xf32>,
      tpu.vector_store %arg10[%swap3A_214], %gather3A_210 {strides = array<i32>} : memref<160xf32, #tpu.memory_space<vmem>>, vector<16xf32>,
      %swap3A_216 = arith.constant 32 : index
      %swap3A_217 = tpu.vector_load %arg11[%swap3A_216] {strides = array<i32>} : memref<160xf32, #tpu.memory_space<vmem>>, vector<16xf32>,
      tpu.vector_store %arg11[%swap3A_216], %gather3A_211 {strides = array<i32>} : memref<160xf32, #tpu.memory_space<vmem>>, vector<16xf32>,
      %add3A_218 = arith.addf %add3A_200, %gather3A_209 : vector<16xf32>
      %add3A_219 = arith.addf %add3A_201, %gather3A_210 : vector<16xf32>
      %add3A_220 = arith.addf %add3A_202, %gather3A_211 : vector<16xf32>
      %mul3A_221 = arith.constant 16 : i32
      %mul3A_222 = arith.muli %scan3A_168, %mul3A_221 : i32
      %add3A_223 = arith.constant 3072 : i32
      %add3A_224 = arith.addi %add3A_223, %mul3A_222 : i32
      %get3A_225 = arith.index_cast %add3A_224 : i32 to index
      %get3A_226 = tpu.vector_load %arg8[%get3A_225] {strides = array<i32>} : memref<10240xi32, #tpu.memory_space<vmem>>, vector<16xi32>,
      %gather3A_227 = tpu.vector_load_idx %arg5[%get3A_226] : memref<2048xf32, #tpu.memory_space<vmem>>[vector<16xi32>], vector<16xf32>,
      %gather3A_228 = tpu.vector_load_idx %arg6[%get3A_226] : memref<2048xf32, #tpu.memory_space<vmem>>[vector<16xi32>], vector<16xf32>,
      %gather3A_229 = tpu.vector_load_idx %arg7[%get3A_226] : memref<2048xf32, #tpu.memory_space<vmem>>[vector<16xi32>], vector<16xf32>,
      %swap3A_230 = arith.constant 48 : index
      %swap3A_231 = tpu.vector_load %arg9[%swap3A_230] {strides = array<i32>} : memref<160xf32, #tpu.memory_space<vmem>>, vector<16xf32>,
      tpu.vector_store %arg9[%swap3A_230], %gather3A_227 {strides = array<i32>} : memref<160xf32, #tpu.memory_space<vmem>>, vector<16xf32>,
      %swap3A_232 = arith.constant 48 : index
      %swap3A_233 = tpu.vector_load %arg10[%swap3A_232] {strides = array<i32>} : memref<160xf32, #tpu.memory_space<vmem>>, vector<16xf32>,
      tpu.vector_store %arg10[%swap3A_232], %gather3A_228 {strides = array<i32>} : memref<160xf32, #tpu.memory_space<vmem>>, vector<16xf32>,
      %swap3A_234 = arith.constant 48 : index
      %swap3A_235 = tpu.vector_load %arg11[%swap3A_234] {strides = array<i32>} : memref<160xf32, #tpu.memory_space<vmem>>, vector<16xf32>,
      tpu.vector_store %arg11[%swap3A_234], %gather3A_229 {strides = array<i32>} : memref<160xf32, #tpu.memory_space<vmem>>, vector<16xf32>,
      %add3A_236 = arith.addf %add3A_218, %gather3A_227 : vector<16xf32>
      %add3A_237 = arith.addf %add3A_219, %gather3A_228 : vector<16xf32>
      %add3A_238 = arith.addf %add3A_220, %gather3A_229 : vector<16xf32>
      %mul3A_239 = arith.constant 16 : i32
      %mul3A_240 = arith.muli %scan3A_168, %mul3A_239 : i32
      %add3A_241 = arith.constant 4096 : i32
      %add3A_242 = arith.addi %add3A_241, %mul3A_240 : i32
      %get3A_243 = arith.index_cast %add3A_242 : i32 to index
      %get3A_244 = tpu.vector_load %arg8[%get3A_243] {strides = array<i32>} : memref<10240xi32, #tpu.memory_space<vmem>>, vector<16xi32>,
      %gather3A_245 = tpu.vector_load_idx %arg5[%get3A_244] : memref<2048xf32, #tpu.memory_space<vmem>>[vector<16xi32>], vector<16xf32>,
      %gather3A_246 = tpu.vector_load_idx %arg6[%get3A_244] : memref<2048xf32, #tpu.memory_space<vmem>>[vector<16xi32>], vector<16xf32>,
      %gather3A_247 = tpu.vector_load_idx %arg7[%get3A_244] : memref<2048xf32, #tpu.memory_space<vmem>>[vector<16xi32>], vector<16xf32>,
      %swap3A_248 = arith.constant 64 : index
      %swap3A_249 = tpu.vector_load %arg9[%swap3A_248] {strides = array<i32>} : memref<160xf32, #tpu.memory_space<vmem>>, vector<16xf32>,
      tpu.vector_store %arg9[%swap3A_248], %gather3A_245 {strides = array<i32>} : memref<160xf32, #tpu.memory_space<vmem>>, vector<16xf32>,
      %swap3A_250 = arith.constant 64 : index
      %swap3A_251 = tpu.vector_load %arg10[%swap3A_250] {strides = array<i32>} : memref<160xf32, #tpu.memory_space<vmem>>, vector<16xf32>,
      tpu.vector_store %arg10[%swap3A_250], %gather3A_246 {strides = array<i32>} : memref<160xf32, #tpu.memory_space<vmem>>, vector<16xf32>,
      %swap3A_252 = arith.constant 64 : index
      %swap3A_253 = tpu.vector_load %arg11[%swap3A_252] {strides = array<i32>} : memref<160xf32, #tpu.memory_space<vmem>>, vector<16xf32>,
      tpu.vector_store %arg11[%swap3A_252], %gather3A_247 {strides = array<i32>} : memref<160xf32, #tpu.memory_space<vmem>>, vector<16xf32>,
      %add3A_254 = arith.addf %add3A_236, %gather3A_245 : vector<16xf32>
      %add3A_255 = arith.addf %add3A_237, %gather3A_246 : vector<16xf32>
      %add3A_256 = arith.addf %add3A_238, %gather3A_247 : vector<16xf32>
      %mul3A_257 = arith.constant 16 : i32
      %mul3A_258 = arith.muli %scan3A_168, %mul3A_257 : i32
      %add3A_259 = arith.constant 5120 : i32
      %add3A_260 = arith.addi %add3A_259, %mul3A_258 : i32
      %get3A_261 = arith.index_cast %add3A_260 : i32 to index
      %get3A_262 = tpu.vector_load %arg8[%get3A_261] {strides = array<i32>} : memref<10240xi32, #tpu.memory_space<vmem>>, vector<16xi32>,
      %gather3A_263 = tpu.vector_load_idx %arg5[%get3A_262] : memref<2048xf32, #tpu.memory_space<vmem>>[vector<16xi32>], vector<16xf32>,
      %gather3A_264 = tpu.vector_load_idx %arg6[%get3A_262] : memref<2048xf32, #tpu.memory_space<vmem>>[vector<16xi32>], vector<16xf32>,
      %gather3A_265 = tpu.vector_load_idx %arg7[%get3A_262] : memref<2048xf32, #tpu.memory_space<vmem>>[vector<16xi32>], vector<16xf32>,
      %swap3A_266 = arith.constant 80 : index
      %swap3A_267 = tpu.vector_load %arg9[%swap3A_266] {strides = array<i32>} : memref<160xf32, #tpu.memory_space<vmem>>, vector<16xf32>,
      tpu.vector_store %arg9[%swap3A_266], %gather3A_263 {strides = array<i32>} : memref<160xf32, #tpu.memory_space<vmem>>, vector<16xf32>,
      %swap3A_268 = arith.constant 80 : index
      %swap3A_269 = tpu.vector_load %arg10[%swap3A_268] {strides = array<i32>} : memref<160xf32, #tpu.memory_space<vmem>>, vector<16xf32>,
      tpu.vector_store %arg10[%swap3A_268], %gather3A_264 {strides = array<i32>} : memref<160xf32, #tpu.memory_space<vmem>>, vector<16xf32>,
      %swap3A_270 = arith.constant 80 : index
      %swap3A_271 = tpu.vector_load %arg11[%swap3A_270] {strides = array<i32>} : memref<160xf32, #tpu.memory_space<vmem>>, vector<16xf32>,
      tpu.vector_store %arg11[%swap3A_270], %gather3A_265 {strides = array<i32>} : memref<160xf32, #tpu.memory_space<vmem>>, vector<16xf32>,
      %add3A_272 = arith.addf %add3A_254, %gather3A_263 : vector<16xf32>
      %add3A_273 = arith.addf %add3A_255, %gather3A_264 : vector<16xf32>
      %add3A_274 = arith.addf %add3A_256, %gather3A_265 : vector<16xf32>
      %mul3A_275 = arith.constant 16 : i32
      %mul3A_276 = arith.muli %scan3A_168, %mul3A_275 : i32
      %add3A_277 = arith.constant 6144 : i32
      %add3A_278 = arith.addi %add3A_277, %mul3A_276 : i32
      %get3A_279 = arith.index_cast %add3A_278 : i32 to index
      %get3A_280 = tpu.vector_load %arg8[%get3A_279] {strides = array<i32>} : memref<10240xi32, #tpu.memory_space<vmem>>, vector<16xi32>,
      %gather3A_281 = tpu.vector_load_idx %arg5[%get3A_280] : memref<2048xf32, #tpu.memory_space<vmem>>[vector<16xi32>], vector<16xf32>,
      %gather3A_282 = tpu.vector_load_idx %arg6[%get3A_280] : memref<2048xf32, #tpu.memory_space<vmem>>[vector<16xi32>], vector<16xf32>,
      %gather3A_283 = tpu.vector_load_idx %arg7[%get3A_280] : memref<2048xf32, #tpu.memory_space<vmem>>[vector<16xi32>], vector<16xf32>,
      %swap3A_284 = arith.constant 96 : index
      %swap3A_285 = tpu.vector_load %arg9[%swap3A_284] {strides = array<i32>} : memref<160xf32, #tpu.memory_space<vmem>>, vector<16xf32>,
      tpu.vector_store %arg9[%swap3A_284], %gather3A_281 {strides = array<i32>} : memref<160xf32, #tpu.memory_space<vmem>>, vector<16xf32>,
      %swap3A_286 = arith.constant 96 : index
      %swap3A_287 = tpu.vector_load %arg10[%swap3A_286] {strides = array<i32>} : memref<160xf32, #tpu.memory_space<vmem>>, vector<16xf32>,
      tpu.vector_store %arg10[%swap3A_286], %gather3A_282 {strides = array<i32>} : memref<160xf32, #tpu.memory_space<vmem>>, vector<16xf32>,
      %swap3A_288 = arith.constant 96 : index
      %swap3A_289 = tpu.vector_load %arg11[%swap3A_288] {strides = array<i32>} : memref<160xf32, #tpu.memory_space<vmem>>, vector<16xf32>,
      tpu.vector_store %arg11[%swap3A_288], %gather3A_283 {strides = array<i32>} : memref<160xf32, #tpu.memory_space<vmem>>, vector<16xf32>,
      %add3A_290 = arith.addf %add3A_272, %gather3A_281 : vector<16xf32>
      %add3A_291 = arith.addf %add3A_273, %gather3A_282 : vector<16xf32>
      %add3A_292 = arith.addf %add3A_274, %gather3A_283 : vector<16xf32>
      %mul3A_293 = arith.constant 16 : i32
      %mul3A_294 = arith.muli %scan3A_168, %mul3A_293 : i32
      %add3A_295 = arith.constant 7168 : i32
      %add3A_296 = arith.addi %add3A_295, %mul3A_294 : i32
      %get3A_297 = arith.index_cast %add3A_296 : i32 to index
      %get3A_298 = tpu.vector_load %arg8[%get3A_297] {strides = array<i32>} : memref<10240xi32, #tpu.memory_space<vmem>>, vector<16xi32>,
      %gather3A_299 = tpu.vector_load_idx %arg5[%get3A_298] : memref<2048xf32, #tpu.memory_space<vmem>>[vector<16xi32>], vector<16xf32>,
      %gather3A_300 = tpu.vector_load_idx %arg6[%get3A_298] : memref<2048xf32, #tpu.memory_space<vmem>>[vector<16xi32>], vector<16xf32>,
      %gather3A_301 = tpu.vector_load_idx %arg7[%get3A_298] : memref<2048xf32, #tpu.memory_space<vmem>>[vector<16xi32>], vector<16xf32>,
      %swap3A_302 = arith.constant 112 : index
      %swap3A_303 = tpu.vector_load %arg9[%swap3A_302] {strides = array<i32>} : memref<160xf32, #tpu.memory_space<vmem>>, vector<16xf32>,
      tpu.vector_store %arg9[%swap3A_302], %gather3A_299 {strides = array<i32>} : memref<160xf32, #tpu.memory_space<vmem>>, vector<16xf32>,
      %swap3A_304 = arith.constant 112 : index
      %swap3A_305 = tpu.vector_load %arg10[%swap3A_304] {strides = array<i32>} : memref<160xf32, #tpu.memory_space<vmem>>, vector<16xf32>,
      tpu.vector_store %arg10[%swap3A_304], %gather3A_300 {strides = array<i32>} : memref<160xf32, #tpu.memory_space<vmem>>, vector<16xf32>,
      %swap3A_306 = arith.constant 112 : index
      %swap3A_307 = tpu.vector_load %arg11[%swap3A_306] {strides = array<i32>} : memref<160xf32, #tpu.memory_space<vmem>>, vector<16xf32>,
      tpu.vector_store %arg11[%swap3A_306], %gather3A_301 {strides = array<i32>} : memref<160xf32, #tpu.memory_space<vmem>>, vector<16xf32>,
      %add3A_308 = arith.addf %add3A_290, %gather3A_299 : vector<16xf32>
      %add3A_309 = arith.addf %add3A_291, %gather3A_300 : vector<16xf32>
      %add3A_310 = arith.addf %add3A_292, %gather3A_301 : vector<16xf32>
      %mul3A_311 = arith.constant 16 : i32
      %mul3A_312 = arith.muli %scan3A_168, %mul3A_311 : i32
      %add3A_313 = arith.constant 8192 : i32
      %add3A_314 = arith.addi %add3A_313, %mul3A_312 : i32
      %get3A_315 = arith.index_cast %add3A_314 : i32 to index
      %get3A_316 = tpu.vector_load %arg8[%get3A_315] {strides = array<i32>} : memref<10240xi32, #tpu.memory_space<vmem>>, vector<16xi32>,
      %gather3A_317 = tpu.vector_load_idx %arg5[%get3A_316] : memref<2048xf32, #tpu.memory_space<vmem>>[vector<16xi32>], vector<16xf32>,
      %gather3A_318 = tpu.vector_load_idx %arg6[%get3A_316] : memref<2048xf32, #tpu.memory_space<vmem>>[vector<16xi32>], vector<16xf32>,
      %gather3A_319 = tpu.vector_load_idx %arg7[%get3A_316] : memref<2048xf32, #tpu.memory_space<vmem>>[vector<16xi32>], vector<16xf32>,
      %swap3A_320 = arith.constant 128 : index
      %swap3A_321 = tpu.vector_load %arg9[%swap3A_320] {strides = array<i32>} : memref<160xf32, #tpu.memory_space<vmem>>, vector<16xf32>,
      tpu.vector_store %arg9[%swap3A_320], %gather3A_317 {strides = array<i32>} : memref<160xf32, #tpu.memory_space<vmem>>, vector<16xf32>,
      %swap3A_322 = arith.constant 128 : index
      %swap3A_323 = tpu.vector_load %arg10[%swap3A_322] {strides = array<i32>} : memref<160xf32, #tpu.memory_space<vmem>>, vector<16xf32>,
      tpu.vector_store %arg10[%swap3A_322], %gather3A_318 {strides = array<i32>} : memref<160xf32, #tpu.memory_space<vmem>>, vector<16xf32>,
      %swap3A_324 = arith.constant 128 : index
      %swap3A_325 = tpu.vector_load %arg11[%swap3A_324] {strides = array<i32>} : memref<160xf32, #tpu.memory_space<vmem>>, vector<16xf32>,
      tpu.vector_store %arg11[%swap3A_324], %gather3A_319 {strides = array<i32>} : memref<160xf32, #tpu.memory_space<vmem>>, vector<16xf32>,
      %add3A_326 = arith.addf %add3A_308, %gather3A_317 : vector<16xf32>
      %add3A_327 = arith.addf %add3A_309, %gather3A_318 : vector<16xf32>
      %add3A_328 = arith.addf %add3A_310, %gather3A_319 : vector<16xf32>
      %mul3A_329 = arith.constant 16 : i32
      %mul3A_330 = arith.muli %scan3A_168, %mul3A_329 : i32
      %add3A_331 = arith.constant 9216 : i32
      %add3A_332 = arith.addi %add3A_331, %mul3A_330 : i32
      %get3A_333 = arith.index_cast %add3A_332 : i32 to index
      %get3A_334 = tpu.vector_load %arg8[%get3A_333] {strides = array<i32>} : memref<10240xi32, #tpu.memory_space<vmem>>, vector<16xi32>,
      %gather3A_335 = tpu.vector_load_idx %arg5[%get3A_334] : memref<2048xf32, #tpu.memory_space<vmem>>[vector<16xi32>], vector<16xf32>,
      %gather3A_336 = tpu.vector_load_idx %arg6[%get3A_334] : memref<2048xf32, #tpu.memory_space<vmem>>[vector<16xi32>], vector<16xf32>,
      %gather3A_337 = tpu.vector_load_idx %arg7[%get3A_334] : memref<2048xf32, #tpu.memory_space<vmem>>[vector<16xi32>], vector<16xf32>,
      %swap3A_338 = arith.constant 144 : index
      %swap3A_339 = tpu.vector_load %arg9[%swap3A_338] {strides = array<i32>} : memref<160xf32, #tpu.memory_space<vmem>>, vector<16xf32>,
      tpu.vector_store %arg9[%swap3A_338], %gather3A_335 {strides = array<i32>} : memref<160xf32, #tpu.memory_space<vmem>>, vector<16xf32>,
      %swap3A_340 = arith.constant 144 : index
      %swap3A_341 = tpu.vector_load %arg10[%swap3A_340] {strides = array<i32>} : memref<160xf32, #tpu.memory_space<vmem>>, vector<16xf32>,
      tpu.vector_store %arg10[%swap3A_340], %gather3A_336 {strides = array<i32>} : memref<160xf32, #tpu.memory_space<vmem>>, vector<16xf32>,
      %swap3A_342 = arith.constant 144 : index
      %swap3A_343 = tpu.vector_load %arg11[%swap3A_342] {strides = array<i32>} : memref<160xf32, #tpu.memory_space<vmem>>, vector<16xf32>,
      tpu.vector_store %arg11[%swap3A_342], %gather3A_337 {strides = array<i32>} : memref<160xf32, #tpu.memory_space<vmem>>, vector<16xf32>,
      %add3A_344 = arith.addf %add3A_326, %gather3A_335 : vector<16xf32>
      %add3A_345 = arith.addf %add3A_327, %gather3A_336 : vector<16xf32>
      %add3A_346 = arith.addf %add3A_328, %gather3A_337 : vector<16xf32>
      %div3A_347 = arith.constant 1.000000e+01 : f32
      %div3A_348 = vector.broadcast %div3A_347 : f32 to vector<16xf32>
      %div3A_349 = arith.divf %add3A_344, %div3A_348 : vector<16xf32>
      %div3A_350 = arith.constant 1.000000e+01 : f32
      %div3A_351 = vector.broadcast %div3A_350 : f32 to vector<16xf32>
      %div3A_352 = arith.divf %add3A_345, %div3A_351 : vector<16xf32>
      %div3A_353 = arith.constant 1.000000e+01 : f32
      %div3A_354 = vector.broadcast %div3A_353 : f32 to vector<16xf32>
      %div3A_355 = arith.divf %add3A_346, %div3A_354 : vector<16xf32>
      %get3A_356 = arith.constant 0 : index
      %get3A_357 = tpu.vector_load %arg9[%get3A_356] {strides = array<i32>} : memref<160xf32, #tpu.memory_space<vmem>>, vector<16xf32>,
      %sub3A_358 = arith.subf %get3A_357, %div3A_349 : vector<16xf32>
      %get3A_359 = arith.constant 0 : index
      %get3A_360 = tpu.vector_load %arg10[%get3A_359] {strides = array<i32>} : memref<160xf32, #tpu.memory_space<vmem>>, vector<16xf32>,
      %sub3A_361 = arith.subf %get3A_360, %div3A_352 : vector<16xf32>
      %get3A_362 = arith.constant 0 : index
      %get3A_363 = tpu.vector_load %arg11[%get3A_362] {strides = array<i32>} : memref<160xf32, #tpu.memory_space<vmem>>, vector<16xf32>,
      %sub3A_364 = arith.subf %get3A_363, %div3A_355 : vector<16xf32>
      %mul3A_365 = arith.mulf %sub3A_358, %sub3A_358 : vector<16xf32>
      %add3A_366 = arith.addf %broadcast_in_dim3A_169, %mul3A_365 : vector<16xf32>
      %mul3A_367 = arith.mulf %sub3A_361, %sub3A_361 : vector<16xf32>
      %add3A_368 = arith.addf %broadcast_in_dim3A_169, %mul3A_367 : vector<16xf32>
      %mul3A_369 = arith.mulf %sub3A_364, %sub3A_364 : vector<16xf32>
      %add3A_370 = arith.addf %broadcast_in_dim3A_169, %mul3A_369 : vector<16xf32>
      %mul3A_371 = arith.mulf %sub3A_358, %sub3A_361 : vector<16xf32>
      %add3A_372 = arith.addf %broadcast_in_dim3A_169, %mul3A_371 : vector<16xf32>
      %mul3A_373 = arith.mulf %sub3A_358, %sub3A_364 : vector<16xf32>
      %add3A_374 = arith.addf %broadcast_in_dim3A_169, %mul3A_373 : vector<16xf32>
      %mul3A_375 = arith.mulf %sub3A_361, %sub3A_364 : vector<16xf32>
      %add3A_376 = arith.addf %broadcast_in_dim3A_169, %mul3A_375 : vector<16xf32>
      %get3A_377 = arith.constant 16 : index
      %get3A_378 = tpu.vector_load %arg9[%get3A_377] {strides = array<i32>} : memref<160xf32, #tpu.memory_space<vmem>>, vector<16xf32>,
      %sub3A_379 = arith.subf %get3A_378, %div3A_349 : vector<16xf32>
      %get3A_380 = arith.constant 16 : index
      %get3A_381 = tpu.vector_load %arg10[%get3A_380] {strides = array<i32>} : memref<160xf32, #tpu.memory_space<vmem>>, vector<16xf32>,
      %sub3A_382 = arith.subf %get3A_381, %div3A_352 : vector<16xf32>
      %get3A_383 = arith.constant 16 : index
      %get3A_384 = tpu.vector_load %arg11[%get3A_383] {strides = array<i32>} : memref<160xf32, #tpu.memory_space<vmem>>, vector<16xf32>,
      %sub3A_385 = arith.subf %get3A_384, %div3A_355 : vector<16xf32>
      %mul3A_386 = arith.mulf %sub3A_379, %sub3A_379 : vector<16xf32>
      %add3A_387 = arith.addf %add3A_366, %mul3A_386 : vector<16xf32>
      %mul3A_388 = arith.mulf %sub3A_382, %sub3A_382 : vector<16xf32>
      %add3A_389 = arith.addf %add3A_368, %mul3A_388 : vector<16xf32>
      %mul3A_390 = arith.mulf %sub3A_385, %sub3A_385 : vector<16xf32>
      %add3A_391 = arith.addf %add3A_370, %mul3A_390 : vector<16xf32>
      %mul3A_392 = arith.mulf %sub3A_379, %sub3A_382 : vector<16xf32>
      %add3A_393 = arith.addf %add3A_372, %mul3A_392 : vector<16xf32>
      %mul3A_394 = arith.mulf %sub3A_379, %sub3A_385 : vector<16xf32>
      %add3A_395 = arith.addf %add3A_374, %mul3A_394 : vector<16xf32>
      %mul3A_396 = arith.mulf %sub3A_382, %sub3A_385 : vector<16xf32>
      %add3A_397 = arith.addf %add3A_376, %mul3A_396 : vector<16xf32>
      %get3A_398 = arith.constant 32 : index
      %get3A_399 = tpu.vector_load %arg9[%get3A_398] {strides = array<i32>} : memref<160xf32, #tpu.memory_space<vmem>>, vector<16xf32>,
      %sub3A_400 = arith.subf %get3A_399, %div3A_349 : vector<16xf32>
      %get3A_401 = arith.constant 32 : index
      %get3A_402 = tpu.vector_load %arg10[%get3A_401] {strides = array<i32>} : memref<160xf32, #tpu.memory_space<vmem>>, vector<16xf32>,
      %sub3A_403 = arith.subf %get3A_402, %div3A_352 : vector<16xf32>
      %get3A_404 = arith.constant 32 : index
      %get3A_405 = tpu.vector_load %arg11[%get3A_404] {strides = array<i32>} : memref<160xf32, #tpu.memory_space<vmem>>, vector<16xf32>,
      %sub3A_406 = arith.subf %get3A_405, %div3A_355 : vector<16xf32>
      %mul3A_407 = arith.mulf %sub3A_400, %sub3A_400 : vector<16xf32>
      %add3A_408 = arith.addf %add3A_387, %mul3A_407 : vector<16xf32>
      %mul3A_409 = arith.mulf %sub3A_403, %sub3A_403 : vector<16xf32>
      %add3A_410 = arith.addf %add3A_389, %mul3A_409 : vector<16xf32>
      %mul3A_411 = arith.mulf %sub3A_406, %sub3A_406 : vector<16xf32>
      %add3A_412 = arith.addf %add3A_391, %mul3A_411 : vector<16xf32>
      %mul3A_413 = arith.mulf %sub3A_400, %sub3A_403 : vector<16xf32>
      %add3A_414 = arith.addf %add3A_393, %mul3A_413 : vector<16xf32>
      %mul3A_415 = arith.mulf %sub3A_400, %sub3A_406 : vector<16xf32>
      %add3A_416 = arith.addf %add3A_395, %mul3A_415 : vector<16xf32>
      %mul3A_417 = arith.mulf %sub3A_403, %sub3A_406 : vector<16xf32>
      %add3A_418 = arith.addf %add3A_397, %mul3A_417 : vector<16xf32>
      %get3A_419 = arith.constant 48 : index
      %get3A_420 = tpu.vector_load %arg9[%get3A_419] {strides = array<i32>} : memref<160xf32, #tpu.memory_space<vmem>>, vector<16xf32>,
      %sub3A_421 = arith.subf %get3A_420, %div3A_349 : vector<16xf32>
      %get3A_422 = arith.constant 48 : index
      %get3A_423 = tpu.vector_load %arg10[%get3A_422] {strides = array<i32>} : memref<160xf32, #tpu.memory_space<vmem>>, vector<16xf32>,
      %sub3A_424 = arith.subf %get3A_423, %div3A_352 : vector<16xf32>
      %get3A_425 = arith.constant 48 : index
      %get3A_426 = tpu.vector_load %arg11[%get3A_425] {strides = array<i32>} : memref<160xf32, #tpu.memory_space<vmem>>, vector<16xf32>,
      %sub3A_427 = arith.subf %get3A_426, %div3A_355 : vector<16xf32>
      %mul3A_428 = arith.mulf %sub3A_421, %sub3A_421 : vector<16xf32>
      %add3A_429 = arith.addf %add3A_408, %mul3A_428 : vector<16xf32>
      %mul3A_430 = arith.mulf %sub3A_424, %sub3A_424 : vector<16xf32>
      %add3A_431 = arith.addf %add3A_410, %mul3A_430 : vector<16xf32>
      %mul3A_432 = arith.mulf %sub3A_427, %sub3A_427 : vector<16xf32>
      %add3A_433 = arith.addf %add3A_412, %mul3A_432 : vector<16xf32>
      %mul3A_434 = arith.mulf %sub3A_421, %sub3A_424 : vector<16xf32>
      %add3A_435 = arith.addf %add3A_414, %mul3A_434 : vector<16xf32>
      %mul3A_436 = arith.mulf %sub3A_421, %sub3A_427 : vector<16xf32>
      %add3A_437 = arith.addf %add3A_416, %mul3A_436 : vector<16xf32>
      %mul3A_438 = arith.mulf %sub3A_424, %sub3A_427 : vector<16xf32>
      %add3A_439 = arith.addf %add3A_418, %mul3A_438 : vector<16xf32>
      %get3A_440 = arith.constant 64 : index
      %get3A_441 = tpu.vector_load %arg9[%get3A_440] {strides = array<i32>} : memref<160xf32, #tpu.memory_space<vmem>>, vector<16xf32>,
      %sub3A_442 = arith.subf %get3A_441, %div3A_349 : vector<16xf32>
      %get3A_443 = arith.constant 64 : index
      %get3A_444 = tpu.vector_load %arg10[%get3A_443] {strides = array<i32>} : memref<160xf32, #tpu.memory_space<vmem>>, vector<16xf32>,
      %sub3A_445 = arith.subf %get3A_444, %div3A_352 : vector<16xf32>
      %get3A_446 = arith.constant 64 : index
      %get3A_447 = tpu.vector_load %arg11[%get3A_446] {strides = array<i32>} : memref<160xf32, #tpu.memory_space<vmem>>, vector<16xf32>,
      %sub3A_448 = arith.subf %get3A_447, %div3A_355 : vector<16xf32>
      %mul3A_449 = arith.mulf %sub3A_442, %sub3A_442 : vector<16xf32>
      %add3A_450 = arith.addf %add3A_429, %mul3A_449 : vector<16xf32>
      %mul3A_451 = arith.mulf %sub3A_445, %sub3A_445 : vector<16xf32>
      %add3A_452 = arith.addf %add3A_431, %mul3A_451 : vector<16xf32>
      %mul3A_453 = arith.mulf %sub3A_448, %sub3A_448 : vector<16xf32>
      %add3A_454 = arith.addf %add3A_433, %mul3A_453 : vector<16xf32>
      %mul3A_455 = arith.mulf %sub3A_442, %sub3A_445 : vector<16xf32>
      %add3A_456 = arith.addf %add3A_435, %mul3A_455 : vector<16xf32>
      %mul3A_457 = arith.mulf %sub3A_442, %sub3A_448 : vector<16xf32>
      %add3A_458 = arith.addf %add3A_437, %mul3A_457 : vector<16xf32>
      %mul3A_459 = arith.mulf %sub3A_445, %sub3A_448 : vector<16xf32>
      %add3A_460 = arith.addf %add3A_439, %mul3A_459 : vector<16xf32>
      %get3A_461 = arith.constant 80 : index
      %get3A_462 = tpu.vector_load %arg9[%get3A_461] {strides = array<i32>} : memref<160xf32, #tpu.memory_space<vmem>>, vector<16xf32>,
      %sub3A_463 = arith.subf %get3A_462, %div3A_349 : vector<16xf32>
      %get3A_464 = arith.constant 80 : index
      %get3A_465 = tpu.vector_load %arg10[%get3A_464] {strides = array<i32>} : memref<160xf32, #tpu.memory_space<vmem>>, vector<16xf32>,
      %sub3A_466 = arith.subf %get3A_465, %div3A_352 : vector<16xf32>
      %get3A_467 = arith.constant 80 : index
      %get3A_468 = tpu.vector_load %arg11[%get3A_467] {strides = array<i32>} : memref<160xf32, #tpu.memory_space<vmem>>, vector<16xf32>,
      %sub3A_469 = arith.subf %get3A_468, %div3A_355 : vector<16xf32>
      %mul3A_470 = arith.mulf %sub3A_463, %sub3A_463 : vector<16xf32>
      %add3A_471 = arith.addf %add3A_450, %mul3A_470 : vector<16xf32>
      %mul3A_472 = arith.mulf %sub3A_466, %sub3A_466 : vector<16xf32>
      %add3A_473 = arith.addf %add3A_452, %mul3A_472 : vector<16xf32>
      %mul3A_474 = arith.mulf %sub3A_469, %sub3A_469 : vector<16xf32>
      %add3A_475 = arith.addf %add3A_454, %mul3A_474 : vector<16xf32>
      %mul3A_476 = arith.mulf %sub3A_463, %sub3A_466 : vector<16xf32>
      %add3A_477 = arith.addf %add3A_456, %mul3A_476 : vector<16xf32>
      %mul3A_478 = arith.mulf %sub3A_463, %sub3A_469 : vector<16xf32>
      %add3A_479 = arith.addf %add3A_458, %mul3A_478 : vector<16xf32>
      %mul3A_480 = arith.mulf %sub3A_466, %sub3A_469 : vector<16xf32>
      %add3A_481 = arith.addf %add3A_460, %mul3A_480 : vector<16xf32>
      %get3A_482 = arith.constant 96 : index
      %get3A_483 = tpu.vector_load %arg9[%get3A_482] {strides = array<i32>} : memref<160xf32, #tpu.memory_space<vmem>>, vector<16xf32>,
      %sub3A_484 = arith.subf %get3A_483, %div3A_349 : vector<16xf32>
      %get3A_485 = arith.constant 96 : index
      %get3A_486 = tpu.vector_load %arg10[%get3A_485] {strides = array<i32>} : memref<160xf32, #tpu.memory_space<vmem>>, vector<16xf32>,
      %sub3A_487 = arith.subf %get3A_486, %div3A_352 : vector<16xf32>
      %get3A_488 = arith.constant 96 : index
      %get3A_489 = tpu.vector_load %arg11[%get3A_488] {strides = array<i32>} : memref<160xf32, #tpu.memory_space<vmem>>, vector<16xf32>,
      %sub3A_490 = arith.subf %get3A_489, %div3A_355 : vector<16xf32>
      %mul3A_491 = arith.mulf %sub3A_484, %sub3A_484 : vector<16xf32>
      %add3A_492 = arith.addf %add3A_471, %mul3A_491 : vector<16xf32>
      %mul3A_493 = arith.mulf %sub3A_487, %sub3A_487 : vector<16xf32>
      %add3A_494 = arith.addf %add3A_473, %mul3A_493 : vector<16xf32>
      %mul3A_495 = arith.mulf %sub3A_490, %sub3A_490 : vector<16xf32>
      %add3A_496 = arith.addf %add3A_475, %mul3A_495 : vector<16xf32>
      %mul3A_497 = arith.mulf %sub3A_484, %sub3A_487 : vector<16xf32>
      %add3A_498 = arith.addf %add3A_477, %mul3A_497 : vector<16xf32>
      %mul3A_499 = arith.mulf %sub3A_484, %sub3A_490 : vector<16xf32>
      %add3A_500 = arith.addf %add3A_479, %mul3A_499 : vector<16xf32>
      %mul3A_501 = arith.mulf %sub3A_487, %sub3A_490 : vector<16xf32>
      %add3A_502 = arith.addf %add3A_481, %mul3A_501 : vector<16xf32>
      %get3A_503 = arith.constant 112 : index
      %get3A_504 = tpu.vector_load %arg9[%get3A_503] {strides = array<i32>} : memref<160xf32, #tpu.memory_space<vmem>>, vector<16xf32>,
      %sub3A_505 = arith.subf %get3A_504, %div3A_349 : vector<16xf32>
      %get3A_506 = arith.constant 112 : index
      %get3A_507 = tpu.vector_load %arg10[%get3A_506] {strides = array<i32>} : memref<160xf32, #tpu.memory_space<vmem>>, vector<16xf32>,
      %sub3A_508 = arith.subf %get3A_507, %div3A_352 : vector<16xf32>
      %get3A_509 = arith.constant 112 : index
      %get3A_510 = tpu.vector_load %arg11[%get3A_509] {strides = array<i32>} : memref<160xf32, #tpu.memory_space<vmem>>, vector<16xf32>,
      %sub3A_511 = arith.subf %get3A_510, %div3A_355 : vector<16xf32>
      %mul3A_512 = arith.mulf %sub3A_505, %sub3A_505 : vector<16xf32>
      %add3A_513 = arith.addf %add3A_492, %mul3A_512 : vector<16xf32>
      %mul3A_514 = arith.mulf %sub3A_508, %sub3A_508 : vector<16xf32>
      %add3A_515 = arith.addf %add3A_494, %mul3A_514 : vector<16xf32>
      %mul3A_516 = arith.mulf %sub3A_511, %sub3A_511 : vector<16xf32>
      %add3A_517 = arith.addf %add3A_496, %mul3A_516 : vector<16xf32>
      %mul3A_518 = arith.mulf %sub3A_505, %sub3A_508 : vector<16xf32>
      %add3A_519 = arith.addf %add3A_498, %mul3A_518 : vector<16xf32>
      %mul3A_520 = arith.mulf %sub3A_505, %sub3A_511 : vector<16xf32>
      %add3A_521 = arith.addf %add3A_500, %mul3A_520 : vector<16xf32>
      %mul3A_522 = arith.mulf %sub3A_508, %sub3A_511 : vector<16xf32>
      %add3A_523 = arith.addf %add3A_502, %mul3A_522 : vector<16xf32>
      %get3A_524 = arith.constant 128 : index
      %get3A_525 = tpu.vector_load %arg9[%get3A_524] {strides = array<i32>} : memref<160xf32, #tpu.memory_space<vmem>>, vector<16xf32>,
      %sub3A_526 = arith.subf %get3A_525, %div3A_349 : vector<16xf32>
      %get3A_527 = arith.constant 128 : index
      %get3A_528 = tpu.vector_load %arg10[%get3A_527] {strides = array<i32>} : memref<160xf32, #tpu.memory_space<vmem>>, vector<16xf32>,
      %sub3A_529 = arith.subf %get3A_528, %div3A_352 : vector<16xf32>
      %get3A_530 = arith.constant 128 : index
      %get3A_531 = tpu.vector_load %arg11[%get3A_530] {strides = array<i32>} : memref<160xf32, #tpu.memory_space<vmem>>, vector<16xf32>,
      %sub3A_532 = arith.subf %get3A_531, %div3A_355 : vector<16xf32>
      %mul3A_533 = arith.mulf %sub3A_526, %sub3A_526 : vector<16xf32>
      %add3A_534 = arith.addf %add3A_513, %mul3A_533 : vector<16xf32>
      %mul3A_535 = arith.mulf %sub3A_529, %sub3A_529 : vector<16xf32>
      %add3A_536 = arith.addf %add3A_515, %mul3A_535 : vector<16xf32>
      %mul3A_537 = arith.mulf %sub3A_532, %sub3A_532 : vector<16xf32>
      %add3A_538 = arith.addf %add3A_517, %mul3A_537 : vector<16xf32>
      %mul3A_539 = arith.mulf %sub3A_526, %sub3A_529 : vector<16xf32>
      %add3A_540 = arith.addf %add3A_519, %mul3A_539 : vector<16xf32>
      %mul3A_541 = arith.mulf %sub3A_526, %sub3A_532 : vector<16xf32>
      %add3A_542 = arith.addf %add3A_521, %mul3A_541 : vector<16xf32>
      %mul3A_543 = arith.mulf %sub3A_529, %sub3A_532 : vector<16xf32>
      %add3A_544 = arith.addf %add3A_523, %mul3A_543 : vector<16xf32>
      %get3A_545 = arith.constant 144 : index
      %get3A_546 = tpu.vector_load %arg9[%get3A_545] {strides = array<i32>} : memref<160xf32, #tpu.memory_space<vmem>>, vector<16xf32>,
      %sub3A_547 = arith.subf %get3A_546, %div3A_349 : vector<16xf32>
      %get3A_548 = arith.constant 144 : index
      %get3A_549 = tpu.vector_load %arg10[%get3A_548] {strides = array<i32>} : memref<160xf32, #tpu.memory_space<vmem>>, vector<16xf32>,
      %sub3A_550 = arith.subf %get3A_549, %div3A_352 : vector<16xf32>
      %get3A_551 = arith.constant 144 : index
      %get3A_552 = tpu.vector_load %arg11[%get3A_551] {strides = array<i32>} : memref<160xf32, #tpu.memory_space<vmem>>, vector<16xf32>,
      %sub3A_553 = arith.subf %get3A_552, %div3A_355 : vector<16xf32>
      %mul3A_554 = arith.mulf %sub3A_547, %sub3A_547 : vector<16xf32>
      %add3A_555 = arith.addf %add3A_534, %mul3A_554 : vector<16xf32>
      %mul3A_556 = arith.mulf %sub3A_550, %sub3A_550 : vector<16xf32>
      %add3A_557 = arith.addf %add3A_536, %mul3A_556 : vector<16xf32>
      %mul3A_558 = arith.mulf %sub3A_553, %sub3A_553 : vector<16xf32>
      %add3A_559 = arith.addf %add3A_538, %mul3A_558 : vector<16xf32>
      %mul3A_560 = arith.mulf %sub3A_547, %sub3A_550 : vector<16xf32>
      %add3A_561 = arith.addf %add3A_540, %mul3A_560 : vector<16xf32>
      %mul3A_562 = arith.mulf %sub3A_547, %sub3A_553 : vector<16xf32>
      %add3A_563 = arith.addf %add3A_542, %mul3A_562 : vector<16xf32>
      %mul3A_564 = arith.mulf %sub3A_550, %sub3A_553 : vector<16xf32>
      %add3A_565 = arith.addf %add3A_544, %mul3A_564 : vector<16xf32>
      %div3A_566 = arith.constant 1.000000e+01 : f32
      %div3A_567 = vector.broadcast %div3A_566 : f32 to vector<16xf32>
      %div3A_568 = arith.divf %add3A_555, %div3A_567 : vector<16xf32>
      %mul3A_569 = arith.constant 16 : i32
      %mul3A_570 = arith.muli %scan3A_168, %mul3A_569 : i32
      %add3A_571 = arith.constant 0 : i32
      %add3A_572 = arith.addi %add3A_571, %mul3A_570 : i32
      %swap3A_573 = arith.index_cast %add3A_572 : i32 to index
      %swap3A_574 = tpu.vector_load %arg12[%swap3A_573] {strides = array<i32>} : memref<6144xf32, #tpu.memory_space<vmem>>, vector<16xf32>,
      tpu.vector_store %arg12[%swap3A_573], %div3A_568 {strides = array<i32>} : memref<6144xf32, #tpu.memory_space<vmem>>, vector<16xf32>,
      %div3A_575 = arith.constant 1.000000e+01 : f32
      %div3A_576 = vector.broadcast %div3A_575 : f32 to vector<16xf32>
      %div3A_577 = arith.divf %add3A_557, %div3A_576 : vector<16xf32>
      %mul3A_578 = arith.constant 16 : i32
      %mul3A_579 = arith.muli %scan3A_168, %mul3A_578 : i32
      %add3A_580 = arith.constant 1024 : i32
      %add3A_581 = arith.addi %add3A_580, %mul3A_579 : i32
      %swap3A_582 = arith.index_cast %add3A_581 : i32 to index
      %swap3A_583 = tpu.vector_load %arg12[%swap3A_582] {strides = array<i32>} : memref<6144xf32, #tpu.memory_space<vmem>>, vector<16xf32>,
      tpu.vector_store %arg12[%swap3A_582], %div3A_577 {strides = array<i32>} : memref<6144xf32, #tpu.memory_space<vmem>>, vector<16xf32>,
      %div3A_584 = arith.constant 1.000000e+01 : f32
      %div3A_585 = vector.broadcast %div3A_584 : f32 to vector<16xf32>
      %div3A_586 = arith.divf %add3A_559, %div3A_585 : vector<16xf32>
      %mul3A_587 = arith.constant 16 : i32
      %mul3A_588 = arith.muli %scan3A_168, %mul3A_587 : i32
      %add3A_589 = arith.constant 2048 : i32
      %add3A_590 = arith.addi %add3A_589, %mul3A_588 : i32
      %swap3A_591 = arith.index_cast %add3A_590 : i32 to index
      %swap3A_592 = tpu.vector_load %arg12[%swap3A_591] {strides = array<i32>} : memref<6144xf32, #tpu.memory_space<vmem>>, vector<16xf32>,
      tpu.vector_store %arg12[%swap3A_591], %div3A_586 {strides = array<i32>} : memref<6144xf32, #tpu.memory_space<vmem>>, vector<16xf32>,
      %div3A_593 = arith.constant 1.000000e+01 : f32
      %div3A_594 = vector.broadcast %div3A_593 : f32 to vector<16xf32>
      %div3A_595 = arith.divf %add3A_561, %div3A_594 : vector<16xf32>
      %mul3A_596 = arith.constant 16 : i32
      %mul3A_597 = arith.muli %scan3A_168, %mul3A_596 : i32
      %add3A_598 = arith.constant 3072 : i32
      %add3A_599 = arith.addi %add3A_598, %mul3A_597 : i32
      %swap3A_600 = arith.index_cast %add3A_599 : i32 to index
      %swap3A_601 = tpu.vector_load %arg12[%swap3A_600] {strides = array<i32>} : memref<6144xf32, #tpu.memory_space<vmem>>, vector<16xf32>,
      tpu.vector_store %arg12[%swap3A_600], %div3A_595 {strides = array<i32>} : memref<6144xf32, #tpu.memory_space<vmem>>, vector<16xf32>,
      %div3A_602 = arith.constant 1.000000e+01 : f32
      %div3A_603 = vector.broadcast %div3A_602 : f32 to vector<16xf32>
      %div3A_604 = arith.divf %add3A_563, %div3A_603 : vector<16xf32>
      %mul3A_605 = arith.constant 16 : i32
      %mul3A_606 = arith.muli %scan3A_168, %mul3A_605 : i32
      %add3A_607 = arith.constant 4096 : i32
      %add3A_608 = arith.addi %add3A_607, %mul3A_606 : i32
      %swap3A_609 = arith.index_cast %add3A_608 : i32 to index
      %swap3A_610 = tpu.vector_load %arg12[%swap3A_609] {strides = array<i32>} : memref<6144xf32, #tpu.memory_space<vmem>>, vector<16xf32>,
      tpu.vector_store %arg12[%swap3A_609], %div3A_604 {strides = array<i32>} : memref<6144xf32, #tpu.memory_space<vmem>>, vector<16xf32>,
      %div3A_611 = arith.constant 1.000000e+01 : f32
      %div3A_612 = vector.broadcast %div3A_611 : f32 to vector<16xf32>
      %div3A_613 = arith.divf %add3A_565, %div3A_612 : vector<16xf32>
      %mul3A_614 = arith.constant 16 : i32
      %mul3A_615 = arith.muli %scan3A_168, %mul3A_614 : i32
      %add3A_616 = arith.constant 5120 : i32
      %add3A_617 = arith.addi %add3A_616, %mul3A_615 : i32
      %swap3A_618 = arith.index_cast %add3A_617 : i32 to index
      %swap3A_619 = tpu.vector_load %arg12[%swap3A_618] {strides = array<i32>} : memref<6144xf32, #tpu.memory_space<vmem>>, vector<16xf32>,
      tpu.vector_store %arg12[%swap3A_618], %div3A_613 {strides = array<i32>} : memref<6144xf32, #tpu.memory_space<vmem>>, vector<16xf32>,
    }
    %scan3A_125 = arith.constant 64 : i32
    %mul3A_126 = arith.constant 8 : i32
    %mul3A_127 = arith.muli %select_n3A, %mul3A_126 : i32
    %mul3A_128 = arith.constant 2048 : i32
    %mul3A_129 = arith.muli %mul3A_127, %mul3A_128 : i32
    %add3A_130 = arith.constant 0 : i32
    %add3A_131 = arith.addi %mul3A_129, %add3A_130 : i32
    %add3A_132 = arith.addi %add3A_131, %mul3A_32 : i32
    "tpu.region"() ({
      %run_scoped3A = tpu.sem_alloc : memref<!tpu.dma_semaphore, #tpu.memory_space<semaphore_mem>>
      %dma_start3A = arith.constant 0 : i32
      %dma_start3A_168 = tpu.memref_slice %arg12[%dma_start3A] : memref<6144xf32, #tpu.memory_space<vmem>> -> memref<1024xf32, #tpu.memory_space<vmem>>
      %dma_start3A_169 = tpu.memref_slice %arg4[%add3A_132] : memref<262144xf32, #tpu.memory_space<hbm>> -> memref<1024xf32, #tpu.memory_space<hbm>>
      %dma_start3A_170 = tpu.memref_slice %arg4[%add3A_132] : memref<262144xf32, #tpu.memory_space<hbm>> -> memref<1024xf32, #tpu.memory_space<hbm>>
      %dma_start3A_171 = arith.constant 0 : i32
      %dma_start3A_172 = tpu.memref_slice %arg12[%dma_start3A_171] : memref<6144xf32, #tpu.memory_space<vmem>> -> memref<1024xf32, #tpu.memory_space<vmem>>
      tpu.enqueue_dma source(%dma_start3A_172 : memref<1024xf32, #tpu.memory_space<vmem>>) target(%dma_start3A_170 : memref<1024xf32, #tpu.memory_space<hbm>>) target_semaphore(%run_scoped3A : memref<!tpu.dma_semaphore, #tpu.memory_space<semaphore_mem>>)
      %dma_wait3A = arith.constant 0 : i32
      %dma_wait3A_173 = tpu.memref_slice %arg12[%dma_wait3A] : memref<6144xf32, #tpu.memory_space<vmem>> -> memref<1024xf32, #tpu.memory_space<vmem>>
      %dma_wait3A_174 = tpu.memref_slice %arg4[%add3A_132] : memref<262144xf32, #tpu.memory_space<hbm>> -> memref<1024xf32, #tpu.memory_space<hbm>>
      %dma_wait3A_175 = tpu.memref_slice %arg4[%add3A_132] : memref<262144xf32, #tpu.memory_space<hbm>> -> memref<1024xf32, #tpu.memory_space<hbm>>
      %dma_wait3A_176 = arith.constant 0 : i32
      %dma_wait3A_177 = tpu.memref_slice %arg12[%dma_wait3A_176] : memref<6144xf32, #tpu.memory_space<vmem>> -> memref<1024xf32, #tpu.memory_space<vmem>>
      tpu.wait_dma2 semaphore(%run_scoped3A : memref<!tpu.dma_semaphore, #tpu.memory_space<semaphore_mem>>) src(%dma_wait3A_177 : memref<1024xf32, #tpu.memory_space<vmem>>) dst(%dma_wait3A_175 : memref<1024xf32, #tpu.memory_space<hbm>>)
      tpu.yield
    }) : () -> ()
    %mul3A_133 = arith.constant 8 : i32
    %mul3A_134 = arith.muli %select_n3A, %mul3A_133 : i32
    %mul3A_135 = arith.constant 2048 : i32
    %mul3A_136 = arith.muli %mul3A_134, %mul3A_135 : i32
    %add3A_137 = arith.constant 2048 : i32
    %add3A_138 = arith.addi %mul3A_136, %add3A_137 : i32
    %add3A_139 = arith.addi %add3A_138, %mul3A_32 : i32
    "tpu.region"() ({
      %run_scoped3A = tpu.sem_alloc : memref<!tpu.dma_semaphore, #tpu.memory_space<semaphore_mem>>
      %dma_start3A = arith.constant 1024 : i32
      %dma_start3A_168 = tpu.memref_slice %arg12[%dma_start3A] : memref<6144xf32, #tpu.memory_space<vmem>> -> memref<1024xf32, #tpu.memory_space<vmem>>
      %dma_start3A_169 = tpu.memref_slice %arg4[%add3A_139] : memref<262144xf32, #tpu.memory_space<hbm>> -> memref<1024xf32, #tpu.memory_space<hbm>>
      %dma_start3A_170 = tpu.memref_slice %arg4[%add3A_139] : memref<262144xf32, #tpu.memory_space<hbm>> -> memref<1024xf32, #tpu.memory_space<hbm>>
      %dma_start3A_171 = arith.constant 1024 : i32
      %dma_start3A_172 = tpu.memref_slice %arg12[%dma_start3A_171] : memref<6144xf32, #tpu.memory_space<vmem>> -> memref<1024xf32, #tpu.memory_space<vmem>>
      tpu.enqueue_dma source(%dma_start3A_172 : memref<1024xf32, #tpu.memory_space<vmem>>) target(%dma_start3A_170 : memref<1024xf32, #tpu.memory_space<hbm>>) target_semaphore(%run_scoped3A : memref<!tpu.dma_semaphore, #tpu.memory_space<semaphore_mem>>)
      %dma_wait3A = arith.constant 1024 : i32
      %dma_wait3A_173 = tpu.memref_slice %arg12[%dma_wait3A] : memref<6144xf32, #tpu.memory_space<vmem>> -> memref<1024xf32, #tpu.memory_space<vmem>>
      %dma_wait3A_174 = tpu.memref_slice %arg4[%add3A_139] : memref<262144xf32, #tpu.memory_space<hbm>> -> memref<1024xf32, #tpu.memory_space<hbm>>
      %dma_wait3A_175 = tpu.memref_slice %arg4[%add3A_139] : memref<262144xf32, #tpu.memory_space<hbm>> -> memref<1024xf32, #tpu.memory_space<hbm>>
      %dma_wait3A_176 = arith.constant 1024 : i32
      %dma_wait3A_177 = tpu.memref_slice %arg12[%dma_wait3A_176] : memref<6144xf32, #tpu.memory_space<vmem>> -> memref<1024xf32, #tpu.memory_space<vmem>>
      tpu.wait_dma2 semaphore(%run_scoped3A : memref<!tpu.dma_semaphore, #tpu.memory_space<semaphore_mem>>) src(%dma_wait3A_177 : memref<1024xf32, #tpu.memory_space<vmem>>) dst(%dma_wait3A_175 : memref<1024xf32, #tpu.memory_space<hbm>>)
      tpu.yield
    }) : () -> ()
    %mul3A_140 = arith.constant 8 : i32
    %mul3A_141 = arith.muli %select_n3A, %mul3A_140 : i32
    %mul3A_142 = arith.constant 2048 : i32
    %mul3A_143 = arith.muli %mul3A_141, %mul3A_142 : i32
    %add3A_144 = arith.constant 4096 : i32
    %add3A_145 = arith.addi %mul3A_143, %add3A_144 : i32
    %add3A_146 = arith.addi %add3A_145, %mul3A_32 : i32
    "tpu.region"() ({
      %run_scoped3A = tpu.sem_alloc : memref<!tpu.dma_semaphore, #tpu.memory_space<semaphore_mem>>
      %dma_start3A = arith.constant 2048 : i32
      %dma_start3A_168 = tpu.memref_slice %arg12[%dma_start3A] : memref<6144xf32, #tpu.memory_space<vmem>> -> memref<1024xf32, #tpu.memory_space<vmem>>
      %dma_start3A_169 = tpu.memref_slice %arg4[%add3A_146] : memref<262144xf32, #tpu.memory_space<hbm>> -> memref<1024xf32, #tpu.memory_space<hbm>>
      %dma_start3A_170 = tpu.memref_slice %arg4[%add3A_146] : memref<262144xf32, #tpu.memory_space<hbm>> -> memref<1024xf32, #tpu.memory_space<hbm>>
      %dma_start3A_171 = arith.constant 2048 : i32
      %dma_start3A_172 = tpu.memref_slice %arg12[%dma_start3A_171] : memref<6144xf32, #tpu.memory_space<vmem>> -> memref<1024xf32, #tpu.memory_space<vmem>>
      tpu.enqueue_dma source(%dma_start3A_172 : memref<1024xf32, #tpu.memory_space<vmem>>) target(%dma_start3A_170 : memref<1024xf32, #tpu.memory_space<hbm>>) target_semaphore(%run_scoped3A : memref<!tpu.dma_semaphore, #tpu.memory_space<semaphore_mem>>)
      %dma_wait3A = arith.constant 2048 : i32
      %dma_wait3A_173 = tpu.memref_slice %arg12[%dma_wait3A] : memref<6144xf32, #tpu.memory_space<vmem>> -> memref<1024xf32, #tpu.memory_space<vmem>>
      %dma_wait3A_174 = tpu.memref_slice %arg4[%add3A_146] : memref<262144xf32, #tpu.memory_space<hbm>> -> memref<1024xf32, #tpu.memory_space<hbm>>
      %dma_wait3A_175 = tpu.memref_slice %arg4[%add3A_146] : memref<262144xf32, #tpu.memory_space<hbm>> -> memref<1024xf32, #tpu.memory_space<hbm>>
      %dma_wait3A_176 = arith.constant 2048 : i32
      %dma_wait3A_177 = tpu.memref_slice %arg12[%dma_wait3A_176] : memref<6144xf32, #tpu.memory_space<vmem>> -> memref<1024xf32, #tpu.memory_space<vmem>>
      tpu.wait_dma2 semaphore(%run_scoped3A : memref<!tpu.dma_semaphore, #tpu.memory_space<semaphore_mem>>) src(%dma_wait3A_177 : memref<1024xf32, #tpu.memory_space<vmem>>) dst(%dma_wait3A_175 : memref<1024xf32, #tpu.memory_space<hbm>>)
      tpu.yield
    }) : () -> ()
    %mul3A_147 = arith.constant 8 : i32
    %mul3A_148 = arith.muli %select_n3A, %mul3A_147 : i32
    %mul3A_149 = arith.constant 2048 : i32
    %mul3A_150 = arith.muli %mul3A_148, %mul3A_149 : i32
    %add3A_151 = arith.constant 6144 : i32
    %add3A_152 = arith.addi %mul3A_150, %add3A_151 : i32
    %add3A_153 = arith.addi %add3A_152, %mul3A_32 : i32
    "tpu.region"() ({
      %run_scoped3A = tpu.sem_alloc : memref<!tpu.dma_semaphore, #tpu.memory_space<semaphore_mem>>
      %dma_start3A = arith.constant 3072 : i32
      %dma_start3A_168 = tpu.memref_slice %arg12[%dma_start3A] : memref<6144xf32, #tpu.memory_space<vmem>> -> memref<1024xf32, #tpu.memory_space<vmem>>
      %dma_start3A_169 = tpu.memref_slice %arg4[%add3A_153] : memref<262144xf32, #tpu.memory_space<hbm>> -> memref<1024xf32, #tpu.memory_space<hbm>>
      %dma_start3A_170 = tpu.memref_slice %arg4[%add3A_153] : memref<262144xf32, #tpu.memory_space<hbm>> -> memref<1024xf32, #tpu.memory_space<hbm>>
      %dma_start3A_171 = arith.constant 3072 : i32
      %dma_start3A_172 = tpu.memref_slice %arg12[%dma_start3A_171] : memref<6144xf32, #tpu.memory_space<vmem>> -> memref<1024xf32, #tpu.memory_space<vmem>>
      tpu.enqueue_dma source(%dma_start3A_172 : memref<1024xf32, #tpu.memory_space<vmem>>) target(%dma_start3A_170 : memref<1024xf32, #tpu.memory_space<hbm>>) target_semaphore(%run_scoped3A : memref<!tpu.dma_semaphore, #tpu.memory_space<semaphore_mem>>)
      %dma_wait3A = arith.constant 3072 : i32
      %dma_wait3A_173 = tpu.memref_slice %arg12[%dma_wait3A] : memref<6144xf32, #tpu.memory_space<vmem>> -> memref<1024xf32, #tpu.memory_space<vmem>>
      %dma_wait3A_174 = tpu.memref_slice %arg4[%add3A_153] : memref<262144xf32, #tpu.memory_space<hbm>> -> memref<1024xf32, #tpu.memory_space<hbm>>
      %dma_wait3A_175 = tpu.memref_slice %arg4[%add3A_153] : memref<262144xf32, #tpu.memory_space<hbm>> -> memref<1024xf32, #tpu.memory_space<hbm>>
      %dma_wait3A_176 = arith.constant 3072 : i32
      %dma_wait3A_177 = tpu.memref_slice %arg12[%dma_wait3A_176] : memref<6144xf32, #tpu.memory_space<vmem>> -> memref<1024xf32, #tpu.memory_space<vmem>>
      tpu.wait_dma2 semaphore(%run_scoped3A : memref<!tpu.dma_semaphore, #tpu.memory_space<semaphore_mem>>) src(%dma_wait3A_177 : memref<1024xf32, #tpu.memory_space<vmem>>) dst(%dma_wait3A_175 : memref<1024xf32, #tpu.memory_space<hbm>>)
      tpu.yield
    }) : () -> ()
    %mul3A_154 = arith.constant 8 : i32
    %mul3A_155 = arith.muli %select_n3A, %mul3A_154 : i32
    %mul3A_156 = arith.constant 2048 : i32
    %mul3A_157 = arith.muli %mul3A_155, %mul3A_156 : i32
    %add3A_158 = arith.constant 8192 : i32
    %add3A_159 = arith.addi %mul3A_157, %add3A_158 : i32
    %add3A_160 = arith.addi %add3A_159, %mul3A_32 : i32
    "tpu.region"() ({
      %run_scoped3A = tpu.sem_alloc : memref<!tpu.dma_semaphore, #tpu.memory_space<semaphore_mem>>
      %dma_start3A = arith.constant 4096 : i32
      %dma_start3A_168 = tpu.memref_slice %arg12[%dma_start3A] : memref<6144xf32, #tpu.memory_space<vmem>> -> memref<1024xf32, #tpu.memory_space<vmem>>
      %dma_start3A_169 = tpu.memref_slice %arg4[%add3A_160] : memref<262144xf32, #tpu.memory_space<hbm>> -> memref<1024xf32, #tpu.memory_space<hbm>>
      %dma_start3A_170 = tpu.memref_slice %arg4[%add3A_160] : memref<262144xf32, #tpu.memory_space<hbm>> -> memref<1024xf32, #tpu.memory_space<hbm>>
      %dma_start3A_171 = arith.constant 4096 : i32
      %dma_start3A_172 = tpu.memref_slice %arg12[%dma_start3A_171] : memref<6144xf32, #tpu.memory_space<vmem>> -> memref<1024xf32, #tpu.memory_space<vmem>>
      tpu.enqueue_dma source(%dma_start3A_172 : memref<1024xf32, #tpu.memory_space<vmem>>) target(%dma_start3A_170 : memref<1024xf32, #tpu.memory_space<hbm>>) target_semaphore(%run_scoped3A : memref<!tpu.dma_semaphore, #tpu.memory_space<semaphore_mem>>)
      %dma_wait3A = arith.constant 4096 : i32
      %dma_wait3A_173 = tpu.memref_slice %arg12[%dma_wait3A] : memref<6144xf32, #tpu.memory_space<vmem>> -> memref<1024xf32, #tpu.memory_space<vmem>>
      %dma_wait3A_174 = tpu.memref_slice %arg4[%add3A_160] : memref<262144xf32, #tpu.memory_space<hbm>> -> memref<1024xf32, #tpu.memory_space<hbm>>
      %dma_wait3A_175 = tpu.memref_slice %arg4[%add3A_160] : memref<262144xf32, #tpu.memory_space<hbm>> -> memref<1024xf32, #tpu.memory_space<hbm>>
      %dma_wait3A_176 = arith.constant 4096 : i32
      %dma_wait3A_177 = tpu.memref_slice %arg12[%dma_wait3A_176] : memref<6144xf32, #tpu.memory_space<vmem>> -> memref<1024xf32, #tpu.memory_space<vmem>>
      tpu.wait_dma2 semaphore(%run_scoped3A : memref<!tpu.dma_semaphore, #tpu.memory_space<semaphore_mem>>) src(%dma_wait3A_177 : memref<1024xf32, #tpu.memory_space<vmem>>) dst(%dma_wait3A_175 : memref<1024xf32, #tpu.memory_space<hbm>>)
      tpu.yield
    }) : () -> ()
    %mul3A_161 = arith.constant 8 : i32
    %mul3A_162 = arith.muli %select_n3A, %mul3A_161 : i32
    %mul3A_163 = arith.constant 2048 : i32
    %mul3A_164 = arith.muli %mul3A_162, %mul3A_163 : i32
    %add3A_165 = arith.constant 10240 : i32
    %add3A_166 = arith.addi %mul3A_164, %add3A_165 : i32
    %add3A_167 = arith.addi %add3A_166, %mul3A_32 : i32
    "tpu.region"() ({
      %run_scoped3A = tpu.sem_alloc : memref<!tpu.dma_semaphore, #tpu.memory_space<semaphore_mem>>
      %dma_start3A = arith.constant 5120 : i32
      %dma_start3A_168 = tpu.memref_slice %arg12[%dma_start3A] : memref<6144xf32, #tpu.memory_space<vmem>> -> memref<1024xf32, #tpu.memory_space<vmem>>
      %dma_start3A_169 = tpu.memref_slice %arg4[%add3A_167] : memref<262144xf32, #tpu.memory_space<hbm>> -> memref<1024xf32, #tpu.memory_space<hbm>>
      %dma_start3A_170 = tpu.memref_slice %arg4[%add3A_167] : memref<262144xf32, #tpu.memory_space<hbm>> -> memref<1024xf32, #tpu.memory_space<hbm>>
      %dma_start3A_171 = arith.constant 5120 : i32
      %dma_start3A_172 = tpu.memref_slice %arg12[%dma_start3A_171] : memref<6144xf32, #tpu.memory_space<vmem>> -> memref<1024xf32, #tpu.memory_space<vmem>>
      tpu.enqueue_dma source(%dma_start3A_172 : memref<1024xf32, #tpu.memory_space<vmem>>) target(%dma_start3A_170 : memref<1024xf32, #tpu.memory_space<hbm>>) target_semaphore(%run_scoped3A : memref<!tpu.dma_semaphore, #tpu.memory_space<semaphore_mem>>)
      %dma_wait3A = arith.constant 5120 : i32
      %dma_wait3A_173 = tpu.memref_slice %arg12[%dma_wait3A] : memref<6144xf32, #tpu.memory_space<vmem>> -> memref<1024xf32, #tpu.memory_space<vmem>>
      %dma_wait3A_174 = tpu.memref_slice %arg4[%add3A_167] : memref<262144xf32, #tpu.memory_space<hbm>> -> memref<1024xf32, #tpu.memory_space<hbm>>
      %dma_wait3A_175 = tpu.memref_slice %arg4[%add3A_167] : memref<262144xf32, #tpu.memory_space<hbm>> -> memref<1024xf32, #tpu.memory_space<hbm>>
      %dma_wait3A_176 = arith.constant 5120 : i32
      %dma_wait3A_177 = tpu.memref_slice %arg12[%dma_wait3A_176] : memref<6144xf32, #tpu.memory_space<vmem>> -> memref<1024xf32, #tpu.memory_space<vmem>>
      tpu.wait_dma2 semaphore(%run_scoped3A : memref<!tpu.dma_semaphore, #tpu.memory_space<semaphore_mem>>) src(%dma_wait3A_177 : memref<1024xf32, #tpu.memory_space<vmem>>) dst(%dma_wait3A_175 : memref<1024xf32, #tpu.memory_space<hbm>>)
      tpu.yield
    }) : () -> ()
    return
  }
}

module attributes {stable_mosaic.version = 14 : i64} {
  func.func @_idx_body(%arg0: i32, %arg1: i32, %arg2: memref<1x3x2048xf32, #tpu.memory_space<vmem>>, %arg3: memref<1x16x1024xi32, #tpu.memory_space<vmem>>) attributes {dimension_semantics = [#tpu.dimension_semantics<arbitrary>, #tpu.dimension_semantics<arbitrary>], iteration_bounds = array<i64: 16, 2>, scalar_prefetch = 0 : i64, scratch_operands = 0 : i64, tpu.core_type = #tpu.core_type<tc>, window_params = [{transform_indices = @transform_0, window_bounds = array<i64: 1, 3, 2048>}, {transform_indices = @transform_1, window_bounds = array<i64: 1, 16, 1024>}]} {
    %get3A = arith.constant 0 : index
    %get3A_0 = arith.constant 0 : index
    %get3A_1 = arith.constant 0 : index
    %get3A_2 = vector.load %arg2[%get3A, %get3A_0, %get3A_1] : memref<1x3x2048xf32, #tpu.memory_space<vmem>>, vector<1x3x2048xf32>
    %get3A_3 = vector.shape_cast %get3A_2 : vector<1x3x2048xf32> to vector<3x2048xf32>
    %slice3A = vector.extract_strided_slice %get3A_3 {offsets = [0, 0], sizes = [1, 2048], strides = [1, 1]} : vector<3x2048xf32> to vector<1x2048xf32>
    %slice3A_4 = vector.extract_strided_slice %get3A_3 {offsets = [1, 0], sizes = [1, 2048], strides = [1, 1]} : vector<3x2048xf32> to vector<1x2048xf32>
    %slice3A_5 = vector.extract_strided_slice %get3A_3 {offsets = [2, 0], sizes = [1, 2048], strides = [1, 1]} : vector<3x2048xf32> to vector<1x2048xf32>
    %mul3A = arith.mulf %slice3A, %slice3A : vector<1x2048xf32>
    %mul3A_6 = arith.mulf %slice3A_4, %slice3A_4 : vector<1x2048xf32>
    %add3A = arith.addf %mul3A, %mul3A_6 : vector<1x2048xf32>
    %mul3A_7 = arith.mulf %slice3A_5, %slice3A_5 : vector<1x2048xf32>
    %add3A_8 = arith.addf %add3A, %mul3A_7 : vector<1x2048xf32>
    %mul3A_9 = arith.constant 1024 : i32
    %mul3A_10 = arith.muli %arg1, %mul3A_9 : i32
    %get3A_11 = arith.constant 0 : index
    %get3A_12 = arith.constant 0 : index
    %get3A_13 = arith.index_cast %mul3A_10 : i32 to index
    %get3A_14 = vector.load %arg2[%get3A_11, %get3A_12, %get3A_13] : memref<1x3x2048xf32, #tpu.memory_space<vmem>>, vector<1x3x1024xf32>
    %get3A_15 = vector.shape_cast %get3A_14 : vector<1x3x1024xf32> to vector<3x1024xf32>
    %slice3A_16 = vector.extract_strided_slice %get3A_15 {offsets = [0, 0], sizes = [1, 1024], strides = [1, 1]} : vector<3x1024xf32> to vector<1x1024xf32>
    %slice3A_17 = vector.extract_strided_slice %get3A_15 {offsets = [1, 0], sizes = [1, 1024], strides = [1, 1]} : vector<3x1024xf32> to vector<1x1024xf32>
    %slice3A_18 = vector.extract_strided_slice %get3A_15 {offsets = [2, 0], sizes = [1, 1024], strides = [1, 1]} : vector<3x1024xf32> to vector<1x1024xf32>
    %mul3A_19 = arith.mulf %slice3A_16, %slice3A_16 : vector<1x1024xf32>
    %mul3A_20 = arith.mulf %slice3A_17, %slice3A_17 : vector<1x1024xf32>
    %add3A_21 = arith.addf %mul3A_19, %mul3A_20 : vector<1x1024xf32>
    %mul3A_22 = arith.mulf %slice3A_18, %slice3A_18 : vector<1x1024xf32>
    %add3A_23 = arith.addf %add3A_21, %mul3A_22 : vector<1x1024xf32>
    %dot_general3A = arith.constant dense<0.000000e+00> : vector<2048x1024xf32>
    %dot_general3A_24 = tpu.matmul %get3A_3, %get3A_15, %dot_general3A {dimension_numbers = #tpu.dot_dimension_numbers<[0], [0], [1], [1], [0, 1, 1, 1], [], []>, transpose_lhs_hint = false} : vector<3x2048xf32>, vector<3x1024xf32>, vector<2048x1024xf32> -> vector<2048x1024xf32>
    %transpose3A = tpu.transpose %add3A_8, [1, 0] : vector<1x2048xf32> -> vector<2048x1xf32>
    %add3A_25 = vector.broadcast %transpose3A : vector<2048x1xf32> to vector<2048x1024xf32>
    %add3A_26 = vector.broadcast %add3A_23 : vector<1x1024xf32> to vector<2048x1024xf32>
    %add3A_27 = arith.addf %add3A_25, %add3A_26 : vector<2048x1024xf32>
    %mul3A_28 = arith.constant 2.000000e+00 : f32
    %mul3A_29 = vector.broadcast %mul3A_28 : f32 to vector<2048x1024xf32>
    %mul3A_30 = arith.mulf %mul3A_29, %dot_general3A_24 : vector<2048x1024xf32>
    %sub3A = arith.subf %add3A_27, %mul3A_30 : vector<2048x1024xf32>
    %iota3A = tpu.iota {dimensions = array<i32: 0>} : vector<2048x1xi32>
    %argmin3A = tpu.reduce_index %sub3A {axis = 0 : i32, kind = #tpu.reduction_kind<arg_min>} : vector<2048x1024xf32> -> vector<1024xi32>
    %broadcast_in_dim3A = vector.shape_cast %argmin3A : vector<1024xi32> to vector<1x1024xi32>
    %convert_element_type3A = arith.sitofp %broadcast_in_dim3A : vector<1x1024xi32> to vector<1x1024xf32>
    %eq3A = vector.broadcast %iota3A : vector<2048x1xi32> to vector<2048x1024xi32>
    %eq3A_31 = vector.broadcast %broadcast_in_dim3A : vector<1x1024xi32> to vector<2048x1024xi32>
    %eq3A_32 = arith.cmpi eq, %eq3A, %eq3A_31 : vector<2048x1024xi32>
    %jit3A = arith.constant 0x7F800000 : f32
    %broadcast_in_dim3A_33 = vector.broadcast %jit3A : f32 to vector<2048x1024xf32>
    %select_n3A = arith.select %eq3A_32, %broadcast_in_dim3A_33, %sub3A : vector<2048x1024xi1>, vector<2048x1024xf32>
    %argmin3A_34 = tpu.reduce_index %select_n3A {axis = 0 : i32, kind = #tpu.reduction_kind<arg_min>} : vector<2048x1024xf32> -> vector<1024xi32>
    %broadcast_in_dim3A_35 = vector.shape_cast %argmin3A_34 : vector<1024xi32> to vector<1x1024xi32>
    %convert_element_type3A_36 = arith.sitofp %broadcast_in_dim3A_35 : vector<1x1024xi32> to vector<1x1024xf32>
    %eq3A_37 = vector.broadcast %iota3A : vector<2048x1xi32> to vector<2048x1024xi32>
    %eq3A_38 = vector.broadcast %broadcast_in_dim3A_35 : vector<1x1024xi32> to vector<2048x1024xi32>
    %eq3A_39 = arith.cmpi eq, %eq3A_37, %eq3A_38 : vector<2048x1024xi32>
    %jit3A_40 = arith.constant 0x7F800000 : f32
    %broadcast_in_dim3A_41 = vector.broadcast %jit3A_40 : f32 to vector<2048x1024xf32>
    %select_n3A_42 = arith.select %eq3A_39, %broadcast_in_dim3A_41, %select_n3A : vector<2048x1024xi1>, vector<2048x1024xf32>
    %argmin3A_43 = tpu.reduce_index %select_n3A_42 {axis = 0 : i32, kind = #tpu.reduction_kind<arg_min>} : vector<2048x1024xf32> -> vector<1024xi32>
    %broadcast_in_dim3A_44 = vector.shape_cast %argmin3A_43 : vector<1024xi32> to vector<1x1024xi32>
    %convert_element_type3A_45 = arith.sitofp %broadcast_in_dim3A_44 : vector<1x1024xi32> to vector<1x1024xf32>
    %eq3A_46 = vector.broadcast %iota3A : vector<2048x1xi32> to vector<2048x1024xi32>
    %eq3A_47 = vector.broadcast %broadcast_in_dim3A_44 : vector<1x1024xi32> to vector<2048x1024xi32>
    %eq3A_48 = arith.cmpi eq, %eq3A_46, %eq3A_47 : vector<2048x1024xi32>
    %jit3A_49 = arith.constant 0x7F800000 : f32
    %broadcast_in_dim3A_50 = vector.broadcast %jit3A_49 : f32 to vector<2048x1024xf32>
    %select_n3A_51 = arith.select %eq3A_48, %broadcast_in_dim3A_50, %select_n3A_42 : vector<2048x1024xi1>, vector<2048x1024xf32>
    %argmin3A_52 = tpu.reduce_index %select_n3A_51 {axis = 0 : i32, kind = #tpu.reduction_kind<arg_min>} : vector<2048x1024xf32> -> vector<1024xi32>
    %broadcast_in_dim3A_53 = vector.shape_cast %argmin3A_52 : vector<1024xi32> to vector<1x1024xi32>
    %convert_element_type3A_54 = arith.sitofp %broadcast_in_dim3A_53 : vector<1x1024xi32> to vector<1x1024xf32>
    %eq3A_55 = vector.broadcast %iota3A : vector<2048x1xi32> to vector<2048x1024xi32>
    %eq3A_56 = vector.broadcast %broadcast_in_dim3A_53 : vector<1x1024xi32> to vector<2048x1024xi32>
    %eq3A_57 = arith.cmpi eq, %eq3A_55, %eq3A_56 : vector<2048x1024xi32>
    %jit3A_58 = arith.constant 0x7F800000 : f32
    %broadcast_in_dim3A_59 = vector.broadcast %jit3A_58 : f32 to vector<2048x1024xf32>
    %select_n3A_60 = arith.select %eq3A_57, %broadcast_in_dim3A_59, %select_n3A_51 : vector<2048x1024xi1>, vector<2048x1024xf32>
    %argmin3A_61 = tpu.reduce_index %select_n3A_60 {axis = 0 : i32, kind = #tpu.reduction_kind<arg_min>} : vector<2048x1024xf32> -> vector<1024xi32>
    %broadcast_in_dim3A_62 = vector.shape_cast %argmin3A_61 : vector<1024xi32> to vector<1x1024xi32>
    %convert_element_type3A_63 = arith.sitofp %broadcast_in_dim3A_62 : vector<1x1024xi32> to vector<1x1024xf32>
    %eq3A_64 = vector.broadcast %iota3A : vector<2048x1xi32> to vector<2048x1024xi32>
    %eq3A_65 = vector.broadcast %broadcast_in_dim3A_62 : vector<1x1024xi32> to vector<2048x1024xi32>
    %eq3A_66 = arith.cmpi eq, %eq3A_64, %eq3A_65 : vector<2048x1024xi32>
    %jit3A_67 = arith.constant 0x7F800000 : f32
    %broadcast_in_dim3A_68 = vector.broadcast %jit3A_67 : f32 to vector<2048x1024xf32>
    %select_n3A_69 = arith.select %eq3A_66, %broadcast_in_dim3A_68, %select_n3A_60 : vector<2048x1024xi1>, vector<2048x1024xf32>
    %argmin3A_70 = tpu.reduce_index %select_n3A_69 {axis = 0 : i32, kind = #tpu.reduction_kind<arg_min>} : vector<2048x1024xf32> -> vector<1024xi32>
    %broadcast_in_dim3A_71 = vector.shape_cast %argmin3A_70 : vector<1024xi32> to vector<1x1024xi32>
    %convert_element_type3A_72 = arith.sitofp %broadcast_in_dim3A_71 : vector<1x1024xi32> to vector<1x1024xf32>
    %eq3A_73 = vector.broadcast %iota3A : vector<2048x1xi32> to vector<2048x1024xi32>
    %eq3A_74 = vector.broadcast %broadcast_in_dim3A_71 : vector<1x1024xi32> to vector<2048x1024xi32>
    %eq3A_75 = arith.cmpi eq, %eq3A_73, %eq3A_74 : vector<2048x1024xi32>
    %jit3A_76 = arith.constant 0x7F800000 : f32
    %broadcast_in_dim3A_77 = vector.broadcast %jit3A_76 : f32 to vector<2048x1024xf32>
    %select_n3A_78 = arith.select %eq3A_75, %broadcast_in_dim3A_77, %select_n3A_69 : vector<2048x1024xi1>, vector<2048x1024xf32>
    %argmin3A_79 = tpu.reduce_index %select_n3A_78 {axis = 0 : i32, kind = #tpu.reduction_kind<arg_min>} : vector<2048x1024xf32> -> vector<1024xi32>
    %broadcast_in_dim3A_80 = vector.shape_cast %argmin3A_79 : vector<1024xi32> to vector<1x1024xi32>
    %convert_element_type3A_81 = arith.sitofp %broadcast_in_dim3A_80 : vector<1x1024xi32> to vector<1x1024xf32>
    %eq3A_82 = vector.broadcast %iota3A : vector<2048x1xi32> to vector<2048x1024xi32>
    %eq3A_83 = vector.broadcast %broadcast_in_dim3A_80 : vector<1x1024xi32> to vector<2048x1024xi32>
    %eq3A_84 = arith.cmpi eq, %eq3A_82, %eq3A_83 : vector<2048x1024xi32>
    %jit3A_85 = arith.constant 0x7F800000 : f32
    %broadcast_in_dim3A_86 = vector.broadcast %jit3A_85 : f32 to vector<2048x1024xf32>
    %select_n3A_87 = arith.select %eq3A_84, %broadcast_in_dim3A_86, %select_n3A_78 : vector<2048x1024xi1>, vector<2048x1024xf32>
    %argmin3A_88 = tpu.reduce_index %select_n3A_87 {axis = 0 : i32, kind = #tpu.reduction_kind<arg_min>} : vector<2048x1024xf32> -> vector<1024xi32>
    %broadcast_in_dim3A_89 = vector.shape_cast %argmin3A_88 : vector<1024xi32> to vector<1x1024xi32>
    %convert_element_type3A_90 = arith.sitofp %broadcast_in_dim3A_89 : vector<1x1024xi32> to vector<1x1024xf32>
    %eq3A_91 = vector.broadcast %iota3A : vector<2048x1xi32> to vector<2048x1024xi32>
    %eq3A_92 = vector.broadcast %broadcast_in_dim3A_89 : vector<1x1024xi32> to vector<2048x1024xi32>
    %eq3A_93 = arith.cmpi eq, %eq3A_91, %eq3A_92 : vector<2048x1024xi32>
    %jit3A_94 = arith.constant 0x7F800000 : f32
    %broadcast_in_dim3A_95 = vector.broadcast %jit3A_94 : f32 to vector<2048x1024xf32>
    %select_n3A_96 = arith.select %eq3A_93, %broadcast_in_dim3A_95, %select_n3A_87 : vector<2048x1024xi1>, vector<2048x1024xf32>
    %argmin3A_97 = tpu.reduce_index %select_n3A_96 {axis = 0 : i32, kind = #tpu.reduction_kind<arg_min>} : vector<2048x1024xf32> -> vector<1024xi32>
    %broadcast_in_dim3A_98 = vector.shape_cast %argmin3A_97 : vector<1024xi32> to vector<1x1024xi32>
    %convert_element_type3A_99 = arith.sitofp %broadcast_in_dim3A_98 : vector<1x1024xi32> to vector<1x1024xf32>
    %eq3A_100 = vector.broadcast %iota3A : vector<2048x1xi32> to vector<2048x1024xi32>
    %eq3A_101 = vector.broadcast %broadcast_in_dim3A_98 : vector<1x1024xi32> to vector<2048x1024xi32>
    %eq3A_102 = arith.cmpi eq, %eq3A_100, %eq3A_101 : vector<2048x1024xi32>
    %jit3A_103 = arith.constant 0x7F800000 : f32
    %broadcast_in_dim3A_104 = vector.broadcast %jit3A_103 : f32 to vector<2048x1024xf32>
    %select_n3A_105 = arith.select %eq3A_102, %broadcast_in_dim3A_104, %select_n3A_96 : vector<2048x1024xi1>, vector<2048x1024xf32>
    %argmin3A_106 = tpu.reduce_index %select_n3A_105 {axis = 0 : i32, kind = #tpu.reduction_kind<arg_min>} : vector<2048x1024xf32> -> vector<1024xi32>
    %broadcast_in_dim3A_107 = vector.shape_cast %argmin3A_106 : vector<1024xi32> to vector<1x1024xi32>
    %convert_element_type3A_108 = arith.sitofp %broadcast_in_dim3A_107 : vector<1x1024xi32> to vector<1x1024xf32>
    %concatenate3A = tpu.concatenate %convert_element_type3A, %convert_element_type3A_36, %convert_element_type3A_45, %convert_element_type3A_54, %convert_element_type3A_63, %convert_element_type3A_72, %convert_element_type3A_81, %convert_element_type3A_90, %convert_element_type3A_99, %convert_element_type3A_108, %convert_element_type3A_108, %convert_element_type3A_108, %convert_element_type3A_108, %convert_element_type3A_108, %convert_element_type3A_108, %convert_element_type3A_108 in 0 : vector<1x1024xf32>, vector<1x1024xf32>, vector<1x1024xf32>, vector<1x1024xf32>, vector<1x1024xf32>, vector<1x1024xf32>, vector<1x1024xf32>, vector<1x1024xf32>, vector<1x1024xf32>, vector<1x1024xf32>, vector<1x1024xf32>, vector<1x1024xf32>, vector<1x1024xf32>, vector<1x1024xf32>, vector<1x1024xf32>, vector<1x1024xf32> -> vector<16x1024xf32>
    %convert_element_type3A_109 = arith.fptosi %concatenate3A : vector<16x1024xf32> to vector<16x1024xi32>
    %swap3A = arith.constant 0 : index
    %swap3A_110 = arith.constant 0 : index
    %swap3A_111 = arith.constant 0 : index
    %swap3A_112 = vector.load %arg3[%swap3A, %swap3A_110, %swap3A_111] : memref<1x16x1024xi32, #tpu.memory_space<vmem>>, vector<1x16x1024xi32>
    %swap3A_113 = vector.shape_cast %swap3A_112 : vector<1x16x1024xi32> to vector<16x1024xi32>
    %swap3A_114 = vector.shape_cast %convert_element_type3A_109 : vector<16x1024xi32> to vector<1x16x1024xi32>
    tpu.vector_store %arg3[%swap3A, %swap3A_110, %swap3A_111], %swap3A_114 {strides = array<i32>} : memref<1x16x1024xi32, #tpu.memory_space<vmem>>, vector<1x16x1024xi32>,
    return
  }
  func.func @transform_0(%arg0: i32, %arg1: i32) -> (i32, i32, i32) {
    %c0_i32 = arith.constant 0 : i32
    %c0_i32_0 = arith.constant 0 : i32
    %c0_i32_1 = arith.constant 0 : i32
    return %arg0, %c0_i32, %c0_i32_0 : i32, i32, i32
  }
  func.func @transform_1(%arg0: i32, %arg1: i32) -> (i32, i32, i32) {
    %c0_i32 = arith.constant 0 : i32
    %c0_i32_0 = arith.constant 0 : i32
    return %arg0, %c0_i32, %arg1 : i32, i32, i32
  }
}

module attributes {stable_mosaic.version = 14 : i64} {
  func.func @_loss_body(%arg0: i32, %arg1: memref<1x8x2048xf32, #tpu.memory_space<vmem>>, %arg2: memref<1x8x2048xf32, #tpu.memory_space<vmem>>, %arg3: memref<1x1xf32, #tpu.memory_space<vmem>>) attributes {dimension_semantics = [#tpu.dimension_semantics<arbitrary>], iteration_bounds = array<i64: 8>, scalar_prefetch = 0 : i64, scratch_operands = 0 : i64, tpu.core_type = #tpu.core_type<tc>, window_params = [{transform_indices = @transform_0, window_bounds = array<i64: 1, 8, 2048>}, {transform_indices = @transform_1, window_bounds = array<i64: 1, 8, 2048>}, {pipeline_mode = #tpu.pipeline_mode<synchronous>, transform_indices = @transform_2, window_bounds = array<i64: 1, 1>}]} {
    %get3A = arith.constant 0 : index
    %get3A_0 = arith.constant 0 : index
    %get3A_1 = arith.constant 0 : index
    %get3A_2 = vector.load %arg1[%get3A, %get3A_0, %get3A_1] : memref<1x8x2048xf32, #tpu.memory_space<vmem>>, vector<1x8x2048xf32>
    %get3A_3 = vector.shape_cast %get3A_2 : vector<1x8x2048xf32> to vector<8x2048xf32>
    %slice3A = vector.extract_strided_slice %get3A_3 {offsets = [0, 0], sizes = [1, 2048], strides = [1, 1]} : vector<8x2048xf32> to vector<1x2048xf32>
    %slice3A_4 = vector.extract_strided_slice %get3A_3 {offsets = [1, 0], sizes = [1, 2048], strides = [1, 1]} : vector<8x2048xf32> to vector<1x2048xf32>
    %slice3A_5 = vector.extract_strided_slice %get3A_3 {offsets = [2, 0], sizes = [1, 2048], strides = [1, 1]} : vector<8x2048xf32> to vector<1x2048xf32>
    %slice3A_6 = vector.extract_strided_slice %get3A_3 {offsets = [3, 0], sizes = [1, 2048], strides = [1, 1]} : vector<8x2048xf32> to vector<1x2048xf32>
    %slice3A_7 = vector.extract_strided_slice %get3A_3 {offsets = [4, 0], sizes = [1, 2048], strides = [1, 1]} : vector<8x2048xf32> to vector<1x2048xf32>
    %slice3A_8 = vector.extract_strided_slice %get3A_3 {offsets = [5, 0], sizes = [1, 2048], strides = [1, 1]} : vector<8x2048xf32> to vector<1x2048xf32>
    %broadcast_in_dim3A = arith.constant 1.000000e+00 : f32
    %broadcast_in_dim3A_9 = vector.broadcast %broadcast_in_dim3A : f32 to vector<1x2048xf32>
    %broadcast_in_dim3A_10 = arith.constant 0.000000e+00 : f32
    %broadcast_in_dim3A_11 = vector.broadcast %broadcast_in_dim3A_10 : f32 to vector<1x2048xf32>
    %sub3A = arith.subf %slice3A_5, %slice3A : vector<1x2048xf32>
    %mul3A = arith.constant 2.000000e+00 : f32
    %mul3A_12 = vector.broadcast %mul3A : f32 to vector<1x2048xf32>
    %mul3A_13 = arith.mulf %mul3A_12, %slice3A_7 : vector<1x2048xf32>
    %div3A = arith.divf %sub3A, %mul3A_13 : vector<1x2048xf32>
    %sign3A = tpu.bitcast %div3A : vector<1x2048xf32> -> vector<1x2048xi32>
    %sign3A_14 = arith.constant -2147483648 : i32
    %sign3A_15 = vector.broadcast %sign3A_14 : i32 to vector<1x2048xi32>
    %sign3A_16 = arith.andi %sign3A, %sign3A_15 : vector<1x2048xi32>
    %sign3A_17 = arith.constant 1065353216 : i32
    %sign3A_18 = vector.broadcast %sign3A_17 : i32 to vector<1x2048xi32>
    %sign3A_19 = arith.ori %sign3A_18, %sign3A_16 : vector<1x2048xi32>
    %sign3A_20 = tpu.bitcast %sign3A_19 : vector<1x2048xi32> -> vector<1x2048xf32>
    %sign3A_21 = math.absf %div3A : vector<1x2048xf32>
    %sign3A_22 = arith.constant 0.000000e+00 : f32
    %sign3A_23 = vector.broadcast %sign3A_22 : f32 to vector<1x2048xf32>
    %sign3A_24 = arith.cmpf ogt, %sign3A_21, %sign3A_23 : vector<1x2048xf32>
    %sign3A_25 = arith.select %sign3A_24, %sign3A_20, %div3A : vector<1x2048xi1>, vector<1x2048xf32>
    %abs3A = math.absf %div3A : vector<1x2048xf32>
    %mul3A_26 = arith.mulf %div3A, %div3A : vector<1x2048xf32>
    %add3A = arith.constant 1.000000e+00 : f32
    %add3A_27 = vector.broadcast %add3A : f32 to vector<1x2048xf32>
    %add3A_28 = arith.addf %add3A_27, %mul3A_26 : vector<1x2048xf32>
    %sqrt3A = math.sqrt %add3A_28 : vector<1x2048xf32>
    %add3A_29 = arith.addf %abs3A, %sqrt3A : vector<1x2048xf32>
    %div3A_30 = arith.divf %sign3A_25, %add3A_29 : vector<1x2048xf32>
    %eq3A = arith.constant 0.000000e+00 : f32
    %eq3A_31 = vector.broadcast %eq3A : f32 to vector<1x2048xf32>
    %eq3A_32 = arith.cmpf oeq, %div3A, %eq3A_31 : vector<1x2048xf32>
    %jit3A = arith.constant 1.000000e+00 : f32
    %broadcast_in_dim3A_33 = vector.broadcast %jit3A : f32 to vector<1x2048xf32>
    %select_n3A = arith.select %eq3A_32, %broadcast_in_dim3A_33, %div3A_30 : vector<1x2048xi1>, vector<1x2048xf32>
    %mul3A_34 = arith.mulf %select_n3A, %select_n3A : vector<1x2048xf32>
    %add3A_35 = arith.constant 1.000000e+00 : f32
    %add3A_36 = vector.broadcast %add3A_35 : f32 to vector<1x2048xf32>
    %add3A_37 = arith.addf %add3A_36, %mul3A_34 : vector<1x2048xf32>
    %sqrt3A_38 = math.sqrt %add3A_37 : vector<1x2048xf32>
    %div3A_39 = arith.constant 1.000000e+00 : f32
    %div3A_40 = vector.broadcast %div3A_39 : f32 to vector<1x2048xf32>
    %div3A_41 = arith.divf %div3A_40, %sqrt3A_38 : vector<1x2048xf32>
    %mul3A_42 = arith.mulf %select_n3A, %div3A_41 : vector<1x2048xf32>
    %eq3A_43 = arith.constant 0.000000e+00 : f32
    %eq3A_44 = vector.broadcast %eq3A_43 : f32 to vector<1x2048xf32>
    %eq3A_45 = arith.cmpf oeq, %slice3A_7, %eq3A_44 : vector<1x2048xf32>
    %jit3A_46 = arith.constant 1.000000e+00 : f32
    %broadcast_in_dim3A_47 = vector.broadcast %jit3A_46 : f32 to vector<1x2048xf32>
    %select_n3A_48 = arith.select %eq3A_45, %broadcast_in_dim3A_47, %div3A_41 : vector<1x2048xi1>, vector<1x2048xf32>
    %jit3A_49 = arith.constant 0.000000e+00 : f32
    %broadcast_in_dim3A_50 = vector.broadcast %jit3A_49 : f32 to vector<1x2048xf32>
    %select_n3A_51 = arith.select %eq3A_45, %broadcast_in_dim3A_50, %mul3A_42 : vector<1x2048xi1>, vector<1x2048xf32>
    %mul3A_52 = arith.mulf %select_n3A_48, %slice3A : vector<1x2048xf32>
    %mul3A_53 = arith.mulf %select_n3A_51, %slice3A_7 : vector<1x2048xf32>
    %sub3A_54 = arith.subf %mul3A_52, %mul3A_53 : vector<1x2048xf32>
    %mul3A_55 = arith.mulf %select_n3A_51, %slice3A : vector<1x2048xf32>
    %mul3A_56 = arith.mulf %select_n3A_48, %slice3A_7 : vector<1x2048xf32>
    %add3A_57 = arith.addf %mul3A_55, %mul3A_56 : vector<1x2048xf32>
    %mul3A_58 = arith.mulf %select_n3A_48, %slice3A_6 : vector<1x2048xf32>
    %mul3A_59 = arith.mulf %select_n3A_51, %slice3A_8 : vector<1x2048xf32>
    %sub3A_60 = arith.subf %mul3A_58, %mul3A_59 : vector<1x2048xf32>
    %mul3A_61 = arith.mulf %select_n3A_51, %slice3A_6 : vector<1x2048xf32>
    %mul3A_62 = arith.mulf %select_n3A_48, %slice3A_8 : vector<1x2048xf32>
    %add3A_63 = arith.addf %mul3A_61, %mul3A_62 : vector<1x2048xf32>
    %mul3A_64 = arith.mulf %select_n3A_48, %slice3A_7 : vector<1x2048xf32>
    %mul3A_65 = arith.mulf %select_n3A_51, %slice3A_5 : vector<1x2048xf32>
    %sub3A_66 = arith.subf %mul3A_64, %mul3A_65 : vector<1x2048xf32>
    %mul3A_67 = arith.mulf %select_n3A_51, %slice3A_7 : vector<1x2048xf32>
    %mul3A_68 = arith.mulf %select_n3A_48, %slice3A_5 : vector<1x2048xf32>
    %add3A_69 = arith.addf %mul3A_67, %mul3A_68 : vector<1x2048xf32>
    %mul3A_70 = arith.mulf %select_n3A_48, %sub3A_54 : vector<1x2048xf32>
    %mul3A_71 = arith.mulf %select_n3A_51, %sub3A_66 : vector<1x2048xf32>
    %sub3A_72 = arith.subf %mul3A_70, %mul3A_71 : vector<1x2048xf32>
    %mul3A_73 = arith.mulf %select_n3A_51, %sub3A_54 : vector<1x2048xf32>
    %mul3A_74 = arith.mulf %select_n3A_48, %sub3A_66 : vector<1x2048xf32>
    %add3A_75 = arith.addf %mul3A_73, %mul3A_74 : vector<1x2048xf32>
    %mul3A_76 = arith.mulf %select_n3A_48, %slice3A_6 : vector<1x2048xf32>
    %mul3A_77 = arith.mulf %select_n3A_51, %slice3A_8 : vector<1x2048xf32>
    %sub3A_78 = arith.subf %mul3A_76, %mul3A_77 : vector<1x2048xf32>
    %mul3A_79 = arith.mulf %select_n3A_51, %slice3A_6 : vector<1x2048xf32>
    %mul3A_80 = arith.mulf %select_n3A_48, %slice3A_8 : vector<1x2048xf32>
    %add3A_81 = arith.addf %mul3A_79, %mul3A_80 : vector<1x2048xf32>
    %mul3A_82 = arith.mulf %select_n3A_48, %add3A_57 : vector<1x2048xf32>
    %mul3A_83 = arith.mulf %select_n3A_51, %add3A_69 : vector<1x2048xf32>
    %sub3A_84 = arith.subf %mul3A_82, %mul3A_83 : vector<1x2048xf32>
    %mul3A_85 = arith.mulf %select_n3A_51, %add3A_57 : vector<1x2048xf32>
    %mul3A_86 = arith.mulf %select_n3A_48, %add3A_69 : vector<1x2048xf32>
    %add3A_87 = arith.addf %mul3A_85, %mul3A_86 : vector<1x2048xf32>
    %mul3A_88 = arith.mulf %select_n3A_48, %broadcast_in_dim3A_9 : vector<1x2048xf32>
    %mul3A_89 = arith.mulf %select_n3A_51, %broadcast_in_dim3A_11 : vector<1x2048xf32>
    %sub3A_90 = arith.subf %mul3A_88, %mul3A_89 : vector<1x2048xf32>
    %mul3A_91 = arith.mulf %select_n3A_51, %broadcast_in_dim3A_9 : vector<1x2048xf32>
    %mul3A_92 = arith.mulf %select_n3A_48, %broadcast_in_dim3A_11 : vector<1x2048xf32>
    %add3A_93 = arith.addf %mul3A_91, %mul3A_92 : vector<1x2048xf32>
    %mul3A_94 = arith.mulf %select_n3A_48, %broadcast_in_dim3A_11 : vector<1x2048xf32>
    %mul3A_95 = arith.mulf %select_n3A_51, %broadcast_in_dim3A_11 : vector<1x2048xf32>
    %sub3A_96 = arith.subf %mul3A_94, %mul3A_95 : vector<1x2048xf32>
    %mul3A_97 = arith.mulf %select_n3A_51, %broadcast_in_dim3A_11 : vector<1x2048xf32>
    %mul3A_98 = arith.mulf %select_n3A_48, %broadcast_in_dim3A_11 : vector<1x2048xf32>
    %add3A_99 = arith.addf %mul3A_97, %mul3A_98 : vector<1x2048xf32>
    %mul3A_100 = arith.mulf %select_n3A_48, %broadcast_in_dim3A_11 : vector<1x2048xf32>
    %mul3A_101 = arith.mulf %select_n3A_51, %broadcast_in_dim3A_9 : vector<1x2048xf32>
    %sub3A_102 = arith.subf %mul3A_100, %mul3A_101 : vector<1x2048xf32>
    %mul3A_103 = arith.mulf %select_n3A_51, %broadcast_in_dim3A_11 : vector<1x2048xf32>
    %mul3A_104 = arith.mulf %select_n3A_48, %broadcast_in_dim3A_9 : vector<1x2048xf32>
    %add3A_105 = arith.addf %mul3A_103, %mul3A_104 : vector<1x2048xf32>
    %sub3A_106 = arith.subf %add3A_87, %slice3A_4 : vector<1x2048xf32>
    %mul3A_107 = arith.constant 2.000000e+00 : f32
    %mul3A_108 = vector.broadcast %mul3A_107 : f32 to vector<1x2048xf32>
    %mul3A_109 = arith.mulf %mul3A_108, %add3A_81 : vector<1x2048xf32>
    %div3A_110 = arith.divf %sub3A_106, %mul3A_109 : vector<1x2048xf32>
    %sign3A_111 = tpu.bitcast %div3A_110 : vector<1x2048xf32> -> vector<1x2048xi32>
    %sign3A_112 = arith.constant -2147483648 : i32
    %sign3A_113 = vector.broadcast %sign3A_112 : i32 to vector<1x2048xi32>
    %sign3A_114 = arith.andi %sign3A_111, %sign3A_113 : vector<1x2048xi32>
    %sign3A_115 = arith.constant 1065353216 : i32
    %sign3A_116 = vector.broadcast %sign3A_115 : i32 to vector<1x2048xi32>
    %sign3A_117 = arith.ori %sign3A_116, %sign3A_114 : vector<1x2048xi32>
    %sign3A_118 = tpu.bitcast %sign3A_117 : vector<1x2048xi32> -> vector<1x2048xf32>
    %sign3A_119 = math.absf %div3A_110 : vector<1x2048xf32>
    %sign3A_120 = arith.constant 0.000000e+00 : f32
    %sign3A_121 = vector.broadcast %sign3A_120 : f32 to vector<1x2048xf32>
    %sign3A_122 = arith.cmpf ogt, %sign3A_119, %sign3A_121 : vector<1x2048xf32>
    %sign3A_123 = arith.select %sign3A_122, %sign3A_118, %div3A_110 : vector<1x2048xi1>, vector<1x2048xf32>
    %abs3A_124 = math.absf %div3A_110 : vector<1x2048xf32>
    %mul3A_125 = arith.mulf %div3A_110, %div3A_110 : vector<1x2048xf32>
    %add3A_126 = arith.constant 1.000000e+00 : f32
    %add3A_127 = vector.broadcast %add3A_126 : f32 to vector<1x2048xf32>
    %add3A_128 = arith.addf %add3A_127, %mul3A_125 : vector<1x2048xf32>
    %sqrt3A_129 = math.sqrt %add3A_128 : vector<1x2048xf32>
    %add3A_130 = arith.addf %abs3A_124, %sqrt3A_129 : vector<1x2048xf32>
    %div3A_131 = arith.divf %sign3A_123, %add3A_130 : vector<1x2048xf32>
    %eq3A_132 = arith.constant 0.000000e+00 : f32
    %eq3A_133 = vector.broadcast %eq3A_132 : f32 to vector<1x2048xf32>
    %eq3A_134 = arith.cmpf oeq, %div3A_110, %eq3A_133 : vector<1x2048xf32>
    %jit3A_135 = arith.constant 1.000000e+00 : f32
    %broadcast_in_dim3A_136 = vector.broadcast %jit3A_135 : f32 to vector<1x2048xf32>
    %select_n3A_137 = arith.select %eq3A_134, %broadcast_in_dim3A_136, %div3A_131 : vector<1x2048xi1>, vector<1x2048xf32>
    %mul3A_138 = arith.mulf %select_n3A_137, %select_n3A_137 : vector<1x2048xf32>
    %add3A_139 = arith.constant 1.000000e+00 : f32
    %add3A_140 = vector.broadcast %add3A_139 : f32 to vector<1x2048xf32>
    %add3A_141 = arith.addf %add3A_140, %mul3A_138 : vector<1x2048xf32>
    %sqrt3A_142 = math.sqrt %add3A_141 : vector<1x2048xf32>
    %div3A_143 = arith.constant 1.000000e+00 : f32
    %div3A_144 = vector.broadcast %div3A_143 : f32 to vector<1x2048xf32>
    %div3A_145 = arith.divf %div3A_144, %sqrt3A_142 : vector<1x2048xf32>
    %mul3A_146 = arith.mulf %select_n3A_137, %div3A_145 : vector<1x2048xf32>
    %eq3A_147 = arith.constant 0.000000e+00 : f32
    %eq3A_148 = vector.broadcast %eq3A_147 : f32 to vector<1x2048xf32>
    %eq3A_149 = arith.cmpf oeq, %add3A_81, %eq3A_148 : vector<1x2048xf32>
    %jit3A_150 = arith.constant 1.000000e+00 : f32
    %broadcast_in_dim3A_151 = vector.broadcast %jit3A_150 : f32 to vector<1x2048xf32>
    %select_n3A_152 = arith.select %eq3A_149, %broadcast_in_dim3A_151, %div3A_145 : vector<1x2048xi1>, vector<1x2048xf32>
    %jit3A_153 = arith.constant 0.000000e+00 : f32
    %broadcast_in_dim3A_154 = vector.broadcast %jit3A_153 : f32 to vector<1x2048xf32>
    %select_n3A_155 = arith.select %eq3A_149, %broadcast_in_dim3A_154, %mul3A_146 : vector<1x2048xi1>, vector<1x2048xf32>
    %mul3A_156 = arith.mulf %select_n3A_152, %sub3A_78 : vector<1x2048xf32>
    %mul3A_157 = arith.mulf %select_n3A_155, %sub3A_84 : vector<1x2048xf32>
    %sub3A_158 = arith.subf %mul3A_156, %mul3A_157 : vector<1x2048xf32>
    %mul3A_159 = arith.mulf %select_n3A_155, %sub3A_78 : vector<1x2048xf32>
    %mul3A_160 = arith.mulf %select_n3A_152, %sub3A_84 : vector<1x2048xf32>
    %add3A_161 = arith.addf %mul3A_159, %mul3A_160 : vector<1x2048xf32>
    %mul3A_162 = arith.mulf %select_n3A_152, %slice3A_4 : vector<1x2048xf32>
    %mul3A_163 = arith.mulf %select_n3A_155, %add3A_63 : vector<1x2048xf32>
    %sub3A_164 = arith.subf %mul3A_162, %mul3A_163 : vector<1x2048xf32>
    %mul3A_165 = arith.mulf %select_n3A_155, %slice3A_4 : vector<1x2048xf32>
    %mul3A_166 = arith.mulf %select_n3A_152, %add3A_63 : vector<1x2048xf32>
    %add3A_167 = arith.addf %mul3A_165, %mul3A_166 : vector<1x2048xf32>
    %mul3A_168 = arith.mulf %select_n3A_152, %add3A_81 : vector<1x2048xf32>
    %mul3A_169 = arith.mulf %select_n3A_155, %add3A_87 : vector<1x2048xf32>
    %sub3A_170 = arith.subf %mul3A_168, %mul3A_169 : vector<1x2048xf32>
    %mul3A_171 = arith.mulf %select_n3A_155, %add3A_81 : vector<1x2048xf32>
    %mul3A_172 = arith.mulf %select_n3A_152, %add3A_87 : vector<1x2048xf32>
    %add3A_173 = arith.addf %mul3A_171, %mul3A_172 : vector<1x2048xf32>
    %mul3A_174 = arith.mulf %select_n3A_152, %sub3A_60 : vector<1x2048xf32>
    %mul3A_175 = arith.mulf %select_n3A_155, %add3A_75 : vector<1x2048xf32>
    %sub3A_176 = arith.subf %mul3A_174, %mul3A_175 : vector<1x2048xf32>
    %mul3A_177 = arith.mulf %select_n3A_155, %sub3A_60 : vector<1x2048xf32>
    %mul3A_178 = arith.mulf %select_n3A_152, %add3A_75 : vector<1x2048xf32>
    %add3A_179 = arith.addf %mul3A_177, %mul3A_178 : vector<1x2048xf32>
    %mul3A_180 = arith.mulf %select_n3A_152, %sub3A_164 : vector<1x2048xf32>
    %mul3A_181 = arith.mulf %select_n3A_155, %sub3A_170 : vector<1x2048xf32>
    %sub3A_182 = arith.subf %mul3A_180, %mul3A_181 : vector<1x2048xf32>
    %mul3A_183 = arith.mulf %select_n3A_155, %sub3A_164 : vector<1x2048xf32>
    %mul3A_184 = arith.mulf %select_n3A_152, %sub3A_170 : vector<1x2048xf32>
    %add3A_185 = arith.addf %mul3A_183, %mul3A_184 : vector<1x2048xf32>
    %mul3A_186 = arith.mulf %select_n3A_152, %add3A_167 : vector<1x2048xf32>
    %mul3A_187 = arith.mulf %select_n3A_155, %add3A_173 : vector<1x2048xf32>
    %sub3A_188 = arith.subf %mul3A_186, %mul3A_187 : vector<1x2048xf32>
    %mul3A_189 = arith.mulf %select_n3A_155, %add3A_167 : vector<1x2048xf32>
    %mul3A_190 = arith.mulf %select_n3A_152, %add3A_173 : vector<1x2048xf32>
    %add3A_191 = arith.addf %mul3A_189, %mul3A_190 : vector<1x2048xf32>
    %mul3A_192 = arith.mulf %select_n3A_152, %broadcast_in_dim3A_11 : vector<1x2048xf32>
    %mul3A_193 = arith.mulf %select_n3A_155, %add3A_93 : vector<1x2048xf32>
    %sub3A_194 = arith.subf %mul3A_192, %mul3A_193 : vector<1x2048xf32>
    %mul3A_195 = arith.mulf %select_n3A_155, %broadcast_in_dim3A_11 : vector<1x2048xf32>
    %mul3A_196 = arith.mulf %select_n3A_152, %add3A_93 : vector<1x2048xf32>
    %add3A_197 = arith.addf %mul3A_195, %mul3A_196 : vector<1x2048xf32>
    %mul3A_198 = arith.mulf %select_n3A_152, %broadcast_in_dim3A_9 : vector<1x2048xf32>
    %mul3A_199 = arith.mulf %select_n3A_155, %add3A_99 : vector<1x2048xf32>
    %sub3A_200 = arith.subf %mul3A_198, %mul3A_199 : vector<1x2048xf32>
    %mul3A_201 = arith.mulf %select_n3A_155, %broadcast_in_dim3A_9 : vector<1x2048xf32>
    %mul3A_202 = arith.mulf %select_n3A_152, %add3A_99 : vector<1x2048xf32>
    %add3A_203 = arith.addf %mul3A_201, %mul3A_202 : vector<1x2048xf32>
    %mul3A_204 = arith.mulf %select_n3A_152, %broadcast_in_dim3A_11 : vector<1x2048xf32>
    %mul3A_205 = arith.mulf %select_n3A_155, %add3A_105 : vector<1x2048xf32>
    %sub3A_206 = arith.subf %mul3A_204, %mul3A_205 : vector<1x2048xf32>
    %mul3A_207 = arith.mulf %select_n3A_155, %broadcast_in_dim3A_11 : vector<1x2048xf32>
    %mul3A_208 = arith.mulf %select_n3A_152, %add3A_105 : vector<1x2048xf32>
    %add3A_209 = arith.addf %mul3A_207, %mul3A_208 : vector<1x2048xf32>
    %sub3A_210 = arith.subf %sub3A_182, %sub3A_72 : vector<1x2048xf32>
    %mul3A_211 = arith.constant 2.000000e+00 : f32
    %mul3A_212 = vector.broadcast %mul3A_211 : f32 to vector<1x2048xf32>
    %mul3A_213 = arith.mulf %mul3A_212, %sub3A_176 : vector<1x2048xf32>
    %div3A_214 = arith.divf %sub3A_210, %mul3A_213 : vector<1x2048xf32>
    %sign3A_215 = tpu.bitcast %div3A_214 : vector<1x2048xf32> -> vector<1x2048xi32>
    %sign3A_216 = arith.constant -2147483648 : i32
    %sign3A_217 = vector.broadcast %sign3A_216 : i32 to vector<1x2048xi32>
    %sign3A_218 = arith.andi %sign3A_215, %sign3A_217 : vector<1x2048xi32>
    %sign3A_219 = arith.constant 1065353216 : i32
    %sign3A_220 = vector.broadcast %sign3A_219 : i32 to vector<1x2048xi32>
    %sign3A_221 = arith.ori %sign3A_220, %sign3A_218 : vector<1x2048xi32>
    %sign3A_222 = tpu.bitcast %sign3A_221 : vector<1x2048xi32> -> vector<1x2048xf32>
    %sign3A_223 = math.absf %div3A_214 : vector<1x2048xf32>
    %sign3A_224 = arith.constant 0.000000e+00 : f32
    %sign3A_225 = vector.broadcast %sign3A_224 : f32 to vector<1x2048xf32>
    %sign3A_226 = arith.cmpf ogt, %sign3A_223, %sign3A_225 : vector<1x2048xf32>
    %sign3A_227 = arith.select %sign3A_226, %sign3A_222, %div3A_214 : vector<1x2048xi1>, vector<1x2048xf32>
    %abs3A_228 = math.absf %div3A_214 : vector<1x2048xf32>
    %mul3A_229 = arith.mulf %div3A_214, %div3A_214 : vector<1x2048xf32>
    %add3A_230 = arith.constant 1.000000e+00 : f32
    %add3A_231 = vector.broadcast %add3A_230 : f32 to vector<1x2048xf32>
    %add3A_232 = arith.addf %add3A_231, %mul3A_229 : vector<1x2048xf32>
    %sqrt3A_233 = math.sqrt %add3A_232 : vector<1x2048xf32>
    %add3A_234 = arith.addf %abs3A_228, %sqrt3A_233 : vector<1x2048xf32>
    %div3A_235 = arith.divf %sign3A_227, %add3A_234 : vector<1x2048xf32>
    %eq3A_236 = arith.constant 0.000000e+00 : f32
    %eq3A_237 = vector.broadcast %eq3A_236 : f32 to vector<1x2048xf32>
    %eq3A_238 = arith.cmpf oeq, %div3A_214, %eq3A_237 : vector<1x2048xf32>
    %jit3A_239 = arith.constant 1.000000e+00 : f32
    %broadcast_in_dim3A_240 = vector.broadcast %jit3A_239 : f32 to vector<1x2048xf32>
    %select_n3A_241 = arith.select %eq3A_238, %broadcast_in_dim3A_240, %div3A_235 : vector<1x2048xi1>, vector<1x2048xf32>
    %mul3A_242 = arith.mulf %select_n3A_241, %select_n3A_241 : vector<1x2048xf32>
    %add3A_243 = arith.constant 1.000000e+00 : f32
    %add3A_244 = vector.broadcast %add3A_243 : f32 to vector<1x2048xf32>
    %add3A_245 = arith.addf %add3A_244, %mul3A_242 : vector<1x2048xf32>
    %sqrt3A_246 = math.sqrt %add3A_245 : vector<1x2048xf32>
    %div3A_247 = arith.constant 1.000000e+00 : f32
    %div3A_248 = vector.broadcast %div3A_247 : f32 to vector<1x2048xf32>
    %div3A_249 = arith.divf %div3A_248, %sqrt3A_246 : vector<1x2048xf32>
    %mul3A_250 = arith.mulf %select_n3A_241, %div3A_249 : vector<1x2048xf32>
    %eq3A_251 = arith.constant 0.000000e+00 : f32
    %eq3A_252 = vector.broadcast %eq3A_251 : f32 to vector<1x2048xf32>
    %eq3A_253 = arith.cmpf oeq, %sub3A_176, %eq3A_252 : vector<1x2048xf32>
    %jit3A_254 = arith.constant 1.000000e+00 : f32
    %broadcast_in_dim3A_255 = vector.broadcast %jit3A_254 : f32 to vector<1x2048xf32>
    %select_n3A_256 = arith.select %eq3A_253, %broadcast_in_dim3A_255, %div3A_249 : vector<1x2048xi1>, vector<1x2048xf32>
    %jit3A_257 = arith.constant 0.000000e+00 : f32
    %broadcast_in_dim3A_258 = vector.broadcast %jit3A_257 : f32 to vector<1x2048xf32>
    %select_n3A_259 = arith.select %eq3A_253, %broadcast_in_dim3A_258, %mul3A_250 : vector<1x2048xi1>, vector<1x2048xf32>
    %mul3A_260 = arith.mulf %select_n3A_256, %sub3A_72 : vector<1x2048xf32>
    %mul3A_261 = arith.mulf %select_n3A_259, %sub3A_158 : vector<1x2048xf32>
    %sub3A_262 = arith.subf %mul3A_260, %mul3A_261 : vector<1x2048xf32>
    %mul3A_263 = arith.mulf %select_n3A_259, %sub3A_72 : vector<1x2048xf32>
    %mul3A_264 = arith.mulf %select_n3A_256, %sub3A_158 : vector<1x2048xf32>
    %add3A_265 = arith.addf %mul3A_263, %mul3A_264 : vector<1x2048xf32>
    %mul3A_266 = arith.mulf %select_n3A_256, %sub3A_176 : vector<1x2048xf32>
    %mul3A_267 = arith.mulf %select_n3A_259, %sub3A_182 : vector<1x2048xf32>
    %sub3A_268 = arith.subf %mul3A_266, %mul3A_267 : vector<1x2048xf32>
    %mul3A_269 = arith.mulf %select_n3A_259, %sub3A_176 : vector<1x2048xf32>
    %mul3A_270 = arith.mulf %select_n3A_256, %sub3A_182 : vector<1x2048xf32>
    %add3A_271 = arith.addf %mul3A_269, %mul3A_270 : vector<1x2048xf32>
    %mul3A_272 = arith.mulf %select_n3A_256, %add3A_179 : vector<1x2048xf32>
    %mul3A_273 = arith.mulf %select_n3A_259, %add3A_185 : vector<1x2048xf32>
    %sub3A_274 = arith.subf %mul3A_272, %mul3A_273 : vector<1x2048xf32>
    %mul3A_275 = arith.mulf %select_n3A_259, %add3A_179 : vector<1x2048xf32>
    %mul3A_276 = arith.mulf %select_n3A_256, %add3A_185 : vector<1x2048xf32>
    %add3A_277 = arith.addf %mul3A_275, %mul3A_276 : vector<1x2048xf32>
    %mul3A_278 = arith.mulf %select_n3A_256, %sub3A_262 : vector<1x2048xf32>
    %mul3A_279 = arith.mulf %select_n3A_259, %sub3A_268 : vector<1x2048xf32>
    %sub3A_280 = arith.subf %mul3A_278, %mul3A_279 : vector<1x2048xf32>
    %mul3A_281 = arith.mulf %select_n3A_259, %sub3A_262 : vector<1x2048xf32>
    %mul3A_282 = arith.mulf %select_n3A_256, %sub3A_268 : vector<1x2048xf32>
    %add3A_283 = arith.addf %mul3A_281, %mul3A_282 : vector<1x2048xf32>
    %mul3A_284 = arith.mulf %select_n3A_256, %add3A_265 : vector<1x2048xf32>
    %mul3A_285 = arith.mulf %select_n3A_259, %add3A_271 : vector<1x2048xf32>
    %sub3A_286 = arith.subf %mul3A_284, %mul3A_285 : vector<1x2048xf32>
    %mul3A_287 = arith.mulf %select_n3A_259, %add3A_265 : vector<1x2048xf32>
    %mul3A_288 = arith.mulf %select_n3A_256, %add3A_271 : vector<1x2048xf32>
    %add3A_289 = arith.addf %mul3A_287, %mul3A_288 : vector<1x2048xf32>
    %mul3A_290 = arith.mulf %select_n3A_256, %add3A_161 : vector<1x2048xf32>
    %mul3A_291 = arith.mulf %select_n3A_259, %sub3A_188 : vector<1x2048xf32>
    %sub3A_292 = arith.subf %mul3A_290, %mul3A_291 : vector<1x2048xf32>
    %mul3A_293 = arith.mulf %select_n3A_259, %add3A_161 : vector<1x2048xf32>
    %mul3A_294 = arith.mulf %select_n3A_256, %sub3A_188 : vector<1x2048xf32>
    %add3A_295 = arith.addf %mul3A_293, %mul3A_294 : vector<1x2048xf32>
    %mul3A_296 = arith.mulf %select_n3A_256, %sub3A_90 : vector<1x2048xf32>
    %mul3A_297 = arith.mulf %select_n3A_259, %sub3A_194 : vector<1x2048xf32>
    %sub3A_298 = arith.subf %mul3A_296, %mul3A_297 : vector<1x2048xf32>
    %mul3A_299 = arith.mulf %select_n3A_259, %sub3A_90 : vector<1x2048xf32>
    %mul3A_300 = arith.mulf %select_n3A_256, %sub3A_194 : vector<1x2048xf32>
    %add3A_301 = arith.addf %mul3A_299, %mul3A_300 : vector<1x2048xf32>
    %mul3A_302 = arith.mulf %select_n3A_256, %sub3A_96 : vector<1x2048xf32>
    %mul3A_303 = arith.mulf %select_n3A_259, %sub3A_200 : vector<1x2048xf32>
    %sub3A_304 = arith.subf %mul3A_302, %mul3A_303 : vector<1x2048xf32>
    %mul3A_305 = arith.mulf %select_n3A_259, %sub3A_96 : vector<1x2048xf32>
    %mul3A_306 = arith.mulf %select_n3A_256, %sub3A_200 : vector<1x2048xf32>
    %add3A_307 = arith.addf %mul3A_305, %mul3A_306 : vector<1x2048xf32>
    %mul3A_308 = arith.mulf %select_n3A_256, %sub3A_102 : vector<1x2048xf32>
    %mul3A_309 = arith.mulf %select_n3A_259, %sub3A_206 : vector<1x2048xf32>
    %sub3A_310 = arith.subf %mul3A_308, %mul3A_309 : vector<1x2048xf32>
    %mul3A_311 = arith.mulf %select_n3A_259, %sub3A_102 : vector<1x2048xf32>
    %mul3A_312 = arith.mulf %select_n3A_256, %sub3A_206 : vector<1x2048xf32>
    %add3A_313 = arith.addf %mul3A_311, %mul3A_312 : vector<1x2048xf32>
    %sub3A_314 = arith.subf %add3A_191, %sub3A_280 : vector<1x2048xf32>
    %mul3A_315 = arith.constant 2.000000e+00 : f32
    %mul3A_316 = vector.broadcast %mul3A_315 : f32 to vector<1x2048xf32>
    %mul3A_317 = arith.mulf %mul3A_316, %sub3A_274 : vector<1x2048xf32>
    %div3A_318 = arith.divf %sub3A_314, %mul3A_317 : vector<1x2048xf32>
    %sign3A_319 = tpu.bitcast %div3A_318 : vector<1x2048xf32> -> vector<1x2048xi32>
    %sign3A_320 = arith.constant -2147483648 : i32
    %sign3A_321 = vector.broadcast %sign3A_320 : i32 to vector<1x2048xi32>
    %sign3A_322 = arith.andi %sign3A_319, %sign3A_321 : vector<1x2048xi32>
    %sign3A_323 = arith.constant 1065353216 : i32
    %sign3A_324 = vector.broadcast %sign3A_323 : i32 to vector<1x2048xi32>
    %sign3A_325 = arith.ori %sign3A_324, %sign3A_322 : vector<1x2048xi32>
    %sign3A_326 = tpu.bitcast %sign3A_325 : vector<1x2048xi32> -> vector<1x2048xf32>
    %sign3A_327 = math.absf %div3A_318 : vector<1x2048xf32>
    %sign3A_328 = arith.constant 0.000000e+00 : f32
    %sign3A_329 = vector.broadcast %sign3A_328 : f32 to vector<1x2048xf32>
    %sign3A_330 = arith.cmpf ogt, %sign3A_327, %sign3A_329 : vector<1x2048xf32>
    %sign3A_331 = arith.select %sign3A_330, %sign3A_326, %div3A_318 : vector<1x2048xi1>, vector<1x2048xf32>
    %abs3A_332 = math.absf %div3A_318 : vector<1x2048xf32>
    %mul3A_333 = arith.mulf %div3A_318, %div3A_318 : vector<1x2048xf32>
    %add3A_334 = arith.constant 1.000000e+00 : f32
    %add3A_335 = vector.broadcast %add3A_334 : f32 to vector<1x2048xf32>
    %add3A_336 = arith.addf %add3A_335, %mul3A_333 : vector<1x2048xf32>
    %sqrt3A_337 = math.sqrt %add3A_336 : vector<1x2048xf32>
    %add3A_338 = arith.addf %abs3A_332, %sqrt3A_337 : vector<1x2048xf32>
    %div3A_339 = arith.divf %sign3A_331, %add3A_338 : vector<1x2048xf32>
    %eq3A_340 = arith.constant 0.000000e+00 : f32
    %eq3A_341 = vector.broadcast %eq3A_340 : f32 to vector<1x2048xf32>
    %eq3A_342 = arith.cmpf oeq, %div3A_318, %eq3A_341 : vector<1x2048xf32>
    %jit3A_343 = arith.constant 1.000000e+00 : f32
    %broadcast_in_dim3A_344 = vector.broadcast %jit3A_343 : f32 to vector<1x2048xf32>
    %select_n3A_345 = arith.select %eq3A_342, %broadcast_in_dim3A_344, %div3A_339 : vector<1x2048xi1>, vector<1x2048xf32>
    %mul3A_346 = arith.mulf %select_n3A_345, %select_n3A_345 : vector<1x2048xf32>
    %add3A_347 = arith.constant 1.000000e+00 : f32
    %add3A_348 = vector.broadcast %add3A_347 : f32 to vector<1x2048xf32>
    %add3A_349 = arith.addf %add3A_348, %mul3A_346 : vector<1x2048xf32>
    %sqrt3A_350 = math.sqrt %add3A_349 : vector<1x2048xf32>
    %div3A_351 = arith.constant 1.000000e+00 : f32
    %div3A_352 = vector.broadcast %div3A_351 : f32 to vector<1x2048xf32>
    %div3A_353 = arith.divf %div3A_352, %sqrt3A_350 : vector<1x2048xf32>
    %mul3A_354 = arith.mulf %select_n3A_345, %div3A_353 : vector<1x2048xf32>
    %eq3A_355 = arith.constant 0.000000e+00 : f32
    %eq3A_356 = vector.broadcast %eq3A_355 : f32 to vector<1x2048xf32>
    %eq3A_357 = arith.cmpf oeq, %sub3A_274, %eq3A_356 : vector<1x2048xf32>
    %jit3A_358 = arith.constant 1.000000e+00 : f32
    %broadcast_in_dim3A_359 = vector.broadcast %jit3A_358 : f32 to vector<1x2048xf32>
    %select_n3A_360 = arith.select %eq3A_357, %broadcast_in_dim3A_359, %div3A_353 : vector<1x2048xi1>, vector<1x2048xf32>
    %jit3A_361 = arith.constant 0.000000e+00 : f32
    %broadcast_in_dim3A_362 = vector.broadcast %jit3A_361 : f32 to vector<1x2048xf32>
    %select_n3A_363 = arith.select %eq3A_357, %broadcast_in_dim3A_362, %mul3A_354 : vector<1x2048xi1>, vector<1x2048xf32>
    %mul3A_364 = arith.mulf %select_n3A_360, %sub3A_280 : vector<1x2048xf32>
    %mul3A_365 = arith.mulf %select_n3A_363, %sub3A_292 : vector<1x2048xf32>
    %sub3A_366 = arith.subf %mul3A_364, %mul3A_365 : vector<1x2048xf32>
    %mul3A_367 = arith.mulf %select_n3A_363, %sub3A_280 : vector<1x2048xf32>
    %mul3A_368 = arith.mulf %select_n3A_360, %sub3A_292 : vector<1x2048xf32>
    %add3A_369 = arith.addf %mul3A_367, %mul3A_368 : vector<1x2048xf32>
    %mul3A_370 = arith.mulf %select_n3A_360, %add3A_283 : vector<1x2048xf32>
    %mul3A_371 = arith.mulf %select_n3A_363, %add3A_295 : vector<1x2048xf32>
    %sub3A_372 = arith.subf %mul3A_370, %mul3A_371 : vector<1x2048xf32>
    %mul3A_373 = arith.mulf %select_n3A_363, %add3A_283 : vector<1x2048xf32>
    %mul3A_374 = arith.mulf %select_n3A_360, %add3A_295 : vector<1x2048xf32>
    %add3A_375 = arith.addf %mul3A_373, %mul3A_374 : vector<1x2048xf32>
    %mul3A_376 = arith.mulf %select_n3A_360, %sub3A_274 : vector<1x2048xf32>
    %mul3A_377 = arith.mulf %select_n3A_363, %add3A_191 : vector<1x2048xf32>
    %sub3A_378 = arith.subf %mul3A_376, %mul3A_377 : vector<1x2048xf32>
    %mul3A_379 = arith.mulf %select_n3A_363, %sub3A_274 : vector<1x2048xf32>
    %mul3A_380 = arith.mulf %select_n3A_360, %add3A_191 : vector<1x2048xf32>
    %add3A_381 = arith.addf %mul3A_379, %mul3A_380 : vector<1x2048xf32>
    %mul3A_382 = arith.mulf %select_n3A_360, %sub3A_366 : vector<1x2048xf32>
    %mul3A_383 = arith.mulf %select_n3A_363, %sub3A_378 : vector<1x2048xf32>
    %sub3A_384 = arith.subf %mul3A_382, %mul3A_383 : vector<1x2048xf32>
    %mul3A_385 = arith.mulf %select_n3A_363, %sub3A_366 : vector<1x2048xf32>
    %mul3A_386 = arith.mulf %select_n3A_360, %sub3A_378 : vector<1x2048xf32>
    %add3A_387 = arith.addf %mul3A_385, %mul3A_386 : vector<1x2048xf32>
    %mul3A_388 = arith.mulf %select_n3A_360, %sub3A_286 : vector<1x2048xf32>
    %mul3A_389 = arith.mulf %select_n3A_363, %add3A_277 : vector<1x2048xf32>
    %sub3A_390 = arith.subf %mul3A_388, %mul3A_389 : vector<1x2048xf32>
    %mul3A_391 = arith.mulf %select_n3A_363, %sub3A_286 : vector<1x2048xf32>
    %mul3A_392 = arith.mulf %select_n3A_360, %add3A_277 : vector<1x2048xf32>
    %add3A_393 = arith.addf %mul3A_391, %mul3A_392 : vector<1x2048xf32>
    %mul3A_394 = arith.mulf %select_n3A_360, %add3A_369 : vector<1x2048xf32>
    %mul3A_395 = arith.mulf %select_n3A_363, %add3A_381 : vector<1x2048xf32>
    %sub3A_396 = arith.subf %mul3A_394, %mul3A_395 : vector<1x2048xf32>
    %mul3A_397 = arith.mulf %select_n3A_363, %add3A_369 : vector<1x2048xf32>
    %mul3A_398 = arith.mulf %select_n3A_360, %add3A_381 : vector<1x2048xf32>
    %add3A_399 = arith.addf %mul3A_397, %mul3A_398 : vector<1x2048xf32>
    %mul3A_400 = arith.mulf %select_n3A_360, %sub3A_298 : vector<1x2048xf32>
    %mul3A_401 = arith.mulf %select_n3A_363, %add3A_197 : vector<1x2048xf32>
    %sub3A_402 = arith.subf %mul3A_400, %mul3A_401 : vector<1x2048xf32>
    %mul3A_403 = arith.mulf %select_n3A_363, %sub3A_298 : vector<1x2048xf32>
    %mul3A_404 = arith.mulf %select_n3A_360, %add3A_197 : vector<1x2048xf32>
    %add3A_405 = arith.addf %mul3A_403, %mul3A_404 : vector<1x2048xf32>
    %mul3A_406 = arith.mulf %select_n3A_360, %sub3A_304 : vector<1x2048xf32>
    %mul3A_407 = arith.mulf %select_n3A_363, %add3A_203 : vector<1x2048xf32>
    %sub3A_408 = arith.subf %mul3A_406, %mul3A_407 : vector<1x2048xf32>
    %mul3A_409 = arith.mulf %select_n3A_363, %sub3A_304 : vector<1x2048xf32>
    %mul3A_410 = arith.mulf %select_n3A_360, %add3A_203 : vector<1x2048xf32>
    %add3A_411 = arith.addf %mul3A_409, %mul3A_410 : vector<1x2048xf32>
    %mul3A_412 = arith.mulf %select_n3A_360, %sub3A_310 : vector<1x2048xf32>
    %mul3A_413 = arith.mulf %select_n3A_363, %add3A_209 : vector<1x2048xf32>
    %sub3A_414 = arith.subf %mul3A_412, %mul3A_413 : vector<1x2048xf32>
    %mul3A_415 = arith.mulf %select_n3A_363, %sub3A_310 : vector<1x2048xf32>
    %mul3A_416 = arith.mulf %select_n3A_360, %add3A_209 : vector<1x2048xf32>
    %add3A_417 = arith.addf %mul3A_415, %mul3A_416 : vector<1x2048xf32>
    %sub3A_418 = arith.subf %add3A_399, %add3A_289 : vector<1x2048xf32>
    %mul3A_419 = arith.constant 2.000000e+00 : f32
    %mul3A_420 = vector.broadcast %mul3A_419 : f32 to vector<1x2048xf32>
    %mul3A_421 = arith.mulf %mul3A_420, %add3A_393 : vector<1x2048xf32>
    %div3A_422 = arith.divf %sub3A_418, %mul3A_421 : vector<1x2048xf32>
    %sign3A_423 = tpu.bitcast %div3A_422 : vector<1x2048xf32> -> vector<1x2048xi32>
    %sign3A_424 = arith.constant -2147483648 : i32
    %sign3A_425 = vector.broadcast %sign3A_424 : i32 to vector<1x2048xi32>
    %sign3A_426 = arith.andi %sign3A_423, %sign3A_425 : vector<1x2048xi32>
    %sign3A_427 = arith.constant 1065353216 : i32
    %sign3A_428 = vector.broadcast %sign3A_427 : i32 to vector<1x2048xi32>
    %sign3A_429 = arith.ori %sign3A_428, %sign3A_426 : vector<1x2048xi32>
    %sign3A_430 = tpu.bitcast %sign3A_429 : vector<1x2048xi32> -> vector<1x2048xf32>
    %sign3A_431 = math.absf %div3A_422 : vector<1x2048xf32>
    %sign3A_432 = arith.constant 0.000000e+00 : f32
    %sign3A_433 = vector.broadcast %sign3A_432 : f32 to vector<1x2048xf32>
    %sign3A_434 = arith.cmpf ogt, %sign3A_431, %sign3A_433 : vector<1x2048xf32>
    %sign3A_435 = arith.select %sign3A_434, %sign3A_430, %div3A_422 : vector<1x2048xi1>, vector<1x2048xf32>
    %abs3A_436 = math.absf %div3A_422 : vector<1x2048xf32>
    %mul3A_437 = arith.mulf %div3A_422, %div3A_422 : vector<1x2048xf32>
    %add3A_438 = arith.constant 1.000000e+00 : f32
    %add3A_439 = vector.broadcast %add3A_438 : f32 to vector<1x2048xf32>
    %add3A_440 = arith.addf %add3A_439, %mul3A_437 : vector<1x2048xf32>
    %sqrt3A_441 = math.sqrt %add3A_440 : vector<1x2048xf32>
    %add3A_442 = arith.addf %abs3A_436, %sqrt3A_441 : vector<1x2048xf32>
    %div3A_443 = arith.divf %sign3A_435, %add3A_442 : vector<1x2048xf32>
    %eq3A_444 = arith.constant 0.000000e+00 : f32
    %eq3A_445 = vector.broadcast %eq3A_444 : f32 to vector<1x2048xf32>
    %eq3A_446 = arith.cmpf oeq, %div3A_422, %eq3A_445 : vector<1x2048xf32>
    %jit3A_447 = arith.constant 1.000000e+00 : f32
    %broadcast_in_dim3A_448 = vector.broadcast %jit3A_447 : f32 to vector<1x2048xf32>
    %select_n3A_449 = arith.select %eq3A_446, %broadcast_in_dim3A_448, %div3A_443 : vector<1x2048xi1>, vector<1x2048xf32>
    %mul3A_450 = arith.mulf %select_n3A_449, %select_n3A_449 : vector<1x2048xf32>
    %add3A_451 = arith.constant 1.000000e+00 : f32
    %add3A_452 = vector.broadcast %add3A_451 : f32 to vector<1x2048xf32>
    %add3A_453 = arith.addf %add3A_452, %mul3A_450 : vector<1x2048xf32>
    %sqrt3A_454 = math.sqrt %add3A_453 : vector<1x2048xf32>
    %div3A_455 = arith.constant 1.000000e+00 : f32
    %div3A_456 = vector.broadcast %div3A_455 : f32 to vector<1x2048xf32>
    %div3A_457 = arith.divf %div3A_456, %sqrt3A_454 : vector<1x2048xf32>
    %mul3A_458 = arith.mulf %select_n3A_449, %div3A_457 : vector<1x2048xf32>
    %eq3A_459 = arith.constant 0.000000e+00 : f32
    %eq3A_460 = vector.broadcast %eq3A_459 : f32 to vector<1x2048xf32>
    %eq3A_461 = arith.cmpf oeq, %add3A_393, %eq3A_460 : vector<1x2048xf32>
    %jit3A_462 = arith.constant 1.000000e+00 : f32
    %broadcast_in_dim3A_463 = vector.broadcast %jit3A_462 : f32 to vector<1x2048xf32>
    %select_n3A_464 = arith.select %eq3A_461, %broadcast_in_dim3A_463, %div3A_457 : vector<1x2048xi1>, vector<1x2048xf32>
    %jit3A_465 = arith.constant 0.000000e+00 : f32
    %broadcast_in_dim3A_466 = vector.broadcast %jit3A_465 : f32 to vector<1x2048xf32>
    %select_n3A_467 = arith.select %eq3A_461, %broadcast_in_dim3A_466, %mul3A_458 : vector<1x2048xi1>, vector<1x2048xf32>
    %mul3A_468 = arith.mulf %select_n3A_464, %sub3A_390 : vector<1x2048xf32>
    %mul3A_469 = arith.mulf %select_n3A_467, %sub3A_396 : vector<1x2048xf32>
    %sub3A_470 = arith.subf %mul3A_468, %mul3A_469 : vector<1x2048xf32>
    %mul3A_471 = arith.mulf %select_n3A_467, %sub3A_390 : vector<1x2048xf32>
    %mul3A_472 = arith.mulf %select_n3A_464, %sub3A_396 : vector<1x2048xf32>
    %add3A_473 = arith.addf %mul3A_471, %mul3A_472 : vector<1x2048xf32>
    %mul3A_474 = arith.mulf %select_n3A_464, %add3A_289 : vector<1x2048xf32>
    %mul3A_475 = arith.mulf %select_n3A_467, %add3A_375 : vector<1x2048xf32>
    %sub3A_476 = arith.subf %mul3A_474, %mul3A_475 : vector<1x2048xf32>
    %mul3A_477 = arith.mulf %select_n3A_467, %add3A_289 : vector<1x2048xf32>
    %mul3A_478 = arith.mulf %select_n3A_464, %add3A_375 : vector<1x2048xf32>
    %add3A_479 = arith.addf %mul3A_477, %mul3A_478 : vector<1x2048xf32>
    %mul3A_480 = arith.mulf %select_n3A_464, %add3A_393 : vector<1x2048xf32>
    %mul3A_481 = arith.mulf %select_n3A_467, %add3A_399 : vector<1x2048xf32>
    %sub3A_482 = arith.subf %mul3A_480, %mul3A_481 : vector<1x2048xf32>
    %mul3A_483 = arith.mulf %select_n3A_467, %add3A_393 : vector<1x2048xf32>
    %mul3A_484 = arith.mulf %select_n3A_464, %add3A_399 : vector<1x2048xf32>
    %add3A_485 = arith.addf %mul3A_483, %mul3A_484 : vector<1x2048xf32>
    %mul3A_486 = arith.mulf %select_n3A_464, %sub3A_372 : vector<1x2048xf32>
    %mul3A_487 = arith.mulf %select_n3A_467, %add3A_387 : vector<1x2048xf32>
    %sub3A_488 = arith.subf %mul3A_486, %mul3A_487 : vector<1x2048xf32>
    %mul3A_489 = arith.mulf %select_n3A_467, %sub3A_372 : vector<1x2048xf32>
    %mul3A_490 = arith.mulf %select_n3A_464, %add3A_387 : vector<1x2048xf32>
    %add3A_491 = arith.addf %mul3A_489, %mul3A_490 : vector<1x2048xf32>
    %mul3A_492 = arith.mulf %select_n3A_464, %sub3A_476 : vector<1x2048xf32>
    %mul3A_493 = arith.mulf %select_n3A_467, %sub3A_482 : vector<1x2048xf32>
    %sub3A_494 = arith.subf %mul3A_492, %mul3A_493 : vector<1x2048xf32>
    %mul3A_495 = arith.mulf %select_n3A_467, %sub3A_476 : vector<1x2048xf32>
    %mul3A_496 = arith.mulf %select_n3A_464, %sub3A_482 : vector<1x2048xf32>
    %add3A_497 = arith.addf %mul3A_495, %mul3A_496 : vector<1x2048xf32>
    %mul3A_498 = arith.mulf %select_n3A_464, %add3A_479 : vector<1x2048xf32>
    %mul3A_499 = arith.mulf %select_n3A_467, %add3A_485 : vector<1x2048xf32>
    %sub3A_500 = arith.subf %mul3A_498, %mul3A_499 : vector<1x2048xf32>
    %mul3A_501 = arith.mulf %select_n3A_467, %add3A_479 : vector<1x2048xf32>
    %mul3A_502 = arith.mulf %select_n3A_464, %add3A_485 : vector<1x2048xf32>
    %add3A_503 = arith.addf %mul3A_501, %mul3A_502 : vector<1x2048xf32>
    %mul3A_504 = arith.mulf %select_n3A_464, %add3A_301 : vector<1x2048xf32>
    %mul3A_505 = arith.mulf %select_n3A_467, %add3A_405 : vector<1x2048xf32>
    %sub3A_506 = arith.subf %mul3A_504, %mul3A_505 : vector<1x2048xf32>
    %mul3A_507 = arith.mulf %select_n3A_467, %add3A_301 : vector<1x2048xf32>
    %mul3A_508 = arith.mulf %select_n3A_464, %add3A_405 : vector<1x2048xf32>
    %add3A_509 = arith.addf %mul3A_507, %mul3A_508 : vector<1x2048xf32>
    %mul3A_510 = arith.mulf %select_n3A_464, %add3A_307 : vector<1x2048xf32>
    %mul3A_511 = arith.mulf %select_n3A_467, %add3A_411 : vector<1x2048xf32>
    %sub3A_512 = arith.subf %mul3A_510, %mul3A_511 : vector<1x2048xf32>
    %mul3A_513 = arith.mulf %select_n3A_467, %add3A_307 : vector<1x2048xf32>
    %mul3A_514 = arith.mulf %select_n3A_464, %add3A_411 : vector<1x2048xf32>
    %add3A_515 = arith.addf %mul3A_513, %mul3A_514 : vector<1x2048xf32>
    %mul3A_516 = arith.mulf %select_n3A_464, %add3A_313 : vector<1x2048xf32>
    %mul3A_517 = arith.mulf %select_n3A_467, %add3A_417 : vector<1x2048xf32>
    %sub3A_518 = arith.subf %mul3A_516, %mul3A_517 : vector<1x2048xf32>
    %mul3A_519 = arith.mulf %select_n3A_467, %add3A_313 : vector<1x2048xf32>
    %mul3A_520 = arith.mulf %select_n3A_464, %add3A_417 : vector<1x2048xf32>
    %add3A_521 = arith.addf %mul3A_519, %mul3A_520 : vector<1x2048xf32>
    %sub3A_522 = arith.subf %sub3A_494, %sub3A_384 : vector<1x2048xf32>
    %mul3A_523 = arith.constant 2.000000e+00 : f32
    %mul3A_524 = vector.broadcast %mul3A_523 : f32 to vector<1x2048xf32>
    %mul3A_525 = arith.mulf %mul3A_524, %sub3A_488 : vector<1x2048xf32>
    %div3A_526 = arith.divf %sub3A_522, %mul3A_525 : vector<1x2048xf32>
    %sign3A_527 = tpu.bitcast %div3A_526 : vector<1x2048xf32> -> vector<1x2048xi32>
    %sign3A_528 = arith.constant -2147483648 : i32
    %sign3A_529 = vector.broadcast %sign3A_528 : i32 to vector<1x2048xi32>
    %sign3A_530 = arith.andi %sign3A_527, %sign3A_529 : vector<1x2048xi32>
    %sign3A_531 = arith.constant 1065353216 : i32
    %sign3A_532 = vector.broadcast %sign3A_531 : i32 to vector<1x2048xi32>
    %sign3A_533 = arith.ori %sign3A_532, %sign3A_530 : vector<1x2048xi32>
    %sign3A_534 = tpu.bitcast %sign3A_533 : vector<1x2048xi32> -> vector<1x2048xf32>
    %sign3A_535 = math.absf %div3A_526 : vector<1x2048xf32>
    %sign3A_536 = arith.constant 0.000000e+00 : f32
    %sign3A_537 = vector.broadcast %sign3A_536 : f32 to vector<1x2048xf32>
    %sign3A_538 = arith.cmpf ogt, %sign3A_535, %sign3A_537 : vector<1x2048xf32>
    %sign3A_539 = arith.select %sign3A_538, %sign3A_534, %div3A_526 : vector<1x2048xi1>, vector<1x2048xf32>
    %abs3A_540 = math.absf %div3A_526 : vector<1x2048xf32>
    %mul3A_541 = arith.mulf %div3A_526, %div3A_526 : vector<1x2048xf32>
    %add3A_542 = arith.constant 1.000000e+00 : f32
    %add3A_543 = vector.broadcast %add3A_542 : f32 to vector<1x2048xf32>
    %add3A_544 = arith.addf %add3A_543, %mul3A_541 : vector<1x2048xf32>
    %sqrt3A_545 = math.sqrt %add3A_544 : vector<1x2048xf32>
    %add3A_546 = arith.addf %abs3A_540, %sqrt3A_545 : vector<1x2048xf32>
    %div3A_547 = arith.divf %sign3A_539, %add3A_546 : vector<1x2048xf32>
    %eq3A_548 = arith.constant 0.000000e+00 : f32
    %eq3A_549 = vector.broadcast %eq3A_548 : f32 to vector<1x2048xf32>
    %eq3A_550 = arith.cmpf oeq, %div3A_526, %eq3A_549 : vector<1x2048xf32>
    %jit3A_551 = arith.constant 1.000000e+00 : f32
    %broadcast_in_dim3A_552 = vector.broadcast %jit3A_551 : f32 to vector<1x2048xf32>
    %select_n3A_553 = arith.select %eq3A_550, %broadcast_in_dim3A_552, %div3A_547 : vector<1x2048xi1>, vector<1x2048xf32>
    %mul3A_554 = arith.mulf %select_n3A_553, %select_n3A_553 : vector<1x2048xf32>
    %add3A_555 = arith.constant 1.000000e+00 : f32
    %add3A_556 = vector.broadcast %add3A_555 : f32 to vector<1x2048xf32>
    %add3A_557 = arith.addf %add3A_556, %mul3A_554 : vector<1x2048xf32>
    %sqrt3A_558 = math.sqrt %add3A_557 : vector<1x2048xf32>
    %div3A_559 = arith.constant 1.000000e+00 : f32
    %div3A_560 = vector.broadcast %div3A_559 : f32 to vector<1x2048xf32>
    %div3A_561 = arith.divf %div3A_560, %sqrt3A_558 : vector<1x2048xf32>
    %mul3A_562 = arith.mulf %select_n3A_553, %div3A_561 : vector<1x2048xf32>
    %eq3A_563 = arith.constant 0.000000e+00 : f32
    %eq3A_564 = vector.broadcast %eq3A_563 : f32 to vector<1x2048xf32>
    %eq3A_565 = arith.cmpf oeq, %sub3A_488, %eq3A_564 : vector<1x2048xf32>
    %jit3A_566 = arith.constant 1.000000e+00 : f32
    %broadcast_in_dim3A_567 = vector.broadcast %jit3A_566 : f32 to vector<1x2048xf32>
    %select_n3A_568 = arith.select %eq3A_565, %broadcast_in_dim3A_567, %div3A_561 : vector<1x2048xi1>, vector<1x2048xf32>
    %jit3A_569 = arith.constant 0.000000e+00 : f32
    %broadcast_in_dim3A_570 = vector.broadcast %jit3A_569 : f32 to vector<1x2048xf32>
    %select_n3A_571 = arith.select %eq3A_565, %broadcast_in_dim3A_570, %mul3A_562 : vector<1x2048xi1>, vector<1x2048xf32>
    %mul3A_572 = arith.mulf %select_n3A_568, %sub3A_384 : vector<1x2048xf32>
    %mul3A_573 = arith.mulf %select_n3A_571, %sub3A_470 : vector<1x2048xf32>
    %sub3A_574 = arith.subf %mul3A_572, %mul3A_573 : vector<1x2048xf32>
    %mul3A_575 = arith.mulf %select_n3A_571, %sub3A_384 : vector<1x2048xf32>
    %mul3A_576 = arith.mulf %select_n3A_568, %sub3A_470 : vector<1x2048xf32>
    %add3A_577 = arith.addf %mul3A_575, %mul3A_576 : vector<1x2048xf32>
    %mul3A_578 = arith.mulf %select_n3A_568, %sub3A_488 : vector<1x2048xf32>
    %mul3A_579 = arith.mulf %select_n3A_571, %sub3A_494 : vector<1x2048xf32>
    %sub3A_580 = arith.subf %mul3A_578, %mul3A_579 : vector<1x2048xf32>
    %mul3A_581 = arith.mulf %select_n3A_571, %sub3A_488 : vector<1x2048xf32>
    %mul3A_582 = arith.mulf %select_n3A_568, %sub3A_494 : vector<1x2048xf32>
    %add3A_583 = arith.addf %mul3A_581, %mul3A_582 : vector<1x2048xf32>
    %mul3A_584 = arith.mulf %select_n3A_568, %add3A_491 : vector<1x2048xf32>
    %mul3A_585 = arith.mulf %select_n3A_571, %add3A_497 : vector<1x2048xf32>
    %sub3A_586 = arith.subf %mul3A_584, %mul3A_585 : vector<1x2048xf32>
    %mul3A_587 = arith.mulf %select_n3A_571, %add3A_491 : vector<1x2048xf32>
    %mul3A_588 = arith.mulf %select_n3A_568, %add3A_497 : vector<1x2048xf32>
    %add3A_589 = arith.addf %mul3A_587, %mul3A_588 : vector<1x2048xf32>
    %mul3A_590 = arith.mulf %select_n3A_568, %sub3A_574 : vector<1x2048xf32>
    %mul3A_591 = arith.mulf %select_n3A_571, %sub3A_580 : vector<1x2048xf32>
    %sub3A_592 = arith.subf %mul3A_590, %mul3A_591 : vector<1x2048xf32>
    %mul3A_593 = arith.mulf %select_n3A_571, %sub3A_574 : vector<1x2048xf32>
    %mul3A_594 = arith.mulf %select_n3A_568, %sub3A_580 : vector<1x2048xf32>
    %add3A_595 = arith.addf %mul3A_593, %mul3A_594 : vector<1x2048xf32>
    %mul3A_596 = arith.mulf %select_n3A_568, %add3A_577 : vector<1x2048xf32>
    %mul3A_597 = arith.mulf %select_n3A_571, %add3A_583 : vector<1x2048xf32>
    %sub3A_598 = arith.subf %mul3A_596, %mul3A_597 : vector<1x2048xf32>
    %mul3A_599 = arith.mulf %select_n3A_571, %add3A_577 : vector<1x2048xf32>
    %mul3A_600 = arith.mulf %select_n3A_568, %add3A_583 : vector<1x2048xf32>
    %add3A_601 = arith.addf %mul3A_599, %mul3A_600 : vector<1x2048xf32>
    %mul3A_602 = arith.mulf %select_n3A_568, %add3A_473 : vector<1x2048xf32>
    %mul3A_603 = arith.mulf %select_n3A_571, %sub3A_500 : vector<1x2048xf32>
    %sub3A_604 = arith.subf %mul3A_602, %mul3A_603 : vector<1x2048xf32>
    %mul3A_605 = arith.mulf %select_n3A_571, %add3A_473 : vector<1x2048xf32>
    %mul3A_606 = arith.mulf %select_n3A_568, %sub3A_500 : vector<1x2048xf32>
    %add3A_607 = arith.addf %mul3A_605, %mul3A_606 : vector<1x2048xf32>
    %mul3A_608 = arith.mulf %select_n3A_568, %sub3A_402 : vector<1x2048xf32>
    %mul3A_609 = arith.mulf %select_n3A_571, %sub3A_506 : vector<1x2048xf32>
    %sub3A_610 = arith.subf %mul3A_608, %mul3A_609 : vector<1x2048xf32>
    %mul3A_611 = arith.mulf %select_n3A_571, %sub3A_402 : vector<1x2048xf32>
    %mul3A_612 = arith.mulf %select_n3A_568, %sub3A_506 : vector<1x2048xf32>
    %add3A_613 = arith.addf %mul3A_611, %mul3A_612 : vector<1x2048xf32>
    %mul3A_614 = arith.mulf %select_n3A_568, %sub3A_408 : vector<1x2048xf32>
    %mul3A_615 = arith.mulf %select_n3A_571, %sub3A_512 : vector<1x2048xf32>
    %sub3A_616 = arith.subf %mul3A_614, %mul3A_615 : vector<1x2048xf32>
    %mul3A_617 = arith.mulf %select_n3A_571, %sub3A_408 : vector<1x2048xf32>
    %mul3A_618 = arith.mulf %select_n3A_568, %sub3A_512 : vector<1x2048xf32>
    %add3A_619 = arith.addf %mul3A_617, %mul3A_618 : vector<1x2048xf32>
    %mul3A_620 = arith.mulf %select_n3A_568, %sub3A_414 : vector<1x2048xf32>
    %mul3A_621 = arith.mulf %select_n3A_571, %sub3A_518 : vector<1x2048xf32>
    %sub3A_622 = arith.subf %mul3A_620, %mul3A_621 : vector<1x2048xf32>
    %mul3A_623 = arith.mulf %select_n3A_571, %sub3A_414 : vector<1x2048xf32>
    %mul3A_624 = arith.mulf %select_n3A_568, %sub3A_518 : vector<1x2048xf32>
    %add3A_625 = arith.addf %mul3A_623, %mul3A_624 : vector<1x2048xf32>
    %sub3A_626 = arith.subf %add3A_503, %sub3A_592 : vector<1x2048xf32>
    %mul3A_627 = arith.constant 2.000000e+00 : f32
    %mul3A_628 = vector.broadcast %mul3A_627 : f32 to vector<1x2048xf32>
    %mul3A_629 = arith.mulf %mul3A_628, %sub3A_586 : vector<1x2048xf32>
    %div3A_630 = arith.divf %sub3A_626, %mul3A_629 : vector<1x2048xf32>
    %sign3A_631 = tpu.bitcast %div3A_630 : vector<1x2048xf32> -> vector<1x2048xi32>
    %sign3A_632 = arith.constant -2147483648 : i32
    %sign3A_633 = vector.broadcast %sign3A_632 : i32 to vector<1x2048xi32>
    %sign3A_634 = arith.andi %sign3A_631, %sign3A_633 : vector<1x2048xi32>
    %sign3A_635 = arith.constant 1065353216 : i32
    %sign3A_636 = vector.broadcast %sign3A_635 : i32 to vector<1x2048xi32>
    %sign3A_637 = arith.ori %sign3A_636, %sign3A_634 : vector<1x2048xi32>
    %sign3A_638 = tpu.bitcast %sign3A_637 : vector<1x2048xi32> -> vector<1x2048xf32>
    %sign3A_639 = math.absf %div3A_630 : vector<1x2048xf32>
    %sign3A_640 = arith.constant 0.000000e+00 : f32
    %sign3A_641 = vector.broadcast %sign3A_640 : f32 to vector<1x2048xf32>
    %sign3A_642 = arith.cmpf ogt, %sign3A_639, %sign3A_641 : vector<1x2048xf32>
    %sign3A_643 = arith.select %sign3A_642, %sign3A_638, %div3A_630 : vector<1x2048xi1>, vector<1x2048xf32>
    %abs3A_644 = math.absf %div3A_630 : vector<1x2048xf32>
    %mul3A_645 = arith.mulf %div3A_630, %div3A_630 : vector<1x2048xf32>
    %add3A_646 = arith.constant 1.000000e+00 : f32
    %add3A_647 = vector.broadcast %add3A_646 : f32 to vector<1x2048xf32>
    %add3A_648 = arith.addf %add3A_647, %mul3A_645 : vector<1x2048xf32>
    %sqrt3A_649 = math.sqrt %add3A_648 : vector<1x2048xf32>
    %add3A_650 = arith.addf %abs3A_644, %sqrt3A_649 : vector<1x2048xf32>
    %div3A_651 = arith.divf %sign3A_643, %add3A_650 : vector<1x2048xf32>
    %eq3A_652 = arith.constant 0.000000e+00 : f32
    %eq3A_653 = vector.broadcast %eq3A_652 : f32 to vector<1x2048xf32>
    %eq3A_654 = arith.cmpf oeq, %div3A_630, %eq3A_653 : vector<1x2048xf32>
    %jit3A_655 = arith.constant 1.000000e+00 : f32
    %broadcast_in_dim3A_656 = vector.broadcast %jit3A_655 : f32 to vector<1x2048xf32>
    %select_n3A_657 = arith.select %eq3A_654, %broadcast_in_dim3A_656, %div3A_651 : vector<1x2048xi1>, vector<1x2048xf32>
    %mul3A_658 = arith.mulf %select_n3A_657, %select_n3A_657 : vector<1x2048xf32>
    %add3A_659 = arith.constant 1.000000e+00 : f32
    %add3A_660 = vector.broadcast %add3A_659 : f32 to vector<1x2048xf32>
    %add3A_661 = arith.addf %add3A_660, %mul3A_658 : vector<1x2048xf32>
    %sqrt3A_662 = math.sqrt %add3A_661 : vector<1x2048xf32>
    %div3A_663 = arith.constant 1.000000e+00 : f32
    %div3A_664 = vector.broadcast %div3A_663 : f32 to vector<1x2048xf32>
    %div3A_665 = arith.divf %div3A_664, %sqrt3A_662 : vector<1x2048xf32>
    %mul3A_666 = arith.mulf %select_n3A_657, %div3A_665 : vector<1x2048xf32>
    %eq3A_667 = arith.constant 0.000000e+00 : f32
    %eq3A_668 = vector.broadcast %eq3A_667 : f32 to vector<1x2048xf32>
    %eq3A_669 = arith.cmpf oeq, %sub3A_586, %eq3A_668 : vector<1x2048xf32>
    %jit3A_670 = arith.constant 1.000000e+00 : f32
    %broadcast_in_dim3A_671 = vector.broadcast %jit3A_670 : f32 to vector<1x2048xf32>
    %select_n3A_672 = arith.select %eq3A_669, %broadcast_in_dim3A_671, %div3A_665 : vector<1x2048xi1>, vector<1x2048xf32>
    %jit3A_673 = arith.constant 0.000000e+00 : f32
    %broadcast_in_dim3A_674 = vector.broadcast %jit3A_673 : f32 to vector<1x2048xf32>
    %select_n3A_675 = arith.select %eq3A_669, %broadcast_in_dim3A_674, %mul3A_666 : vector<1x2048xi1>, vector<1x2048xf32>
    %mul3A_676 = arith.mulf %select_n3A_672, %sub3A_592 : vector<1x2048xf32>
    %mul3A_677 = arith.mulf %select_n3A_675, %sub3A_604 : vector<1x2048xf32>
    %sub3A_678 = arith.subf %mul3A_676, %mul3A_677 : vector<1x2048xf32>
    %mul3A_679 = arith.mulf %select_n3A_675, %sub3A_592 : vector<1x2048xf32>
    %mul3A_680 = arith.mulf %select_n3A_672, %sub3A_604 : vector<1x2048xf32>
    %add3A_681 = arith.addf %mul3A_679, %mul3A_680 : vector<1x2048xf32>
    %mul3A_682 = arith.mulf %select_n3A_672, %add3A_595 : vector<1x2048xf32>
    %mul3A_683 = arith.mulf %select_n3A_675, %add3A_607 : vector<1x2048xf32>
    %sub3A_684 = arith.subf %mul3A_682, %mul3A_683 : vector<1x2048xf32>
    %mul3A_685 = arith.mulf %select_n3A_675, %add3A_595 : vector<1x2048xf32>
    %mul3A_686 = arith.mulf %select_n3A_672, %add3A_607 : vector<1x2048xf32>
    %add3A_687 = arith.addf %mul3A_685, %mul3A_686 : vector<1x2048xf32>
    %mul3A_688 = arith.mulf %select_n3A_672, %sub3A_586 : vector<1x2048xf32>
    %mul3A_689 = arith.mulf %select_n3A_675, %add3A_503 : vector<1x2048xf32>
    %sub3A_690 = arith.subf %mul3A_688, %mul3A_689 : vector<1x2048xf32>
    %mul3A_691 = arith.mulf %select_n3A_675, %sub3A_586 : vector<1x2048xf32>
    %mul3A_692 = arith.mulf %select_n3A_672, %add3A_503 : vector<1x2048xf32>
    %add3A_693 = arith.addf %mul3A_691, %mul3A_692 : vector<1x2048xf32>
    %mul3A_694 = arith.mulf %select_n3A_672, %sub3A_678 : vector<1x2048xf32>
    %mul3A_695 = arith.mulf %select_n3A_675, %sub3A_690 : vector<1x2048xf32>
    %sub3A_696 = arith.subf %mul3A_694, %mul3A_695 : vector<1x2048xf32>
    %mul3A_697 = arith.mulf %select_n3A_675, %sub3A_678 : vector<1x2048xf32>
    %mul3A_698 = arith.mulf %select_n3A_672, %sub3A_690 : vector<1x2048xf32>
    %add3A_699 = arith.addf %mul3A_697, %mul3A_698 : vector<1x2048xf32>
    %mul3A_700 = arith.mulf %select_n3A_672, %sub3A_598 : vector<1x2048xf32>
    %mul3A_701 = arith.mulf %select_n3A_675, %add3A_589 : vector<1x2048xf32>
    %sub3A_702 = arith.subf %mul3A_700, %mul3A_701 : vector<1x2048xf32>
    %mul3A_703 = arith.mulf %select_n3A_675, %sub3A_598 : vector<1x2048xf32>
    %mul3A_704 = arith.mulf %select_n3A_672, %add3A_589 : vector<1x2048xf32>
    %add3A_705 = arith.addf %mul3A_703, %mul3A_704 : vector<1x2048xf32>
    %mul3A_706 = arith.mulf %select_n3A_672, %add3A_681 : vector<1x2048xf32>
    %mul3A_707 = arith.mulf %select_n3A_675, %add3A_693 : vector<1x2048xf32>
    %sub3A_708 = arith.subf %mul3A_706, %mul3A_707 : vector<1x2048xf32>
    %mul3A_709 = arith.mulf %select_n3A_675, %add3A_681 : vector<1x2048xf32>
    %mul3A_710 = arith.mulf %select_n3A_672, %add3A_693 : vector<1x2048xf32>
    %add3A_711 = arith.addf %mul3A_709, %mul3A_710 : vector<1x2048xf32>
    %mul3A_712 = arith.mulf %select_n3A_672, %sub3A_610 : vector<1x2048xf32>
    %mul3A_713 = arith.mulf %select_n3A_675, %add3A_509 : vector<1x2048xf32>
    %sub3A_714 = arith.subf %mul3A_712, %mul3A_713 : vector<1x2048xf32>
    %mul3A_715 = arith.mulf %select_n3A_675, %sub3A_610 : vector<1x2048xf32>
    %mul3A_716 = arith.mulf %select_n3A_672, %add3A_509 : vector<1x2048xf32>
    %add3A_717 = arith.addf %mul3A_715, %mul3A_716 : vector<1x2048xf32>
    %mul3A_718 = arith.mulf %select_n3A_672, %sub3A_616 : vector<1x2048xf32>
    %mul3A_719 = arith.mulf %select_n3A_675, %add3A_515 : vector<1x2048xf32>
    %sub3A_720 = arith.subf %mul3A_718, %mul3A_719 : vector<1x2048xf32>
    %mul3A_721 = arith.mulf %select_n3A_675, %sub3A_616 : vector<1x2048xf32>
    %mul3A_722 = arith.mulf %select_n3A_672, %add3A_515 : vector<1x2048xf32>
    %add3A_723 = arith.addf %mul3A_721, %mul3A_722 : vector<1x2048xf32>
    %mul3A_724 = arith.mulf %select_n3A_672, %sub3A_622 : vector<1x2048xf32>
    %mul3A_725 = arith.mulf %select_n3A_675, %add3A_521 : vector<1x2048xf32>
    %sub3A_726 = arith.subf %mul3A_724, %mul3A_725 : vector<1x2048xf32>
    %mul3A_727 = arith.mulf %select_n3A_675, %sub3A_622 : vector<1x2048xf32>
    %mul3A_728 = arith.mulf %select_n3A_672, %add3A_521 : vector<1x2048xf32>
    %add3A_729 = arith.addf %mul3A_727, %mul3A_728 : vector<1x2048xf32>
    %sub3A_730 = arith.subf %add3A_711, %add3A_601 : vector<1x2048xf32>
    %mul3A_731 = arith.constant 2.000000e+00 : f32
    %mul3A_732 = vector.broadcast %mul3A_731 : f32 to vector<1x2048xf32>
    %mul3A_733 = arith.mulf %mul3A_732, %add3A_705 : vector<1x2048xf32>
    %div3A_734 = arith.divf %sub3A_730, %mul3A_733 : vector<1x2048xf32>
    %sign3A_735 = tpu.bitcast %div3A_734 : vector<1x2048xf32> -> vector<1x2048xi32>
    %sign3A_736 = arith.constant -2147483648 : i32
    %sign3A_737 = vector.broadcast %sign3A_736 : i32 to vector<1x2048xi32>
    %sign3A_738 = arith.andi %sign3A_735, %sign3A_737 : vector<1x2048xi32>
    %sign3A_739 = arith.constant 1065353216 : i32
    %sign3A_740 = vector.broadcast %sign3A_739 : i32 to vector<1x2048xi32>
    %sign3A_741 = arith.ori %sign3A_740, %sign3A_738 : vector<1x2048xi32>
    %sign3A_742 = tpu.bitcast %sign3A_741 : vector<1x2048xi32> -> vector<1x2048xf32>
    %sign3A_743 = math.absf %div3A_734 : vector<1x2048xf32>
    %sign3A_744 = arith.constant 0.000000e+00 : f32
    %sign3A_745 = vector.broadcast %sign3A_744 : f32 to vector<1x2048xf32>
    %sign3A_746 = arith.cmpf ogt, %sign3A_743, %sign3A_745 : vector<1x2048xf32>
    %sign3A_747 = arith.select %sign3A_746, %sign3A_742, %div3A_734 : vector<1x2048xi1>, vector<1x2048xf32>
    %abs3A_748 = math.absf %div3A_734 : vector<1x2048xf32>
    %mul3A_749 = arith.mulf %div3A_734, %div3A_734 : vector<1x2048xf32>
    %add3A_750 = arith.constant 1.000000e+00 : f32
    %add3A_751 = vector.broadcast %add3A_750 : f32 to vector<1x2048xf32>
    %add3A_752 = arith.addf %add3A_751, %mul3A_749 : vector<1x2048xf32>
    %sqrt3A_753 = math.sqrt %add3A_752 : vector<1x2048xf32>
    %add3A_754 = arith.addf %abs3A_748, %sqrt3A_753 : vector<1x2048xf32>
    %div3A_755 = arith.divf %sign3A_747, %add3A_754 : vector<1x2048xf32>
    %eq3A_756 = arith.constant 0.000000e+00 : f32
    %eq3A_757 = vector.broadcast %eq3A_756 : f32 to vector<1x2048xf32>
    %eq3A_758 = arith.cmpf oeq, %div3A_734, %eq3A_757 : vector<1x2048xf32>
    %jit3A_759 = arith.constant 1.000000e+00 : f32
    %broadcast_in_dim3A_760 = vector.broadcast %jit3A_759 : f32 to vector<1x2048xf32>
    %select_n3A_761 = arith.select %eq3A_758, %broadcast_in_dim3A_760, %div3A_755 : vector<1x2048xi1>, vector<1x2048xf32>
    %mul3A_762 = arith.mulf %select_n3A_761, %select_n3A_761 : vector<1x2048xf32>
    %add3A_763 = arith.constant 1.000000e+00 : f32
    %add3A_764 = vector.broadcast %add3A_763 : f32 to vector<1x2048xf32>
    %add3A_765 = arith.addf %add3A_764, %mul3A_762 : vector<1x2048xf32>
    %sqrt3A_766 = math.sqrt %add3A_765 : vector<1x2048xf32>
    %div3A_767 = arith.constant 1.000000e+00 : f32
    %div3A_768 = vector.broadcast %div3A_767 : f32 to vector<1x2048xf32>
    %div3A_769 = arith.divf %div3A_768, %sqrt3A_766 : vector<1x2048xf32>
    %mul3A_770 = arith.mulf %select_n3A_761, %div3A_769 : vector<1x2048xf32>
    %eq3A_771 = arith.constant 0.000000e+00 : f32
    %eq3A_772 = vector.broadcast %eq3A_771 : f32 to vector<1x2048xf32>
    %eq3A_773 = arith.cmpf oeq, %add3A_705, %eq3A_772 : vector<1x2048xf32>
    %jit3A_774 = arith.constant 1.000000e+00 : f32
    %broadcast_in_dim3A_775 = vector.broadcast %jit3A_774 : f32 to vector<1x2048xf32>
    %select_n3A_776 = arith.select %eq3A_773, %broadcast_in_dim3A_775, %div3A_769 : vector<1x2048xi1>, vector<1x2048xf32>
    %jit3A_777 = arith.constant 0.000000e+00 : f32
    %broadcast_in_dim3A_778 = vector.broadcast %jit3A_777 : f32 to vector<1x2048xf32>
    %select_n3A_779 = arith.select %eq3A_773, %broadcast_in_dim3A_778, %mul3A_770 : vector<1x2048xi1>, vector<1x2048xf32>
    %mul3A_780 = arith.mulf %select_n3A_776, %sub3A_702 : vector<1x2048xf32>
    %mul3A_781 = arith.mulf %select_n3A_779, %sub3A_708 : vector<1x2048xf32>
    %sub3A_782 = arith.subf %mul3A_780, %mul3A_781 : vector<1x2048xf32>
    %mul3A_783 = arith.mulf %select_n3A_779, %sub3A_702 : vector<1x2048xf32>
    %mul3A_784 = arith.mulf %select_n3A_776, %sub3A_708 : vector<1x2048xf32>
    %add3A_785 = arith.addf %mul3A_783, %mul3A_784 : vector<1x2048xf32>
    %mul3A_786 = arith.mulf %select_n3A_776, %add3A_601 : vector<1x2048xf32>
    %mul3A_787 = arith.mulf %select_n3A_779, %add3A_687 : vector<1x2048xf32>
    %sub3A_788 = arith.subf %mul3A_786, %mul3A_787 : vector<1x2048xf32>
    %mul3A_789 = arith.mulf %select_n3A_779, %add3A_601 : vector<1x2048xf32>
    %mul3A_790 = arith.mulf %select_n3A_776, %add3A_687 : vector<1x2048xf32>
    %add3A_791 = arith.addf %mul3A_789, %mul3A_790 : vector<1x2048xf32>
    %mul3A_792 = arith.mulf %select_n3A_776, %add3A_705 : vector<1x2048xf32>
    %mul3A_793 = arith.mulf %select_n3A_779, %add3A_711 : vector<1x2048xf32>
    %sub3A_794 = arith.subf %mul3A_792, %mul3A_793 : vector<1x2048xf32>
    %mul3A_795 = arith.mulf %select_n3A_779, %add3A_705 : vector<1x2048xf32>
    %mul3A_796 = arith.mulf %select_n3A_776, %add3A_711 : vector<1x2048xf32>
    %add3A_797 = arith.addf %mul3A_795, %mul3A_796 : vector<1x2048xf32>
    %mul3A_798 = arith.mulf %select_n3A_776, %sub3A_684 : vector<1x2048xf32>
    %mul3A_799 = arith.mulf %select_n3A_779, %add3A_699 : vector<1x2048xf32>
    %sub3A_800 = arith.subf %mul3A_798, %mul3A_799 : vector<1x2048xf32>
    %mul3A_801 = arith.mulf %select_n3A_779, %sub3A_684 : vector<1x2048xf32>
    %mul3A_802 = arith.mulf %select_n3A_776, %add3A_699 : vector<1x2048xf32>
    %add3A_803 = arith.addf %mul3A_801, %mul3A_802 : vector<1x2048xf32>
    %mul3A_804 = arith.mulf %select_n3A_776, %sub3A_788 : vector<1x2048xf32>
    %mul3A_805 = arith.mulf %select_n3A_779, %sub3A_794 : vector<1x2048xf32>
    %sub3A_806 = arith.subf %mul3A_804, %mul3A_805 : vector<1x2048xf32>
    %mul3A_807 = arith.mulf %select_n3A_779, %sub3A_788 : vector<1x2048xf32>
    %mul3A_808 = arith.mulf %select_n3A_776, %sub3A_794 : vector<1x2048xf32>
    %add3A_809 = arith.addf %mul3A_807, %mul3A_808 : vector<1x2048xf32>
    %mul3A_810 = arith.mulf %select_n3A_776, %add3A_791 : vector<1x2048xf32>
    %mul3A_811 = arith.mulf %select_n3A_779, %add3A_797 : vector<1x2048xf32>
    %sub3A_812 = arith.subf %mul3A_810, %mul3A_811 : vector<1x2048xf32>
    %mul3A_813 = arith.mulf %select_n3A_779, %add3A_791 : vector<1x2048xf32>
    %mul3A_814 = arith.mulf %select_n3A_776, %add3A_797 : vector<1x2048xf32>
    %add3A_815 = arith.addf %mul3A_813, %mul3A_814 : vector<1x2048xf32>
    %mul3A_816 = arith.mulf %select_n3A_776, %add3A_613 : vector<1x2048xf32>
    %mul3A_817 = arith.mulf %select_n3A_779, %add3A_717 : vector<1x2048xf32>
    %sub3A_818 = arith.subf %mul3A_816, %mul3A_817 : vector<1x2048xf32>
    %mul3A_819 = arith.mulf %select_n3A_779, %add3A_613 : vector<1x2048xf32>
    %mul3A_820 = arith.mulf %select_n3A_776, %add3A_717 : vector<1x2048xf32>
    %add3A_821 = arith.addf %mul3A_819, %mul3A_820 : vector<1x2048xf32>
    %mul3A_822 = arith.mulf %select_n3A_776, %add3A_619 : vector<1x2048xf32>
    %mul3A_823 = arith.mulf %select_n3A_779, %add3A_723 : vector<1x2048xf32>
    %sub3A_824 = arith.subf %mul3A_822, %mul3A_823 : vector<1x2048xf32>
    %mul3A_825 = arith.mulf %select_n3A_779, %add3A_619 : vector<1x2048xf32>
    %mul3A_826 = arith.mulf %select_n3A_776, %add3A_723 : vector<1x2048xf32>
    %add3A_827 = arith.addf %mul3A_825, %mul3A_826 : vector<1x2048xf32>
    %mul3A_828 = arith.mulf %select_n3A_776, %add3A_625 : vector<1x2048xf32>
    %mul3A_829 = arith.mulf %select_n3A_779, %add3A_729 : vector<1x2048xf32>
    %sub3A_830 = arith.subf %mul3A_828, %mul3A_829 : vector<1x2048xf32>
    %mul3A_831 = arith.mulf %select_n3A_779, %add3A_625 : vector<1x2048xf32>
    %mul3A_832 = arith.mulf %select_n3A_776, %add3A_729 : vector<1x2048xf32>
    %add3A_833 = arith.addf %mul3A_831, %mul3A_832 : vector<1x2048xf32>
    %sub3A_834 = arith.subf %sub3A_806, %sub3A_696 : vector<1x2048xf32>
    %mul3A_835 = arith.constant 2.000000e+00 : f32
    %mul3A_836 = vector.broadcast %mul3A_835 : f32 to vector<1x2048xf32>
    %mul3A_837 = arith.mulf %mul3A_836, %sub3A_800 : vector<1x2048xf32>
    %div3A_838 = arith.divf %sub3A_834, %mul3A_837 : vector<1x2048xf32>
    %sign3A_839 = tpu.bitcast %div3A_838 : vector<1x2048xf32> -> vector<1x2048xi32>
    %sign3A_840 = arith.constant -2147483648 : i32
    %sign3A_841 = vector.broadcast %sign3A_840 : i32 to vector<1x2048xi32>
    %sign3A_842 = arith.andi %sign3A_839, %sign3A_841 : vector<1x2048xi32>
    %sign3A_843 = arith.constant 1065353216 : i32
    %sign3A_844 = vector.broadcast %sign3A_843 : i32 to vector<1x2048xi32>
    %sign3A_845 = arith.ori %sign3A_844, %sign3A_842 : vector<1x2048xi32>
    %sign3A_846 = tpu.bitcast %sign3A_845 : vector<1x2048xi32> -> vector<1x2048xf32>
    %sign3A_847 = math.absf %div3A_838 : vector<1x2048xf32>
    %sign3A_848 = arith.constant 0.000000e+00 : f32
    %sign3A_849 = vector.broadcast %sign3A_848 : f32 to vector<1x2048xf32>
    %sign3A_850 = arith.cmpf ogt, %sign3A_847, %sign3A_849 : vector<1x2048xf32>
    %sign3A_851 = arith.select %sign3A_850, %sign3A_846, %div3A_838 : vector<1x2048xi1>, vector<1x2048xf32>
    %abs3A_852 = math.absf %div3A_838 : vector<1x2048xf32>
    %mul3A_853 = arith.mulf %div3A_838, %div3A_838 : vector<1x2048xf32>
    %add3A_854 = arith.constant 1.000000e+00 : f32
    %add3A_855 = vector.broadcast %add3A_854 : f32 to vector<1x2048xf32>
    %add3A_856 = arith.addf %add3A_855, %mul3A_853 : vector<1x2048xf32>
    %sqrt3A_857 = math.sqrt %add3A_856 : vector<1x2048xf32>
    %add3A_858 = arith.addf %abs3A_852, %sqrt3A_857 : vector<1x2048xf32>
    %div3A_859 = arith.divf %sign3A_851, %add3A_858 : vector<1x2048xf32>
    %eq3A_860 = arith.constant 0.000000e+00 : f32
    %eq3A_861 = vector.broadcast %eq3A_860 : f32 to vector<1x2048xf32>
    %eq3A_862 = arith.cmpf oeq, %div3A_838, %eq3A_861 : vector<1x2048xf32>
    %jit3A_863 = arith.constant 1.000000e+00 : f32
    %broadcast_in_dim3A_864 = vector.broadcast %jit3A_863 : f32 to vector<1x2048xf32>
    %select_n3A_865 = arith.select %eq3A_862, %broadcast_in_dim3A_864, %div3A_859 : vector<1x2048xi1>, vector<1x2048xf32>
    %mul3A_866 = arith.mulf %select_n3A_865, %select_n3A_865 : vector<1x2048xf32>
    %add3A_867 = arith.constant 1.000000e+00 : f32
    %add3A_868 = vector.broadcast %add3A_867 : f32 to vector<1x2048xf32>
    %add3A_869 = arith.addf %add3A_868, %mul3A_866 : vector<1x2048xf32>
    %sqrt3A_870 = math.sqrt %add3A_869 : vector<1x2048xf32>
    %div3A_871 = arith.constant 1.000000e+00 : f32
    %div3A_872 = vector.broadcast %div3A_871 : f32 to vector<1x2048xf32>
    %div3A_873 = arith.divf %div3A_872, %sqrt3A_870 : vector<1x2048xf32>
    %mul3A_874 = arith.mulf %select_n3A_865, %div3A_873 : vector<1x2048xf32>
    %eq3A_875 = arith.constant 0.000000e+00 : f32
    %eq3A_876 = vector.broadcast %eq3A_875 : f32 to vector<1x2048xf32>
    %eq3A_877 = arith.cmpf oeq, %sub3A_800, %eq3A_876 : vector<1x2048xf32>
    %jit3A_878 = arith.constant 1.000000e+00 : f32
    %broadcast_in_dim3A_879 = vector.broadcast %jit3A_878 : f32 to vector<1x2048xf32>
    %select_n3A_880 = arith.select %eq3A_877, %broadcast_in_dim3A_879, %div3A_873 : vector<1x2048xi1>, vector<1x2048xf32>
    %jit3A_881 = arith.constant 0.000000e+00 : f32
    %broadcast_in_dim3A_882 = vector.broadcast %jit3A_881 : f32 to vector<1x2048xf32>
    %select_n3A_883 = arith.select %eq3A_877, %broadcast_in_dim3A_882, %mul3A_874 : vector<1x2048xi1>, vector<1x2048xf32>
    %mul3A_884 = arith.mulf %select_n3A_880, %sub3A_696 : vector<1x2048xf32>
    %mul3A_885 = arith.mulf %select_n3A_883, %sub3A_782 : vector<1x2048xf32>
    %sub3A_886 = arith.subf %mul3A_884, %mul3A_885 : vector<1x2048xf32>
    %mul3A_887 = arith.mulf %select_n3A_883, %sub3A_696 : vector<1x2048xf32>
    %mul3A_888 = arith.mulf %select_n3A_880, %sub3A_782 : vector<1x2048xf32>
    %add3A_889 = arith.addf %mul3A_887, %mul3A_888 : vector<1x2048xf32>
    %mul3A_890 = arith.mulf %select_n3A_880, %sub3A_800 : vector<1x2048xf32>
    %mul3A_891 = arith.mulf %select_n3A_883, %sub3A_806 : vector<1x2048xf32>
    %sub3A_892 = arith.subf %mul3A_890, %mul3A_891 : vector<1x2048xf32>
    %mul3A_893 = arith.mulf %select_n3A_883, %sub3A_800 : vector<1x2048xf32>
    %mul3A_894 = arith.mulf %select_n3A_880, %sub3A_806 : vector<1x2048xf32>
    %add3A_895 = arith.addf %mul3A_893, %mul3A_894 : vector<1x2048xf32>
    %mul3A_896 = arith.mulf %select_n3A_880, %add3A_803 : vector<1x2048xf32>
    %mul3A_897 = arith.mulf %select_n3A_883, %add3A_809 : vector<1x2048xf32>
    %sub3A_898 = arith.subf %mul3A_896, %mul3A_897 : vector<1x2048xf32>
    %mul3A_899 = arith.mulf %select_n3A_883, %add3A_803 : vector<1x2048xf32>
    %mul3A_900 = arith.mulf %select_n3A_880, %add3A_809 : vector<1x2048xf32>
    %add3A_901 = arith.addf %mul3A_899, %mul3A_900 : vector<1x2048xf32>
    %mul3A_902 = arith.mulf %select_n3A_880, %sub3A_886 : vector<1x2048xf32>
    %mul3A_903 = arith.mulf %select_n3A_883, %sub3A_892 : vector<1x2048xf32>
    %sub3A_904 = arith.subf %mul3A_902, %mul3A_903 : vector<1x2048xf32>
    %mul3A_905 = arith.mulf %select_n3A_883, %sub3A_886 : vector<1x2048xf32>
    %mul3A_906 = arith.mulf %select_n3A_880, %sub3A_892 : vector<1x2048xf32>
    %add3A_907 = arith.addf %mul3A_905, %mul3A_906 : vector<1x2048xf32>
    %mul3A_908 = arith.mulf %select_n3A_880, %add3A_889 : vector<1x2048xf32>
    %mul3A_909 = arith.mulf %select_n3A_883, %add3A_895 : vector<1x2048xf32>
    %sub3A_910 = arith.subf %mul3A_908, %mul3A_909 : vector<1x2048xf32>
    %mul3A_911 = arith.mulf %select_n3A_883, %add3A_889 : vector<1x2048xf32>
    %mul3A_912 = arith.mulf %select_n3A_880, %add3A_895 : vector<1x2048xf32>
    %add3A_913 = arith.addf %mul3A_911, %mul3A_912 : vector<1x2048xf32>
    %mul3A_914 = arith.mulf %select_n3A_880, %add3A_785 : vector<1x2048xf32>
    %mul3A_915 = arith.mulf %select_n3A_883, %sub3A_812 : vector<1x2048xf32>
    %sub3A_916 = arith.subf %mul3A_914, %mul3A_915 : vector<1x2048xf32>
    %mul3A_917 = arith.mulf %select_n3A_883, %add3A_785 : vector<1x2048xf32>
    %mul3A_918 = arith.mulf %select_n3A_880, %sub3A_812 : vector<1x2048xf32>
    %add3A_919 = arith.addf %mul3A_917, %mul3A_918 : vector<1x2048xf32>
    %mul3A_920 = arith.mulf %select_n3A_880, %sub3A_714 : vector<1x2048xf32>
    %mul3A_921 = arith.mulf %select_n3A_883, %sub3A_818 : vector<1x2048xf32>
    %sub3A_922 = arith.subf %mul3A_920, %mul3A_921 : vector<1x2048xf32>
    %mul3A_923 = arith.mulf %select_n3A_883, %sub3A_714 : vector<1x2048xf32>
    %mul3A_924 = arith.mulf %select_n3A_880, %sub3A_818 : vector<1x2048xf32>
    %add3A_925 = arith.addf %mul3A_923, %mul3A_924 : vector<1x2048xf32>
    %mul3A_926 = arith.mulf %select_n3A_880, %sub3A_720 : vector<1x2048xf32>
    %mul3A_927 = arith.mulf %select_n3A_883, %sub3A_824 : vector<1x2048xf32>
    %sub3A_928 = arith.subf %mul3A_926, %mul3A_927 : vector<1x2048xf32>
    %mul3A_929 = arith.mulf %select_n3A_883, %sub3A_720 : vector<1x2048xf32>
    %mul3A_930 = arith.mulf %select_n3A_880, %sub3A_824 : vector<1x2048xf32>
    %add3A_931 = arith.addf %mul3A_929, %mul3A_930 : vector<1x2048xf32>
    %mul3A_932 = arith.mulf %select_n3A_880, %sub3A_726 : vector<1x2048xf32>
    %mul3A_933 = arith.mulf %select_n3A_883, %sub3A_830 : vector<1x2048xf32>
    %sub3A_934 = arith.subf %mul3A_932, %mul3A_933 : vector<1x2048xf32>
    %mul3A_935 = arith.mulf %select_n3A_883, %sub3A_726 : vector<1x2048xf32>
    %mul3A_936 = arith.mulf %select_n3A_880, %sub3A_830 : vector<1x2048xf32>
    %add3A_937 = arith.addf %mul3A_935, %mul3A_936 : vector<1x2048xf32>
    %sub3A_938 = arith.subf %add3A_815, %sub3A_904 : vector<1x2048xf32>
    %mul3A_939 = arith.constant 2.000000e+00 : f32
    %mul3A_940 = vector.broadcast %mul3A_939 : f32 to vector<1x2048xf32>
    %mul3A_941 = arith.mulf %mul3A_940, %sub3A_898 : vector<1x2048xf32>
    %div3A_942 = arith.divf %sub3A_938, %mul3A_941 : vector<1x2048xf32>
    %sign3A_943 = tpu.bitcast %div3A_942 : vector<1x2048xf32> -> vector<1x2048xi32>
    %sign3A_944 = arith.constant -2147483648 : i32
    %sign3A_945 = vector.broadcast %sign3A_944 : i32 to vector<1x2048xi32>
    %sign3A_946 = arith.andi %sign3A_943, %sign3A_945 : vector<1x2048xi32>
    %sign3A_947 = arith.constant 1065353216 : i32
    %sign3A_948 = vector.broadcast %sign3A_947 : i32 to vector<1x2048xi32>
    %sign3A_949 = arith.ori %sign3A_948, %sign3A_946 : vector<1x2048xi32>
    %sign3A_950 = tpu.bitcast %sign3A_949 : vector<1x2048xi32> -> vector<1x2048xf32>
    %sign3A_951 = math.absf %div3A_942 : vector<1x2048xf32>
    %sign3A_952 = arith.constant 0.000000e+00 : f32
    %sign3A_953 = vector.broadcast %sign3A_952 : f32 to vector<1x2048xf32>
    %sign3A_954 = arith.cmpf ogt, %sign3A_951, %sign3A_953 : vector<1x2048xf32>
    %sign3A_955 = arith.select %sign3A_954, %sign3A_950, %div3A_942 : vector<1x2048xi1>, vector<1x2048xf32>
    %abs3A_956 = math.absf %div3A_942 : vector<1x2048xf32>
    %mul3A_957 = arith.mulf %div3A_942, %div3A_942 : vector<1x2048xf32>
    %add3A_958 = arith.constant 1.000000e+00 : f32
    %add3A_959 = vector.broadcast %add3A_958 : f32 to vector<1x2048xf32>
    %add3A_960 = arith.addf %add3A_959, %mul3A_957 : vector<1x2048xf32>
    %sqrt3A_961 = math.sqrt %add3A_960 : vector<1x2048xf32>
    %add3A_962 = arith.addf %abs3A_956, %sqrt3A_961 : vector<1x2048xf32>
    %div3A_963 = arith.divf %sign3A_955, %add3A_962 : vector<1x2048xf32>
    %eq3A_964 = arith.constant 0.000000e+00 : f32
    %eq3A_965 = vector.broadcast %eq3A_964 : f32 to vector<1x2048xf32>
    %eq3A_966 = arith.cmpf oeq, %div3A_942, %eq3A_965 : vector<1x2048xf32>
    %jit3A_967 = arith.constant 1.000000e+00 : f32
    %broadcast_in_dim3A_968 = vector.broadcast %jit3A_967 : f32 to vector<1x2048xf32>
    %select_n3A_969 = arith.select %eq3A_966, %broadcast_in_dim3A_968, %div3A_963 : vector<1x2048xi1>, vector<1x2048xf32>
    %mul3A_970 = arith.mulf %select_n3A_969, %select_n3A_969 : vector<1x2048xf32>
    %add3A_971 = arith.constant 1.000000e+00 : f32
    %add3A_972 = vector.broadcast %add3A_971 : f32 to vector<1x2048xf32>
    %add3A_973 = arith.addf %add3A_972, %mul3A_970 : vector<1x2048xf32>
    %sqrt3A_974 = math.sqrt %add3A_973 : vector<1x2048xf32>
    %div3A_975 = arith.constant 1.000000e+00 : f32
    %div3A_976 = vector.broadcast %div3A_975 : f32 to vector<1x2048xf32>
    %div3A_977 = arith.divf %div3A_976, %sqrt3A_974 : vector<1x2048xf32>
    %mul3A_978 = arith.mulf %select_n3A_969, %div3A_977 : vector<1x2048xf32>
    %eq3A_979 = arith.constant 0.000000e+00 : f32
    %eq3A_980 = vector.broadcast %eq3A_979 : f32 to vector<1x2048xf32>
    %eq3A_981 = arith.cmpf oeq, %sub3A_898, %eq3A_980 : vector<1x2048xf32>
    %jit3A_982 = arith.constant 1.000000e+00 : f32
    %broadcast_in_dim3A_983 = vector.broadcast %jit3A_982 : f32 to vector<1x2048xf32>
    %select_n3A_984 = arith.select %eq3A_981, %broadcast_in_dim3A_983, %div3A_977 : vector<1x2048xi1>, vector<1x2048xf32>
    %jit3A_985 = arith.constant 0.000000e+00 : f32
    %broadcast_in_dim3A_986 = vector.broadcast %jit3A_985 : f32 to vector<1x2048xf32>
    %select_n3A_987 = arith.select %eq3A_981, %broadcast_in_dim3A_986, %mul3A_978 : vector<1x2048xi1>, vector<1x2048xf32>
    %mul3A_988 = arith.mulf %select_n3A_984, %sub3A_904 : vector<1x2048xf32>
    %mul3A_989 = arith.mulf %select_n3A_987, %sub3A_916 : vector<1x2048xf32>
    %sub3A_990 = arith.subf %mul3A_988, %mul3A_989 : vector<1x2048xf32>
    %mul3A_991 = arith.mulf %select_n3A_987, %sub3A_904 : vector<1x2048xf32>
    %mul3A_992 = arith.mulf %select_n3A_984, %sub3A_916 : vector<1x2048xf32>
    %add3A_993 = arith.addf %mul3A_991, %mul3A_992 : vector<1x2048xf32>
    %mul3A_994 = arith.mulf %select_n3A_984, %add3A_907 : vector<1x2048xf32>
    %mul3A_995 = arith.mulf %select_n3A_987, %add3A_919 : vector<1x2048xf32>
    %sub3A_996 = arith.subf %mul3A_994, %mul3A_995 : vector<1x2048xf32>
    %mul3A_997 = arith.mulf %select_n3A_987, %add3A_907 : vector<1x2048xf32>
    %mul3A_998 = arith.mulf %select_n3A_984, %add3A_919 : vector<1x2048xf32>
    %add3A_999 = arith.addf %mul3A_997, %mul3A_998 : vector<1x2048xf32>
    %mul3A_1000 = arith.mulf %select_n3A_984, %sub3A_898 : vector<1x2048xf32>
    %mul3A_1001 = arith.mulf %select_n3A_987, %add3A_815 : vector<1x2048xf32>
    %sub3A_1002 = arith.subf %mul3A_1000, %mul3A_1001 : vector<1x2048xf32>
    %mul3A_1003 = arith.mulf %select_n3A_987, %sub3A_898 : vector<1x2048xf32>
    %mul3A_1004 = arith.mulf %select_n3A_984, %add3A_815 : vector<1x2048xf32>
    %add3A_1005 = arith.addf %mul3A_1003, %mul3A_1004 : vector<1x2048xf32>
    %mul3A_1006 = arith.mulf %select_n3A_984, %sub3A_990 : vector<1x2048xf32>
    %mul3A_1007 = arith.mulf %select_n3A_987, %sub3A_1002 : vector<1x2048xf32>
    %sub3A_1008 = arith.subf %mul3A_1006, %mul3A_1007 : vector<1x2048xf32>
    %mul3A_1009 = arith.mulf %select_n3A_987, %sub3A_990 : vector<1x2048xf32>
    %mul3A_1010 = arith.mulf %select_n3A_984, %sub3A_1002 : vector<1x2048xf32>
    %add3A_1011 = arith.addf %mul3A_1009, %mul3A_1010 : vector<1x2048xf32>
    %mul3A_1012 = arith.mulf %select_n3A_984, %sub3A_910 : vector<1x2048xf32>
    %mul3A_1013 = arith.mulf %select_n3A_987, %add3A_901 : vector<1x2048xf32>
    %sub3A_1014 = arith.subf %mul3A_1012, %mul3A_1013 : vector<1x2048xf32>
    %mul3A_1015 = arith.mulf %select_n3A_987, %sub3A_910 : vector<1x2048xf32>
    %mul3A_1016 = arith.mulf %select_n3A_984, %add3A_901 : vector<1x2048xf32>
    %add3A_1017 = arith.addf %mul3A_1015, %mul3A_1016 : vector<1x2048xf32>
    %mul3A_1018 = arith.mulf %select_n3A_984, %add3A_993 : vector<1x2048xf32>
    %mul3A_1019 = arith.mulf %select_n3A_987, %add3A_1005 : vector<1x2048xf32>
    %sub3A_1020 = arith.subf %mul3A_1018, %mul3A_1019 : vector<1x2048xf32>
    %mul3A_1021 = arith.mulf %select_n3A_987, %add3A_993 : vector<1x2048xf32>
    %mul3A_1022 = arith.mulf %select_n3A_984, %add3A_1005 : vector<1x2048xf32>
    %add3A_1023 = arith.addf %mul3A_1021, %mul3A_1022 : vector<1x2048xf32>
    %mul3A_1024 = arith.mulf %select_n3A_984, %sub3A_922 : vector<1x2048xf32>
    %mul3A_1025 = arith.mulf %select_n3A_987, %add3A_821 : vector<1x2048xf32>
    %sub3A_1026 = arith.subf %mul3A_1024, %mul3A_1025 : vector<1x2048xf32>
    %mul3A_1027 = arith.mulf %select_n3A_987, %sub3A_922 : vector<1x2048xf32>
    %mul3A_1028 = arith.mulf %select_n3A_984, %add3A_821 : vector<1x2048xf32>
    %add3A_1029 = arith.addf %mul3A_1027, %mul3A_1028 : vector<1x2048xf32>
    %mul3A_1030 = arith.mulf %select_n3A_984, %sub3A_928 : vector<1x2048xf32>
    %mul3A_1031 = arith.mulf %select_n3A_987, %add3A_827 : vector<1x2048xf32>
    %sub3A_1032 = arith.subf %mul3A_1030, %mul3A_1031 : vector<1x2048xf32>
    %mul3A_1033 = arith.mulf %select_n3A_987, %sub3A_928 : vector<1x2048xf32>
    %mul3A_1034 = arith.mulf %select_n3A_984, %add3A_827 : vector<1x2048xf32>
    %add3A_1035 = arith.addf %mul3A_1033, %mul3A_1034 : vector<1x2048xf32>
    %mul3A_1036 = arith.mulf %select_n3A_984, %sub3A_934 : vector<1x2048xf32>
    %mul3A_1037 = arith.mulf %select_n3A_987, %add3A_833 : vector<1x2048xf32>
    %sub3A_1038 = arith.subf %mul3A_1036, %mul3A_1037 : vector<1x2048xf32>
    %mul3A_1039 = arith.mulf %select_n3A_987, %sub3A_934 : vector<1x2048xf32>
    %mul3A_1040 = arith.mulf %select_n3A_984, %add3A_833 : vector<1x2048xf32>
    %add3A_1041 = arith.addf %mul3A_1039, %mul3A_1040 : vector<1x2048xf32>
    %sub3A_1042 = arith.subf %add3A_1023, %add3A_913 : vector<1x2048xf32>
    %mul3A_1043 = arith.constant 2.000000e+00 : f32
    %mul3A_1044 = vector.broadcast %mul3A_1043 : f32 to vector<1x2048xf32>
    %mul3A_1045 = arith.mulf %mul3A_1044, %add3A_1017 : vector<1x2048xf32>
    %div3A_1046 = arith.divf %sub3A_1042, %mul3A_1045 : vector<1x2048xf32>
    %sign3A_1047 = tpu.bitcast %div3A_1046 : vector<1x2048xf32> -> vector<1x2048xi32>
    %sign3A_1048 = arith.constant -2147483648 : i32
    %sign3A_1049 = vector.broadcast %sign3A_1048 : i32 to vector<1x2048xi32>
    %sign3A_1050 = arith.andi %sign3A_1047, %sign3A_1049 : vector<1x2048xi32>
    %sign3A_1051 = arith.constant 1065353216 : i32
    %sign3A_1052 = vector.broadcast %sign3A_1051 : i32 to vector<1x2048xi32>
    %sign3A_1053 = arith.ori %sign3A_1052, %sign3A_1050 : vector<1x2048xi32>
    %sign3A_1054 = tpu.bitcast %sign3A_1053 : vector<1x2048xi32> -> vector<1x2048xf32>
    %sign3A_1055 = math.absf %div3A_1046 : vector<1x2048xf32>
    %sign3A_1056 = arith.constant 0.000000e+00 : f32
    %sign3A_1057 = vector.broadcast %sign3A_1056 : f32 to vector<1x2048xf32>
    %sign3A_1058 = arith.cmpf ogt, %sign3A_1055, %sign3A_1057 : vector<1x2048xf32>
    %sign3A_1059 = arith.select %sign3A_1058, %sign3A_1054, %div3A_1046 : vector<1x2048xi1>, vector<1x2048xf32>
    %abs3A_1060 = math.absf %div3A_1046 : vector<1x2048xf32>
    %mul3A_1061 = arith.mulf %div3A_1046, %div3A_1046 : vector<1x2048xf32>
    %add3A_1062 = arith.constant 1.000000e+00 : f32
    %add3A_1063 = vector.broadcast %add3A_1062 : f32 to vector<1x2048xf32>
    %add3A_1064 = arith.addf %add3A_1063, %mul3A_1061 : vector<1x2048xf32>
    %sqrt3A_1065 = math.sqrt %add3A_1064 : vector<1x2048xf32>
    %add3A_1066 = arith.addf %abs3A_1060, %sqrt3A_1065 : vector<1x2048xf32>
    %div3A_1067 = arith.divf %sign3A_1059, %add3A_1066 : vector<1x2048xf32>
    %eq3A_1068 = arith.constant 0.000000e+00 : f32
    %eq3A_1069 = vector.broadcast %eq3A_1068 : f32 to vector<1x2048xf32>
    %eq3A_1070 = arith.cmpf oeq, %div3A_1046, %eq3A_1069 : vector<1x2048xf32>
    %jit3A_1071 = arith.constant 1.000000e+00 : f32
    %broadcast_in_dim3A_1072 = vector.broadcast %jit3A_1071 : f32 to vector<1x2048xf32>
    %select_n3A_1073 = arith.select %eq3A_1070, %broadcast_in_dim3A_1072, %div3A_1067 : vector<1x2048xi1>, vector<1x2048xf32>
    %mul3A_1074 = arith.mulf %select_n3A_1073, %select_n3A_1073 : vector<1x2048xf32>
    %add3A_1075 = arith.constant 1.000000e+00 : f32
    %add3A_1076 = vector.broadcast %add3A_1075 : f32 to vector<1x2048xf32>
    %add3A_1077 = arith.addf %add3A_1076, %mul3A_1074 : vector<1x2048xf32>
    %sqrt3A_1078 = math.sqrt %add3A_1077 : vector<1x2048xf32>
    %div3A_1079 = arith.constant 1.000000e+00 : f32
    %div3A_1080 = vector.broadcast %div3A_1079 : f32 to vector<1x2048xf32>
    %div3A_1081 = arith.divf %div3A_1080, %sqrt3A_1078 : vector<1x2048xf32>
    %mul3A_1082 = arith.mulf %select_n3A_1073, %div3A_1081 : vector<1x2048xf32>
    %eq3A_1083 = arith.constant 0.000000e+00 : f32
    %eq3A_1084 = vector.broadcast %eq3A_1083 : f32 to vector<1x2048xf32>
    %eq3A_1085 = arith.cmpf oeq, %add3A_1017, %eq3A_1084 : vector<1x2048xf32>
    %jit3A_1086 = arith.constant 1.000000e+00 : f32
    %broadcast_in_dim3A_1087 = vector.broadcast %jit3A_1086 : f32 to vector<1x2048xf32>
    %select_n3A_1088 = arith.select %eq3A_1085, %broadcast_in_dim3A_1087, %div3A_1081 : vector<1x2048xi1>, vector<1x2048xf32>
    %jit3A_1089 = arith.constant 0.000000e+00 : f32
    %broadcast_in_dim3A_1090 = vector.broadcast %jit3A_1089 : f32 to vector<1x2048xf32>
    %select_n3A_1091 = arith.select %eq3A_1085, %broadcast_in_dim3A_1090, %mul3A_1082 : vector<1x2048xi1>, vector<1x2048xf32>
    %mul3A_1092 = arith.mulf %select_n3A_1088, %sub3A_1014 : vector<1x2048xf32>
    %mul3A_1093 = arith.mulf %select_n3A_1091, %sub3A_1020 : vector<1x2048xf32>
    %sub3A_1094 = arith.subf %mul3A_1092, %mul3A_1093 : vector<1x2048xf32>
    %mul3A_1095 = arith.mulf %select_n3A_1088, %add3A_913 : vector<1x2048xf32>
    %mul3A_1096 = arith.mulf %select_n3A_1091, %add3A_999 : vector<1x2048xf32>
    %sub3A_1097 = arith.subf %mul3A_1095, %mul3A_1096 : vector<1x2048xf32>
    %mul3A_1098 = arith.mulf %select_n3A_1091, %add3A_913 : vector<1x2048xf32>
    %mul3A_1099 = arith.mulf %select_n3A_1088, %add3A_999 : vector<1x2048xf32>
    %add3A_1100 = arith.addf %mul3A_1098, %mul3A_1099 : vector<1x2048xf32>
    %mul3A_1101 = arith.mulf %select_n3A_1088, %add3A_1017 : vector<1x2048xf32>
    %mul3A_1102 = arith.mulf %select_n3A_1091, %add3A_1023 : vector<1x2048xf32>
    %sub3A_1103 = arith.subf %mul3A_1101, %mul3A_1102 : vector<1x2048xf32>
    %mul3A_1104 = arith.mulf %select_n3A_1091, %add3A_1017 : vector<1x2048xf32>
    %mul3A_1105 = arith.mulf %select_n3A_1088, %add3A_1023 : vector<1x2048xf32>
    %add3A_1106 = arith.addf %mul3A_1104, %mul3A_1105 : vector<1x2048xf32>
    %mul3A_1107 = arith.mulf %select_n3A_1088, %sub3A_996 : vector<1x2048xf32>
    %mul3A_1108 = arith.mulf %select_n3A_1091, %add3A_1011 : vector<1x2048xf32>
    %sub3A_1109 = arith.subf %mul3A_1107, %mul3A_1108 : vector<1x2048xf32>
    %mul3A_1110 = arith.mulf %select_n3A_1088, %sub3A_1097 : vector<1x2048xf32>
    %mul3A_1111 = arith.mulf %select_n3A_1091, %sub3A_1103 : vector<1x2048xf32>
    %sub3A_1112 = arith.subf %mul3A_1110, %mul3A_1111 : vector<1x2048xf32>
    %mul3A_1113 = arith.mulf %select_n3A_1091, %add3A_1100 : vector<1x2048xf32>
    %mul3A_1114 = arith.mulf %select_n3A_1088, %add3A_1106 : vector<1x2048xf32>
    %add3A_1115 = arith.addf %mul3A_1113, %mul3A_1114 : vector<1x2048xf32>
    %mul3A_1116 = arith.mulf %select_n3A_1088, %add3A_925 : vector<1x2048xf32>
    %mul3A_1117 = arith.mulf %select_n3A_1091, %add3A_1029 : vector<1x2048xf32>
    %sub3A_1118 = arith.subf %mul3A_1116, %mul3A_1117 : vector<1x2048xf32>
    %mul3A_1119 = arith.mulf %select_n3A_1091, %add3A_925 : vector<1x2048xf32>
    %mul3A_1120 = arith.mulf %select_n3A_1088, %add3A_1029 : vector<1x2048xf32>
    %add3A_1121 = arith.addf %mul3A_1119, %mul3A_1120 : vector<1x2048xf32>
    %mul3A_1122 = arith.mulf %select_n3A_1088, %add3A_931 : vector<1x2048xf32>
    %mul3A_1123 = arith.mulf %select_n3A_1091, %add3A_1035 : vector<1x2048xf32>
    %sub3A_1124 = arith.subf %mul3A_1122, %mul3A_1123 : vector<1x2048xf32>
    %mul3A_1125 = arith.mulf %select_n3A_1091, %add3A_931 : vector<1x2048xf32>
    %mul3A_1126 = arith.mulf %select_n3A_1088, %add3A_1035 : vector<1x2048xf32>
    %add3A_1127 = arith.addf %mul3A_1125, %mul3A_1126 : vector<1x2048xf32>
    %mul3A_1128 = arith.mulf %select_n3A_1088, %add3A_937 : vector<1x2048xf32>
    %mul3A_1129 = arith.mulf %select_n3A_1091, %add3A_1041 : vector<1x2048xf32>
    %sub3A_1130 = arith.subf %mul3A_1128, %mul3A_1129 : vector<1x2048xf32>
    %mul3A_1131 = arith.mulf %select_n3A_1091, %add3A_937 : vector<1x2048xf32>
    %mul3A_1132 = arith.mulf %select_n3A_1088, %add3A_1041 : vector<1x2048xf32>
    %add3A_1133 = arith.addf %mul3A_1131, %mul3A_1132 : vector<1x2048xf32>
    %sub3A_1134 = arith.subf %sub3A_1112, %sub3A_1008 : vector<1x2048xf32>
    %mul3A_1135 = arith.constant 2.000000e+00 : f32
    %mul3A_1136 = vector.broadcast %mul3A_1135 : f32 to vector<1x2048xf32>
    %mul3A_1137 = arith.mulf %mul3A_1136, %sub3A_1109 : vector<1x2048xf32>
    %div3A_1138 = arith.divf %sub3A_1134, %mul3A_1137 : vector<1x2048xf32>
    %sign3A_1139 = tpu.bitcast %div3A_1138 : vector<1x2048xf32> -> vector<1x2048xi32>
    %sign3A_1140 = arith.constant -2147483648 : i32
    %sign3A_1141 = vector.broadcast %sign3A_1140 : i32 to vector<1x2048xi32>
    %sign3A_1142 = arith.andi %sign3A_1139, %sign3A_1141 : vector<1x2048xi32>
    %sign3A_1143 = arith.constant 1065353216 : i32
    %sign3A_1144 = vector.broadcast %sign3A_1143 : i32 to vector<1x2048xi32>
    %sign3A_1145 = arith.ori %sign3A_1144, %sign3A_1142 : vector<1x2048xi32>
    %sign3A_1146 = tpu.bitcast %sign3A_1145 : vector<1x2048xi32> -> vector<1x2048xf32>
    %sign3A_1147 = math.absf %div3A_1138 : vector<1x2048xf32>
    %sign3A_1148 = arith.constant 0.000000e+00 : f32
    %sign3A_1149 = vector.broadcast %sign3A_1148 : f32 to vector<1x2048xf32>
    %sign3A_1150 = arith.cmpf ogt, %sign3A_1147, %sign3A_1149 : vector<1x2048xf32>
    %sign3A_1151 = arith.select %sign3A_1150, %sign3A_1146, %div3A_1138 : vector<1x2048xi1>, vector<1x2048xf32>
    %abs3A_1152 = math.absf %div3A_1138 : vector<1x2048xf32>
    %mul3A_1153 = arith.mulf %div3A_1138, %div3A_1138 : vector<1x2048xf32>
    %add3A_1154 = arith.constant 1.000000e+00 : f32
    %add3A_1155 = vector.broadcast %add3A_1154 : f32 to vector<1x2048xf32>
    %add3A_1156 = arith.addf %add3A_1155, %mul3A_1153 : vector<1x2048xf32>
    %sqrt3A_1157 = math.sqrt %add3A_1156 : vector<1x2048xf32>
    %add3A_1158 = arith.addf %abs3A_1152, %sqrt3A_1157 : vector<1x2048xf32>
    %div3A_1159 = arith.divf %sign3A_1151, %add3A_1158 : vector<1x2048xf32>
    %eq3A_1160 = arith.constant 0.000000e+00 : f32
    %eq3A_1161 = vector.broadcast %eq3A_1160 : f32 to vector<1x2048xf32>
    %eq3A_1162 = arith.cmpf oeq, %div3A_1138, %eq3A_1161 : vector<1x2048xf32>
    %jit3A_1163 = arith.constant 1.000000e+00 : f32
    %broadcast_in_dim3A_1164 = vector.broadcast %jit3A_1163 : f32 to vector<1x2048xf32>
    %select_n3A_1165 = arith.select %eq3A_1162, %broadcast_in_dim3A_1164, %div3A_1159 : vector<1x2048xi1>, vector<1x2048xf32>
    %mul3A_1166 = arith.mulf %select_n3A_1165, %select_n3A_1165 : vector<1x2048xf32>
    %add3A_1167 = arith.constant 1.000000e+00 : f32
    %add3A_1168 = vector.broadcast %add3A_1167 : f32 to vector<1x2048xf32>
    %add3A_1169 = arith.addf %add3A_1168, %mul3A_1166 : vector<1x2048xf32>
    %sqrt3A_1170 = math.sqrt %add3A_1169 : vector<1x2048xf32>
    %div3A_1171 = arith.constant 1.000000e+00 : f32
    %div3A_1172 = vector.broadcast %div3A_1171 : f32 to vector<1x2048xf32>
    %div3A_1173 = arith.divf %div3A_1172, %sqrt3A_1170 : vector<1x2048xf32>
    %mul3A_1174 = arith.mulf %select_n3A_1165, %div3A_1173 : vector<1x2048xf32>
    %eq3A_1175 = arith.constant 0.000000e+00 : f32
    %eq3A_1176 = vector.broadcast %eq3A_1175 : f32 to vector<1x2048xf32>
    %eq3A_1177 = arith.cmpf oeq, %sub3A_1109, %eq3A_1176 : vector<1x2048xf32>
    %jit3A_1178 = arith.constant 1.000000e+00 : f32
    %broadcast_in_dim3A_1179 = vector.broadcast %jit3A_1178 : f32 to vector<1x2048xf32>
    %select_n3A_1180 = arith.select %eq3A_1177, %broadcast_in_dim3A_1179, %div3A_1173 : vector<1x2048xi1>, vector<1x2048xf32>
    %jit3A_1181 = arith.constant 0.000000e+00 : f32
    %broadcast_in_dim3A_1182 = vector.broadcast %jit3A_1181 : f32 to vector<1x2048xf32>
    %select_n3A_1183 = arith.select %eq3A_1177, %broadcast_in_dim3A_1182, %mul3A_1174 : vector<1x2048xi1>, vector<1x2048xf32>
    %mul3A_1184 = arith.mulf %select_n3A_1180, %sub3A_1008 : vector<1x2048xf32>
    %mul3A_1185 = arith.mulf %select_n3A_1183, %sub3A_1094 : vector<1x2048xf32>
    %sub3A_1186 = arith.subf %mul3A_1184, %mul3A_1185 : vector<1x2048xf32>
    %mul3A_1187 = arith.mulf %select_n3A_1183, %sub3A_1008 : vector<1x2048xf32>
    %mul3A_1188 = arith.mulf %select_n3A_1180, %sub3A_1094 : vector<1x2048xf32>
    %add3A_1189 = arith.addf %mul3A_1187, %mul3A_1188 : vector<1x2048xf32>
    %mul3A_1190 = arith.mulf %select_n3A_1180, %sub3A_1109 : vector<1x2048xf32>
    %mul3A_1191 = arith.mulf %select_n3A_1183, %sub3A_1112 : vector<1x2048xf32>
    %sub3A_1192 = arith.subf %mul3A_1190, %mul3A_1191 : vector<1x2048xf32>
    %mul3A_1193 = arith.mulf %select_n3A_1183, %sub3A_1109 : vector<1x2048xf32>
    %mul3A_1194 = arith.mulf %select_n3A_1180, %sub3A_1112 : vector<1x2048xf32>
    %add3A_1195 = arith.addf %mul3A_1193, %mul3A_1194 : vector<1x2048xf32>
    %mul3A_1196 = arith.mulf %select_n3A_1180, %sub3A_1186 : vector<1x2048xf32>
    %mul3A_1197 = arith.mulf %select_n3A_1183, %sub3A_1192 : vector<1x2048xf32>
    %sub3A_1198 = arith.subf %mul3A_1196, %mul3A_1197 : vector<1x2048xf32>
    %mul3A_1199 = arith.mulf %select_n3A_1183, %add3A_1189 : vector<1x2048xf32>
    %mul3A_1200 = arith.mulf %select_n3A_1180, %add3A_1195 : vector<1x2048xf32>
    %add3A_1201 = arith.addf %mul3A_1199, %mul3A_1200 : vector<1x2048xf32>
    %mul3A_1202 = arith.mulf %select_n3A_1180, %sub3A_1026 : vector<1x2048xf32>
    %mul3A_1203 = arith.mulf %select_n3A_1183, %sub3A_1118 : vector<1x2048xf32>
    %sub3A_1204 = arith.subf %mul3A_1202, %mul3A_1203 : vector<1x2048xf32>
    %mul3A_1205 = arith.mulf %select_n3A_1183, %sub3A_1026 : vector<1x2048xf32>
    %mul3A_1206 = arith.mulf %select_n3A_1180, %sub3A_1118 : vector<1x2048xf32>
    %add3A_1207 = arith.addf %mul3A_1205, %mul3A_1206 : vector<1x2048xf32>
    %mul3A_1208 = arith.mulf %select_n3A_1180, %sub3A_1032 : vector<1x2048xf32>
    %mul3A_1209 = arith.mulf %select_n3A_1183, %sub3A_1124 : vector<1x2048xf32>
    %sub3A_1210 = arith.subf %mul3A_1208, %mul3A_1209 : vector<1x2048xf32>
    %mul3A_1211 = arith.mulf %select_n3A_1183, %sub3A_1032 : vector<1x2048xf32>
    %mul3A_1212 = arith.mulf %select_n3A_1180, %sub3A_1124 : vector<1x2048xf32>
    %add3A_1213 = arith.addf %mul3A_1211, %mul3A_1212 : vector<1x2048xf32>
    %mul3A_1214 = arith.mulf %select_n3A_1180, %sub3A_1038 : vector<1x2048xf32>
    %mul3A_1215 = arith.mulf %select_n3A_1183, %sub3A_1130 : vector<1x2048xf32>
    %sub3A_1216 = arith.subf %mul3A_1214, %mul3A_1215 : vector<1x2048xf32>
    %mul3A_1217 = arith.mulf %select_n3A_1183, %sub3A_1038 : vector<1x2048xf32>
    %mul3A_1218 = arith.mulf %select_n3A_1180, %sub3A_1130 : vector<1x2048xf32>
    %add3A_1219 = arith.addf %mul3A_1217, %mul3A_1218 : vector<1x2048xf32>
    %lt3A = arith.cmpf olt, %add3A_1201, %sub3A_1198 : vector<1x2048xf32>
    %select_n3A_1220 = arith.select %lt3A, %add3A_1201, %sub3A_1198 : vector<1x2048xi1>, vector<1x2048xf32>
    %select_n3A_1221 = arith.select %lt3A, %add3A_1207, %sub3A_1204 : vector<1x2048xi1>, vector<1x2048xf32>
    %select_n3A_1222 = arith.select %lt3A, %add3A_1213, %sub3A_1210 : vector<1x2048xi1>, vector<1x2048xf32>
    %select_n3A_1223 = arith.select %lt3A, %add3A_1219, %sub3A_1216 : vector<1x2048xi1>, vector<1x2048xf32>
    %lt3A_1224 = arith.cmpf olt, %add3A_1115, %select_n3A_1220 : vector<1x2048xf32>
    %select_n3A_1225 = arith.select %lt3A_1224, %add3A_1121, %select_n3A_1221 : vector<1x2048xi1>, vector<1x2048xf32>
    %select_n3A_1226 = arith.select %lt3A_1224, %add3A_1127, %select_n3A_1222 : vector<1x2048xi1>, vector<1x2048xf32>
    %select_n3A_1227 = arith.select %lt3A_1224, %add3A_1133, %select_n3A_1223 : vector<1x2048xi1>, vector<1x2048xf32>
    %mul3A_1228 = arith.mulf %select_n3A_1225, %select_n3A_1225 : vector<1x2048xf32>
    %mul3A_1229 = arith.mulf %select_n3A_1226, %select_n3A_1226 : vector<1x2048xf32>
    %add3A_1230 = arith.addf %mul3A_1228, %mul3A_1229 : vector<1x2048xf32>
    %mul3A_1231 = arith.mulf %select_n3A_1227, %select_n3A_1227 : vector<1x2048xf32>
    %add3A_1232 = arith.addf %add3A_1230, %mul3A_1231 : vector<1x2048xf32>
    %sqrt3A_1233 = math.sqrt %add3A_1232 : vector<1x2048xf32>
    %add3A_1234 = arith.constant 9.99999996E-13 : f32
    %add3A_1235 = vector.broadcast %add3A_1234 : f32 to vector<1x2048xf32>
    %add3A_1236 = arith.addf %sqrt3A_1233, %add3A_1235 : vector<1x2048xf32>
    %div3A_1237 = arith.divf %select_n3A_1225, %add3A_1236 : vector<1x2048xf32>
    %div3A_1238 = arith.divf %select_n3A_1226, %add3A_1236 : vector<1x2048xf32>
    %div3A_1239 = arith.divf %select_n3A_1227, %add3A_1236 : vector<1x2048xf32>
    %get3A_1240 = arith.constant 0 : index
    %get3A_1241 = arith.constant 0 : index
    %get3A_1242 = arith.constant 0 : index
    %get3A_1243 = vector.load %arg2[%get3A_1240, %get3A_1241, %get3A_1242] : memref<1x8x2048xf32, #tpu.memory_space<vmem>>, vector<1x8x2048xf32>
    %get3A_1244 = vector.shape_cast %get3A_1243 : vector<1x8x2048xf32> to vector<8x2048xf32>
    %slice3A_1245 = vector.extract_strided_slice %get3A_1244 {offsets = [0, 0], sizes = [1, 2048], strides = [1, 1]} : vector<8x2048xf32> to vector<1x2048xf32>
    %slice3A_1246 = vector.extract_strided_slice %get3A_1244 {offsets = [1, 0], sizes = [1, 2048], strides = [1, 1]} : vector<8x2048xf32> to vector<1x2048xf32>
    %slice3A_1247 = vector.extract_strided_slice %get3A_1244 {offsets = [2, 0], sizes = [1, 2048], strides = [1, 1]} : vector<8x2048xf32> to vector<1x2048xf32>
    %slice3A_1248 = vector.extract_strided_slice %get3A_1244 {offsets = [3, 0], sizes = [1, 2048], strides = [1, 1]} : vector<8x2048xf32> to vector<1x2048xf32>
    %slice3A_1249 = vector.extract_strided_slice %get3A_1244 {offsets = [4, 0], sizes = [1, 2048], strides = [1, 1]} : vector<8x2048xf32> to vector<1x2048xf32>
    %slice3A_1250 = vector.extract_strided_slice %get3A_1244 {offsets = [5, 0], sizes = [1, 2048], strides = [1, 1]} : vector<8x2048xf32> to vector<1x2048xf32>
    %broadcast_in_dim3A_1251 = arith.constant 1.000000e+00 : f32
    %broadcast_in_dim3A_1252 = vector.broadcast %broadcast_in_dim3A_1251 : f32 to vector<1x2048xf32>
    %broadcast_in_dim3A_1253 = arith.constant 0.000000e+00 : f32
    %broadcast_in_dim3A_1254 = vector.broadcast %broadcast_in_dim3A_1253 : f32 to vector<1x2048xf32>
    %sub3A_1255 = arith.subf %slice3A_1247, %slice3A_1245 : vector<1x2048xf32>
    %mul3A_1256 = arith.constant 2.000000e+00 : f32
    %mul3A_1257 = vector.broadcast %mul3A_1256 : f32 to vector<1x2048xf32>
    %mul3A_1258 = arith.mulf %mul3A_1257, %slice3A_1249 : vector<1x2048xf32>
    %div3A_1259 = arith.divf %sub3A_1255, %mul3A_1258 : vector<1x2048xf32>
    %sign3A_1260 = tpu.bitcast %div3A_1259 : vector<1x2048xf32> -> vector<1x2048xi32>
    %sign3A_1261 = arith.constant -2147483648 : i32
    %sign3A_1262 = vector.broadcast %sign3A_1261 : i32 to vector<1x2048xi32>
    %sign3A_1263 = arith.andi %sign3A_1260, %sign3A_1262 : vector<1x2048xi32>
    %sign3A_1264 = arith.constant 1065353216 : i32
    %sign3A_1265 = vector.broadcast %sign3A_1264 : i32 to vector<1x2048xi32>
    %sign3A_1266 = arith.ori %sign3A_1265, %sign3A_1263 : vector<1x2048xi32>
    %sign3A_1267 = tpu.bitcast %sign3A_1266 : vector<1x2048xi32> -> vector<1x2048xf32>
    %sign3A_1268 = math.absf %div3A_1259 : vector<1x2048xf32>
    %sign3A_1269 = arith.constant 0.000000e+00 : f32
    %sign3A_1270 = vector.broadcast %sign3A_1269 : f32 to vector<1x2048xf32>
    %sign3A_1271 = arith.cmpf ogt, %sign3A_1268, %sign3A_1270 : vector<1x2048xf32>
    %sign3A_1272 = arith.select %sign3A_1271, %sign3A_1267, %div3A_1259 : vector<1x2048xi1>, vector<1x2048xf32>
    %abs3A_1273 = math.absf %div3A_1259 : vector<1x2048xf32>
    %mul3A_1274 = arith.mulf %div3A_1259, %div3A_1259 : vector<1x2048xf32>
    %add3A_1275 = arith.constant 1.000000e+00 : f32
    %add3A_1276 = vector.broadcast %add3A_1275 : f32 to vector<1x2048xf32>
    %add3A_1277 = arith.addf %add3A_1276, %mul3A_1274 : vector<1x2048xf32>
    %sqrt3A_1278 = math.sqrt %add3A_1277 : vector<1x2048xf32>
    %add3A_1279 = arith.addf %abs3A_1273, %sqrt3A_1278 : vector<1x2048xf32>
    %div3A_1280 = arith.divf %sign3A_1272, %add3A_1279 : vector<1x2048xf32>
    %eq3A_1281 = arith.constant 0.000000e+00 : f32
    %eq3A_1282 = vector.broadcast %eq3A_1281 : f32 to vector<1x2048xf32>
    %eq3A_1283 = arith.cmpf oeq, %div3A_1259, %eq3A_1282 : vector<1x2048xf32>
    %jit3A_1284 = arith.constant 1.000000e+00 : f32
    %broadcast_in_dim3A_1285 = vector.broadcast %jit3A_1284 : f32 to vector<1x2048xf32>
    %select_n3A_1286 = arith.select %eq3A_1283, %broadcast_in_dim3A_1285, %div3A_1280 : vector<1x2048xi1>, vector<1x2048xf32>
    %mul3A_1287 = arith.mulf %select_n3A_1286, %select_n3A_1286 : vector<1x2048xf32>
    %add3A_1288 = arith.constant 1.000000e+00 : f32
    %add3A_1289 = vector.broadcast %add3A_1288 : f32 to vector<1x2048xf32>
    %add3A_1290 = arith.addf %add3A_1289, %mul3A_1287 : vector<1x2048xf32>
    %sqrt3A_1291 = math.sqrt %add3A_1290 : vector<1x2048xf32>
    %div3A_1292 = arith.constant 1.000000e+00 : f32
    %div3A_1293 = vector.broadcast %div3A_1292 : f32 to vector<1x2048xf32>
    %div3A_1294 = arith.divf %div3A_1293, %sqrt3A_1291 : vector<1x2048xf32>
    %mul3A_1295 = arith.mulf %select_n3A_1286, %div3A_1294 : vector<1x2048xf32>
    %eq3A_1296 = arith.constant 0.000000e+00 : f32
    %eq3A_1297 = vector.broadcast %eq3A_1296 : f32 to vector<1x2048xf32>
    %eq3A_1298 = arith.cmpf oeq, %slice3A_1249, %eq3A_1297 : vector<1x2048xf32>
    %jit3A_1299 = arith.constant 1.000000e+00 : f32
    %broadcast_in_dim3A_1300 = vector.broadcast %jit3A_1299 : f32 to vector<1x2048xf32>
    %select_n3A_1301 = arith.select %eq3A_1298, %broadcast_in_dim3A_1300, %div3A_1294 : vector<1x2048xi1>, vector<1x2048xf32>
    %jit3A_1302 = arith.constant 0.000000e+00 : f32
    %broadcast_in_dim3A_1303 = vector.broadcast %jit3A_1302 : f32 to vector<1x2048xf32>
    %select_n3A_1304 = arith.select %eq3A_1298, %broadcast_in_dim3A_1303, %mul3A_1295 : vector<1x2048xi1>, vector<1x2048xf32>
    %mul3A_1305 = arith.mulf %select_n3A_1301, %slice3A_1245 : vector<1x2048xf32>
    %mul3A_1306 = arith.mulf %select_n3A_1304, %slice3A_1249 : vector<1x2048xf32>
    %sub3A_1307 = arith.subf %mul3A_1305, %mul3A_1306 : vector<1x2048xf32>
    %mul3A_1308 = arith.mulf %select_n3A_1304, %slice3A_1245 : vector<1x2048xf32>
    %mul3A_1309 = arith.mulf %select_n3A_1301, %slice3A_1249 : vector<1x2048xf32>
    %add3A_1310 = arith.addf %mul3A_1308, %mul3A_1309 : vector<1x2048xf32>
    %mul3A_1311 = arith.mulf %select_n3A_1301, %slice3A_1248 : vector<1x2048xf32>
    %mul3A_1312 = arith.mulf %select_n3A_1304, %slice3A_1250 : vector<1x2048xf32>
    %sub3A_1313 = arith.subf %mul3A_1311, %mul3A_1312 : vector<1x2048xf32>
    %mul3A_1314 = arith.mulf %select_n3A_1304, %slice3A_1248 : vector<1x2048xf32>
    %mul3A_1315 = arith.mulf %select_n3A_1301, %slice3A_1250 : vector<1x2048xf32>
    %add3A_1316 = arith.addf %mul3A_1314, %mul3A_1315 : vector<1x2048xf32>
    %mul3A_1317 = arith.mulf %select_n3A_1301, %slice3A_1249 : vector<1x2048xf32>
    %mul3A_1318 = arith.mulf %select_n3A_1304, %slice3A_1247 : vector<1x2048xf32>
    %sub3A_1319 = arith.subf %mul3A_1317, %mul3A_1318 : vector<1x2048xf32>
    %mul3A_1320 = arith.mulf %select_n3A_1304, %slice3A_1249 : vector<1x2048xf32>
    %mul3A_1321 = arith.mulf %select_n3A_1301, %slice3A_1247 : vector<1x2048xf32>
    %add3A_1322 = arith.addf %mul3A_1320, %mul3A_1321 : vector<1x2048xf32>
    %mul3A_1323 = arith.mulf %select_n3A_1301, %sub3A_1307 : vector<1x2048xf32>
    %mul3A_1324 = arith.mulf %select_n3A_1304, %sub3A_1319 : vector<1x2048xf32>
    %sub3A_1325 = arith.subf %mul3A_1323, %mul3A_1324 : vector<1x2048xf32>
    %mul3A_1326 = arith.mulf %select_n3A_1304, %sub3A_1307 : vector<1x2048xf32>
    %mul3A_1327 = arith.mulf %select_n3A_1301, %sub3A_1319 : vector<1x2048xf32>
    %add3A_1328 = arith.addf %mul3A_1326, %mul3A_1327 : vector<1x2048xf32>
    %mul3A_1329 = arith.mulf %select_n3A_1301, %slice3A_1248 : vector<1x2048xf32>
    %mul3A_1330 = arith.mulf %select_n3A_1304, %slice3A_1250 : vector<1x2048xf32>
    %sub3A_1331 = arith.subf %mul3A_1329, %mul3A_1330 : vector<1x2048xf32>
    %mul3A_1332 = arith.mulf %select_n3A_1304, %slice3A_1248 : vector<1x2048xf32>
    %mul3A_1333 = arith.mulf %select_n3A_1301, %slice3A_1250 : vector<1x2048xf32>
    %add3A_1334 = arith.addf %mul3A_1332, %mul3A_1333 : vector<1x2048xf32>
    %mul3A_1335 = arith.mulf %select_n3A_1301, %add3A_1310 : vector<1x2048xf32>
    %mul3A_1336 = arith.mulf %select_n3A_1304, %add3A_1322 : vector<1x2048xf32>
    %sub3A_1337 = arith.subf %mul3A_1335, %mul3A_1336 : vector<1x2048xf32>
    %mul3A_1338 = arith.mulf %select_n3A_1304, %add3A_1310 : vector<1x2048xf32>
    %mul3A_1339 = arith.mulf %select_n3A_1301, %add3A_1322 : vector<1x2048xf32>
    %add3A_1340 = arith.addf %mul3A_1338, %mul3A_1339 : vector<1x2048xf32>
    %mul3A_1341 = arith.mulf %select_n3A_1301, %broadcast_in_dim3A_1252 : vector<1x2048xf32>
    %mul3A_1342 = arith.mulf %select_n3A_1304, %broadcast_in_dim3A_1254 : vector<1x2048xf32>
    %sub3A_1343 = arith.subf %mul3A_1341, %mul3A_1342 : vector<1x2048xf32>
    %mul3A_1344 = arith.mulf %select_n3A_1304, %broadcast_in_dim3A_1252 : vector<1x2048xf32>
    %mul3A_1345 = arith.mulf %select_n3A_1301, %broadcast_in_dim3A_1254 : vector<1x2048xf32>
    %add3A_1346 = arith.addf %mul3A_1344, %mul3A_1345 : vector<1x2048xf32>
    %mul3A_1347 = arith.mulf %select_n3A_1301, %broadcast_in_dim3A_1254 : vector<1x2048xf32>
    %mul3A_1348 = arith.mulf %select_n3A_1304, %broadcast_in_dim3A_1254 : vector<1x2048xf32>
    %sub3A_1349 = arith.subf %mul3A_1347, %mul3A_1348 : vector<1x2048xf32>
    %mul3A_1350 = arith.mulf %select_n3A_1304, %broadcast_in_dim3A_1254 : vector<1x2048xf32>
    %mul3A_1351 = arith.mulf %select_n3A_1301, %broadcast_in_dim3A_1254 : vector<1x2048xf32>
    %add3A_1352 = arith.addf %mul3A_1350, %mul3A_1351 : vector<1x2048xf32>
    %mul3A_1353 = arith.mulf %select_n3A_1301, %broadcast_in_dim3A_1254 : vector<1x2048xf32>
    %mul3A_1354 = arith.mulf %select_n3A_1304, %broadcast_in_dim3A_1252 : vector<1x2048xf32>
    %sub3A_1355 = arith.subf %mul3A_1353, %mul3A_1354 : vector<1x2048xf32>
    %mul3A_1356 = arith.mulf %select_n3A_1304, %broadcast_in_dim3A_1254 : vector<1x2048xf32>
    %mul3A_1357 = arith.mulf %select_n3A_1301, %broadcast_in_dim3A_1252 : vector<1x2048xf32>
    %add3A_1358 = arith.addf %mul3A_1356, %mul3A_1357 : vector<1x2048xf32>
    %sub3A_1359 = arith.subf %add3A_1340, %slice3A_1246 : vector<1x2048xf32>
    %mul3A_1360 = arith.constant 2.000000e+00 : f32
    %mul3A_1361 = vector.broadcast %mul3A_1360 : f32 to vector<1x2048xf32>
    %mul3A_1362 = arith.mulf %mul3A_1361, %add3A_1334 : vector<1x2048xf32>
    %div3A_1363 = arith.divf %sub3A_1359, %mul3A_1362 : vector<1x2048xf32>
    %sign3A_1364 = tpu.bitcast %div3A_1363 : vector<1x2048xf32> -> vector<1x2048xi32>
    %sign3A_1365 = arith.constant -2147483648 : i32
    %sign3A_1366 = vector.broadcast %sign3A_1365 : i32 to vector<1x2048xi32>
    %sign3A_1367 = arith.andi %sign3A_1364, %sign3A_1366 : vector<1x2048xi32>
    %sign3A_1368 = arith.constant 1065353216 : i32
    %sign3A_1369 = vector.broadcast %sign3A_1368 : i32 to vector<1x2048xi32>
    %sign3A_1370 = arith.ori %sign3A_1369, %sign3A_1367 : vector<1x2048xi32>
    %sign3A_1371 = tpu.bitcast %sign3A_1370 : vector<1x2048xi32> -> vector<1x2048xf32>
    %sign3A_1372 = math.absf %div3A_1363 : vector<1x2048xf32>
    %sign3A_1373 = arith.constant 0.000000e+00 : f32
    %sign3A_1374 = vector.broadcast %sign3A_1373 : f32 to vector<1x2048xf32>
    %sign3A_1375 = arith.cmpf ogt, %sign3A_1372, %sign3A_1374 : vector<1x2048xf32>
    %sign3A_1376 = arith.select %sign3A_1375, %sign3A_1371, %div3A_1363 : vector<1x2048xi1>, vector<1x2048xf32>
    %abs3A_1377 = math.absf %div3A_1363 : vector<1x2048xf32>
    %mul3A_1378 = arith.mulf %div3A_1363, %div3A_1363 : vector<1x2048xf32>
    %add3A_1379 = arith.constant 1.000000e+00 : f32
    %add3A_1380 = vector.broadcast %add3A_1379 : f32 to vector<1x2048xf32>
    %add3A_1381 = arith.addf %add3A_1380, %mul3A_1378 : vector<1x2048xf32>
    %sqrt3A_1382 = math.sqrt %add3A_1381 : vector<1x2048xf32>
    %add3A_1383 = arith.addf %abs3A_1377, %sqrt3A_1382 : vector<1x2048xf32>
    %div3A_1384 = arith.divf %sign3A_1376, %add3A_1383 : vector<1x2048xf32>
    %eq3A_1385 = arith.constant 0.000000e+00 : f32
    %eq3A_1386 = vector.broadcast %eq3A_1385 : f32 to vector<1x2048xf32>
    %eq3A_1387 = arith.cmpf oeq, %div3A_1363, %eq3A_1386 : vector<1x2048xf32>
    %jit3A_1388 = arith.constant 1.000000e+00 : f32
    %broadcast_in_dim3A_1389 = vector.broadcast %jit3A_1388 : f32 to vector<1x2048xf32>
    %select_n3A_1390 = arith.select %eq3A_1387, %broadcast_in_dim3A_1389, %div3A_1384 : vector<1x2048xi1>, vector<1x2048xf32>
    %mul3A_1391 = arith.mulf %select_n3A_1390, %select_n3A_1390 : vector<1x2048xf32>
    %add3A_1392 = arith.constant 1.000000e+00 : f32
    %add3A_1393 = vector.broadcast %add3A_1392 : f32 to vector<1x2048xf32>
    %add3A_1394 = arith.addf %add3A_1393, %mul3A_1391 : vector<1x2048xf32>
    %sqrt3A_1395 = math.sqrt %add3A_1394 : vector<1x2048xf32>
    %div3A_1396 = arith.constant 1.000000e+00 : f32
    %div3A_1397 = vector.broadcast %div3A_1396 : f32 to vector<1x2048xf32>
    %div3A_1398 = arith.divf %div3A_1397, %sqrt3A_1395 : vector<1x2048xf32>
    %mul3A_1399 = arith.mulf %select_n3A_1390, %div3A_1398 : vector<1x2048xf32>
    %eq3A_1400 = arith.constant 0.000000e+00 : f32
    %eq3A_1401 = vector.broadcast %eq3A_1400 : f32 to vector<1x2048xf32>
    %eq3A_1402 = arith.cmpf oeq, %add3A_1334, %eq3A_1401 : vector<1x2048xf32>
    %jit3A_1403 = arith.constant 1.000000e+00 : f32
    %broadcast_in_dim3A_1404 = vector.broadcast %jit3A_1403 : f32 to vector<1x2048xf32>
    %select_n3A_1405 = arith.select %eq3A_1402, %broadcast_in_dim3A_1404, %div3A_1398 : vector<1x2048xi1>, vector<1x2048xf32>
    %jit3A_1406 = arith.constant 0.000000e+00 : f32
    %broadcast_in_dim3A_1407 = vector.broadcast %jit3A_1406 : f32 to vector<1x2048xf32>
    %select_n3A_1408 = arith.select %eq3A_1402, %broadcast_in_dim3A_1407, %mul3A_1399 : vector<1x2048xi1>, vector<1x2048xf32>
    %mul3A_1409 = arith.mulf %select_n3A_1405, %sub3A_1331 : vector<1x2048xf32>
    %mul3A_1410 = arith.mulf %select_n3A_1408, %sub3A_1337 : vector<1x2048xf32>
    %sub3A_1411 = arith.subf %mul3A_1409, %mul3A_1410 : vector<1x2048xf32>
    %mul3A_1412 = arith.mulf %select_n3A_1408, %sub3A_1331 : vector<1x2048xf32>
    %mul3A_1413 = arith.mulf %select_n3A_1405, %sub3A_1337 : vector<1x2048xf32>
    %add3A_1414 = arith.addf %mul3A_1412, %mul3A_1413 : vector<1x2048xf32>
    %mul3A_1415 = arith.mulf %select_n3A_1405, %slice3A_1246 : vector<1x2048xf32>
    %mul3A_1416 = arith.mulf %select_n3A_1408, %add3A_1316 : vector<1x2048xf32>
    %sub3A_1417 = arith.subf %mul3A_1415, %mul3A_1416 : vector<1x2048xf32>
    %mul3A_1418 = arith.mulf %select_n3A_1408, %slice3A_1246 : vector<1x2048xf32>
    %mul3A_1419 = arith.mulf %select_n3A_1405, %add3A_1316 : vector<1x2048xf32>
    %add3A_1420 = arith.addf %mul3A_1418, %mul3A_1419 : vector<1x2048xf32>
    %mul3A_1421 = arith.mulf %select_n3A_1405, %add3A_1334 : vector<1x2048xf32>
    %mul3A_1422 = arith.mulf %select_n3A_1408, %add3A_1340 : vector<1x2048xf32>
    %sub3A_1423 = arith.subf %mul3A_1421, %mul3A_1422 : vector<1x2048xf32>
    %mul3A_1424 = arith.mulf %select_n3A_1408, %add3A_1334 : vector<1x2048xf32>
    %mul3A_1425 = arith.mulf %select_n3A_1405, %add3A_1340 : vector<1x2048xf32>
    %add3A_1426 = arith.addf %mul3A_1424, %mul3A_1425 : vector<1x2048xf32>
    %mul3A_1427 = arith.mulf %select_n3A_1405, %sub3A_1313 : vector<1x2048xf32>
    %mul3A_1428 = arith.mulf %select_n3A_1408, %add3A_1328 : vector<1x2048xf32>
    %sub3A_1429 = arith.subf %mul3A_1427, %mul3A_1428 : vector<1x2048xf32>
    %mul3A_1430 = arith.mulf %select_n3A_1408, %sub3A_1313 : vector<1x2048xf32>
    %mul3A_1431 = arith.mulf %select_n3A_1405, %add3A_1328 : vector<1x2048xf32>
    %add3A_1432 = arith.addf %mul3A_1430, %mul3A_1431 : vector<1x2048xf32>
    %mul3A_1433 = arith.mulf %select_n3A_1405, %sub3A_1417 : vector<1x2048xf32>
    %mul3A_1434 = arith.mulf %select_n3A_1408, %sub3A_1423 : vector<1x2048xf32>
    %sub3A_1435 = arith.subf %mul3A_1433, %mul3A_1434 : vector<1x2048xf32>
    %mul3A_1436 = arith.mulf %select_n3A_1408, %sub3A_1417 : vector<1x2048xf32>
    %mul3A_1437 = arith.mulf %select_n3A_1405, %sub3A_1423 : vector<1x2048xf32>
    %add3A_1438 = arith.addf %mul3A_1436, %mul3A_1437 : vector<1x2048xf32>
    %mul3A_1439 = arith.mulf %select_n3A_1405, %add3A_1420 : vector<1x2048xf32>
    %mul3A_1440 = arith.mulf %select_n3A_1408, %add3A_1426 : vector<1x2048xf32>
    %sub3A_1441 = arith.subf %mul3A_1439, %mul3A_1440 : vector<1x2048xf32>
    %mul3A_1442 = arith.mulf %select_n3A_1408, %add3A_1420 : vector<1x2048xf32>
    %mul3A_1443 = arith.mulf %select_n3A_1405, %add3A_1426 : vector<1x2048xf32>
    %add3A_1444 = arith.addf %mul3A_1442, %mul3A_1443 : vector<1x2048xf32>
    %mul3A_1445 = arith.mulf %select_n3A_1405, %broadcast_in_dim3A_1254 : vector<1x2048xf32>
    %mul3A_1446 = arith.mulf %select_n3A_1408, %add3A_1346 : vector<1x2048xf32>
    %sub3A_1447 = arith.subf %mul3A_1445, %mul3A_1446 : vector<1x2048xf32>
    %mul3A_1448 = arith.mulf %select_n3A_1408, %broadcast_in_dim3A_1254 : vector<1x2048xf32>
    %mul3A_1449 = arith.mulf %select_n3A_1405, %add3A_1346 : vector<1x2048xf32>
    %add3A_1450 = arith.addf %mul3A_1448, %mul3A_1449 : vector<1x2048xf32>
    %mul3A_1451 = arith.mulf %select_n3A_1405, %broadcast_in_dim3A_1252 : vector<1x2048xf32>
    %mul3A_1452 = arith.mulf %select_n3A_1408, %add3A_1352 : vector<1x2048xf32>
    %sub3A_1453 = arith.subf %mul3A_1451, %mul3A_1452 : vector<1x2048xf32>
    %mul3A_1454 = arith.mulf %select_n3A_1408, %broadcast_in_dim3A_1252 : vector<1x2048xf32>
    %mul3A_1455 = arith.mulf %select_n3A_1405, %add3A_1352 : vector<1x2048xf32>
    %add3A_1456 = arith.addf %mul3A_1454, %mul3A_1455 : vector<1x2048xf32>
    %mul3A_1457 = arith.mulf %select_n3A_1405, %broadcast_in_dim3A_1254 : vector<1x2048xf32>
    %mul3A_1458 = arith.mulf %select_n3A_1408, %add3A_1358 : vector<1x2048xf32>
    %sub3A_1459 = arith.subf %mul3A_1457, %mul3A_1458 : vector<1x2048xf32>
    %mul3A_1460 = arith.mulf %select_n3A_1408, %broadcast_in_dim3A_1254 : vector<1x2048xf32>
    %mul3A_1461 = arith.mulf %select_n3A_1405, %add3A_1358 : vector<1x2048xf32>
    %add3A_1462 = arith.addf %mul3A_1460, %mul3A_1461 : vector<1x2048xf32>
    %sub3A_1463 = arith.subf %sub3A_1435, %sub3A_1325 : vector<1x2048xf32>
    %mul3A_1464 = arith.constant 2.000000e+00 : f32
    %mul3A_1465 = vector.broadcast %mul3A_1464 : f32 to vector<1x2048xf32>
    %mul3A_1466 = arith.mulf %mul3A_1465, %sub3A_1429 : vector<1x2048xf32>
    %div3A_1467 = arith.divf %sub3A_1463, %mul3A_1466 : vector<1x2048xf32>
    %sign3A_1468 = tpu.bitcast %div3A_1467 : vector<1x2048xf32> -> vector<1x2048xi32>
    %sign3A_1469 = arith.constant -2147483648 : i32
    %sign3A_1470 = vector.broadcast %sign3A_1469 : i32 to vector<1x2048xi32>
    %sign3A_1471 = arith.andi %sign3A_1468, %sign3A_1470 : vector<1x2048xi32>
    %sign3A_1472 = arith.constant 1065353216 : i32
    %sign3A_1473 = vector.broadcast %sign3A_1472 : i32 to vector<1x2048xi32>
    %sign3A_1474 = arith.ori %sign3A_1473, %sign3A_1471 : vector<1x2048xi32>
    %sign3A_1475 = tpu.bitcast %sign3A_1474 : vector<1x2048xi32> -> vector<1x2048xf32>
    %sign3A_1476 = math.absf %div3A_1467 : vector<1x2048xf32>
    %sign3A_1477 = arith.constant 0.000000e+00 : f32
    %sign3A_1478 = vector.broadcast %sign3A_1477 : f32 to vector<1x2048xf32>
    %sign3A_1479 = arith.cmpf ogt, %sign3A_1476, %sign3A_1478 : vector<1x2048xf32>
    %sign3A_1480 = arith.select %sign3A_1479, %sign3A_1475, %div3A_1467 : vector<1x2048xi1>, vector<1x2048xf32>
    %abs3A_1481 = math.absf %div3A_1467 : vector<1x2048xf32>
    %mul3A_1482 = arith.mulf %div3A_1467, %div3A_1467 : vector<1x2048xf32>
    %add3A_1483 = arith.constant 1.000000e+00 : f32
    %add3A_1484 = vector.broadcast %add3A_1483 : f32 to vector<1x2048xf32>
    %add3A_1485 = arith.addf %add3A_1484, %mul3A_1482 : vector<1x2048xf32>
    %sqrt3A_1486 = math.sqrt %add3A_1485 : vector<1x2048xf32>
    %add3A_1487 = arith.addf %abs3A_1481, %sqrt3A_1486 : vector<1x2048xf32>
    %div3A_1488 = arith.divf %sign3A_1480, %add3A_1487 : vector<1x2048xf32>
    %eq3A_1489 = arith.constant 0.000000e+00 : f32
    %eq3A_1490 = vector.broadcast %eq3A_1489 : f32 to vector<1x2048xf32>
    %eq3A_1491 = arith.cmpf oeq, %div3A_1467, %eq3A_1490 : vector<1x2048xf32>
    %jit3A_1492 = arith.constant 1.000000e+00 : f32
    %broadcast_in_dim3A_1493 = vector.broadcast %jit3A_1492 : f32 to vector<1x2048xf32>
    %select_n3A_1494 = arith.select %eq3A_1491, %broadcast_in_dim3A_1493, %div3A_1488 : vector<1x2048xi1>, vector<1x2048xf32>
    %mul3A_1495 = arith.mulf %select_n3A_1494, %select_n3A_1494 : vector<1x2048xf32>
    %add3A_1496 = arith.constant 1.000000e+00 : f32
    %add3A_1497 = vector.broadcast %add3A_1496 : f32 to vector<1x2048xf32>
    %add3A_1498 = arith.addf %add3A_1497, %mul3A_1495 : vector<1x2048xf32>
    %sqrt3A_1499 = math.sqrt %add3A_1498 : vector<1x2048xf32>
    %div3A_1500 = arith.constant 1.000000e+00 : f32
    %div3A_1501 = vector.broadcast %div3A_1500 : f32 to vector<1x2048xf32>
    %div3A_1502 = arith.divf %div3A_1501, %sqrt3A_1499 : vector<1x2048xf32>
    %mul3A_1503 = arith.mulf %select_n3A_1494, %div3A_1502 : vector<1x2048xf32>
    %eq3A_1504 = arith.constant 0.000000e+00 : f32
    %eq3A_1505 = vector.broadcast %eq3A_1504 : f32 to vector<1x2048xf32>
    %eq3A_1506 = arith.cmpf oeq, %sub3A_1429, %eq3A_1505 : vector<1x2048xf32>
    %jit3A_1507 = arith.constant 1.000000e+00 : f32
    %broadcast_in_dim3A_1508 = vector.broadcast %jit3A_1507 : f32 to vector<1x2048xf32>
    %select_n3A_1509 = arith.select %eq3A_1506, %broadcast_in_dim3A_1508, %div3A_1502 : vector<1x2048xi1>, vector<1x2048xf32>
    %jit3A_1510 = arith.constant 0.000000e+00 : f32
    %broadcast_in_dim3A_1511 = vector.broadcast %jit3A_1510 : f32 to vector<1x2048xf32>
    %select_n3A_1512 = arith.select %eq3A_1506, %broadcast_in_dim3A_1511, %mul3A_1503 : vector<1x2048xi1>, vector<1x2048xf32>
    %mul3A_1513 = arith.mulf %select_n3A_1509, %sub3A_1325 : vector<1x2048xf32>
    %mul3A_1514 = arith.mulf %select_n3A_1512, %sub3A_1411 : vector<1x2048xf32>
    %sub3A_1515 = arith.subf %mul3A_1513, %mul3A_1514 : vector<1x2048xf32>
    %mul3A_1516 = arith.mulf %select_n3A_1512, %sub3A_1325 : vector<1x2048xf32>
    %mul3A_1517 = arith.mulf %select_n3A_1509, %sub3A_1411 : vector<1x2048xf32>
    %add3A_1518 = arith.addf %mul3A_1516, %mul3A_1517 : vector<1x2048xf32>
    %mul3A_1519 = arith.mulf %select_n3A_1509, %sub3A_1429 : vector<1x2048xf32>
    %mul3A_1520 = arith.mulf %select_n3A_1512, %sub3A_1435 : vector<1x2048xf32>
    %sub3A_1521 = arith.subf %mul3A_1519, %mul3A_1520 : vector<1x2048xf32>
    %mul3A_1522 = arith.mulf %select_n3A_1512, %sub3A_1429 : vector<1x2048xf32>
    %mul3A_1523 = arith.mulf %select_n3A_1509, %sub3A_1435 : vector<1x2048xf32>
    %add3A_1524 = arith.addf %mul3A_1522, %mul3A_1523 : vector<1x2048xf32>
    %mul3A_1525 = arith.mulf %select_n3A_1509, %add3A_1432 : vector<1x2048xf32>
    %mul3A_1526 = arith.mulf %select_n3A_1512, %add3A_1438 : vector<1x2048xf32>
    %sub3A_1527 = arith.subf %mul3A_1525, %mul3A_1526 : vector<1x2048xf32>
    %mul3A_1528 = arith.mulf %select_n3A_1512, %add3A_1432 : vector<1x2048xf32>
    %mul3A_1529 = arith.mulf %select_n3A_1509, %add3A_1438 : vector<1x2048xf32>
    %add3A_1530 = arith.addf %mul3A_1528, %mul3A_1529 : vector<1x2048xf32>
    %mul3A_1531 = arith.mulf %select_n3A_1509, %sub3A_1515 : vector<1x2048xf32>
    %mul3A_1532 = arith.mulf %select_n3A_1512, %sub3A_1521 : vector<1x2048xf32>
    %sub3A_1533 = arith.subf %mul3A_1531, %mul3A_1532 : vector<1x2048xf32>
    %mul3A_1534 = arith.mulf %select_n3A_1512, %sub3A_1515 : vector<1x2048xf32>
    %mul3A_1535 = arith.mulf %select_n3A_1509, %sub3A_1521 : vector<1x2048xf32>
    %add3A_1536 = arith.addf %mul3A_1534, %mul3A_1535 : vector<1x2048xf32>
    %mul3A_1537 = arith.mulf %select_n3A_1509, %add3A_1518 : vector<1x2048xf32>
    %mul3A_1538 = arith.mulf %select_n3A_1512, %add3A_1524 : vector<1x2048xf32>
    %sub3A_1539 = arith.subf %mul3A_1537, %mul3A_1538 : vector<1x2048xf32>
    %mul3A_1540 = arith.mulf %select_n3A_1512, %add3A_1518 : vector<1x2048xf32>
    %mul3A_1541 = arith.mulf %select_n3A_1509, %add3A_1524 : vector<1x2048xf32>
    %add3A_1542 = arith.addf %mul3A_1540, %mul3A_1541 : vector<1x2048xf32>
    %mul3A_1543 = arith.mulf %select_n3A_1509, %add3A_1414 : vector<1x2048xf32>
    %mul3A_1544 = arith.mulf %select_n3A_1512, %sub3A_1441 : vector<1x2048xf32>
    %sub3A_1545 = arith.subf %mul3A_1543, %mul3A_1544 : vector<1x2048xf32>
    %mul3A_1546 = arith.mulf %select_n3A_1512, %add3A_1414 : vector<1x2048xf32>
    %mul3A_1547 = arith.mulf %select_n3A_1509, %sub3A_1441 : vector<1x2048xf32>
    %add3A_1548 = arith.addf %mul3A_1546, %mul3A_1547 : vector<1x2048xf32>
    %mul3A_1549 = arith.mulf %select_n3A_1509, %sub3A_1343 : vector<1x2048xf32>
    %mul3A_1550 = arith.mulf %select_n3A_1512, %sub3A_1447 : vector<1x2048xf32>
    %sub3A_1551 = arith.subf %mul3A_1549, %mul3A_1550 : vector<1x2048xf32>
    %mul3A_1552 = arith.mulf %select_n3A_1512, %sub3A_1343 : vector<1x2048xf32>
    %mul3A_1553 = arith.mulf %select_n3A_1509, %sub3A_1447 : vector<1x2048xf32>
    %add3A_1554 = arith.addf %mul3A_1552, %mul3A_1553 : vector<1x2048xf32>
    %mul3A_1555 = arith.mulf %select_n3A_1509, %sub3A_1349 : vector<1x2048xf32>
    %mul3A_1556 = arith.mulf %select_n3A_1512, %sub3A_1453 : vector<1x2048xf32>
    %sub3A_1557 = arith.subf %mul3A_1555, %mul3A_1556 : vector<1x2048xf32>
    %mul3A_1558 = arith.mulf %select_n3A_1512, %sub3A_1349 : vector<1x2048xf32>
    %mul3A_1559 = arith.mulf %select_n3A_1509, %sub3A_1453 : vector<1x2048xf32>
    %add3A_1560 = arith.addf %mul3A_1558, %mul3A_1559 : vector<1x2048xf32>
    %mul3A_1561 = arith.mulf %select_n3A_1509, %sub3A_1355 : vector<1x2048xf32>
    %mul3A_1562 = arith.mulf %select_n3A_1512, %sub3A_1459 : vector<1x2048xf32>
    %sub3A_1563 = arith.subf %mul3A_1561, %mul3A_1562 : vector<1x2048xf32>
    %mul3A_1564 = arith.mulf %select_n3A_1512, %sub3A_1355 : vector<1x2048xf32>
    %mul3A_1565 = arith.mulf %select_n3A_1509, %sub3A_1459 : vector<1x2048xf32>
    %add3A_1566 = arith.addf %mul3A_1564, %mul3A_1565 : vector<1x2048xf32>
    %sub3A_1567 = arith.subf %add3A_1444, %sub3A_1533 : vector<1x2048xf32>
    %mul3A_1568 = arith.constant 2.000000e+00 : f32
    %mul3A_1569 = vector.broadcast %mul3A_1568 : f32 to vector<1x2048xf32>
    %mul3A_1570 = arith.mulf %mul3A_1569, %sub3A_1527 : vector<1x2048xf32>
    %div3A_1571 = arith.divf %sub3A_1567, %mul3A_1570 : vector<1x2048xf32>
    %sign3A_1572 = tpu.bitcast %div3A_1571 : vector<1x2048xf32> -> vector<1x2048xi32>
    %sign3A_1573 = arith.constant -2147483648 : i32
    %sign3A_1574 = vector.broadcast %sign3A_1573 : i32 to vector<1x2048xi32>
    %sign3A_1575 = arith.andi %sign3A_1572, %sign3A_1574 : vector<1x2048xi32>
    %sign3A_1576 = arith.constant 1065353216 : i32
    %sign3A_1577 = vector.broadcast %sign3A_1576 : i32 to vector<1x2048xi32>
    %sign3A_1578 = arith.ori %sign3A_1577, %sign3A_1575 : vector<1x2048xi32>
    %sign3A_1579 = tpu.bitcast %sign3A_1578 : vector<1x2048xi32> -> vector<1x2048xf32>
    %sign3A_1580 = math.absf %div3A_1571 : vector<1x2048xf32>
    %sign3A_1581 = arith.constant 0.000000e+00 : f32
    %sign3A_1582 = vector.broadcast %sign3A_1581 : f32 to vector<1x2048xf32>
    %sign3A_1583 = arith.cmpf ogt, %sign3A_1580, %sign3A_1582 : vector<1x2048xf32>
    %sign3A_1584 = arith.select %sign3A_1583, %sign3A_1579, %div3A_1571 : vector<1x2048xi1>, vector<1x2048xf32>
    %abs3A_1585 = math.absf %div3A_1571 : vector<1x2048xf32>
    %mul3A_1586 = arith.mulf %div3A_1571, %div3A_1571 : vector<1x2048xf32>
    %add3A_1587 = arith.constant 1.000000e+00 : f32
    %add3A_1588 = vector.broadcast %add3A_1587 : f32 to vector<1x2048xf32>
    %add3A_1589 = arith.addf %add3A_1588, %mul3A_1586 : vector<1x2048xf32>
    %sqrt3A_1590 = math.sqrt %add3A_1589 : vector<1x2048xf32>
    %add3A_1591 = arith.addf %abs3A_1585, %sqrt3A_1590 : vector<1x2048xf32>
    %div3A_1592 = arith.divf %sign3A_1584, %add3A_1591 : vector<1x2048xf32>
    %eq3A_1593 = arith.constant 0.000000e+00 : f32
    %eq3A_1594 = vector.broadcast %eq3A_1593 : f32 to vector<1x2048xf32>
    %eq3A_1595 = arith.cmpf oeq, %div3A_1571, %eq3A_1594 : vector<1x2048xf32>
    %jit3A_1596 = arith.constant 1.000000e+00 : f32
    %broadcast_in_dim3A_1597 = vector.broadcast %jit3A_1596 : f32 to vector<1x2048xf32>
    %select_n3A_1598 = arith.select %eq3A_1595, %broadcast_in_dim3A_1597, %div3A_1592 : vector<1x2048xi1>, vector<1x2048xf32>
    %mul3A_1599 = arith.mulf %select_n3A_1598, %select_n3A_1598 : vector<1x2048xf32>
    %add3A_1600 = arith.constant 1.000000e+00 : f32
    %add3A_1601 = vector.broadcast %add3A_1600 : f32 to vector<1x2048xf32>
    %add3A_1602 = arith.addf %add3A_1601, %mul3A_1599 : vector<1x2048xf32>
    %sqrt3A_1603 = math.sqrt %add3A_1602 : vector<1x2048xf32>
    %div3A_1604 = arith.constant 1.000000e+00 : f32
    %div3A_1605 = vector.broadcast %div3A_1604 : f32 to vector<1x2048xf32>
    %div3A_1606 = arith.divf %div3A_1605, %sqrt3A_1603 : vector<1x2048xf32>
    %mul3A_1607 = arith.mulf %select_n3A_1598, %div3A_1606 : vector<1x2048xf32>
    %eq3A_1608 = arith.constant 0.000000e+00 : f32
    %eq3A_1609 = vector.broadcast %eq3A_1608 : f32 to vector<1x2048xf32>
    %eq3A_1610 = arith.cmpf oeq, %sub3A_1527, %eq3A_1609 : vector<1x2048xf32>
    %jit3A_1611 = arith.constant 1.000000e+00 : f32
    %broadcast_in_dim3A_1612 = vector.broadcast %jit3A_1611 : f32 to vector<1x2048xf32>
    %select_n3A_1613 = arith.select %eq3A_1610, %broadcast_in_dim3A_1612, %div3A_1606 : vector<1x2048xi1>, vector<1x2048xf32>
    %jit3A_1614 = arith.constant 0.000000e+00 : f32
    %broadcast_in_dim3A_1615 = vector.broadcast %jit3A_1614 : f32 to vector<1x2048xf32>
    %select_n3A_1616 = arith.select %eq3A_1610, %broadcast_in_dim3A_1615, %mul3A_1607 : vector<1x2048xi1>, vector<1x2048xf32>
    %mul3A_1617 = arith.mulf %select_n3A_1613, %sub3A_1533 : vector<1x2048xf32>
    %mul3A_1618 = arith.mulf %select_n3A_1616, %sub3A_1545 : vector<1x2048xf32>
    %sub3A_1619 = arith.subf %mul3A_1617, %mul3A_1618 : vector<1x2048xf32>
    %mul3A_1620 = arith.mulf %select_n3A_1616, %sub3A_1533 : vector<1x2048xf32>
    %mul3A_1621 = arith.mulf %select_n3A_1613, %sub3A_1545 : vector<1x2048xf32>
    %add3A_1622 = arith.addf %mul3A_1620, %mul3A_1621 : vector<1x2048xf32>
    %mul3A_1623 = arith.mulf %select_n3A_1613, %add3A_1536 : vector<1x2048xf32>
    %mul3A_1624 = arith.mulf %select_n3A_1616, %add3A_1548 : vector<1x2048xf32>
    %sub3A_1625 = arith.subf %mul3A_1623, %mul3A_1624 : vector<1x2048xf32>
    %mul3A_1626 = arith.mulf %select_n3A_1616, %add3A_1536 : vector<1x2048xf32>
    %mul3A_1627 = arith.mulf %select_n3A_1613, %add3A_1548 : vector<1x2048xf32>
    %add3A_1628 = arith.addf %mul3A_1626, %mul3A_1627 : vector<1x2048xf32>
    %mul3A_1629 = arith.mulf %select_n3A_1613, %sub3A_1527 : vector<1x2048xf32>
    %mul3A_1630 = arith.mulf %select_n3A_1616, %add3A_1444 : vector<1x2048xf32>
    %sub3A_1631 = arith.subf %mul3A_1629, %mul3A_1630 : vector<1x2048xf32>
    %mul3A_1632 = arith.mulf %select_n3A_1616, %sub3A_1527 : vector<1x2048xf32>
    %mul3A_1633 = arith.mulf %select_n3A_1613, %add3A_1444 : vector<1x2048xf32>
    %add3A_1634 = arith.addf %mul3A_1632, %mul3A_1633 : vector<1x2048xf32>
    %mul3A_1635 = arith.mulf %select_n3A_1613, %sub3A_1619 : vector<1x2048xf32>
    %mul3A_1636 = arith.mulf %select_n3A_1616, %sub3A_1631 : vector<1x2048xf32>
    %sub3A_1637 = arith.subf %mul3A_1635, %mul3A_1636 : vector<1x2048xf32>
    %mul3A_1638 = arith.mulf %select_n3A_1616, %sub3A_1619 : vector<1x2048xf32>
    %mul3A_1639 = arith.mulf %select_n3A_1613, %sub3A_1631 : vector<1x2048xf32>
    %add3A_1640 = arith.addf %mul3A_1638, %mul3A_1639 : vector<1x2048xf32>
    %mul3A_1641 = arith.mulf %select_n3A_1613, %sub3A_1539 : vector<1x2048xf32>
    %mul3A_1642 = arith.mulf %select_n3A_1616, %add3A_1530 : vector<1x2048xf32>
    %sub3A_1643 = arith.subf %mul3A_1641, %mul3A_1642 : vector<1x2048xf32>
    %mul3A_1644 = arith.mulf %select_n3A_1616, %sub3A_1539 : vector<1x2048xf32>
    %mul3A_1645 = arith.mulf %select_n3A_1613, %add3A_1530 : vector<1x2048xf32>
    %add3A_1646 = arith.addf %mul3A_1644, %mul3A_1645 : vector<1x2048xf32>
    %mul3A_1647 = arith.mulf %select_n3A_1613, %add3A_1622 : vector<1x2048xf32>
    %mul3A_1648 = arith.mulf %select_n3A_1616, %add3A_1634 : vector<1x2048xf32>
    %sub3A_1649 = arith.subf %mul3A_1647, %mul3A_1648 : vector<1x2048xf32>
    %mul3A_1650 = arith.mulf %select_n3A_1616, %add3A_1622 : vector<1x2048xf32>
    %mul3A_1651 = arith.mulf %select_n3A_1613, %add3A_1634 : vector<1x2048xf32>
    %add3A_1652 = arith.addf %mul3A_1650, %mul3A_1651 : vector<1x2048xf32>
    %mul3A_1653 = arith.mulf %select_n3A_1613, %sub3A_1551 : vector<1x2048xf32>
    %mul3A_1654 = arith.mulf %select_n3A_1616, %add3A_1450 : vector<1x2048xf32>
    %sub3A_1655 = arith.subf %mul3A_1653, %mul3A_1654 : vector<1x2048xf32>
    %mul3A_1656 = arith.mulf %select_n3A_1616, %sub3A_1551 : vector<1x2048xf32>
    %mul3A_1657 = arith.mulf %select_n3A_1613, %add3A_1450 : vector<1x2048xf32>
    %add3A_1658 = arith.addf %mul3A_1656, %mul3A_1657 : vector<1x2048xf32>
    %mul3A_1659 = arith.mulf %select_n3A_1613, %sub3A_1557 : vector<1x2048xf32>
    %mul3A_1660 = arith.mulf %select_n3A_1616, %add3A_1456 : vector<1x2048xf32>
    %sub3A_1661 = arith.subf %mul3A_1659, %mul3A_1660 : vector<1x2048xf32>
    %mul3A_1662 = arith.mulf %select_n3A_1616, %sub3A_1557 : vector<1x2048xf32>
    %mul3A_1663 = arith.mulf %select_n3A_1613, %add3A_1456 : vector<1x2048xf32>
    %add3A_1664 = arith.addf %mul3A_1662, %mul3A_1663 : vector<1x2048xf32>
    %mul3A_1665 = arith.mulf %select_n3A_1613, %sub3A_1563 : vector<1x2048xf32>
    %mul3A_1666 = arith.mulf %select_n3A_1616, %add3A_1462 : vector<1x2048xf32>
    %sub3A_1667 = arith.subf %mul3A_1665, %mul3A_1666 : vector<1x2048xf32>
    %mul3A_1668 = arith.mulf %select_n3A_1616, %sub3A_1563 : vector<1x2048xf32>
    %mul3A_1669 = arith.mulf %select_n3A_1613, %add3A_1462 : vector<1x2048xf32>
    %add3A_1670 = arith.addf %mul3A_1668, %mul3A_1669 : vector<1x2048xf32>
    %sub3A_1671 = arith.subf %add3A_1652, %add3A_1542 : vector<1x2048xf32>
    %mul3A_1672 = arith.constant 2.000000e+00 : f32
    %mul3A_1673 = vector.broadcast %mul3A_1672 : f32 to vector<1x2048xf32>
    %mul3A_1674 = arith.mulf %mul3A_1673, %add3A_1646 : vector<1x2048xf32>
    %div3A_1675 = arith.divf %sub3A_1671, %mul3A_1674 : vector<1x2048xf32>
    %sign3A_1676 = tpu.bitcast %div3A_1675 : vector<1x2048xf32> -> vector<1x2048xi32>
    %sign3A_1677 = arith.constant -2147483648 : i32
    %sign3A_1678 = vector.broadcast %sign3A_1677 : i32 to vector<1x2048xi32>
    %sign3A_1679 = arith.andi %sign3A_1676, %sign3A_1678 : vector<1x2048xi32>
    %sign3A_1680 = arith.constant 1065353216 : i32
    %sign3A_1681 = vector.broadcast %sign3A_1680 : i32 to vector<1x2048xi32>
    %sign3A_1682 = arith.ori %sign3A_1681, %sign3A_1679 : vector<1x2048xi32>
    %sign3A_1683 = tpu.bitcast %sign3A_1682 : vector<1x2048xi32> -> vector<1x2048xf32>
    %sign3A_1684 = math.absf %div3A_1675 : vector<1x2048xf32>
    %sign3A_1685 = arith.constant 0.000000e+00 : f32
    %sign3A_1686 = vector.broadcast %sign3A_1685 : f32 to vector<1x2048xf32>
    %sign3A_1687 = arith.cmpf ogt, %sign3A_1684, %sign3A_1686 : vector<1x2048xf32>
    %sign3A_1688 = arith.select %sign3A_1687, %sign3A_1683, %div3A_1675 : vector<1x2048xi1>, vector<1x2048xf32>
    %abs3A_1689 = math.absf %div3A_1675 : vector<1x2048xf32>
    %mul3A_1690 = arith.mulf %div3A_1675, %div3A_1675 : vector<1x2048xf32>
    %add3A_1691 = arith.constant 1.000000e+00 : f32
    %add3A_1692 = vector.broadcast %add3A_1691 : f32 to vector<1x2048xf32>
    %add3A_1693 = arith.addf %add3A_1692, %mul3A_1690 : vector<1x2048xf32>
    %sqrt3A_1694 = math.sqrt %add3A_1693 : vector<1x2048xf32>
    %add3A_1695 = arith.addf %abs3A_1689, %sqrt3A_1694 : vector<1x2048xf32>
    %div3A_1696 = arith.divf %sign3A_1688, %add3A_1695 : vector<1x2048xf32>
    %eq3A_1697 = arith.constant 0.000000e+00 : f32
    %eq3A_1698 = vector.broadcast %eq3A_1697 : f32 to vector<1x2048xf32>
    %eq3A_1699 = arith.cmpf oeq, %div3A_1675, %eq3A_1698 : vector<1x2048xf32>
    %jit3A_1700 = arith.constant 1.000000e+00 : f32
    %broadcast_in_dim3A_1701 = vector.broadcast %jit3A_1700 : f32 to vector<1x2048xf32>
    %select_n3A_1702 = arith.select %eq3A_1699, %broadcast_in_dim3A_1701, %div3A_1696 : vector<1x2048xi1>, vector<1x2048xf32>
    %mul3A_1703 = arith.mulf %select_n3A_1702, %select_n3A_1702 : vector<1x2048xf32>
    %add3A_1704 = arith.constant 1.000000e+00 : f32
    %add3A_1705 = vector.broadcast %add3A_1704 : f32 to vector<1x2048xf32>
    %add3A_1706 = arith.addf %add3A_1705, %mul3A_1703 : vector<1x2048xf32>
    %sqrt3A_1707 = math.sqrt %add3A_1706 : vector<1x2048xf32>
    %div3A_1708 = arith.constant 1.000000e+00 : f32
    %div3A_1709 = vector.broadcast %div3A_1708 : f32 to vector<1x2048xf32>
    %div3A_1710 = arith.divf %div3A_1709, %sqrt3A_1707 : vector<1x2048xf32>
    %mul3A_1711 = arith.mulf %select_n3A_1702, %div3A_1710 : vector<1x2048xf32>
    %eq3A_1712 = arith.constant 0.000000e+00 : f32
    %eq3A_1713 = vector.broadcast %eq3A_1712 : f32 to vector<1x2048xf32>
    %eq3A_1714 = arith.cmpf oeq, %add3A_1646, %eq3A_1713 : vector<1x2048xf32>
    %jit3A_1715 = arith.constant 1.000000e+00 : f32
    %broadcast_in_dim3A_1716 = vector.broadcast %jit3A_1715 : f32 to vector<1x2048xf32>
    %select_n3A_1717 = arith.select %eq3A_1714, %broadcast_in_dim3A_1716, %div3A_1710 : vector<1x2048xi1>, vector<1x2048xf32>
    %jit3A_1718 = arith.constant 0.000000e+00 : f32
    %broadcast_in_dim3A_1719 = vector.broadcast %jit3A_1718 : f32 to vector<1x2048xf32>
    %select_n3A_1720 = arith.select %eq3A_1714, %broadcast_in_dim3A_1719, %mul3A_1711 : vector<1x2048xi1>, vector<1x2048xf32>
    %mul3A_1721 = arith.mulf %select_n3A_1717, %sub3A_1643 : vector<1x2048xf32>
    %mul3A_1722 = arith.mulf %select_n3A_1720, %sub3A_1649 : vector<1x2048xf32>
    %sub3A_1723 = arith.subf %mul3A_1721, %mul3A_1722 : vector<1x2048xf32>
    %mul3A_1724 = arith.mulf %select_n3A_1720, %sub3A_1643 : vector<1x2048xf32>
    %mul3A_1725 = arith.mulf %select_n3A_1717, %sub3A_1649 : vector<1x2048xf32>
    %add3A_1726 = arith.addf %mul3A_1724, %mul3A_1725 : vector<1x2048xf32>
    %mul3A_1727 = arith.mulf %select_n3A_1717, %add3A_1542 : vector<1x2048xf32>
    %mul3A_1728 = arith.mulf %select_n3A_1720, %add3A_1628 : vector<1x2048xf32>
    %sub3A_1729 = arith.subf %mul3A_1727, %mul3A_1728 : vector<1x2048xf32>
    %mul3A_1730 = arith.mulf %select_n3A_1720, %add3A_1542 : vector<1x2048xf32>
    %mul3A_1731 = arith.mulf %select_n3A_1717, %add3A_1628 : vector<1x2048xf32>
    %add3A_1732 = arith.addf %mul3A_1730, %mul3A_1731 : vector<1x2048xf32>
    %mul3A_1733 = arith.mulf %select_n3A_1717, %add3A_1646 : vector<1x2048xf32>
    %mul3A_1734 = arith.mulf %select_n3A_1720, %add3A_1652 : vector<1x2048xf32>
    %sub3A_1735 = arith.subf %mul3A_1733, %mul3A_1734 : vector<1x2048xf32>
    %mul3A_1736 = arith.mulf %select_n3A_1720, %add3A_1646 : vector<1x2048xf32>
    %mul3A_1737 = arith.mulf %select_n3A_1717, %add3A_1652 : vector<1x2048xf32>
    %add3A_1738 = arith.addf %mul3A_1736, %mul3A_1737 : vector<1x2048xf32>
    %mul3A_1739 = arith.mulf %select_n3A_1717, %sub3A_1625 : vector<1x2048xf32>
    %mul3A_1740 = arith.mulf %select_n3A_1720, %add3A_1640 : vector<1x2048xf32>
    %sub3A_1741 = arith.subf %mul3A_1739, %mul3A_1740 : vector<1x2048xf32>
    %mul3A_1742 = arith.mulf %select_n3A_1720, %sub3A_1625 : vector<1x2048xf32>
    %mul3A_1743 = arith.mulf %select_n3A_1717, %add3A_1640 : vector<1x2048xf32>
    %add3A_1744 = arith.addf %mul3A_1742, %mul3A_1743 : vector<1x2048xf32>
    %mul3A_1745 = arith.mulf %select_n3A_1717, %sub3A_1729 : vector<1x2048xf32>
    %mul3A_1746 = arith.mulf %select_n3A_1720, %sub3A_1735 : vector<1x2048xf32>
    %sub3A_1747 = arith.subf %mul3A_1745, %mul3A_1746 : vector<1x2048xf32>
    %mul3A_1748 = arith.mulf %select_n3A_1720, %sub3A_1729 : vector<1x2048xf32>
    %mul3A_1749 = arith.mulf %select_n3A_1717, %sub3A_1735 : vector<1x2048xf32>
    %add3A_1750 = arith.addf %mul3A_1748, %mul3A_1749 : vector<1x2048xf32>
    %mul3A_1751 = arith.mulf %select_n3A_1717, %add3A_1732 : vector<1x2048xf32>
    %mul3A_1752 = arith.mulf %select_n3A_1720, %add3A_1738 : vector<1x2048xf32>
    %sub3A_1753 = arith.subf %mul3A_1751, %mul3A_1752 : vector<1x2048xf32>
    %mul3A_1754 = arith.mulf %select_n3A_1720, %add3A_1732 : vector<1x2048xf32>
    %mul3A_1755 = arith.mulf %select_n3A_1717, %add3A_1738 : vector<1x2048xf32>
    %add3A_1756 = arith.addf %mul3A_1754, %mul3A_1755 : vector<1x2048xf32>
    %mul3A_1757 = arith.mulf %select_n3A_1717, %add3A_1554 : vector<1x2048xf32>
    %mul3A_1758 = arith.mulf %select_n3A_1720, %add3A_1658 : vector<1x2048xf32>
    %sub3A_1759 = arith.subf %mul3A_1757, %mul3A_1758 : vector<1x2048xf32>
    %mul3A_1760 = arith.mulf %select_n3A_1720, %add3A_1554 : vector<1x2048xf32>
    %mul3A_1761 = arith.mulf %select_n3A_1717, %add3A_1658 : vector<1x2048xf32>
    %add3A_1762 = arith.addf %mul3A_1760, %mul3A_1761 : vector<1x2048xf32>
    %mul3A_1763 = arith.mulf %select_n3A_1717, %add3A_1560 : vector<1x2048xf32>
    %mul3A_1764 = arith.mulf %select_n3A_1720, %add3A_1664 : vector<1x2048xf32>
    %sub3A_1765 = arith.subf %mul3A_1763, %mul3A_1764 : vector<1x2048xf32>
    %mul3A_1766 = arith.mulf %select_n3A_1720, %add3A_1560 : vector<1x2048xf32>
    %mul3A_1767 = arith.mulf %select_n3A_1717, %add3A_1664 : vector<1x2048xf32>
    %add3A_1768 = arith.addf %mul3A_1766, %mul3A_1767 : vector<1x2048xf32>
    %mul3A_1769 = arith.mulf %select_n3A_1717, %add3A_1566 : vector<1x2048xf32>
    %mul3A_1770 = arith.mulf %select_n3A_1720, %add3A_1670 : vector<1x2048xf32>
    %sub3A_1771 = arith.subf %mul3A_1769, %mul3A_1770 : vector<1x2048xf32>
    %mul3A_1772 = arith.mulf %select_n3A_1720, %add3A_1566 : vector<1x2048xf32>
    %mul3A_1773 = arith.mulf %select_n3A_1717, %add3A_1670 : vector<1x2048xf32>
    %add3A_1774 = arith.addf %mul3A_1772, %mul3A_1773 : vector<1x2048xf32>
    %sub3A_1775 = arith.subf %sub3A_1747, %sub3A_1637 : vector<1x2048xf32>
    %mul3A_1776 = arith.constant 2.000000e+00 : f32
    %mul3A_1777 = vector.broadcast %mul3A_1776 : f32 to vector<1x2048xf32>
    %mul3A_1778 = arith.mulf %mul3A_1777, %sub3A_1741 : vector<1x2048xf32>
    %div3A_1779 = arith.divf %sub3A_1775, %mul3A_1778 : vector<1x2048xf32>
    %sign3A_1780 = tpu.bitcast %div3A_1779 : vector<1x2048xf32> -> vector<1x2048xi32>
    %sign3A_1781 = arith.constant -2147483648 : i32
    %sign3A_1782 = vector.broadcast %sign3A_1781 : i32 to vector<1x2048xi32>
    %sign3A_1783 = arith.andi %sign3A_1780, %sign3A_1782 : vector<1x2048xi32>
    %sign3A_1784 = arith.constant 1065353216 : i32
    %sign3A_1785 = vector.broadcast %sign3A_1784 : i32 to vector<1x2048xi32>
    %sign3A_1786 = arith.ori %sign3A_1785, %sign3A_1783 : vector<1x2048xi32>
    %sign3A_1787 = tpu.bitcast %sign3A_1786 : vector<1x2048xi32> -> vector<1x2048xf32>
    %sign3A_1788 = math.absf %div3A_1779 : vector<1x2048xf32>
    %sign3A_1789 = arith.constant 0.000000e+00 : f32
    %sign3A_1790 = vector.broadcast %sign3A_1789 : f32 to vector<1x2048xf32>
    %sign3A_1791 = arith.cmpf ogt, %sign3A_1788, %sign3A_1790 : vector<1x2048xf32>
    %sign3A_1792 = arith.select %sign3A_1791, %sign3A_1787, %div3A_1779 : vector<1x2048xi1>, vector<1x2048xf32>
    %abs3A_1793 = math.absf %div3A_1779 : vector<1x2048xf32>
    %mul3A_1794 = arith.mulf %div3A_1779, %div3A_1779 : vector<1x2048xf32>
    %add3A_1795 = arith.constant 1.000000e+00 : f32
    %add3A_1796 = vector.broadcast %add3A_1795 : f32 to vector<1x2048xf32>
    %add3A_1797 = arith.addf %add3A_1796, %mul3A_1794 : vector<1x2048xf32>
    %sqrt3A_1798 = math.sqrt %add3A_1797 : vector<1x2048xf32>
    %add3A_1799 = arith.addf %abs3A_1793, %sqrt3A_1798 : vector<1x2048xf32>
    %div3A_1800 = arith.divf %sign3A_1792, %add3A_1799 : vector<1x2048xf32>
    %eq3A_1801 = arith.constant 0.000000e+00 : f32
    %eq3A_1802 = vector.broadcast %eq3A_1801 : f32 to vector<1x2048xf32>
    %eq3A_1803 = arith.cmpf oeq, %div3A_1779, %eq3A_1802 : vector<1x2048xf32>
    %jit3A_1804 = arith.constant 1.000000e+00 : f32
    %broadcast_in_dim3A_1805 = vector.broadcast %jit3A_1804 : f32 to vector<1x2048xf32>
    %select_n3A_1806 = arith.select %eq3A_1803, %broadcast_in_dim3A_1805, %div3A_1800 : vector<1x2048xi1>, vector<1x2048xf32>
    %mul3A_1807 = arith.mulf %select_n3A_1806, %select_n3A_1806 : vector<1x2048xf32>
    %add3A_1808 = arith.constant 1.000000e+00 : f32
    %add3A_1809 = vector.broadcast %add3A_1808 : f32 to vector<1x2048xf32>
    %add3A_1810 = arith.addf %add3A_1809, %mul3A_1807 : vector<1x2048xf32>
    %sqrt3A_1811 = math.sqrt %add3A_1810 : vector<1x2048xf32>
    %div3A_1812 = arith.constant 1.000000e+00 : f32
    %div3A_1813 = vector.broadcast %div3A_1812 : f32 to vector<1x2048xf32>
    %div3A_1814 = arith.divf %div3A_1813, %sqrt3A_1811 : vector<1x2048xf32>
    %mul3A_1815 = arith.mulf %select_n3A_1806, %div3A_1814 : vector<1x2048xf32>
    %eq3A_1816 = arith.constant 0.000000e+00 : f32
    %eq3A_1817 = vector.broadcast %eq3A_1816 : f32 to vector<1x2048xf32>
    %eq3A_1818 = arith.cmpf oeq, %sub3A_1741, %eq3A_1817 : vector<1x2048xf32>
    %jit3A_1819 = arith.constant 1.000000e+00 : f32
    %broadcast_in_dim3A_1820 = vector.broadcast %jit3A_1819 : f32 to vector<1x2048xf32>
    %select_n3A_1821 = arith.select %eq3A_1818, %broadcast_in_dim3A_1820, %div3A_1814 : vector<1x2048xi1>, vector<1x2048xf32>
    %jit3A_1822 = arith.constant 0.000000e+00 : f32
    %broadcast_in_dim3A_1823 = vector.broadcast %jit3A_1822 : f32 to vector<1x2048xf32>
    %select_n3A_1824 = arith.select %eq3A_1818, %broadcast_in_dim3A_1823, %mul3A_1815 : vector<1x2048xi1>, vector<1x2048xf32>
    %mul3A_1825 = arith.mulf %select_n3A_1821, %sub3A_1637 : vector<1x2048xf32>
    %mul3A_1826 = arith.mulf %select_n3A_1824, %sub3A_1723 : vector<1x2048xf32>
    %sub3A_1827 = arith.subf %mul3A_1825, %mul3A_1826 : vector<1x2048xf32>
    %mul3A_1828 = arith.mulf %select_n3A_1824, %sub3A_1637 : vector<1x2048xf32>
    %mul3A_1829 = arith.mulf %select_n3A_1821, %sub3A_1723 : vector<1x2048xf32>
    %add3A_1830 = arith.addf %mul3A_1828, %mul3A_1829 : vector<1x2048xf32>
    %mul3A_1831 = arith.mulf %select_n3A_1821, %sub3A_1741 : vector<1x2048xf32>
    %mul3A_1832 = arith.mulf %select_n3A_1824, %sub3A_1747 : vector<1x2048xf32>
    %sub3A_1833 = arith.subf %mul3A_1831, %mul3A_1832 : vector<1x2048xf32>
    %mul3A_1834 = arith.mulf %select_n3A_1824, %sub3A_1741 : vector<1x2048xf32>
    %mul3A_1835 = arith.mulf %select_n3A_1821, %sub3A_1747 : vector<1x2048xf32>
    %add3A_1836 = arith.addf %mul3A_1834, %mul3A_1835 : vector<1x2048xf32>
    %mul3A_1837 = arith.mulf %select_n3A_1821, %add3A_1744 : vector<1x2048xf32>
    %mul3A_1838 = arith.mulf %select_n3A_1824, %add3A_1750 : vector<1x2048xf32>
    %sub3A_1839 = arith.subf %mul3A_1837, %mul3A_1838 : vector<1x2048xf32>
    %mul3A_1840 = arith.mulf %select_n3A_1824, %add3A_1744 : vector<1x2048xf32>
    %mul3A_1841 = arith.mulf %select_n3A_1821, %add3A_1750 : vector<1x2048xf32>
    %add3A_1842 = arith.addf %mul3A_1840, %mul3A_1841 : vector<1x2048xf32>
    %mul3A_1843 = arith.mulf %select_n3A_1821, %sub3A_1827 : vector<1x2048xf32>
    %mul3A_1844 = arith.mulf %select_n3A_1824, %sub3A_1833 : vector<1x2048xf32>
    %sub3A_1845 = arith.subf %mul3A_1843, %mul3A_1844 : vector<1x2048xf32>
    %mul3A_1846 = arith.mulf %select_n3A_1824, %sub3A_1827 : vector<1x2048xf32>
    %mul3A_1847 = arith.mulf %select_n3A_1821, %sub3A_1833 : vector<1x2048xf32>
    %add3A_1848 = arith.addf %mul3A_1846, %mul3A_1847 : vector<1x2048xf32>
    %mul3A_1849 = arith.mulf %select_n3A_1821, %add3A_1830 : vector<1x2048xf32>
    %mul3A_1850 = arith.mulf %select_n3A_1824, %add3A_1836 : vector<1x2048xf32>
    %sub3A_1851 = arith.subf %mul3A_1849, %mul3A_1850 : vector<1x2048xf32>
    %mul3A_1852 = arith.mulf %select_n3A_1824, %add3A_1830 : vector<1x2048xf32>
    %mul3A_1853 = arith.mulf %select_n3A_1821, %add3A_1836 : vector<1x2048xf32>
    %add3A_1854 = arith.addf %mul3A_1852, %mul3A_1853 : vector<1x2048xf32>
    %mul3A_1855 = arith.mulf %select_n3A_1821, %add3A_1726 : vector<1x2048xf32>
    %mul3A_1856 = arith.mulf %select_n3A_1824, %sub3A_1753 : vector<1x2048xf32>
    %sub3A_1857 = arith.subf %mul3A_1855, %mul3A_1856 : vector<1x2048xf32>
    %mul3A_1858 = arith.mulf %select_n3A_1824, %add3A_1726 : vector<1x2048xf32>
    %mul3A_1859 = arith.mulf %select_n3A_1821, %sub3A_1753 : vector<1x2048xf32>
    %add3A_1860 = arith.addf %mul3A_1858, %mul3A_1859 : vector<1x2048xf32>
    %mul3A_1861 = arith.mulf %select_n3A_1821, %sub3A_1655 : vector<1x2048xf32>
    %mul3A_1862 = arith.mulf %select_n3A_1824, %sub3A_1759 : vector<1x2048xf32>
    %sub3A_1863 = arith.subf %mul3A_1861, %mul3A_1862 : vector<1x2048xf32>
    %mul3A_1864 = arith.mulf %select_n3A_1824, %sub3A_1655 : vector<1x2048xf32>
    %mul3A_1865 = arith.mulf %select_n3A_1821, %sub3A_1759 : vector<1x2048xf32>
    %add3A_1866 = arith.addf %mul3A_1864, %mul3A_1865 : vector<1x2048xf32>
    %mul3A_1867 = arith.mulf %select_n3A_1821, %sub3A_1661 : vector<1x2048xf32>
    %mul3A_1868 = arith.mulf %select_n3A_1824, %sub3A_1765 : vector<1x2048xf32>
    %sub3A_1869 = arith.subf %mul3A_1867, %mul3A_1868 : vector<1x2048xf32>
    %mul3A_1870 = arith.mulf %select_n3A_1824, %sub3A_1661 : vector<1x2048xf32>
    %mul3A_1871 = arith.mulf %select_n3A_1821, %sub3A_1765 : vector<1x2048xf32>
    %add3A_1872 = arith.addf %mul3A_1870, %mul3A_1871 : vector<1x2048xf32>
    %mul3A_1873 = arith.mulf %select_n3A_1821, %sub3A_1667 : vector<1x2048xf32>
    %mul3A_1874 = arith.mulf %select_n3A_1824, %sub3A_1771 : vector<1x2048xf32>
    %sub3A_1875 = arith.subf %mul3A_1873, %mul3A_1874 : vector<1x2048xf32>
    %mul3A_1876 = arith.mulf %select_n3A_1824, %sub3A_1667 : vector<1x2048xf32>
    %mul3A_1877 = arith.mulf %select_n3A_1821, %sub3A_1771 : vector<1x2048xf32>
    %add3A_1878 = arith.addf %mul3A_1876, %mul3A_1877 : vector<1x2048xf32>
    %sub3A_1879 = arith.subf %add3A_1756, %sub3A_1845 : vector<1x2048xf32>
    %mul3A_1880 = arith.constant 2.000000e+00 : f32
    %mul3A_1881 = vector.broadcast %mul3A_1880 : f32 to vector<1x2048xf32>
    %mul3A_1882 = arith.mulf %mul3A_1881, %sub3A_1839 : vector<1x2048xf32>
    %div3A_1883 = arith.divf %sub3A_1879, %mul3A_1882 : vector<1x2048xf32>
    %sign3A_1884 = tpu.bitcast %div3A_1883 : vector<1x2048xf32> -> vector<1x2048xi32>
    %sign3A_1885 = arith.constant -2147483648 : i32
    %sign3A_1886 = vector.broadcast %sign3A_1885 : i32 to vector<1x2048xi32>
    %sign3A_1887 = arith.andi %sign3A_1884, %sign3A_1886 : vector<1x2048xi32>
    %sign3A_1888 = arith.constant 1065353216 : i32
    %sign3A_1889 = vector.broadcast %sign3A_1888 : i32 to vector<1x2048xi32>
    %sign3A_1890 = arith.ori %sign3A_1889, %sign3A_1887 : vector<1x2048xi32>
    %sign3A_1891 = tpu.bitcast %sign3A_1890 : vector<1x2048xi32> -> vector<1x2048xf32>
    %sign3A_1892 = math.absf %div3A_1883 : vector<1x2048xf32>
    %sign3A_1893 = arith.constant 0.000000e+00 : f32
    %sign3A_1894 = vector.broadcast %sign3A_1893 : f32 to vector<1x2048xf32>
    %sign3A_1895 = arith.cmpf ogt, %sign3A_1892, %sign3A_1894 : vector<1x2048xf32>
    %sign3A_1896 = arith.select %sign3A_1895, %sign3A_1891, %div3A_1883 : vector<1x2048xi1>, vector<1x2048xf32>
    %abs3A_1897 = math.absf %div3A_1883 : vector<1x2048xf32>
    %mul3A_1898 = arith.mulf %div3A_1883, %div3A_1883 : vector<1x2048xf32>
    %add3A_1899 = arith.constant 1.000000e+00 : f32
    %add3A_1900 = vector.broadcast %add3A_1899 : f32 to vector<1x2048xf32>
    %add3A_1901 = arith.addf %add3A_1900, %mul3A_1898 : vector<1x2048xf32>
    %sqrt3A_1902 = math.sqrt %add3A_1901 : vector<1x2048xf32>
    %add3A_1903 = arith.addf %abs3A_1897, %sqrt3A_1902 : vector<1x2048xf32>
    %div3A_1904 = arith.divf %sign3A_1896, %add3A_1903 : vector<1x2048xf32>
    %eq3A_1905 = arith.constant 0.000000e+00 : f32
    %eq3A_1906 = vector.broadcast %eq3A_1905 : f32 to vector<1x2048xf32>
    %eq3A_1907 = arith.cmpf oeq, %div3A_1883, %eq3A_1906 : vector<1x2048xf32>
    %jit3A_1908 = arith.constant 1.000000e+00 : f32
    %broadcast_in_dim3A_1909 = vector.broadcast %jit3A_1908 : f32 to vector<1x2048xf32>
    %select_n3A_1910 = arith.select %eq3A_1907, %broadcast_in_dim3A_1909, %div3A_1904 : vector<1x2048xi1>, vector<1x2048xf32>
    %mul3A_1911 = arith.mulf %select_n3A_1910, %select_n3A_1910 : vector<1x2048xf32>
    %add3A_1912 = arith.constant 1.000000e+00 : f32
    %add3A_1913 = vector.broadcast %add3A_1912 : f32 to vector<1x2048xf32>
    %add3A_1914 = arith.addf %add3A_1913, %mul3A_1911 : vector<1x2048xf32>
    %sqrt3A_1915 = math.sqrt %add3A_1914 : vector<1x2048xf32>
    %div3A_1916 = arith.constant 1.000000e+00 : f32
    %div3A_1917 = vector.broadcast %div3A_1916 : f32 to vector<1x2048xf32>
    %div3A_1918 = arith.divf %div3A_1917, %sqrt3A_1915 : vector<1x2048xf32>
    %mul3A_1919 = arith.mulf %select_n3A_1910, %div3A_1918 : vector<1x2048xf32>
    %eq3A_1920 = arith.constant 0.000000e+00 : f32
    %eq3A_1921 = vector.broadcast %eq3A_1920 : f32 to vector<1x2048xf32>
    %eq3A_1922 = arith.cmpf oeq, %sub3A_1839, %eq3A_1921 : vector<1x2048xf32>
    %jit3A_1923 = arith.constant 1.000000e+00 : f32
    %broadcast_in_dim3A_1924 = vector.broadcast %jit3A_1923 : f32 to vector<1x2048xf32>
    %select_n3A_1925 = arith.select %eq3A_1922, %broadcast_in_dim3A_1924, %div3A_1918 : vector<1x2048xi1>, vector<1x2048xf32>
    %jit3A_1926 = arith.constant 0.000000e+00 : f32
    %broadcast_in_dim3A_1927 = vector.broadcast %jit3A_1926 : f32 to vector<1x2048xf32>
    %select_n3A_1928 = arith.select %eq3A_1922, %broadcast_in_dim3A_1927, %mul3A_1919 : vector<1x2048xi1>, vector<1x2048xf32>
    %mul3A_1929 = arith.mulf %select_n3A_1925, %sub3A_1845 : vector<1x2048xf32>
    %mul3A_1930 = arith.mulf %select_n3A_1928, %sub3A_1857 : vector<1x2048xf32>
    %sub3A_1931 = arith.subf %mul3A_1929, %mul3A_1930 : vector<1x2048xf32>
    %mul3A_1932 = arith.mulf %select_n3A_1928, %sub3A_1845 : vector<1x2048xf32>
    %mul3A_1933 = arith.mulf %select_n3A_1925, %sub3A_1857 : vector<1x2048xf32>
    %add3A_1934 = arith.addf %mul3A_1932, %mul3A_1933 : vector<1x2048xf32>
    %mul3A_1935 = arith.mulf %select_n3A_1925, %add3A_1848 : vector<1x2048xf32>
    %mul3A_1936 = arith.mulf %select_n3A_1928, %add3A_1860 : vector<1x2048xf32>
    %sub3A_1937 = arith.subf %mul3A_1935, %mul3A_1936 : vector<1x2048xf32>
    %mul3A_1938 = arith.mulf %select_n3A_1928, %add3A_1848 : vector<1x2048xf32>
    %mul3A_1939 = arith.mulf %select_n3A_1925, %add3A_1860 : vector<1x2048xf32>
    %add3A_1940 = arith.addf %mul3A_1938, %mul3A_1939 : vector<1x2048xf32>
    %mul3A_1941 = arith.mulf %select_n3A_1925, %sub3A_1839 : vector<1x2048xf32>
    %mul3A_1942 = arith.mulf %select_n3A_1928, %add3A_1756 : vector<1x2048xf32>
    %sub3A_1943 = arith.subf %mul3A_1941, %mul3A_1942 : vector<1x2048xf32>
    %mul3A_1944 = arith.mulf %select_n3A_1928, %sub3A_1839 : vector<1x2048xf32>
    %mul3A_1945 = arith.mulf %select_n3A_1925, %add3A_1756 : vector<1x2048xf32>
    %add3A_1946 = arith.addf %mul3A_1944, %mul3A_1945 : vector<1x2048xf32>
    %mul3A_1947 = arith.mulf %select_n3A_1925, %sub3A_1931 : vector<1x2048xf32>
    %mul3A_1948 = arith.mulf %select_n3A_1928, %sub3A_1943 : vector<1x2048xf32>
    %sub3A_1949 = arith.subf %mul3A_1947, %mul3A_1948 : vector<1x2048xf32>
    %mul3A_1950 = arith.mulf %select_n3A_1928, %sub3A_1931 : vector<1x2048xf32>
    %mul3A_1951 = arith.mulf %select_n3A_1925, %sub3A_1943 : vector<1x2048xf32>
    %add3A_1952 = arith.addf %mul3A_1950, %mul3A_1951 : vector<1x2048xf32>
    %mul3A_1953 = arith.mulf %select_n3A_1925, %sub3A_1851 : vector<1x2048xf32>
    %mul3A_1954 = arith.mulf %select_n3A_1928, %add3A_1842 : vector<1x2048xf32>
    %sub3A_1955 = arith.subf %mul3A_1953, %mul3A_1954 : vector<1x2048xf32>
    %mul3A_1956 = arith.mulf %select_n3A_1928, %sub3A_1851 : vector<1x2048xf32>
    %mul3A_1957 = arith.mulf %select_n3A_1925, %add3A_1842 : vector<1x2048xf32>
    %add3A_1958 = arith.addf %mul3A_1956, %mul3A_1957 : vector<1x2048xf32>
    %mul3A_1959 = arith.mulf %select_n3A_1925, %add3A_1934 : vector<1x2048xf32>
    %mul3A_1960 = arith.mulf %select_n3A_1928, %add3A_1946 : vector<1x2048xf32>
    %sub3A_1961 = arith.subf %mul3A_1959, %mul3A_1960 : vector<1x2048xf32>
    %mul3A_1962 = arith.mulf %select_n3A_1928, %add3A_1934 : vector<1x2048xf32>
    %mul3A_1963 = arith.mulf %select_n3A_1925, %add3A_1946 : vector<1x2048xf32>
    %add3A_1964 = arith.addf %mul3A_1962, %mul3A_1963 : vector<1x2048xf32>
    %mul3A_1965 = arith.mulf %select_n3A_1925, %sub3A_1863 : vector<1x2048xf32>
    %mul3A_1966 = arith.mulf %select_n3A_1928, %add3A_1762 : vector<1x2048xf32>
    %sub3A_1967 = arith.subf %mul3A_1965, %mul3A_1966 : vector<1x2048xf32>
    %mul3A_1968 = arith.mulf %select_n3A_1928, %sub3A_1863 : vector<1x2048xf32>
    %mul3A_1969 = arith.mulf %select_n3A_1925, %add3A_1762 : vector<1x2048xf32>
    %add3A_1970 = arith.addf %mul3A_1968, %mul3A_1969 : vector<1x2048xf32>
    %mul3A_1971 = arith.mulf %select_n3A_1925, %sub3A_1869 : vector<1x2048xf32>
    %mul3A_1972 = arith.mulf %select_n3A_1928, %add3A_1768 : vector<1x2048xf32>
    %sub3A_1973 = arith.subf %mul3A_1971, %mul3A_1972 : vector<1x2048xf32>
    %mul3A_1974 = arith.mulf %select_n3A_1928, %sub3A_1869 : vector<1x2048xf32>
    %mul3A_1975 = arith.mulf %select_n3A_1925, %add3A_1768 : vector<1x2048xf32>
    %add3A_1976 = arith.addf %mul3A_1974, %mul3A_1975 : vector<1x2048xf32>
    %mul3A_1977 = arith.mulf %select_n3A_1925, %sub3A_1875 : vector<1x2048xf32>
    %mul3A_1978 = arith.mulf %select_n3A_1928, %add3A_1774 : vector<1x2048xf32>
    %sub3A_1979 = arith.subf %mul3A_1977, %mul3A_1978 : vector<1x2048xf32>
    %mul3A_1980 = arith.mulf %select_n3A_1928, %sub3A_1875 : vector<1x2048xf32>
    %mul3A_1981 = arith.mulf %select_n3A_1925, %add3A_1774 : vector<1x2048xf32>
    %add3A_1982 = arith.addf %mul3A_1980, %mul3A_1981 : vector<1x2048xf32>
    %sub3A_1983 = arith.subf %add3A_1964, %add3A_1854 : vector<1x2048xf32>
    %mul3A_1984 = arith.constant 2.000000e+00 : f32
    %mul3A_1985 = vector.broadcast %mul3A_1984 : f32 to vector<1x2048xf32>
    %mul3A_1986 = arith.mulf %mul3A_1985, %add3A_1958 : vector<1x2048xf32>
    %div3A_1987 = arith.divf %sub3A_1983, %mul3A_1986 : vector<1x2048xf32>
    %sign3A_1988 = tpu.bitcast %div3A_1987 : vector<1x2048xf32> -> vector<1x2048xi32>
    %sign3A_1989 = arith.constant -2147483648 : i32
    %sign3A_1990 = vector.broadcast %sign3A_1989 : i32 to vector<1x2048xi32>
    %sign3A_1991 = arith.andi %sign3A_1988, %sign3A_1990 : vector<1x2048xi32>
    %sign3A_1992 = arith.constant 1065353216 : i32
    %sign3A_1993 = vector.broadcast %sign3A_1992 : i32 to vector<1x2048xi32>
    %sign3A_1994 = arith.ori %sign3A_1993, %sign3A_1991 : vector<1x2048xi32>
    %sign3A_1995 = tpu.bitcast %sign3A_1994 : vector<1x2048xi32> -> vector<1x2048xf32>
    %sign3A_1996 = math.absf %div3A_1987 : vector<1x2048xf32>
    %sign3A_1997 = arith.constant 0.000000e+00 : f32
    %sign3A_1998 = vector.broadcast %sign3A_1997 : f32 to vector<1x2048xf32>
    %sign3A_1999 = arith.cmpf ogt, %sign3A_1996, %sign3A_1998 : vector<1x2048xf32>
    %sign3A_2000 = arith.select %sign3A_1999, %sign3A_1995, %div3A_1987 : vector<1x2048xi1>, vector<1x2048xf32>
    %abs3A_2001 = math.absf %div3A_1987 : vector<1x2048xf32>
    %mul3A_2002 = arith.mulf %div3A_1987, %div3A_1987 : vector<1x2048xf32>
    %add3A_2003 = arith.constant 1.000000e+00 : f32
    %add3A_2004 = vector.broadcast %add3A_2003 : f32 to vector<1x2048xf32>
    %add3A_2005 = arith.addf %add3A_2004, %mul3A_2002 : vector<1x2048xf32>
    %sqrt3A_2006 = math.sqrt %add3A_2005 : vector<1x2048xf32>
    %add3A_2007 = arith.addf %abs3A_2001, %sqrt3A_2006 : vector<1x2048xf32>
    %div3A_2008 = arith.divf %sign3A_2000, %add3A_2007 : vector<1x2048xf32>
    %eq3A_2009 = arith.constant 0.000000e+00 : f32
    %eq3A_2010 = vector.broadcast %eq3A_2009 : f32 to vector<1x2048xf32>
    %eq3A_2011 = arith.cmpf oeq, %div3A_1987, %eq3A_2010 : vector<1x2048xf32>
    %jit3A_2012 = arith.constant 1.000000e+00 : f32
    %broadcast_in_dim3A_2013 = vector.broadcast %jit3A_2012 : f32 to vector<1x2048xf32>
    %select_n3A_2014 = arith.select %eq3A_2011, %broadcast_in_dim3A_2013, %div3A_2008 : vector<1x2048xi1>, vector<1x2048xf32>
    %mul3A_2015 = arith.mulf %select_n3A_2014, %select_n3A_2014 : vector<1x2048xf32>
    %add3A_2016 = arith.constant 1.000000e+00 : f32
    %add3A_2017 = vector.broadcast %add3A_2016 : f32 to vector<1x2048xf32>
    %add3A_2018 = arith.addf %add3A_2017, %mul3A_2015 : vector<1x2048xf32>
    %sqrt3A_2019 = math.sqrt %add3A_2018 : vector<1x2048xf32>
    %div3A_2020 = arith.constant 1.000000e+00 : f32
    %div3A_2021 = vector.broadcast %div3A_2020 : f32 to vector<1x2048xf32>
    %div3A_2022 = arith.divf %div3A_2021, %sqrt3A_2019 : vector<1x2048xf32>
    %mul3A_2023 = arith.mulf %select_n3A_2014, %div3A_2022 : vector<1x2048xf32>
    %eq3A_2024 = arith.constant 0.000000e+00 : f32
    %eq3A_2025 = vector.broadcast %eq3A_2024 : f32 to vector<1x2048xf32>
    %eq3A_2026 = arith.cmpf oeq, %add3A_1958, %eq3A_2025 : vector<1x2048xf32>
    %jit3A_2027 = arith.constant 1.000000e+00 : f32
    %broadcast_in_dim3A_2028 = vector.broadcast %jit3A_2027 : f32 to vector<1x2048xf32>
    %select_n3A_2029 = arith.select %eq3A_2026, %broadcast_in_dim3A_2028, %div3A_2022 : vector<1x2048xi1>, vector<1x2048xf32>
    %jit3A_2030 = arith.constant 0.000000e+00 : f32
    %broadcast_in_dim3A_2031 = vector.broadcast %jit3A_2030 : f32 to vector<1x2048xf32>
    %select_n3A_2032 = arith.select %eq3A_2026, %broadcast_in_dim3A_2031, %mul3A_2023 : vector<1x2048xi1>, vector<1x2048xf32>
    %mul3A_2033 = arith.mulf %select_n3A_2029, %sub3A_1955 : vector<1x2048xf32>
    %mul3A_2034 = arith.mulf %select_n3A_2032, %sub3A_1961 : vector<1x2048xf32>
    %sub3A_2035 = arith.subf %mul3A_2033, %mul3A_2034 : vector<1x2048xf32>
    %mul3A_2036 = arith.mulf %select_n3A_2032, %sub3A_1955 : vector<1x2048xf32>
    %mul3A_2037 = arith.mulf %select_n3A_2029, %sub3A_1961 : vector<1x2048xf32>
    %add3A_2038 = arith.addf %mul3A_2036, %mul3A_2037 : vector<1x2048xf32>
    %mul3A_2039 = arith.mulf %select_n3A_2029, %add3A_1854 : vector<1x2048xf32>
    %mul3A_2040 = arith.mulf %select_n3A_2032, %add3A_1940 : vector<1x2048xf32>
    %sub3A_2041 = arith.subf %mul3A_2039, %mul3A_2040 : vector<1x2048xf32>
    %mul3A_2042 = arith.mulf %select_n3A_2032, %add3A_1854 : vector<1x2048xf32>
    %mul3A_2043 = arith.mulf %select_n3A_2029, %add3A_1940 : vector<1x2048xf32>
    %add3A_2044 = arith.addf %mul3A_2042, %mul3A_2043 : vector<1x2048xf32>
    %mul3A_2045 = arith.mulf %select_n3A_2029, %add3A_1958 : vector<1x2048xf32>
    %mul3A_2046 = arith.mulf %select_n3A_2032, %add3A_1964 : vector<1x2048xf32>
    %sub3A_2047 = arith.subf %mul3A_2045, %mul3A_2046 : vector<1x2048xf32>
    %mul3A_2048 = arith.mulf %select_n3A_2032, %add3A_1958 : vector<1x2048xf32>
    %mul3A_2049 = arith.mulf %select_n3A_2029, %add3A_1964 : vector<1x2048xf32>
    %add3A_2050 = arith.addf %mul3A_2048, %mul3A_2049 : vector<1x2048xf32>
    %mul3A_2051 = arith.mulf %select_n3A_2029, %sub3A_1937 : vector<1x2048xf32>
    %mul3A_2052 = arith.mulf %select_n3A_2032, %add3A_1952 : vector<1x2048xf32>
    %sub3A_2053 = arith.subf %mul3A_2051, %mul3A_2052 : vector<1x2048xf32>
    %mul3A_2054 = arith.mulf %select_n3A_2032, %sub3A_1937 : vector<1x2048xf32>
    %mul3A_2055 = arith.mulf %select_n3A_2029, %add3A_1952 : vector<1x2048xf32>
    %add3A_2056 = arith.addf %mul3A_2054, %mul3A_2055 : vector<1x2048xf32>
    %mul3A_2057 = arith.mulf %select_n3A_2029, %sub3A_2041 : vector<1x2048xf32>
    %mul3A_2058 = arith.mulf %select_n3A_2032, %sub3A_2047 : vector<1x2048xf32>
    %sub3A_2059 = arith.subf %mul3A_2057, %mul3A_2058 : vector<1x2048xf32>
    %mul3A_2060 = arith.mulf %select_n3A_2032, %sub3A_2041 : vector<1x2048xf32>
    %mul3A_2061 = arith.mulf %select_n3A_2029, %sub3A_2047 : vector<1x2048xf32>
    %add3A_2062 = arith.addf %mul3A_2060, %mul3A_2061 : vector<1x2048xf32>
    %mul3A_2063 = arith.mulf %select_n3A_2029, %add3A_2044 : vector<1x2048xf32>
    %mul3A_2064 = arith.mulf %select_n3A_2032, %add3A_2050 : vector<1x2048xf32>
    %sub3A_2065 = arith.subf %mul3A_2063, %mul3A_2064 : vector<1x2048xf32>
    %mul3A_2066 = arith.mulf %select_n3A_2032, %add3A_2044 : vector<1x2048xf32>
    %mul3A_2067 = arith.mulf %select_n3A_2029, %add3A_2050 : vector<1x2048xf32>
    %add3A_2068 = arith.addf %mul3A_2066, %mul3A_2067 : vector<1x2048xf32>
    %mul3A_2069 = arith.mulf %select_n3A_2029, %add3A_1866 : vector<1x2048xf32>
    %mul3A_2070 = arith.mulf %select_n3A_2032, %add3A_1970 : vector<1x2048xf32>
    %sub3A_2071 = arith.subf %mul3A_2069, %mul3A_2070 : vector<1x2048xf32>
    %mul3A_2072 = arith.mulf %select_n3A_2032, %add3A_1866 : vector<1x2048xf32>
    %mul3A_2073 = arith.mulf %select_n3A_2029, %add3A_1970 : vector<1x2048xf32>
    %add3A_2074 = arith.addf %mul3A_2072, %mul3A_2073 : vector<1x2048xf32>
    %mul3A_2075 = arith.mulf %select_n3A_2029, %add3A_1872 : vector<1x2048xf32>
    %mul3A_2076 = arith.mulf %select_n3A_2032, %add3A_1976 : vector<1x2048xf32>
    %sub3A_2077 = arith.subf %mul3A_2075, %mul3A_2076 : vector<1x2048xf32>
    %mul3A_2078 = arith.mulf %select_n3A_2032, %add3A_1872 : vector<1x2048xf32>
    %mul3A_2079 = arith.mulf %select_n3A_2029, %add3A_1976 : vector<1x2048xf32>
    %add3A_2080 = arith.addf %mul3A_2078, %mul3A_2079 : vector<1x2048xf32>
    %mul3A_2081 = arith.mulf %select_n3A_2029, %add3A_1878 : vector<1x2048xf32>
    %mul3A_2082 = arith.mulf %select_n3A_2032, %add3A_1982 : vector<1x2048xf32>
    %sub3A_2083 = arith.subf %mul3A_2081, %mul3A_2082 : vector<1x2048xf32>
    %mul3A_2084 = arith.mulf %select_n3A_2032, %add3A_1878 : vector<1x2048xf32>
    %mul3A_2085 = arith.mulf %select_n3A_2029, %add3A_1982 : vector<1x2048xf32>
    %add3A_2086 = arith.addf %mul3A_2084, %mul3A_2085 : vector<1x2048xf32>
    %sub3A_2087 = arith.subf %sub3A_2059, %sub3A_1949 : vector<1x2048xf32>
    %mul3A_2088 = arith.constant 2.000000e+00 : f32
    %mul3A_2089 = vector.broadcast %mul3A_2088 : f32 to vector<1x2048xf32>
    %mul3A_2090 = arith.mulf %mul3A_2089, %sub3A_2053 : vector<1x2048xf32>
    %div3A_2091 = arith.divf %sub3A_2087, %mul3A_2090 : vector<1x2048xf32>
    %sign3A_2092 = tpu.bitcast %div3A_2091 : vector<1x2048xf32> -> vector<1x2048xi32>
    %sign3A_2093 = arith.constant -2147483648 : i32
    %sign3A_2094 = vector.broadcast %sign3A_2093 : i32 to vector<1x2048xi32>
    %sign3A_2095 = arith.andi %sign3A_2092, %sign3A_2094 : vector<1x2048xi32>
    %sign3A_2096 = arith.constant 1065353216 : i32
    %sign3A_2097 = vector.broadcast %sign3A_2096 : i32 to vector<1x2048xi32>
    %sign3A_2098 = arith.ori %sign3A_2097, %sign3A_2095 : vector<1x2048xi32>
    %sign3A_2099 = tpu.bitcast %sign3A_2098 : vector<1x2048xi32> -> vector<1x2048xf32>
    %sign3A_2100 = math.absf %div3A_2091 : vector<1x2048xf32>
    %sign3A_2101 = arith.constant 0.000000e+00 : f32
    %sign3A_2102 = vector.broadcast %sign3A_2101 : f32 to vector<1x2048xf32>
    %sign3A_2103 = arith.cmpf ogt, %sign3A_2100, %sign3A_2102 : vector<1x2048xf32>
    %sign3A_2104 = arith.select %sign3A_2103, %sign3A_2099, %div3A_2091 : vector<1x2048xi1>, vector<1x2048xf32>
    %abs3A_2105 = math.absf %div3A_2091 : vector<1x2048xf32>
    %mul3A_2106 = arith.mulf %div3A_2091, %div3A_2091 : vector<1x2048xf32>
    %add3A_2107 = arith.constant 1.000000e+00 : f32
    %add3A_2108 = vector.broadcast %add3A_2107 : f32 to vector<1x2048xf32>
    %add3A_2109 = arith.addf %add3A_2108, %mul3A_2106 : vector<1x2048xf32>
    %sqrt3A_2110 = math.sqrt %add3A_2109 : vector<1x2048xf32>
    %add3A_2111 = arith.addf %abs3A_2105, %sqrt3A_2110 : vector<1x2048xf32>
    %div3A_2112 = arith.divf %sign3A_2104, %add3A_2111 : vector<1x2048xf32>
    %eq3A_2113 = arith.constant 0.000000e+00 : f32
    %eq3A_2114 = vector.broadcast %eq3A_2113 : f32 to vector<1x2048xf32>
    %eq3A_2115 = arith.cmpf oeq, %div3A_2091, %eq3A_2114 : vector<1x2048xf32>
    %jit3A_2116 = arith.constant 1.000000e+00 : f32
    %broadcast_in_dim3A_2117 = vector.broadcast %jit3A_2116 : f32 to vector<1x2048xf32>
    %select_n3A_2118 = arith.select %eq3A_2115, %broadcast_in_dim3A_2117, %div3A_2112 : vector<1x2048xi1>, vector<1x2048xf32>
    %mul3A_2119 = arith.mulf %select_n3A_2118, %select_n3A_2118 : vector<1x2048xf32>
    %add3A_2120 = arith.constant 1.000000e+00 : f32
    %add3A_2121 = vector.broadcast %add3A_2120 : f32 to vector<1x2048xf32>
    %add3A_2122 = arith.addf %add3A_2121, %mul3A_2119 : vector<1x2048xf32>
    %sqrt3A_2123 = math.sqrt %add3A_2122 : vector<1x2048xf32>
    %div3A_2124 = arith.constant 1.000000e+00 : f32
    %div3A_2125 = vector.broadcast %div3A_2124 : f32 to vector<1x2048xf32>
    %div3A_2126 = arith.divf %div3A_2125, %sqrt3A_2123 : vector<1x2048xf32>
    %mul3A_2127 = arith.mulf %select_n3A_2118, %div3A_2126 : vector<1x2048xf32>
    %eq3A_2128 = arith.constant 0.000000e+00 : f32
    %eq3A_2129 = vector.broadcast %eq3A_2128 : f32 to vector<1x2048xf32>
    %eq3A_2130 = arith.cmpf oeq, %sub3A_2053, %eq3A_2129 : vector<1x2048xf32>
    %jit3A_2131 = arith.constant 1.000000e+00 : f32
    %broadcast_in_dim3A_2132 = vector.broadcast %jit3A_2131 : f32 to vector<1x2048xf32>
    %select_n3A_2133 = arith.select %eq3A_2130, %broadcast_in_dim3A_2132, %div3A_2126 : vector<1x2048xi1>, vector<1x2048xf32>
    %jit3A_2134 = arith.constant 0.000000e+00 : f32
    %broadcast_in_dim3A_2135 = vector.broadcast %jit3A_2134 : f32 to vector<1x2048xf32>
    %select_n3A_2136 = arith.select %eq3A_2130, %broadcast_in_dim3A_2135, %mul3A_2127 : vector<1x2048xi1>, vector<1x2048xf32>
    %mul3A_2137 = arith.mulf %select_n3A_2133, %sub3A_1949 : vector<1x2048xf32>
    %mul3A_2138 = arith.mulf %select_n3A_2136, %sub3A_2035 : vector<1x2048xf32>
    %sub3A_2139 = arith.subf %mul3A_2137, %mul3A_2138 : vector<1x2048xf32>
    %mul3A_2140 = arith.mulf %select_n3A_2136, %sub3A_1949 : vector<1x2048xf32>
    %mul3A_2141 = arith.mulf %select_n3A_2133, %sub3A_2035 : vector<1x2048xf32>
    %add3A_2142 = arith.addf %mul3A_2140, %mul3A_2141 : vector<1x2048xf32>
    %mul3A_2143 = arith.mulf %select_n3A_2133, %sub3A_2053 : vector<1x2048xf32>
    %mul3A_2144 = arith.mulf %select_n3A_2136, %sub3A_2059 : vector<1x2048xf32>
    %sub3A_2145 = arith.subf %mul3A_2143, %mul3A_2144 : vector<1x2048xf32>
    %mul3A_2146 = arith.mulf %select_n3A_2136, %sub3A_2053 : vector<1x2048xf32>
    %mul3A_2147 = arith.mulf %select_n3A_2133, %sub3A_2059 : vector<1x2048xf32>
    %add3A_2148 = arith.addf %mul3A_2146, %mul3A_2147 : vector<1x2048xf32>
    %mul3A_2149 = arith.mulf %select_n3A_2133, %add3A_2056 : vector<1x2048xf32>
    %mul3A_2150 = arith.mulf %select_n3A_2136, %add3A_2062 : vector<1x2048xf32>
    %sub3A_2151 = arith.subf %mul3A_2149, %mul3A_2150 : vector<1x2048xf32>
    %mul3A_2152 = arith.mulf %select_n3A_2136, %add3A_2056 : vector<1x2048xf32>
    %mul3A_2153 = arith.mulf %select_n3A_2133, %add3A_2062 : vector<1x2048xf32>
    %add3A_2154 = arith.addf %mul3A_2152, %mul3A_2153 : vector<1x2048xf32>
    %mul3A_2155 = arith.mulf %select_n3A_2133, %sub3A_2139 : vector<1x2048xf32>
    %mul3A_2156 = arith.mulf %select_n3A_2136, %sub3A_2145 : vector<1x2048xf32>
    %sub3A_2157 = arith.subf %mul3A_2155, %mul3A_2156 : vector<1x2048xf32>
    %mul3A_2158 = arith.mulf %select_n3A_2136, %sub3A_2139 : vector<1x2048xf32>
    %mul3A_2159 = arith.mulf %select_n3A_2133, %sub3A_2145 : vector<1x2048xf32>
    %add3A_2160 = arith.addf %mul3A_2158, %mul3A_2159 : vector<1x2048xf32>
    %mul3A_2161 = arith.mulf %select_n3A_2133, %add3A_2142 : vector<1x2048xf32>
    %mul3A_2162 = arith.mulf %select_n3A_2136, %add3A_2148 : vector<1x2048xf32>
    %sub3A_2163 = arith.subf %mul3A_2161, %mul3A_2162 : vector<1x2048xf32>
    %mul3A_2164 = arith.mulf %select_n3A_2136, %add3A_2142 : vector<1x2048xf32>
    %mul3A_2165 = arith.mulf %select_n3A_2133, %add3A_2148 : vector<1x2048xf32>
    %add3A_2166 = arith.addf %mul3A_2164, %mul3A_2165 : vector<1x2048xf32>
    %mul3A_2167 = arith.mulf %select_n3A_2133, %add3A_2038 : vector<1x2048xf32>
    %mul3A_2168 = arith.mulf %select_n3A_2136, %sub3A_2065 : vector<1x2048xf32>
    %sub3A_2169 = arith.subf %mul3A_2167, %mul3A_2168 : vector<1x2048xf32>
    %mul3A_2170 = arith.mulf %select_n3A_2136, %add3A_2038 : vector<1x2048xf32>
    %mul3A_2171 = arith.mulf %select_n3A_2133, %sub3A_2065 : vector<1x2048xf32>
    %add3A_2172 = arith.addf %mul3A_2170, %mul3A_2171 : vector<1x2048xf32>
    %mul3A_2173 = arith.mulf %select_n3A_2133, %sub3A_1967 : vector<1x2048xf32>
    %mul3A_2174 = arith.mulf %select_n3A_2136, %sub3A_2071 : vector<1x2048xf32>
    %sub3A_2175 = arith.subf %mul3A_2173, %mul3A_2174 : vector<1x2048xf32>
    %mul3A_2176 = arith.mulf %select_n3A_2136, %sub3A_1967 : vector<1x2048xf32>
    %mul3A_2177 = arith.mulf %select_n3A_2133, %sub3A_2071 : vector<1x2048xf32>
    %add3A_2178 = arith.addf %mul3A_2176, %mul3A_2177 : vector<1x2048xf32>
    %mul3A_2179 = arith.mulf %select_n3A_2133, %sub3A_1973 : vector<1x2048xf32>
    %mul3A_2180 = arith.mulf %select_n3A_2136, %sub3A_2077 : vector<1x2048xf32>
    %sub3A_2181 = arith.subf %mul3A_2179, %mul3A_2180 : vector<1x2048xf32>
    %mul3A_2182 = arith.mulf %select_n3A_2136, %sub3A_1973 : vector<1x2048xf32>
    %mul3A_2183 = arith.mulf %select_n3A_2133, %sub3A_2077 : vector<1x2048xf32>
    %add3A_2184 = arith.addf %mul3A_2182, %mul3A_2183 : vector<1x2048xf32>
    %mul3A_2185 = arith.mulf %select_n3A_2133, %sub3A_1979 : vector<1x2048xf32>
    %mul3A_2186 = arith.mulf %select_n3A_2136, %sub3A_2083 : vector<1x2048xf32>
    %sub3A_2187 = arith.subf %mul3A_2185, %mul3A_2186 : vector<1x2048xf32>
    %mul3A_2188 = arith.mulf %select_n3A_2136, %sub3A_1979 : vector<1x2048xf32>
    %mul3A_2189 = arith.mulf %select_n3A_2133, %sub3A_2083 : vector<1x2048xf32>
    %add3A_2190 = arith.addf %mul3A_2188, %mul3A_2189 : vector<1x2048xf32>
    %sub3A_2191 = arith.subf %add3A_2068, %sub3A_2157 : vector<1x2048xf32>
    %mul3A_2192 = arith.constant 2.000000e+00 : f32
    %mul3A_2193 = vector.broadcast %mul3A_2192 : f32 to vector<1x2048xf32>
    %mul3A_2194 = arith.mulf %mul3A_2193, %sub3A_2151 : vector<1x2048xf32>
    %div3A_2195 = arith.divf %sub3A_2191, %mul3A_2194 : vector<1x2048xf32>
    %sign3A_2196 = tpu.bitcast %div3A_2195 : vector<1x2048xf32> -> vector<1x2048xi32>
    %sign3A_2197 = arith.constant -2147483648 : i32
    %sign3A_2198 = vector.broadcast %sign3A_2197 : i32 to vector<1x2048xi32>
    %sign3A_2199 = arith.andi %sign3A_2196, %sign3A_2198 : vector<1x2048xi32>
    %sign3A_2200 = arith.constant 1065353216 : i32
    %sign3A_2201 = vector.broadcast %sign3A_2200 : i32 to vector<1x2048xi32>
    %sign3A_2202 = arith.ori %sign3A_2201, %sign3A_2199 : vector<1x2048xi32>
    %sign3A_2203 = tpu.bitcast %sign3A_2202 : vector<1x2048xi32> -> vector<1x2048xf32>
    %sign3A_2204 = math.absf %div3A_2195 : vector<1x2048xf32>
    %sign3A_2205 = arith.constant 0.000000e+00 : f32
    %sign3A_2206 = vector.broadcast %sign3A_2205 : f32 to vector<1x2048xf32>
    %sign3A_2207 = arith.cmpf ogt, %sign3A_2204, %sign3A_2206 : vector<1x2048xf32>
    %sign3A_2208 = arith.select %sign3A_2207, %sign3A_2203, %div3A_2195 : vector<1x2048xi1>, vector<1x2048xf32>
    %abs3A_2209 = math.absf %div3A_2195 : vector<1x2048xf32>
    %mul3A_2210 = arith.mulf %div3A_2195, %div3A_2195 : vector<1x2048xf32>
    %add3A_2211 = arith.constant 1.000000e+00 : f32
    %add3A_2212 = vector.broadcast %add3A_2211 : f32 to vector<1x2048xf32>
    %add3A_2213 = arith.addf %add3A_2212, %mul3A_2210 : vector<1x2048xf32>
    %sqrt3A_2214 = math.sqrt %add3A_2213 : vector<1x2048xf32>
    %add3A_2215 = arith.addf %abs3A_2209, %sqrt3A_2214 : vector<1x2048xf32>
    %div3A_2216 = arith.divf %sign3A_2208, %add3A_2215 : vector<1x2048xf32>
    %eq3A_2217 = arith.constant 0.000000e+00 : f32
    %eq3A_2218 = vector.broadcast %eq3A_2217 : f32 to vector<1x2048xf32>
    %eq3A_2219 = arith.cmpf oeq, %div3A_2195, %eq3A_2218 : vector<1x2048xf32>
    %jit3A_2220 = arith.constant 1.000000e+00 : f32
    %broadcast_in_dim3A_2221 = vector.broadcast %jit3A_2220 : f32 to vector<1x2048xf32>
    %select_n3A_2222 = arith.select %eq3A_2219, %broadcast_in_dim3A_2221, %div3A_2216 : vector<1x2048xi1>, vector<1x2048xf32>
    %mul3A_2223 = arith.mulf %select_n3A_2222, %select_n3A_2222 : vector<1x2048xf32>
    %add3A_2224 = arith.constant 1.000000e+00 : f32
    %add3A_2225 = vector.broadcast %add3A_2224 : f32 to vector<1x2048xf32>
    %add3A_2226 = arith.addf %add3A_2225, %mul3A_2223 : vector<1x2048xf32>
    %sqrt3A_2227 = math.sqrt %add3A_2226 : vector<1x2048xf32>
    %div3A_2228 = arith.constant 1.000000e+00 : f32
    %div3A_2229 = vector.broadcast %div3A_2228 : f32 to vector<1x2048xf32>
    %div3A_2230 = arith.divf %div3A_2229, %sqrt3A_2227 : vector<1x2048xf32>
    %mul3A_2231 = arith.mulf %select_n3A_2222, %div3A_2230 : vector<1x2048xf32>
    %eq3A_2232 = arith.constant 0.000000e+00 : f32
    %eq3A_2233 = vector.broadcast %eq3A_2232 : f32 to vector<1x2048xf32>
    %eq3A_2234 = arith.cmpf oeq, %sub3A_2151, %eq3A_2233 : vector<1x2048xf32>
    %jit3A_2235 = arith.constant 1.000000e+00 : f32
    %broadcast_in_dim3A_2236 = vector.broadcast %jit3A_2235 : f32 to vector<1x2048xf32>
    %select_n3A_2237 = arith.select %eq3A_2234, %broadcast_in_dim3A_2236, %div3A_2230 : vector<1x2048xi1>, vector<1x2048xf32>
    %jit3A_2238 = arith.constant 0.000000e+00 : f32
    %broadcast_in_dim3A_2239 = vector.broadcast %jit3A_2238 : f32 to vector<1x2048xf32>
    %select_n3A_2240 = arith.select %eq3A_2234, %broadcast_in_dim3A_2239, %mul3A_2231 : vector<1x2048xi1>, vector<1x2048xf32>
    %mul3A_2241 = arith.mulf %select_n3A_2237, %sub3A_2157 : vector<1x2048xf32>
    %mul3A_2242 = arith.mulf %select_n3A_2240, %sub3A_2169 : vector<1x2048xf32>
    %sub3A_2243 = arith.subf %mul3A_2241, %mul3A_2242 : vector<1x2048xf32>
    %mul3A_2244 = arith.mulf %select_n3A_2240, %sub3A_2157 : vector<1x2048xf32>
    %mul3A_2245 = arith.mulf %select_n3A_2237, %sub3A_2169 : vector<1x2048xf32>
    %add3A_2246 = arith.addf %mul3A_2244, %mul3A_2245 : vector<1x2048xf32>
    %mul3A_2247 = arith.mulf %select_n3A_2237, %add3A_2160 : vector<1x2048xf32>
    %mul3A_2248 = arith.mulf %select_n3A_2240, %add3A_2172 : vector<1x2048xf32>
    %sub3A_2249 = arith.subf %mul3A_2247, %mul3A_2248 : vector<1x2048xf32>
    %mul3A_2250 = arith.mulf %select_n3A_2240, %add3A_2160 : vector<1x2048xf32>
    %mul3A_2251 = arith.mulf %select_n3A_2237, %add3A_2172 : vector<1x2048xf32>
    %add3A_2252 = arith.addf %mul3A_2250, %mul3A_2251 : vector<1x2048xf32>
    %mul3A_2253 = arith.mulf %select_n3A_2237, %sub3A_2151 : vector<1x2048xf32>
    %mul3A_2254 = arith.mulf %select_n3A_2240, %add3A_2068 : vector<1x2048xf32>
    %sub3A_2255 = arith.subf %mul3A_2253, %mul3A_2254 : vector<1x2048xf32>
    %mul3A_2256 = arith.mulf %select_n3A_2240, %sub3A_2151 : vector<1x2048xf32>
    %mul3A_2257 = arith.mulf %select_n3A_2237, %add3A_2068 : vector<1x2048xf32>
    %add3A_2258 = arith.addf %mul3A_2256, %mul3A_2257 : vector<1x2048xf32>
    %mul3A_2259 = arith.mulf %select_n3A_2237, %sub3A_2243 : vector<1x2048xf32>
    %mul3A_2260 = arith.mulf %select_n3A_2240, %sub3A_2255 : vector<1x2048xf32>
    %sub3A_2261 = arith.subf %mul3A_2259, %mul3A_2260 : vector<1x2048xf32>
    %mul3A_2262 = arith.mulf %select_n3A_2240, %sub3A_2243 : vector<1x2048xf32>
    %mul3A_2263 = arith.mulf %select_n3A_2237, %sub3A_2255 : vector<1x2048xf32>
    %add3A_2264 = arith.addf %mul3A_2262, %mul3A_2263 : vector<1x2048xf32>
    %mul3A_2265 = arith.mulf %select_n3A_2237, %sub3A_2163 : vector<1x2048xf32>
    %mul3A_2266 = arith.mulf %select_n3A_2240, %add3A_2154 : vector<1x2048xf32>
    %sub3A_2267 = arith.subf %mul3A_2265, %mul3A_2266 : vector<1x2048xf32>
    %mul3A_2268 = arith.mulf %select_n3A_2240, %sub3A_2163 : vector<1x2048xf32>
    %mul3A_2269 = arith.mulf %select_n3A_2237, %add3A_2154 : vector<1x2048xf32>
    %add3A_2270 = arith.addf %mul3A_2268, %mul3A_2269 : vector<1x2048xf32>
    %mul3A_2271 = arith.mulf %select_n3A_2237, %add3A_2246 : vector<1x2048xf32>
    %mul3A_2272 = arith.mulf %select_n3A_2240, %add3A_2258 : vector<1x2048xf32>
    %sub3A_2273 = arith.subf %mul3A_2271, %mul3A_2272 : vector<1x2048xf32>
    %mul3A_2274 = arith.mulf %select_n3A_2240, %add3A_2246 : vector<1x2048xf32>
    %mul3A_2275 = arith.mulf %select_n3A_2237, %add3A_2258 : vector<1x2048xf32>
    %add3A_2276 = arith.addf %mul3A_2274, %mul3A_2275 : vector<1x2048xf32>
    %mul3A_2277 = arith.mulf %select_n3A_2237, %sub3A_2175 : vector<1x2048xf32>
    %mul3A_2278 = arith.mulf %select_n3A_2240, %add3A_2074 : vector<1x2048xf32>
    %sub3A_2279 = arith.subf %mul3A_2277, %mul3A_2278 : vector<1x2048xf32>
    %mul3A_2280 = arith.mulf %select_n3A_2240, %sub3A_2175 : vector<1x2048xf32>
    %mul3A_2281 = arith.mulf %select_n3A_2237, %add3A_2074 : vector<1x2048xf32>
    %add3A_2282 = arith.addf %mul3A_2280, %mul3A_2281 : vector<1x2048xf32>
    %mul3A_2283 = arith.mulf %select_n3A_2237, %sub3A_2181 : vector<1x2048xf32>
    %mul3A_2284 = arith.mulf %select_n3A_2240, %add3A_2080 : vector<1x2048xf32>
    %sub3A_2285 = arith.subf %mul3A_2283, %mul3A_2284 : vector<1x2048xf32>
    %mul3A_2286 = arith.mulf %select_n3A_2240, %sub3A_2181 : vector<1x2048xf32>
    %mul3A_2287 = arith.mulf %select_n3A_2237, %add3A_2080 : vector<1x2048xf32>
    %add3A_2288 = arith.addf %mul3A_2286, %mul3A_2287 : vector<1x2048xf32>
    %mul3A_2289 = arith.mulf %select_n3A_2237, %sub3A_2187 : vector<1x2048xf32>
    %mul3A_2290 = arith.mulf %select_n3A_2240, %add3A_2086 : vector<1x2048xf32>
    %sub3A_2291 = arith.subf %mul3A_2289, %mul3A_2290 : vector<1x2048xf32>
    %mul3A_2292 = arith.mulf %select_n3A_2240, %sub3A_2187 : vector<1x2048xf32>
    %mul3A_2293 = arith.mulf %select_n3A_2237, %add3A_2086 : vector<1x2048xf32>
    %add3A_2294 = arith.addf %mul3A_2292, %mul3A_2293 : vector<1x2048xf32>
    %sub3A_2295 = arith.subf %add3A_2276, %add3A_2166 : vector<1x2048xf32>
    %mul3A_2296 = arith.constant 2.000000e+00 : f32
    %mul3A_2297 = vector.broadcast %mul3A_2296 : f32 to vector<1x2048xf32>
    %mul3A_2298 = arith.mulf %mul3A_2297, %add3A_2270 : vector<1x2048xf32>
    %div3A_2299 = arith.divf %sub3A_2295, %mul3A_2298 : vector<1x2048xf32>
    %sign3A_2300 = tpu.bitcast %div3A_2299 : vector<1x2048xf32> -> vector<1x2048xi32>
    %sign3A_2301 = arith.constant -2147483648 : i32
    %sign3A_2302 = vector.broadcast %sign3A_2301 : i32 to vector<1x2048xi32>
    %sign3A_2303 = arith.andi %sign3A_2300, %sign3A_2302 : vector<1x2048xi32>
    %sign3A_2304 = arith.constant 1065353216 : i32
    %sign3A_2305 = vector.broadcast %sign3A_2304 : i32 to vector<1x2048xi32>
    %sign3A_2306 = arith.ori %sign3A_2305, %sign3A_2303 : vector<1x2048xi32>
    %sign3A_2307 = tpu.bitcast %sign3A_2306 : vector<1x2048xi32> -> vector<1x2048xf32>
    %sign3A_2308 = math.absf %div3A_2299 : vector<1x2048xf32>
    %sign3A_2309 = arith.constant 0.000000e+00 : f32
    %sign3A_2310 = vector.broadcast %sign3A_2309 : f32 to vector<1x2048xf32>
    %sign3A_2311 = arith.cmpf ogt, %sign3A_2308, %sign3A_2310 : vector<1x2048xf32>
    %sign3A_2312 = arith.select %sign3A_2311, %sign3A_2307, %div3A_2299 : vector<1x2048xi1>, vector<1x2048xf32>
    %abs3A_2313 = math.absf %div3A_2299 : vector<1x2048xf32>
    %mul3A_2314 = arith.mulf %div3A_2299, %div3A_2299 : vector<1x2048xf32>
    %add3A_2315 = arith.constant 1.000000e+00 : f32
    %add3A_2316 = vector.broadcast %add3A_2315 : f32 to vector<1x2048xf32>
    %add3A_2317 = arith.addf %add3A_2316, %mul3A_2314 : vector<1x2048xf32>
    %sqrt3A_2318 = math.sqrt %add3A_2317 : vector<1x2048xf32>
    %add3A_2319 = arith.addf %abs3A_2313, %sqrt3A_2318 : vector<1x2048xf32>
    %div3A_2320 = arith.divf %sign3A_2312, %add3A_2319 : vector<1x2048xf32>
    %eq3A_2321 = arith.constant 0.000000e+00 : f32
    %eq3A_2322 = vector.broadcast %eq3A_2321 : f32 to vector<1x2048xf32>
    %eq3A_2323 = arith.cmpf oeq, %div3A_2299, %eq3A_2322 : vector<1x2048xf32>
    %jit3A_2324 = arith.constant 1.000000e+00 : f32
    %broadcast_in_dim3A_2325 = vector.broadcast %jit3A_2324 : f32 to vector<1x2048xf32>
    %select_n3A_2326 = arith.select %eq3A_2323, %broadcast_in_dim3A_2325, %div3A_2320 : vector<1x2048xi1>, vector<1x2048xf32>
    %mul3A_2327 = arith.mulf %select_n3A_2326, %select_n3A_2326 : vector<1x2048xf32>
    %add3A_2328 = arith.constant 1.000000e+00 : f32
    %add3A_2329 = vector.broadcast %add3A_2328 : f32 to vector<1x2048xf32>
    %add3A_2330 = arith.addf %add3A_2329, %mul3A_2327 : vector<1x2048xf32>
    %sqrt3A_2331 = math.sqrt %add3A_2330 : vector<1x2048xf32>
    %div3A_2332 = arith.constant 1.000000e+00 : f32
    %div3A_2333 = vector.broadcast %div3A_2332 : f32 to vector<1x2048xf32>
    %div3A_2334 = arith.divf %div3A_2333, %sqrt3A_2331 : vector<1x2048xf32>
    %mul3A_2335 = arith.mulf %select_n3A_2326, %div3A_2334 : vector<1x2048xf32>
    %eq3A_2336 = arith.constant 0.000000e+00 : f32
    %eq3A_2337 = vector.broadcast %eq3A_2336 : f32 to vector<1x2048xf32>
    %eq3A_2338 = arith.cmpf oeq, %add3A_2270, %eq3A_2337 : vector<1x2048xf32>
    %jit3A_2339 = arith.constant 1.000000e+00 : f32
    %broadcast_in_dim3A_2340 = vector.broadcast %jit3A_2339 : f32 to vector<1x2048xf32>
    %select_n3A_2341 = arith.select %eq3A_2338, %broadcast_in_dim3A_2340, %div3A_2334 : vector<1x2048xi1>, vector<1x2048xf32>
    %jit3A_2342 = arith.constant 0.000000e+00 : f32
    %broadcast_in_dim3A_2343 = vector.broadcast %jit3A_2342 : f32 to vector<1x2048xf32>
    %select_n3A_2344 = arith.select %eq3A_2338, %broadcast_in_dim3A_2343, %mul3A_2335 : vector<1x2048xi1>, vector<1x2048xf32>
    %mul3A_2345 = arith.mulf %select_n3A_2341, %sub3A_2267 : vector<1x2048xf32>
    %mul3A_2346 = arith.mulf %select_n3A_2344, %sub3A_2273 : vector<1x2048xf32>
    %sub3A_2347 = arith.subf %mul3A_2345, %mul3A_2346 : vector<1x2048xf32>
    %mul3A_2348 = arith.mulf %select_n3A_2341, %add3A_2166 : vector<1x2048xf32>
    %mul3A_2349 = arith.mulf %select_n3A_2344, %add3A_2252 : vector<1x2048xf32>
    %sub3A_2350 = arith.subf %mul3A_2348, %mul3A_2349 : vector<1x2048xf32>
    %mul3A_2351 = arith.mulf %select_n3A_2344, %add3A_2166 : vector<1x2048xf32>
    %mul3A_2352 = arith.mulf %select_n3A_2341, %add3A_2252 : vector<1x2048xf32>
    %add3A_2353 = arith.addf %mul3A_2351, %mul3A_2352 : vector<1x2048xf32>
    %mul3A_2354 = arith.mulf %select_n3A_2341, %add3A_2270 : vector<1x2048xf32>
    %mul3A_2355 = arith.mulf %select_n3A_2344, %add3A_2276 : vector<1x2048xf32>
    %sub3A_2356 = arith.subf %mul3A_2354, %mul3A_2355 : vector<1x2048xf32>
    %mul3A_2357 = arith.mulf %select_n3A_2344, %add3A_2270 : vector<1x2048xf32>
    %mul3A_2358 = arith.mulf %select_n3A_2341, %add3A_2276 : vector<1x2048xf32>
    %add3A_2359 = arith.addf %mul3A_2357, %mul3A_2358 : vector<1x2048xf32>
    %mul3A_2360 = arith.mulf %select_n3A_2341, %sub3A_2249 : vector<1x2048xf32>
    %mul3A_2361 = arith.mulf %select_n3A_2344, %add3A_2264 : vector<1x2048xf32>
    %sub3A_2362 = arith.subf %mul3A_2360, %mul3A_2361 : vector<1x2048xf32>
    %mul3A_2363 = arith.mulf %select_n3A_2341, %sub3A_2350 : vector<1x2048xf32>
    %mul3A_2364 = arith.mulf %select_n3A_2344, %sub3A_2356 : vector<1x2048xf32>
    %sub3A_2365 = arith.subf %mul3A_2363, %mul3A_2364 : vector<1x2048xf32>
    %mul3A_2366 = arith.mulf %select_n3A_2344, %add3A_2353 : vector<1x2048xf32>
    %mul3A_2367 = arith.mulf %select_n3A_2341, %add3A_2359 : vector<1x2048xf32>
    %add3A_2368 = arith.addf %mul3A_2366, %mul3A_2367 : vector<1x2048xf32>
    %mul3A_2369 = arith.mulf %select_n3A_2341, %add3A_2178 : vector<1x2048xf32>
    %mul3A_2370 = arith.mulf %select_n3A_2344, %add3A_2282 : vector<1x2048xf32>
    %sub3A_2371 = arith.subf %mul3A_2369, %mul3A_2370 : vector<1x2048xf32>
    %mul3A_2372 = arith.mulf %select_n3A_2344, %add3A_2178 : vector<1x2048xf32>
    %mul3A_2373 = arith.mulf %select_n3A_2341, %add3A_2282 : vector<1x2048xf32>
    %add3A_2374 = arith.addf %mul3A_2372, %mul3A_2373 : vector<1x2048xf32>
    %mul3A_2375 = arith.mulf %select_n3A_2341, %add3A_2184 : vector<1x2048xf32>
    %mul3A_2376 = arith.mulf %select_n3A_2344, %add3A_2288 : vector<1x2048xf32>
    %sub3A_2377 = arith.subf %mul3A_2375, %mul3A_2376 : vector<1x2048xf32>
    %mul3A_2378 = arith.mulf %select_n3A_2344, %add3A_2184 : vector<1x2048xf32>
    %mul3A_2379 = arith.mulf %select_n3A_2341, %add3A_2288 : vector<1x2048xf32>
    %add3A_2380 = arith.addf %mul3A_2378, %mul3A_2379 : vector<1x2048xf32>
    %mul3A_2381 = arith.mulf %select_n3A_2341, %add3A_2190 : vector<1x2048xf32>
    %mul3A_2382 = arith.mulf %select_n3A_2344, %add3A_2294 : vector<1x2048xf32>
    %sub3A_2383 = arith.subf %mul3A_2381, %mul3A_2382 : vector<1x2048xf32>
    %mul3A_2384 = arith.mulf %select_n3A_2344, %add3A_2190 : vector<1x2048xf32>
    %mul3A_2385 = arith.mulf %select_n3A_2341, %add3A_2294 : vector<1x2048xf32>
    %add3A_2386 = arith.addf %mul3A_2384, %mul3A_2385 : vector<1x2048xf32>
    %sub3A_2387 = arith.subf %sub3A_2365, %sub3A_2261 : vector<1x2048xf32>
    %mul3A_2388 = arith.constant 2.000000e+00 : f32
    %mul3A_2389 = vector.broadcast %mul3A_2388 : f32 to vector<1x2048xf32>
    %mul3A_2390 = arith.mulf %mul3A_2389, %sub3A_2362 : vector<1x2048xf32>
    %div3A_2391 = arith.divf %sub3A_2387, %mul3A_2390 : vector<1x2048xf32>
    %sign3A_2392 = tpu.bitcast %div3A_2391 : vector<1x2048xf32> -> vector<1x2048xi32>
    %sign3A_2393 = arith.constant -2147483648 : i32
    %sign3A_2394 = vector.broadcast %sign3A_2393 : i32 to vector<1x2048xi32>
    %sign3A_2395 = arith.andi %sign3A_2392, %sign3A_2394 : vector<1x2048xi32>
    %sign3A_2396 = arith.constant 1065353216 : i32
    %sign3A_2397 = vector.broadcast %sign3A_2396 : i32 to vector<1x2048xi32>
    %sign3A_2398 = arith.ori %sign3A_2397, %sign3A_2395 : vector<1x2048xi32>
    %sign3A_2399 = tpu.bitcast %sign3A_2398 : vector<1x2048xi32> -> vector<1x2048xf32>
    %sign3A_2400 = math.absf %div3A_2391 : vector<1x2048xf32>
    %sign3A_2401 = arith.constant 0.000000e+00 : f32
    %sign3A_2402 = vector.broadcast %sign3A_2401 : f32 to vector<1x2048xf32>
    %sign3A_2403 = arith.cmpf ogt, %sign3A_2400, %sign3A_2402 : vector<1x2048xf32>
    %sign3A_2404 = arith.select %sign3A_2403, %sign3A_2399, %div3A_2391 : vector<1x2048xi1>, vector<1x2048xf32>
    %abs3A_2405 = math.absf %div3A_2391 : vector<1x2048xf32>
    %mul3A_2406 = arith.mulf %div3A_2391, %div3A_2391 : vector<1x2048xf32>
    %add3A_2407 = arith.constant 1.000000e+00 : f32
    %add3A_2408 = vector.broadcast %add3A_2407 : f32 to vector<1x2048xf32>
    %add3A_2409 = arith.addf %add3A_2408, %mul3A_2406 : vector<1x2048xf32>
    %sqrt3A_2410 = math.sqrt %add3A_2409 : vector<1x2048xf32>
    %add3A_2411 = arith.addf %abs3A_2405, %sqrt3A_2410 : vector<1x2048xf32>
    %div3A_2412 = arith.divf %sign3A_2404, %add3A_2411 : vector<1x2048xf32>
    %eq3A_2413 = arith.constant 0.000000e+00 : f32
    %eq3A_2414 = vector.broadcast %eq3A_2413 : f32 to vector<1x2048xf32>
    %eq3A_2415 = arith.cmpf oeq, %div3A_2391, %eq3A_2414 : vector<1x2048xf32>
    %jit3A_2416 = arith.constant 1.000000e+00 : f32
    %broadcast_in_dim3A_2417 = vector.broadcast %jit3A_2416 : f32 to vector<1x2048xf32>
    %select_n3A_2418 = arith.select %eq3A_2415, %broadcast_in_dim3A_2417, %div3A_2412 : vector<1x2048xi1>, vector<1x2048xf32>
    %mul3A_2419 = arith.mulf %select_n3A_2418, %select_n3A_2418 : vector<1x2048xf32>
    %add3A_2420 = arith.constant 1.000000e+00 : f32
    %add3A_2421 = vector.broadcast %add3A_2420 : f32 to vector<1x2048xf32>
    %add3A_2422 = arith.addf %add3A_2421, %mul3A_2419 : vector<1x2048xf32>
    %sqrt3A_2423 = math.sqrt %add3A_2422 : vector<1x2048xf32>
    %div3A_2424 = arith.constant 1.000000e+00 : f32
    %div3A_2425 = vector.broadcast %div3A_2424 : f32 to vector<1x2048xf32>
    %div3A_2426 = arith.divf %div3A_2425, %sqrt3A_2423 : vector<1x2048xf32>
    %mul3A_2427 = arith.mulf %select_n3A_2418, %div3A_2426 : vector<1x2048xf32>
    %eq3A_2428 = arith.constant 0.000000e+00 : f32
    %eq3A_2429 = vector.broadcast %eq3A_2428 : f32 to vector<1x2048xf32>
    %eq3A_2430 = arith.cmpf oeq, %sub3A_2362, %eq3A_2429 : vector<1x2048xf32>
    %jit3A_2431 = arith.constant 1.000000e+00 : f32
    %broadcast_in_dim3A_2432 = vector.broadcast %jit3A_2431 : f32 to vector<1x2048xf32>
    %select_n3A_2433 = arith.select %eq3A_2430, %broadcast_in_dim3A_2432, %div3A_2426 : vector<1x2048xi1>, vector<1x2048xf32>
    %jit3A_2434 = arith.constant 0.000000e+00 : f32
    %broadcast_in_dim3A_2435 = vector.broadcast %jit3A_2434 : f32 to vector<1x2048xf32>
    %select_n3A_2436 = arith.select %eq3A_2430, %broadcast_in_dim3A_2435, %mul3A_2427 : vector<1x2048xi1>, vector<1x2048xf32>
    %mul3A_2437 = arith.mulf %select_n3A_2433, %sub3A_2261 : vector<1x2048xf32>
    %mul3A_2438 = arith.mulf %select_n3A_2436, %sub3A_2347 : vector<1x2048xf32>
    %sub3A_2439 = arith.subf %mul3A_2437, %mul3A_2438 : vector<1x2048xf32>
    %mul3A_2440 = arith.mulf %select_n3A_2436, %sub3A_2261 : vector<1x2048xf32>
    %mul3A_2441 = arith.mulf %select_n3A_2433, %sub3A_2347 : vector<1x2048xf32>
    %add3A_2442 = arith.addf %mul3A_2440, %mul3A_2441 : vector<1x2048xf32>
    %mul3A_2443 = arith.mulf %select_n3A_2433, %sub3A_2362 : vector<1x2048xf32>
    %mul3A_2444 = arith.mulf %select_n3A_2436, %sub3A_2365 : vector<1x2048xf32>
    %sub3A_2445 = arith.subf %mul3A_2443, %mul3A_2444 : vector<1x2048xf32>
    %mul3A_2446 = arith.mulf %select_n3A_2436, %sub3A_2362 : vector<1x2048xf32>
    %mul3A_2447 = arith.mulf %select_n3A_2433, %sub3A_2365 : vector<1x2048xf32>
    %add3A_2448 = arith.addf %mul3A_2446, %mul3A_2447 : vector<1x2048xf32>
    %mul3A_2449 = arith.mulf %select_n3A_2433, %sub3A_2439 : vector<1x2048xf32>
    %mul3A_2450 = arith.mulf %select_n3A_2436, %sub3A_2445 : vector<1x2048xf32>
    %sub3A_2451 = arith.subf %mul3A_2449, %mul3A_2450 : vector<1x2048xf32>
    %mul3A_2452 = arith.mulf %select_n3A_2436, %add3A_2442 : vector<1x2048xf32>
    %mul3A_2453 = arith.mulf %select_n3A_2433, %add3A_2448 : vector<1x2048xf32>
    %add3A_2454 = arith.addf %mul3A_2452, %mul3A_2453 : vector<1x2048xf32>
    %mul3A_2455 = arith.mulf %select_n3A_2433, %sub3A_2279 : vector<1x2048xf32>
    %mul3A_2456 = arith.mulf %select_n3A_2436, %sub3A_2371 : vector<1x2048xf32>
    %sub3A_2457 = arith.subf %mul3A_2455, %mul3A_2456 : vector<1x2048xf32>
    %mul3A_2458 = arith.mulf %select_n3A_2436, %sub3A_2279 : vector<1x2048xf32>
    %mul3A_2459 = arith.mulf %select_n3A_2433, %sub3A_2371 : vector<1x2048xf32>
    %add3A_2460 = arith.addf %mul3A_2458, %mul3A_2459 : vector<1x2048xf32>
    %mul3A_2461 = arith.mulf %select_n3A_2433, %sub3A_2285 : vector<1x2048xf32>
    %mul3A_2462 = arith.mulf %select_n3A_2436, %sub3A_2377 : vector<1x2048xf32>
    %sub3A_2463 = arith.subf %mul3A_2461, %mul3A_2462 : vector<1x2048xf32>
    %mul3A_2464 = arith.mulf %select_n3A_2436, %sub3A_2285 : vector<1x2048xf32>
    %mul3A_2465 = arith.mulf %select_n3A_2433, %sub3A_2377 : vector<1x2048xf32>
    %add3A_2466 = arith.addf %mul3A_2464, %mul3A_2465 : vector<1x2048xf32>
    %mul3A_2467 = arith.mulf %select_n3A_2433, %sub3A_2291 : vector<1x2048xf32>
    %mul3A_2468 = arith.mulf %select_n3A_2436, %sub3A_2383 : vector<1x2048xf32>
    %sub3A_2469 = arith.subf %mul3A_2467, %mul3A_2468 : vector<1x2048xf32>
    %mul3A_2470 = arith.mulf %select_n3A_2436, %sub3A_2291 : vector<1x2048xf32>
    %mul3A_2471 = arith.mulf %select_n3A_2433, %sub3A_2383 : vector<1x2048xf32>
    %add3A_2472 = arith.addf %mul3A_2470, %mul3A_2471 : vector<1x2048xf32>
    %lt3A_2473 = arith.cmpf olt, %add3A_2454, %sub3A_2451 : vector<1x2048xf32>
    %select_n3A_2474 = arith.select %lt3A_2473, %add3A_2454, %sub3A_2451 : vector<1x2048xi1>, vector<1x2048xf32>
    %select_n3A_2475 = arith.select %lt3A_2473, %add3A_2460, %sub3A_2457 : vector<1x2048xi1>, vector<1x2048xf32>
    %select_n3A_2476 = arith.select %lt3A_2473, %add3A_2466, %sub3A_2463 : vector<1x2048xi1>, vector<1x2048xf32>
    %select_n3A_2477 = arith.select %lt3A_2473, %add3A_2472, %sub3A_2469 : vector<1x2048xi1>, vector<1x2048xf32>
    %lt3A_2478 = arith.cmpf olt, %add3A_2368, %select_n3A_2474 : vector<1x2048xf32>
    %select_n3A_2479 = arith.select %lt3A_2478, %add3A_2374, %select_n3A_2475 : vector<1x2048xi1>, vector<1x2048xf32>
    %select_n3A_2480 = arith.select %lt3A_2478, %add3A_2380, %select_n3A_2476 : vector<1x2048xi1>, vector<1x2048xf32>
    %select_n3A_2481 = arith.select %lt3A_2478, %add3A_2386, %select_n3A_2477 : vector<1x2048xi1>, vector<1x2048xf32>
    %mul3A_2482 = arith.mulf %select_n3A_2479, %select_n3A_2479 : vector<1x2048xf32>
    %mul3A_2483 = arith.mulf %select_n3A_2480, %select_n3A_2480 : vector<1x2048xf32>
    %add3A_2484 = arith.addf %mul3A_2482, %mul3A_2483 : vector<1x2048xf32>
    %mul3A_2485 = arith.mulf %select_n3A_2481, %select_n3A_2481 : vector<1x2048xf32>
    %add3A_2486 = arith.addf %add3A_2484, %mul3A_2485 : vector<1x2048xf32>
    %sqrt3A_2487 = math.sqrt %add3A_2486 : vector<1x2048xf32>
    %add3A_2488 = arith.constant 9.99999996E-13 : f32
    %add3A_2489 = vector.broadcast %add3A_2488 : f32 to vector<1x2048xf32>
    %add3A_2490 = arith.addf %sqrt3A_2487, %add3A_2489 : vector<1x2048xf32>
    %div3A_2491 = arith.divf %select_n3A_2479, %add3A_2490 : vector<1x2048xf32>
    %div3A_2492 = arith.divf %select_n3A_2480, %add3A_2490 : vector<1x2048xf32>
    %div3A_2493 = arith.divf %select_n3A_2481, %add3A_2490 : vector<1x2048xf32>
    %sub3A_2494 = arith.subf %div3A_1237, %div3A_2491 : vector<1x2048xf32>
    %sub3A_2495 = arith.subf %div3A_1238, %div3A_2492 : vector<1x2048xf32>
    %sub3A_2496 = arith.subf %div3A_1239, %div3A_2493 : vector<1x2048xf32>
    %mul3A_2497 = arith.mulf %sub3A_2494, %sub3A_2494 : vector<1x2048xf32>
    %mul3A_2498 = arith.mulf %sub3A_2495, %sub3A_2495 : vector<1x2048xf32>
    %add3A_2499 = arith.addf %mul3A_2497, %mul3A_2498 : vector<1x2048xf32>
    %mul3A_2500 = arith.mulf %sub3A_2496, %sub3A_2496 : vector<1x2048xf32>
    %add3A_2501 = arith.addf %add3A_2499, %mul3A_2500 : vector<1x2048xf32>
    %reduce_sum3A = vector.shape_cast %add3A_2501 : vector<1x2048xf32> to vector<1x1x2048xf32>
    %reduce_sum3A_2502 = arith.constant dense<0.000000e+00> : vector<1xf32>
    %reduce_sum3A_2503 = vector.multi_reduction <add>, %reduce_sum3A, %reduce_sum3A_2502 [1, 2] : vector<1x1x2048xf32> to vector<1xf32>
    %reduce_sum3A_2504 = vector.shape_cast %reduce_sum3A_2503 : vector<1xf32> to vector<1x1x1xf32>
    %reduce_sum3A_2505 = vector.extract %reduce_sum3A_2504[0, 0, 0] : f32 from vector<1x1x1xf32>
    %broadcast_in_dim3A_2506 = vector.broadcast %reduce_sum3A_2505 : f32 to vector<1x1xf32>
    %eq3A_2507 = arith.constant 0 : i32
    %eq3A_2508 = arith.cmpi eq, %arg0, %eq3A_2507 : i32
    %convert_element_type3A = arith.extui %eq3A_2508 : i1 to i32
    %cond3A = arith.constant 0 : i32
    %cond3A_2509 = arith.cmpi ne, %convert_element_type3A, %cond3A : i32
    scf.if %cond3A_2509 {
      %broadcast_in_dim3A_2519 = arith.constant 0.000000e+00 : f32
      %broadcast_in_dim3A_2520 = vector.broadcast %broadcast_in_dim3A_2519 : f32 to vector<1x1xf32>
      %swap3A_2521 = arith.constant 0 : index
      %swap3A_2522 = arith.constant 0 : index
      %swap3A_2523 = vector.load %arg3[%swap3A_2521, %swap3A_2522] : memref<1x1xf32, #tpu.memory_space<vmem>>, vector<1x1xf32>
      tpu.vector_store %arg3[%swap3A_2521, %swap3A_2522], %broadcast_in_dim3A_2520 {strides = array<i32>} : memref<1x1xf32, #tpu.memory_space<vmem>>, vector<1x1xf32>,
    } else {
    }
    %get3A_2510 = arith.constant 0 : index
    %get3A_2511 = arith.constant 0 : index
    %get3A_2512 = vector.load %arg3[%get3A_2510, %get3A_2511] : memref<1x1xf32, #tpu.memory_space<vmem>>, vector<1x1xf32>
    %div3A_2513 = arith.constant 4.915200e+04 : f32
    %div3A_2514 = vector.broadcast %div3A_2513 : f32 to vector<1x1xf32>
    %div3A_2515 = arith.divf %broadcast_in_dim3A_2506, %div3A_2514 : vector<1x1xf32>
    %add3A_2516 = arith.addf %get3A_2512, %div3A_2515 : vector<1x1xf32>
    %swap3A = arith.constant 0 : index
    %swap3A_2517 = arith.constant 0 : index
    %swap3A_2518 = vector.load %arg3[%swap3A, %swap3A_2517] : memref<1x1xf32, #tpu.memory_space<vmem>>, vector<1x1xf32>
    tpu.vector_store %arg3[%swap3A, %swap3A_2517], %add3A_2516 {strides = array<i32>} : memref<1x1xf32, #tpu.memory_space<vmem>>, vector<1x1xf32>,
    return
  }
  func.func @transform_0(%arg0: i32) -> (i32, i32, i32) {
    %c0_i32 = arith.constant 0 : i32
    %c0_i32_0 = arith.constant 0 : i32
    %c0_i32_1 = arith.constant 0 : i32
    return %arg0, %c0_i32, %c0_i32_0 : i32, i32, i32
  }
  func.func @transform_1(%arg0: i32) -> (i32, i32, i32) {
    %add3A = arith.constant 8 : i32
    %add3A_0 = arith.addi %arg0, %add3A : i32
    %c0_i32 = arith.constant 0 : i32
    %c0_i32_1 = arith.constant 0 : i32
    %c0_i32_2 = arith.constant 0 : i32
    return %add3A_0, %c0_i32, %c0_i32_1 : i32, i32, i32
  }
  func.func @transform_2(%arg0: i32) -> (i32, i32) {
    %c0_i32 = arith.constant 0 : i32
    %c0_i32_0 = arith.constant 0 : i32
    %c0_i32_1 = arith.constant 0 : i32
    return %c0_i32, %c0_i32_0 : i32, i32
  }
}

</mosaic_0001>

<sc_bundles>
// kernel: kernel.5.cloned.1.call-start
scs
__scs_entry_jumppad:
0x0: {  	(pc) =	sbr.rel $0x88, $3  }
0x1: {  	(tag) =	ssettag $0x0;
	lr =	simm.s32 $0x1  }
0x2: {  	[smem:$0x3F9F] =	sst lr;
	_ =	strace $0xD0000000  }
0x3: {  	_ = 	snop  }
0x4: {  	_ = 	snop  }
0x5: {  	_ = 	snop  }
0x6: {  	_ = 	snop  }
0x7: {  	_ = 	snop  }
__scs_overlays_trampoline_lowered:
0x8: {  	[smem:$0x3FAE] =	sst s0  }
0x9: {  	[smem:$0x3FAF] =	sst s1  }
0xa: {  	[smem:$0x3FB0] =	sst s2  }
0xb: {  	[smem:$0x3FB1] =	sst s3  }
0xc: {  	[smem:$0x3FB2] =	sst s4  }
0xd: {  	[smem:$0x3FB3] =	sst s5  }
0xe: {  	[smem:$0x3FB4] =	sst s6  }
0xf: {  	[smem:$0x3FB5] =	sst s7  }
0x10: {  	[smem:$0x3FB6] =	sst s8  }
0x11: {  	[smem:$0x3FB7] =	sst s9;
	s0 =	simm.s32 @!p0 $0x0  }
0x12: {  	s1 =	sld [smem:$0x3F9D];
	s0 =	simm.s32 @p0 $0x1  }
0x13: {  	[smem:$0x3FB8] =	sst s0;
	s0 =	simm.s32 @!p1 $0x0  }
0x14: {  	s2 =	sld [smem:$0x3F9C];
	s0 =	simm.s32 @p1 $0x1  }
0x15: {  	[smem:$0x3FB9] =	sst s0;
	s0 =	simm.s32 @!p2 $0x0  }
0x16: {  	s3 =	sld [smem:$0x3FDB];
	s0 =	simm.s32 @p2 $0x1  }
0x17: {  	s4 =	simm.s32 $0x1BF5;
	[smem:$0x3FBB] =	sst s0  }
0x18: {  	s0 =	sld [smem:$0x3F9E];
	_ =	swait.ge [sflag:s4], $0x0  }
0x19: {  	s7 =	sld [smem:$0x3F9F]  }
0x1a: {  	s8 =	sadd.s32 $0xFFFFE003, lr  }
0x1b: {  	s9 =	sadd.s32 $0xFFFFFEF7, lr;
	s5 =	simm.s32 $0xFFFFFFFF;
	p2 =	slt.u32 s8, $0xFFFFF086  }
0x1c: {  	p1 =	slt.u32 s9, $0xF7A;
	s5 =	simm.s32 @!p2 $0x0  }
0x1d: {  	s5 =	simm.s32 @p1 $0x1;
	p0 =	seq.s32 s7, s2  }
0x1e: {  	s7 =	smul.u32 @!p0 $0xF7A, s2;
	p2 =	seq.s32 @!p0 s5, $0x0  }
0x1f: {  	s9 =	smul.u32 $0xF7A, s1;
	s8 =	simm.s32 @!p0 $0x1BF5;
	p2 =	por !p2, p0  }
0x20: {  	[sflag:s8] =	ssyncset.s32 @!p0 $0xFFFFF086;
	s6 =	sadd.s32 @!p0 s3, s7;
	s7 =	simm.s32 @!p0 $0x108  }
0x21: {  	s3 =	sadd.s32 s3, s9;
	s6 =	sadd.s32 @!p0 $0x88, s6;
	s7 =	simm.s32 @p2 $0x1082  }
0x22: {  	[simem:s7], [sflag:s8] =	dma.local @!p0 [hbm:s6], $0xF7A  }
0x23: {  	s9 =	sor.u32 $0xD0000000, s2;
	s6 =	simm.s32 $0x108;
	_ =	swait.ge @!p0 [sflag:s8], $0x0  }
0x24: {  	s3 =	sadd.s32 $0x88, s3;
	s6 =	simm.s32 @!p1 $0x1082;
	[sflag:s4] =	ssyncset.s32 $0xFFFFF086  }
0x25: {  	[simem:s6], [sflag:s4] =	dma.local [hbm:s3], $0xF7A  }
0x26: {  	[smem:$0x3F9F] =	sst s1;
	(tag) =	ssettag s2;
	_ =	strace s9  }
0x27: {  	s1 =	sld [smem:$0x3FAF]  }
0x28: {  	s2 =	sld [smem:$0x3FB0]  }
0x29: {  	s4 =	sld [smem:$0x3FB2]  }
0x2a: {  	p0 =	seq.s32 s5, $0x0;
	s5 =	sld [smem:$0x3FB3]  }
0x2b: {  	s6 =	sld [smem:$0x3FB4]  }
0x2c: {  	s7 =	sld [smem:$0x3FB5]  }
0x2d: {  	s3 =	simm.s32 $0x108;
	s8 =	sld [smem:$0x3FB6]  }
0x2e: {  	s3 =	simm.s32 @!p0 $0x1082;
	s9 =	sld [smem:$0x3FB7]  }
0x2f: {  	lr =	sadd.s32 s0, s3;
	s0 =	sld [smem:$0x3FAE]  }
0x30: {  	s3 =	sld [smem:$0x3FB1]  }
0x31: {  	[smem:$0x3FBA] =	sst s10  }
0x32: {  	s10 =	sld [smem:$0x3FB8];
	_ =	sdelay $0x3  }
0x33: {  	p0 =	seq.s32 s10, $0x1;
	s10 =	sld [smem:$0x3FBA];
	_ =	sdelay $0x3  }
0x34: {  	[smem:$0x3FBA] =	sst s10  }
0x35: {  	s10 =	sld [smem:$0x3FB9];
	_ =	sdelay $0x3  }
0x36: {  	p1 =	seq.s32 s10, $0x1;
	s10 =	sld [smem:$0x3FBA];
	_ =	sdelay $0x3  }
0x37: {  	[smem:$0x3FBA] =	sst s10  }
0x38: {  	s10 =	sld [smem:$0x3FBB]  }
0x39: {  	_ = 	snop;
	(pc) =	sbr.ind lr, $3  }
0x3a: {  	_ = 	snop  }
0x3b: {  	_ = 	snop  }
0x3c: {  	p2 =	seq.s32 s10, $0x1;
	s10 =	sld [smem:$0x3FBA]  }
0x3d: {  	_ =	shalt  }
0x3e: {  	_ =	shalt  }
0x3f: {  	_ =	shalt  }
0x40: {  	_ =	shalt  }
0x41: {  	_ =	shalt  }
0x42: {  	_ =	shalt  }
0x43: {  	_ =	shalt  }
0x44: {  	_ =	shalt  }
0x45: {  	_ =	shalt  }
0x46: {  	_ =	shalt  }
0x47: {  	_ =	shalt  }
0x48: {  	_ =	shalt  }
0x49: {  	_ =	shalt  }
0x4a: {  	_ =	shalt  }
0x4b: {  	_ =	shalt  }
0x4c: {  	_ =	shalt  }
0x4d: {  	_ =	shalt  }
0x4e: {  	_ =	shalt  }
0x4f: {  	_ =	shalt  }
0x50: {  	_ =	shalt  }
0x51: {  	_ =	shalt  }
0x52: {  	_ =	shalt  }
0x53: {  	_ =	shalt  }
0x54: {  	_ =	shalt  }
0x55: {  	_ =	shalt  }
0x56: {  	_ =	shalt  }
0x57: {  	_ =	shalt  }
0x58: {  	_ =	shalt  }
0x59: {  	_ =	shalt  }
0x5a: {  	_ =	shalt  }
0x5b: {  	_ =	shalt  }
0x5c: {  	_ =	shalt  }
0x5d: {  	_ =	shalt  }
0x5e: {  	_ =	shalt  }
0x5f: {  	_ =	shalt  }
0x60: {  	_ =	shalt  }
0x61: {  	_ =	shalt  }
0x62: {  	_ =	shalt  }
0x63: {  	_ =	shalt  }
0x64: {  	_ =	shalt  }
0x65: {  	_ =	shalt  }
0x66: {  	_ =	shalt  }
0x67: {  	_ =	shalt  }
0x68: {  	_ =	shalt  }
0x69: {  	_ =	shalt  }
0x6a: {  	_ =	shalt  }
0x6b: {  	_ =	shalt  }
0x6c: {  	_ =	shalt  }
0x6d: {  	_ =	shalt  }
0x6e: {  	_ =	shalt  }
0x6f: {  	_ =	shalt  }
0x70: {  	_ =	shalt  }
0x71: {  	_ =	shalt  }
0x72: {  	_ =	shalt  }
0x73: {  	_ =	shalt  }
0x74: {  	_ =	shalt  }
0x75: {  	_ =	shalt  }
0x76: {  	_ =	shalt  }
0x77: {  	_ =	shalt  }
0x78: {  	_ =	shalt  }
0x79: {  	_ =	shalt  }
0x7a: {  	_ =	shalt  }
0x7b: {  	_ =	shalt  }
0x7c: {  	_ =	shalt  }
0x7d: {  	_ =	shalt  }
0x7e: {  	_ =	shalt  }
0x7f: {  	_ =	shalt  }
0x80: {  	_ =	shalt  }
0x81: {  	_ =	shalt  }
0x82: {  	_ =	shalt  }
0x83: {  	_ =	shalt  }
0x84: {  	_ =	shalt  }
0x85: {  	_ =	shalt  }
0x86: {  	_ =	shalt  }
0x87: {  	_ =	shalt  }
.Lfunc_end0:
.L_simem_size_0:
called_computation_lowered:
.L_overlay_start_0:
0x88: {  	s2 =	sld [smem:$0x3FD9]  }
0x89: {  	s3 =	sld [smem:$0x3FFE];
	_ =	sdelay $0x1  }
0x8a: {  	s1 =	srdreg.scid  }
0x8b: {  	s0 =	sand.u32 $0x1, s1  }
0x8c: {  	s16 =	sshll.u32 s0, $0xA;
	s2 =	sadd.s32 s3, s2  }
0x8d: {  	s2 =	sadd.s32 s2, s16  }
0x8e: {  	[smem:$0x3FC6] =	sst s2  }
0x8f: {  	_ = 	snop  }
0x90: {  	(tm) =	ssettm $0x1  }
0x91: {  	s17 =	sld [smem:$0x3FFB];
	_ =	sdelay $0x3  }
0x92: {  	_ =	strace s17  }
0x93: {  	s2 =	sld [smem:$0x3FFC];
	_ =	sdelay $0x3  }
0x94: {  	_ =	strace s2  }
0x95: {  	s2 =	sld [smem:$0x3FFD];
	_ =	sdelay $0x3  }
0x96: {  	_ =	strace s2  }
0x97: {  	_ =	strace $0x8FFFFFFF  }
0x98: {  	s18 =	sld [smem:$0x3FDB];
	_ =	sdelay $0x1  }
0x99: {  	s19 =	simm.s32 $_scs_section_size  }
0x9a: {  	s4 =	simm.s32 $_size__tile_overlayer_lowered;
	s5 =	simm.s32 $_tile_overlayer_lowered  }
0x9b: {  	s22 =	simm.s32 $0x1BFF;
	s21 =	sshll.u32 s5, $0x1;
	s2 =	sadd.s32 s19, s18  }
0x9c: {  	s6 =	simm.s32 $0x0;
	s20 =	sshll.u32 s4, $0x1;
	s4 =	sadd.s32 s21, s2  }
0x9d: {  	[timem:s6], [sflag:s22] =	dma.local [hbm:s4], s20  }
0x9e: {  	_ =	swait.ge [sflag:s22], s20  }
0x9f: {  	s3 =	ssub.s32 $0x0, s20;
	[sflag:s22] =	ssyncset.done $0x0  }
0xa0: {  	[sflag:s22] =	ssyncadd.s32 s3;
	_ =	sdelay $0x1  }
0xa1: {  	s23 =	simm.s32 $0x1B8B  }
0xa2: {  	_ =	swait.ge [sflag:s23], $0x1  }
0xa3: {  	[sflag:s23] =	ssyncset.done $0x0  }
0xa4: {  	s25 =	simm.s32 $0x1B8E;
	s24 =	sld [smem:$0x3FFE];
	[sflag:s23] =	ssyncadd.s32 $0xFFFFFFFF  }
0xa5: {  	s26 =	simm.s32 $execute0_lowered;
	[smem:$0x3FD2] =	sst s25  }
0xa6: {  	s4 =	sshll.u32 s26, $0x1;
	_ =	strace $0x80000046;
	[dreg:$0x1] =	wrdreg $0xFFFFFFFF  }
0xa7: {  	s28 =	simm.s32 $_size_execute0_lowered;
	s2 =	sadd.s32 s2, s4;
	[dreg:$0x0] =	wrdreg $0x0  }
0xa8: {  	s4 =	sshll.u32 s28, $0x1;
	[dreg:$0x2] =	wrdreg s2  }
0xa9: {  	[dreg:$0x3] =	wrdreg s4  }
0xaa: {  	[dreg:$0x4] =	wrdreg $0xC0  }
0xab: {  	_ =	task [dreg:s6], $0x5FFFF  }
0xac: {  	[dreg:$0x1] =	wrdreg $0xFFFFFFFF  }
0xad: {  	[dreg:$0x0] =	wrdreg $0x60  }
0xae: {  	[dreg:$0x2] =	wrdreg s24  }
0xaf: {  	[dreg:$0x3] =	wrdreg $0x9  }
0xb0: {  	_ =	task.clear_ibuf [dreg:s6], $0x4FFFF;
	_ =	strace $0x90000046  }
0xb1: {  	s29 =	simm.s32 $0x9;
	_ =	strace $0x80000048  }
0xb2: {  	_ =	swait.ge [sflag:s29], $0x1  }
0xb3: {  	[sflag:s29] =	ssyncadd.s32 $0xFFFFFFFF  }
0xb4: {  	_ =	strace $0x90000048  }
0xb5: {  	_ =	sfence  }
0xb6: {  	s30 =	sld [smem:$0x0];
	_ =	sdelay $0x2  }
0xb7: {  	s31 =	sshll.u32 s1, $0xD;
	s1 =	sshrl.u32 s1, $0x2  }
0xb8: {  	s3 =	sand.u32 $0x4000, s31;
	s1 =	sadd.s32 s1, s30  }
0xb9: {  	s0 =	sor.u32 s3, s0;
	s1 =	sshll.u32 s1, $0x11  }
0xba: {  	s0 =	sor.u32 s1, s0  }
0xbb: {  	s0 =	sadd.s32 $0x8F2B, s0  }
0xbc: {  	[sflag:s0] =	ssyncadd.remote.s32 $0x1  }
0xbd: {  	_ =	sfence.sel $0xFFFF  }
0xbe: {  	[dreg:$0x0] =	wrdreg $0xFFFFFFFF;
	(pc) =	sbr.abs _section_cstart, $3  }
0xbf: {  	[dreg:$0x1] =	wrdreg $0xFFFFFFFF  }
0xc0: {  	_ =	task.clear_ibuf [dreg:s6], $0x2FFFF;
	_ =	strace $0x9FFFFFFF  }
0xc1: {  	(tm) =	ssettm $0x7FFFFFFF  }
tec
execute0_lowered:
.L_overlay_start_1:
0x0: {  	(tag) =	ssettag $0x1  }
0x1: {  	s0 =	srdreg.scid  }
0x2: {  	s3 =	stileid.u32;
	s4 =	rddreg [dreg:$0x0]  }
0x3: {  	s2 =	simm.s32 $0x0;
	s24 =	simm.s32 $0x800;
	s0 =	sand.u32 $0x1, s0  }
0x4: {  	s25 =	simm.s32 $0x1000;
	s28 =	simm.s32 $0x0;
	s1 =	sor.u32 s0, s3  }
0x5: {  	[smem:$0x7FF] =	sst s2;
	p1 =	seq.s32 s0, $0x1;
	p0 =	seq.s32 s1, $0x0  }
0x6: {  	s6 =	sadd.s32 $0x400, s4;
	s5 =	sshll.u32 s0, $0xA;
	p0 =	por !p0, !p1  }
0x7: {  	s0 =	ssub.s32 $0x2, s0;
	s1 =	simm.s32 $0x1;
	p0 =	por !p0, !p0  }
0x8: {  	_ =	strace $0x80000047;
	s26 =	sshrl.u32 s0, $0x1;
	s1 =	simm.s32 @!p0 $0x0  }
0x9: {  	s0 =	ssub.s32 s0, s26;
	s26 =	simm.s32 $0x5700;
	s1 =	ssub.s32 s3, s1  }
0xa: {  	s23 =	smax.u32 s0, $0x1;
	s0 =	simm.s32 $0x5300;
	s3 =	sshll.u32 s1, $0xF  }
0xb: {  	v0 =	vimm.f32 $1.000000000e+01;
	s8 =	sshll.u32 s1, $0xE;
	s1 =	smul.u32 $0x1800, s1;
	s7 =	sor.u32 s5, s3  }
0xc: {  	(erf) = vrcp.f32 v0;
	s3 =	simm.s32 $0x1;
	s5 =	sor.u32 s5, s8;
	s7 =	sshrl.u32 s7, $0x3  }
0xd: {  	s5 =	sshrl.u32 s5, $0x3;
	s29 =	sadd.s32 $0x800, s1;
	s30 =	sshrl.u32 s1, $0x3  }
0xe: {  	s1 =	sadd.s32 $0x1000, s1;
	s16 =	sadd.s32 s7, s4;
	s22 =	sadd.s32 s5, s4  }
0xf: {  	s31 =	sshrl.u32 s29, $0x3;
	s4 =	sadd.s32 s6, s30;
	s1 =	sshrl.u32 s1, $0x3  }
0x10: {  	s5 =	sadd.s32 s6, s31;
	s6 =	sadd.s32 s6, s1;
	s7 =	sadd.s32 $0x3400, s16  }
0x11: {  	s8 =	sadd.s32 $0x3500, s16;
	s9 =	sadd.s32 $0x3600, s16;
	s10 =	sadd.s32 $0x3700, s16  }
0x12: {  	s11 =	sadd.s32 $0x3800, s16;
	s12 =	sadd.s32 $0x3900, s16;
	s13 =	sadd.s32 $0x3A00, s16  }
0x13: {  	s14 =	sadd.s32 $0x3B00, s16;
	s15 =	sadd.s32 $0x3C00, s16;
	s16 =	sadd.s32 $0x3D00, s16  }
0x14: {  	s17 =	sadd.s32 $0x13400, s22;
	s18 =	sadd.s32 $0x13500, s22;
	s19 =	sadd.s32 $0x13600, s22  }
0x15: {  	s20 =	sadd.s32 $0x13700, s22;
	s21 =	sadd.s32 $0x13800, s22;
	s22 =	sadd.s32 $0x13900, s22;
	v0 =	vpop (erf)  }
.LBB2_1:
0x16: {  	[tilespmem:s2], [sflag:$0x1] =	stream.linear.gather [hbm4b:s4+s2], $0x800, $0x38;
	[tilespmem:$0x5B00] =	vst v63  }
0x17: {  	_ =	swait.ge [sflag:s3], $0x800  }
0x18: {  	[sflag:s3] =	ssyncset.done $0x0  }
0x19: {  	[sflag:s3] =	ssyncadd.s32 $0xFFFFF800  }
0x1a: {  	[tilespmem:s24], [sflag:$0x1] =	stream.linear.gather [hbm4b:s5+s2], $0x800, $0x38;
	[tilespmem:$0x5B00] =	vst v63  }
0x1b: {  	_ =	swait.ge [sflag:s3], $0x800  }
0x1c: {  	[sflag:s3] =	ssyncset.done $0x0  }
0x1d: {  	[sflag:s3] =	ssyncadd.s32 $0xFFFFF800  }
0x1e: {  	[tilespmem:s25], [sflag:$0x1] =	stream.linear.gather [hbm4b:s6+s2], $0x800, $0x38;
	[tilespmem:$0x5B00] =	vst v63  }
0x1f: {  	_ =	swait.ge [sflag:s3], $0x800  }
0x20: {  	[sflag:s3] =	ssyncset.done $0x0  }
0x21: {  	s1 =	simm.s32 $0x1800;
	[sflag:s3] =	ssyncadd.s32 $0xFFFFF800  }
0x22: {  	[tilespmem:s1], [sflag:$0x1] =	stream.linear.gather [hbm4b:s7+s2], $0x400, $0x38;
	[tilespmem:$0x5B00] =	vst v63  }
0x23: {  	_ =	swait.ge [sflag:s3], $0x400  }
0x24: {  	[sflag:s3] =	ssyncset.done $0x0  }
0x25: {  	s1 =	simm.s32 $0x1C00;
	[sflag:s3] =	ssyncadd.s32 $0xFFFFFC00  }
0x26: {  	[tilespmem:s1], [sflag:$0x1] =	stream.linear.gather [hbm4b:s8+s2], $0x400, $0x38;
	[tilespmem:$0x5B00] =	vst v63  }
0x27: {  	_ =	swait.ge [sflag:s3], $0x400  }
0x28: {  	[sflag:s3] =	ssyncset.done $0x0  }
0x29: {  	s1 =	simm.s32 $0x2000;
	[sflag:s3] =	ssyncadd.s32 $0xFFFFFC00  }
0x2a: {  	[tilespmem:s1], [sflag:$0x1] =	stream.linear.gather [hbm4b:s9+s2], $0x400, $0x38;
	[tilespmem:$0x5B00] =	vst v63  }
0x2b: {  	_ =	swait.ge [sflag:s3], $0x400  }
0x2c: {  	[sflag:s3] =	ssyncset.done $0x0  }
0x2d: {  	s29 =	simm.s32 $0x2400;
	[sflag:s3] =	ssyncadd.s32 $0xFFFFFC00  }
0x2e: {  	[tilespmem:s29], [sflag:$0x1] =	stream.linear.gather [hbm4b:s10+s2], $0x400, $0x38;
	[tilespmem:$0x5B00] =	vst v63  }
0x2f: {  	_ =	swait.ge [sflag:s3], $0x400  }
0x30: {  	[sflag:s3] =	ssyncset.done $0x0  }
0x31: {  	s1 =	simm.s32 $0x2800;
	[sflag:s3] =	ssyncadd.s32 $0xFFFFFC00  }
0x32: {  	[tilespmem:s1], [sflag:$0x1] =	stream.linear.gather [hbm4b:s11+s2], $0x400, $0x38;
	[tilespmem:$0x5B00] =	vst v63  }
0x33: {  	_ =	swait.ge [sflag:s3], $0x400  }
0x34: {  	[sflag:s3] =	ssyncset.done $0x0  }
0x35: {  	s1 =	simm.s32 $0x2C00;
	[sflag:s3] =	ssyncadd.s32 $0xFFFFFC00  }
0x36: {  	[tilespmem:s1], [sflag:$0x1] =	stream.linear.gather [hbm4b:s12+s2], $0x400, $0x38;
	[tilespmem:$0x5B00] =	vst v63  }
0x37: {  	_ =	swait.ge [sflag:s3], $0x400  }
0x38: {  	[sflag:s3] =	ssyncset.done $0x0  }
0x39: {  	s1 =	simm.s32 $0x3000;
	[sflag:s3] =	ssyncadd.s32 $0xFFFFFC00  }
0x3a: {  	[tilespmem:s1], [sflag:$0x1] =	stream.linear.gather [hbm4b:s13+s2], $0x400, $0x38;
	[tilespmem:$0x5B00] =	vst v63  }
0x3b: {  	_ =	swait.ge [sflag:s3], $0x400  }
0x3c: {  	[sflag:s3] =	ssyncset.done $0x0  }
0x3d: {  	s1 =	simm.s32 $0x3400;
	[sflag:s3] =	ssyncadd.s32 $0xFFFFFC00  }
0x3e: {  	[tilespmem:s1], [sflag:$0x1] =	stream.linear.gather [hbm4b:s14+s2], $0x400, $0x38;
	[tilespmem:$0x5B00] =	vst v63  }
0x3f: {  	_ =	swait.ge [sflag:s3], $0x400  }
0x40: {  	[sflag:s3] =	ssyncset.done $0x0  }
0x41: {  	s1 =	simm.s32 $0x3800;
	[sflag:s3] =	ssyncadd.s32 $0xFFFFFC00  }
0x42: {  	[tilespmem:s1], [sflag:$0x1] =	stream.linear.gather [hbm4b:s15+s2], $0x400, $0x38;
	[tilespmem:$0x5B00] =	vst v63  }
0x43: {  	_ =	swait.ge [sflag:s3], $0x400  }
0x44: {  	[sflag:s3] =	ssyncset.done $0x0  }
0x45: {  	s1 =	simm.s32 $0x3C00;
	[sflag:s3] =	ssyncadd.s32 $0xFFFFFC00  }
0x46: {  	[tilespmem:s1], [sflag:$0x1] =	stream.linear.gather [hbm4b:s16+s2], $0x400, $0x38;
	[tilespmem:$0x5B00] =	vst v63  }
0x47: {  	_ =	swait.ge [sflag:s3], $0x400  }
0x48: {  	[sflag:s3] =	ssyncset.done $0x0  }
0x49: {  	s30 =	simm.s32 $0x4F00;
	s31 =	simm.s32 $0x0;
	[sflag:s3] =	ssyncadd.s32 $0xFFFFFC00  }
.LBB2_2:
0x4a: {  	v1 =	vld [tilespmem:s29+$0xFFFFF400];
	_ =	sdelay $0x7  }
0x4b: {  	v2 =	vld.idx.msk [tilespmem:v1+s2+$0x0], $0xffff  }
0x4c: {  	v3 =	vld.idx.msk [tilespmem:v1+s24+$0x0], $0xffff  }
0x4d: {  	v1 =	vld.idx.msk [tilespmem:v1+s25+$0x0], $0xffff;
	_ =	sdelay $0x2  }
0x4e: {  	[tilespmem:$0x4000] =	vst v2  }
0x4f: {  	[tilespmem:$0x4100] =	vst v3  }
0x50: {  	[tilespmem:$0x4200] =	vst v1  }
0x51: {  	v4 =	vld [tilespmem:s29+$0xFFFFF800];
	_ =	sdelay $0x7  }
0x52: {  	v5 =	vld.idx.msk [tilespmem:v4+s2+$0x0], $0xffff  }
0x53: {  	v6 =	vld.idx.msk [tilespmem:v4+s24+$0x0], $0xffff  }
0x54: {  	v4 =	vld.idx.msk [tilespmem:v4+s25+$0x0], $0xffff;
	_ =	sdelay $0x2  }
0x55: {  	[tilespmem:$0x4010] =	vst v5  }
0x56: {  	[tilespmem:$0x4110] =	vst v6  }
0x57: {  	[tilespmem:$0x4210] =	vst v4  }
0x58: {  	v7 =	vld [tilespmem:s29+$0xFFFFFC00];
	_ =	sdelay $0x7  }
0x59: {  	v8 =	vld.idx.msk [tilespmem:v7+s2+$0x0], $0xffff  }
0x5a: {  	v9 =	vld.idx.msk [tilespmem:v7+s24+$0x0], $0xffff  }
0x5b: {  	v7 =	vld.idx.msk [tilespmem:v7+s25+$0x0], $0xffff;
	_ =	sdelay $0x2  }
0x5c: {  	[tilespmem:$0x4020] =	vst v8  }
0x5d: {  	[tilespmem:$0x4120] =	vst v9  }
0x5e: {  	[tilespmem:$0x4220] =	vst v7  }
0x5f: {  	v10 =	vld [tilespmem:s29+$0x0];
	_ =	sdelay $0x7  }
0x60: {  	v11 =	vld.idx.msk [tilespmem:v10+s2+$0x0], $0xffff  }
0x61: {  	v12 =	vld.idx.msk [tilespmem:v10+s24+$0x0], $0xffff  }
0x62: {  	v10 =	vld.idx.msk [tilespmem:v10+s25+$0x0], $0xffff;
	_ =	sdelay $0x2  }
0x63: {  	[tilespmem:$0x4030] =	vst v11  }
0x64: {  	[tilespmem:$0x4130] =	vst v12  }
0x65: {  	[tilespmem:$0x4230] =	vst v10  }
0x66: {  	v13 =	vld [tilespmem:s29+$0x400];
	_ =	sdelay $0x7  }
0x67: {  	v14 =	vld.idx.msk [tilespmem:v13+s2+$0x0], $0xffff  }
0x68: {  	v15 =	vld.idx.msk [tilespmem:v13+s24+$0x0], $0xffff  }
0x69: {  	v13 =	vld.idx.msk [tilespmem:v13+s25+$0x0], $0xffff;
	_ =	sdelay $0x2  }
0x6a: {  	[tilespmem:$0x4040] =	vst v14  }
0x6b: {  	[tilespmem:$0x4140] =	vst v15  }
0x6c: {  	[tilespmem:$0x4240] =	vst v13  }
0x6d: {  	v16 =	vld [tilespmem:s29+$0x800];
	_ =	sdelay $0x7  }
0x6e: {  	v17 =	vld.idx.msk [tilespmem:v16+s2+$0x0], $0xffff  }
0x6f: {  	v18 =	vld.idx.msk [tilespmem:v16+s24+$0x0], $0xffff  }
0x70: {  	v16 =	vld.idx.msk [tilespmem:v16+s25+$0x0], $0xffff;
	_ =	sdelay $0x2  }
0x71: {  	[tilespmem:$0x4050] =	vst v17  }
0x72: {  	[tilespmem:$0x4150] =	vst v18  }
0x73: {  	s1 =	sand.u32 $0x3F0, s31;
	[tilespmem:$0x4250] =	vst v16  }
0x74: {  	v19 =	vld [tilespmem:s1+$0x3000];
	_ =	sdelay $0x7  }
0x75: {  	v20 =	vld.idx.msk [tilespmem:v19+s2+$0x0], $0xffff  }
0x76: {  	v21 =	vld.idx.msk [tilespmem:v19+s24+$0x0], $0xffff  }
0x77: {  	v19 =	vld.idx.msk [tilespmem:v19+s25+$0x0], $0xffff;
	_ =	sdelay $0x2  }
0x78: {  	[tilespmem:$0x4060] =	vst v20  }
0x79: {  	[tilespmem:$0x4160] =	vst v21  }
0x7a: {  	[tilespmem:$0x4260] =	vst v19  }
0x7b: {  	v22 =	vld [tilespmem:s1+$0x3400];
	_ =	sdelay $0x7  }
0x7c: {  	v23 =	vld.idx.msk [tilespmem:v22+s2+$0x0], $0xffff  }
0x7d: {  	v24 =	vld.idx.msk [tilespmem:v22+s24+$0x0], $0xffff  }
0x7e: {  	v22 =	vld.idx.msk [tilespmem:v22+s25+$0x0], $0xffff;
	_ =	sdelay $0x2  }
0x7f: {  	[tilespmem:$0x4070] =	vst v23  }
0x80: {  	[tilespmem:$0x4170] =	vst v24  }
0x81: {  	[tilespmem:$0x4270] =	vst v22  }
0x82: {  	v25 =	vld [tilespmem:s1+$0x3800];
	_ =	sdelay $0x7  }
0x83: {  	v26 =	vld.idx.msk [tilespmem:v25+s2+$0x0], $0xffff  }
0x84: {  	v27 =	vld.idx.msk [tilespmem:v25+s24+$0x0], $0xffff  }
0x85: {  	v25 =	vld.idx.msk [tilespmem:v25+s25+$0x0], $0xffff;
	_ =	sdelay $0x1  }
0x86: {  	v2 =	vadd.f32 $0.0e+00, v2;
	v3 =	vadd.f32 $0.0e+00, v3  }
0x87: {  	v1 =	vadd.f32 $0.0e+00, v1;
	[tilespmem:$0x4080] =	vst v26  }
0x88: {  	v2 =	vadd.f32 v5, v2;
	v3 =	vadd.f32 v6, v3;
	[tilespmem:$0x4180] =	vst v27  }
0x89: {  	v1 =	vadd.f32 v4, v1;
	[tilespmem:$0x4280] =	vst v25  }
0x8a: {  	v2 =	vadd.f32 v8, v2;
	v3 =	vadd.f32 v9, v3;
	v50 =	vld [tilespmem:s1+$0x3C00]  }
0x8b: {  	v1 =	vadd.f32 v7, v1  }
0x8c: {  	v2 =	vadd.f32 v11, v2;
	v3 =	vadd.f32 v12, v3  }
0x8d: {  	v1 =	vadd.f32 v10, v1  }
0x8e: {  	v2 =	vadd.f32 v14, v2;
	v3 =	vadd.f32 v15, v3  }
0x8f: {  	v1 =	vadd.f32 v13, v1  }
0x90: {  	v2 =	vadd.f32 v17, v2;
	v3 =	vadd.f32 v18, v3  }
0x91: {  	v53 =	vld [tilespmem:$0x4000];
	v1 =	vadd.f32 v16, v1  }
0x92: {  	v2 =	vadd.f32 v20, v2;
	v3 =	vadd.f32 v21, v3;
	v5 =	vld.idx.msk [tilespmem:v50+s2+$0x0], $0xffff  }
0x93: {  	v51 =	vadd.f32 v19, v1;
	v6 =	vld.idx.msk [tilespmem:v50+s24+$0x0], $0xffff  }
0x94: {  	v2 =	vadd.f32 v23, v2;
	v3 =	vadd.f32 v24, v3;
	v1 =	vld.idx.msk [tilespmem:v50+s25+$0x0], $0xffff  }
0x95: {  	v54 =	vld [tilespmem:$0x4100];
	v52 =	vadd.f32 v22, v51  }
0x96: {  	v55 =	vld [tilespmem:$0x4200];
	v2 =	vadd.f32 v26, v2;
	v3 =	vadd.f32 v27, v3  }
0x97: {  	v57 =	vld [tilespmem:$0x4010];
	v4 =	vadd.f32 v25, v52  }
0x98: {  	v58 =	vld [tilespmem:$0x4110];
	v2 =	vadd.f32 v5, v2;
	v3 =	vadd.f32 v6, v3  }
0x99: {  	v59 =	vld [tilespmem:$0x4210];
	v56 =	vadd.f32 v1, v4  }
0x9a: {  	v63 =	vld [tilespmem:$0x4020];
	v4 =	vmul.f32 v2, v0;
	v3 =	vmul.f32 v3, v0  }
0x9b: {  	v24 =	vld [tilespmem:$0x4120];
	v2 =	vmul.f32 v56, v0  }
0x9c: {  	v26 =	vld [tilespmem:$0x4220];
	v7 =	vsub.f32 v53, v4;
	v8 =	vsub.f32 v54, v3  }
0x9d: {  	v31 =	vld [tilespmem:$0x4030];
	v9 =	vsub.f32 v55, v2;
	v11 =	vsub.f32 v57, v4  }
0x9e: {  	v32 =	vld [tilespmem:$0x4130];
	v10 =	vsub.f32 v58, v3;
	v25 =	vsub.f32 v59, v2  }
0x9f: {  	v34 =	vld [tilespmem:$0x4230];
	v16 =	vsub.f32 v63, v4;
	v60 =	vmul.f32 v7, v7;
	v61 =	vmul.f32 v8, v8  }
0xa0: {  	v44 =	vld [tilespmem:$0x4140];
	v18 =	vsub.f32 v24, v3;
	v62 =	vmul.f32 v9, v9;
	v23 =	vmul.f32 v8, v7  }
0xa1: {  	v46 =	vld [tilespmem:$0x4240];
	v12 =	vsub.f32 v26, v2;
	v7 =	vmul.f32 v9, v7;
	v8 =	vmul.f32 v9, v8  }
0xa2: {  	v56 =	vld [tilespmem:$0x4250];
	v42 =	vsub.f32 v31, v4;
	v27 =	vmul.f32 v11, v11;
	v28 =	vmul.f32 v10, v10  }
0xa3: {  	v43 =	vsub.f32 v32, v3;
	v29 =	vmul.f32 v25, v25;
	v30 =	vmul.f32 v10, v11  }
0xa4: {  	v45 =	vsub.f32 v34, v2;
	v11 =	vmul.f32 v25, v11;
	v9 =	vmul.f32 v25, v10  }
0xa5: {  	v52 =	vsub.f32 v44, v3;
	v53 =	vld [tilespmem:$0x4150];
	v33 =	vmul.f32 v16, v16;
	v35 =	vmul.f32 v18, v18  }
0xa6: {  	v19 =	vsub.f32 v46, v2;
	v24 =	vld [tilespmem:$0x4260];
	v36 =	vmul.f32 v12, v12;
	v41 =	vmul.f32 v18, v16  }
0xa7: {  	v16 =	vmul.f32 v12, v16;
	v12 =	vmul.f32 v12, v18;
	v63 =	vsub.f32 v56, v2  }
0xa8: {  	v47 =	vmul.f32 v42, v42;
	v17 =	vadd.f32 $0.0e+00, v23;
	v7 =	vadd.f32 $0.0e+00, v7  }
0xa9: {  	v48 =	vmul.f32 v43, v43;
	v8 =	vadd.f32 $0.0e+00, v8;
	v13 =	vadd.f32 v27, v60  }
0xaa: {  	v40 =	vld [tilespmem:$0x4040];
	v49 =	vmul.f32 v45, v45;
	v14 =	vadd.f32 v28, v61;
	v15 =	vadd.f32 v29, v62  }
0xab: {  	v50 =	vmul.f32 v43, v42;
	v61 =	vsub.f32 v53, v3;
	v20 =	vsub.f32 v24, v2  }
0xac: {  	v51 =	vld [tilespmem:$0x4050];
	v54 =	vmul.f32 v45, v43;
	v17 =	vadd.f32 v30, v17;
	v7 =	vadd.f32 v11, v7  }
0xad: {  	v31 =	vld [tilespmem:$0x4170];
	v57 =	vmul.f32 v52, v52;
	v8 =	vadd.f32 v9, v8;
	v37 =	vadd.f32 v33, v13  }
0xae: {  	v34 =	vld [tilespmem:$0x4270];
	v58 =	vmul.f32 v19, v19;
	v38 =	vadd.f32 v35, v14;
	v39 =	vadd.f32 v36, v15  }
0xaf: {  	v62 =	vld [tilespmem:$0x4160];
	v27 =	vmul.f32 v63, v63;
	v13 =	vsub.f32 v40, v4;
	v14 =	vadd.f32 v41, v17  }
0xb0: {  	v15 =	vmul.f32 v45, v42;
	v7 =	vadd.f32 v16, v7;
	v8 =	vadd.f32 v12, v8  }
0xb1: {  	v26 =	vmul.f32 v61, v61;
	v9 =	vadd.f32 v47, v37;
	v10 =	vadd.f32 v48, v38  }
0xb2: {  	v59 =	vld [tilespmem:$0x4060];
	v11 =	vadd.f32 v49, v39;
	v55 =	vmul.f32 v13, v13;
	v60 =	vmul.f32 v52, v13  }
0xb3: {  	v29 =	vld [tilespmem:$0x4070];
	v16 =	vsub.f32 v51, v4;
	v13 =	vmul.f32 v19, v13;
	v38 =	vsub.f32 v31, v3  }
0xb4: {  	v40 =	vld [tilespmem:$0x4180];
	v17 =	vmul.f32 v19, v52;
	v19 =	vsub.f32 v34, v2;
	v30 =	vsub.f32 v62, v3  }
0xb5: {  	v42 =	vld [tilespmem:$0x4280];
	v32 =	vmul.f32 v63, v61;
	v12 =	vadd.f32 v50, v14;
	v7 =	vadd.f32 v15, v7  }
0xb6: {  	v36 =	vmul.f32 v20, v20;
	v8 =	vadd.f32 v54, v8;
	v9 =	vadd.f32 v55, v9  }
0xb7: {  	v10 =	vadd.f32 v57, v10;
	v11 =	vadd.f32 v58, v11;
	v25 =	vmul.f32 v16, v16  }
0xb8: {  	v28 =	vmul.f32 v61, v16;
	v14 =	vsub.f32 v59, v4;
	v16 =	vmul.f32 v63, v16  }
0xb9: {  	[tilespmem:$0x4090] =	vst v5;
	v39 =	vld [tilespmem:$0x4080];
	v15 =	vsub.f32 v29, v4;
	v21 =	vmul.f32 v38, v38;
	v51 =	vsub.f32 v40, v3  }
0xba: {  	[tilespmem:$0x4190] =	vst v6;
	v48 =	vld [tilespmem:$0x4090];
	v43 =	vmul.f32 v19, v19;
	v53 =	vsub.f32 v42, v2;
	v2 =	vsub.f32 v1, v2  }
0xbb: {  	v52 =	vld [tilespmem:$0x4190];
	v35 =	vmul.f32 v30, v30;
	v12 =	vadd.f32 v60, v12;
	v7 =	vadd.f32 v13, v7  }
0xbc: {  	v8 =	vadd.f32 v17, v8;
	v9 =	vadd.f32 v25, v9;
	v33 =	vmul.f32 v14, v14  }
0xbd: {  	v10 =	vadd.f32 v26, v10;
	v37 =	vmul.f32 v30, v14;
	v14 =	vmul.f32 v20, v14  }
0xbe: {  	v11 =	vadd.f32 v27, v11;
	v17 =	vmul.f32 v20, v30;
	v41 =	vmul.f32 v15, v15  }
0xbf: {  	v49 =	vmul.f32 v38, v15;
	v50 =	vmul.f32 v19, v15;
	v47 =	vsub.f32 v39, v4  }
0xc0: {  	v55 =	vmul.f32 v51, v51;
	v4 =	vsub.f32 v48, v4;
	v3 =	vsub.f32 v52, v3  }
0xc1: {  	v56 =	vmul.f32 v53, v53;
	v12 =	vadd.f32 v28, v12;
	v7 =	vadd.f32 v16, v7  }
0xc2: {  	v59 =	vmul.f32 v53, v51;
	v8 =	vadd.f32 v32, v8;
	v9 =	vadd.f32 v33, v9  }
0xc3: {  	v61 =	vmul.f32 v2, v2;
	v10 =	vadd.f32 v35, v10;
	v11 =	vadd.f32 v36, v11  }
0xc4: {  	v16 =	vmul.f32 v19, v38;
	v54 =	vmul.f32 v47, v47;
	v12 =	vadd.f32 v37, v12  }
0xc5: {  	v57 =	vmul.f32 v51, v47;
	v7 =	vadd.f32 v14, v7;
	v8 =	vadd.f32 v17, v8  }
0xc6: {  	v58 =	vmul.f32 v4, v4;
	v44 =	vadd.f32 v41, v9;
	v45 =	vadd.f32 v21, v10  }
0xc7: {  	v60 =	vmul.f32 v3, v3;
	v46 =	vadd.f32 v43, v11;
	v12 =	vadd.f32 v49, v12  }
0xc8: {  	v62 =	vmul.f32 v3, v4;
	v7 =	vadd.f32 v50, v7;
	v5 =	vadd.f32 v54, v44  }
0xc9: {  	v4 =	vmul.f32 v4, v2;
	v8 =	vadd.f32 v16, v8;
	v9 =	vadd.f32 v55, v45  }
0xca: {  	v10 =	vmul.f32 v53, v47;
	v6 =	vadd.f32 v56, v46;
	v5 =	vadd.f32 v58, v5  }
0xcb: {  	v2 =	vmul.f32 v3, v2;
	v11 =	vadd.f32 v57, v12;
	v9 =	vadd.f32 v60, v9  }
0xcc: {  	v7 =	vadd.f32 v10, v7;
	v6 =	vadd.f32 v6, v61;
	v5 =	vmul.f32 v5, v0  }
0xcd: {  	[tilespmem:$0x4290] =	vst v1;
	v8 =	vadd.f32 v59, v8;
	v1 =	vadd.f32 v62, v11;
	v3 =	vmul.f32 v9, v0  }
0xce: {  	p0 =	sne.s32 s31, $0x3F0;
	v4 =	vadd.f32 v4, v7;
	v63 =	vmul.f32 v6, v0;
	[tilespmem:s30+$0xFFFFF400] =	vst v5  }
.Ltmp0:
0xcf: {  	v2 =	vadd.f32 v2, v8;
	[tilespmem:s30+$0xFFFFF800] =	vst v3;
	v1 =	vmul.f32 v1, v0;
	(pc) =	sbr.rel @p0 .LBB2_2-.Ltmp0, $4  }
0xd0: {  	[tilespmem:s30+$0xFFFFFC00] =	vst v63;
	v3 =	vmul.f32 v4, v0  }
0xd1: {  	[tilespmem:s30+$0x0] =	vst v1;
	v1 =	vmul.f32 v2, v0  }
0xd2: {  	[tilespmem:s30+$0x400] =	vst v3  }
0xd3: {  	s31 =	sadd.s32 $0x10, s31;
	s29 =	sadd.s32 $0x10, s29;
	[tilespmem:s30+$0x800] =	vst v1;
	s30 =	sadd.s32 $0x10, s30  }
0xd4: {  	s1 =	simm.s32 $0x4300  }
0xd5: {  	[hbm4b:s17+s2] =	stream.linear.scatter [tilespmem:s1], [sflag:$0x1], $0x400, $0x38;
	[tilespmem:$0x5B00] =	vst v63  }
0xd6: {  	_ =	swait.ge [sflag:s3], $0x400  }
0xd7: {  	[sflag:s3] =	ssyncset.done $0x0  }
0xd8: {  	s29 =	simm.s32 $0x4700;
	[sflag:s3] =	ssyncadd.s32 $0xFFFFFC00  }
0xd9: {  	[hbm4b:s18+s2] =	stream.linear.scatter [tilespmem:s29], [sflag:$0x1], $0x400, $0x38;
	[tilespmem:$0x5B00] =	vst v63  }
0xda: {  	_ =	swait.ge [sflag:s3], $0x400  }
0xdb: {  	[sflag:s3] =	ssyncset.done $0x0  }
0xdc: {  	s30 =	simm.s32 $0x4B00;
	[sflag:s3] =	ssyncadd.s32 $0xFFFFFC00  }
0xdd: {  	[hbm4b:s19+s2] =	stream.linear.scatter [tilespmem:s30], [sflag:$0x1], $0x400, $0x38;
	[tilespmem:$0x5B00] =	vst v63  }
0xde: {  	_ =	swait.ge [sflag:s3], $0x400  }
0xdf: {  	[sflag:s3] =	ssyncset.done $0x0  }
0xe0: {  	s31 =	simm.s32 $0x4F00;
	[sflag:s3] =	ssyncadd.s32 $0xFFFFFC00  }
0xe1: {  	[hbm4b:s20+s2] =	stream.linear.scatter [tilespmem:s31], [sflag:$0x1], $0x400, $0x38;
	[tilespmem:$0x5B00] =	vst v63  }
0xe2: {  	_ =	swait.ge [sflag:s3], $0x400  }
0xe3: {  	[sflag:s3] =	ssyncset.done $0x0  }
0xe4: {  	[sflag:s3] =	ssyncadd.s32 $0xFFFFFC00  }
0xe5: {  	[hbm4b:s21+s2] =	stream.linear.scatter [tilespmem:s0], [sflag:$0x1], $0x400, $0x38;
	[tilespmem:$0x5B00] =	vst v63  }
0xe6: {  	s28 =	sadd.s32 $0x1, s28;
	_ =	swait.ge [sflag:s3], $0x400  }
0xe7: {  	p0 =	sne.s32 s28, s23;
	[sflag:s3] =	ssyncset.done $0x0  }
.Ltmp1:
0xe8: {  	[sflag:s3] =	ssyncadd.s32 $0xFFFFFC00;
	(pc) =	sbr.rel @p0 .LBB2_1-.Ltmp1, $4  }
0xe9: {  	[hbm4b:s22+s2] =	stream.linear.scatter [tilespmem:s26], [sflag:$0x1], $0x400, $0x38;
	[tilespmem:$0x5B00] =	vst v63  }
0xea: {  	_ =	swait.ge [sflag:s3], $0x400  }
0xeb: {  	[sflag:s3] =	ssyncset.done $0x0  }
0xec: {  	[sflag:s3] =	ssyncadd.s32 $0xFFFFFC00  }
0xed: {  	_ =	sfence.sel $0x180000  }
0xee: {  	[bflag:$0x0] =	sbarrier.arrive $0xFFFF  }
0xef: {  	_ =	strace $0x90000047  }
0xf0: {  	s0 =	stileid.u32;
	[bflag:$0x2] =	sbarrier.arrive $0xFFFF  }
0xf1: {  	p0 =	sne.s32 s0, $0x0;
	s0 =	rddreg [dreg:$0x1]  }
0xf2: {  	s0 =	sadd.s32 @!p0 $0x100000, s0  }
0xf3: {  	[sflag:s0] =	ssyncadd.tile.s32 @!p0 $0x1;
	_ =	shalt  }
.Lfunc_end2:
_tile_overlayer_lowered:
.L_overlay_start_2:
0xf4: {  	(tag) =	ssettag $0x2  }
0xf5: {  	s0 =	rddreg [dreg:$0x0];
	s2 =	stileid.u32  }
0xf6: {  	s1 =	rddreg [dreg:$0x1];
	p0 =	sne.s32 s2, $0x0  }
0xf7: {  	s3 =	rddreg [dreg:$0x2];
	[bflag:$0x3] =	sbarrier.arrive $0xFFFF;
	s2 =	simm.s32 @!p0 $0x1C01  }
0xf8: {  	[timem:s3], [sflag:s2] =	dma.local @!p0 [hbm:s0], s1  }
0xf9: {  	s0 =	simm.s32 @!p0 $0x1  }
0xfa: {  	_ =	swait.ge @!p0 [sflag:s0], s1  }
0xfb: {  	s1 =	ssub.s32 @!p0 $0x0, s1;
	[sflag:s0] =	ssyncset.done @!p0 $0x0  }
0xfc: {  	[sflag:s0] =	ssyncadd.s32 @!p0 s1  }
0xfd: {  	[bflag:$0x3] =	sbarrier.arrive $0xFFFF  }
0xfe: {  	_ =	shalt  }

</sc_bundles>
